<compile_context>
chip_gen: v7x
topology: tpu7x:2x2x1
jax: 0.10.2.dev20260603
libtpu: 0.0.44.dev20260713+nightly
codegen_flags: <defaults>
</compile_context>

<pallas_src>
import functools

import jax
import jax.numpy as jnp
from jax import lax
from jax.experimental import pallas as pl
from jax.experimental.pallas import tpu as pltpu
from jax.experimental.pallas import tpu_sc as plsc

N = 10000
E = 320000
D = 128
R = 8
RN = R * N
NC = 2
NS = 16
NW = NC * NS
CH = 80
EC = E // NW
ECC = E // NS
NPT = N // NS
CPT = RN // NS
ZR = 125
NB = 10
BN = N // NB

_mesh = plsc.VectorSubcoreMesh(
    core_axis_name="c", subcore_axis_name="s", num_cores=NC, num_subcores=NS)


NCHO = EC // CH
CE = 2000
NSC = E // CE


@functools.partial(
    pl.kernel,
    out_type=(jax.ShapeDtypeStruct((E // CH, CH), jnp.int32),
              jax.ShapeDtypeStruct((E // CH, CH), jnp.float32),
              jax.ShapeDtypeStruct((RN,), jnp.float32)),
    mesh=_mesh,
    compiler_params=pltpu.CompilerParams(needs_layout_passes=False, use_tc_tiling_on_sc=False),
    scratch_types=[
        pltpu.VMEM((CPT + 16,), jnp.float32),
        pltpu.VMEM((CE,), jnp.int32),
        pltpu.VMEM((CE,), jnp.int32),
        pltpu.VMEM((CE,), jnp.int32),
        pltpu.VMEM((CE,), jnp.int32),
        pltpu.VMEM((EC,), jnp.int32),
        pltpu.VMEM((EC,), jnp.int32),
        pltpu.VMEM((EC,), jnp.int32),
        pltpu.VMEM((NCHO, CH), jnp.int32),
        pltpu.VMEM((NCHO, CH), jnp.float32),
        pltpu.SemaphoreType.DMA,
        pltpu.SemaphoreType.DMA,
        pltpu.SemaphoreType.DMA,
    ],
)
def _prep(et_h, src_h, dst_h, gidx_h, scale_h, inv_h,
          hist, etc0, etc1, dstc0, dstc1, etv, tmpv, sidxv, gidx2, scale2,
          sp0, sp1, sg_sem):
    c = lax.axis_index("c")
    s = lax.axis_index("s")
    w = s * NC + c
    lo = s * CPT

    def zbody(i, carry):
        hist[pl.ds(i * 16, 16)] = jnp.zeros((16,), jnp.float32)
        return carry

    lax.fori_loop(0, (CPT + 15) // 16, zbody, 0)

    obase = w * EC
    pltpu.sync_copy(et_h.at[pl.ds(obase, EC)], etv)
    pltpu.sync_copy(dst_h.at[pl.ds(obase, EC)], tmpv)

    ones16 = jnp.ones((16,), jnp.float32)
    bufs = ((etc0, dstc0, sp0), (etc1, dstc1, sp1))

    pltpu.async_copy(et_h.at[pl.ds(0, CE)], etc0, sp0)
    pltpu.async_copy(dst_h.at[pl.ds(0, CE)], dstc0, sp0)

    def scan(i, carry):
        for b in range(2):
            etc, dstc, sp = bufs[b]
            etc_o, dstc_o, sp_o = bufs[1 - b]
            k = i * 2 + b

            @pl.when(k + 1 < NSC)
            def _():
                off = (k + 1) * CE
                pltpu.async_copy(et_h.at[pl.ds(off, CE)], etc_o, sp_o)
                pltpu.async_copy(dst_h.at[pl.ds(off, CE)], dstc_o, sp_o)

            off = k * CE
            pltpu.make_async_copy(et_h.at[pl.ds(off, CE)], etc, sp).wait()
            pltpu.make_async_copy(dst_h.at[pl.ds(off, CE)], dstc, sp).wait()

            def hbody(j5, hcarry):
                for u in range(5):
                    sl = pl.ds((j5 * 5 + u) * 16, 16)
                    sidx = etc[sl] * N + dstc[sl]
                    li = sidx - lo
                    m = (li >= 0) & (li < CPT)
                    li = jnp.minimum(jnp.maximum(li, 0), CPT - 1)
                    plsc.addupdate_scatter(hist, [li], ones16, mask=m)
                return hcarry

            lax.fori_loop(0, CE // 80, hbody, 0)
        return carry

    lax.fori_loop(0, NSC // 2, scan, 0)

    def ibody(i, carry):
        sl = pl.ds(i * 16, 16)
        hist[sl] = 1.0 / jnp.maximum(hist[sl], 1.0)
        return carry

    lax.fori_loop(0, (CPT + 15) // 16, ibody, 0)
    pltpu.sync_copy(hist.at[pl.ds(0, CPT)], inv_h.at[pl.ds(lo, CPT)])

    def sbody(r, carry):
        for i in range(CH // 16):
            sl = pl.ds(r * CH + i * 16, 16)
            sidxv[sl] = etv[sl] * N + tmpv[sl]
        return carry

    lax.fori_loop(0, NCHO, sbody, 0)

    pltpu.sync_copy(src_h.at[pl.ds(obase, EC)], tmpv)

    def gbody(r, carry):
        for i in range(CH // 16):
            sl = pl.ds(r * CH + i * 16, 16)
            gidx2[r, pl.ds(i * 16, 16)] = etv[sl] * N + tmpv[sl]
        return carry

    lax.fori_loop(0, NCHO, gbody, 0)
    plsc.subcore_barrier()

    def gfire(k, carry):
        idx = sidxv.at[pl.ds(k * CH, CH)]
        pltpu.async_copy(inv_h.at[idx], scale2.at[k], sg_sem)
        return carry

    lax.fori_loop(0, NCHO, gfire, 0)

    def gdrain(k, carry):
        idx = sidxv.at[pl.ds(k * CH, CH)]
        pltpu.make_async_copy(inv_h.at[idx], scale2.at[k], sg_sem).wait()
        return carry

    lax.fori_loop(0, NCHO, gdrain, 0)
    pltpu.sync_copy(gidx2, gidx_h.at[pl.ds(w * NCHO, NCHO)])
    pltpu.sync_copy(scale2, scale_h.at[pl.ds(w * NCHO, NCHO)])


CHE = 100
NCHE = EC // CHE


@functools.partial(
    pl.kernel,
    out_type=jax.ShapeDtypeStruct((NC * N, D), jnp.float32),
    mesh=_mesh,
    compiler_params=pltpu.CompilerParams(needs_layout_passes=False, use_tc_tiling_on_sc=False),
    scratch_types=[
        pltpu.VMEM_SHARED((N, D), jnp.float32),
        pltpu.VMEM((25, D), jnp.float32),
        pltpu.VMEM((NCHE, CHE), jnp.int32),
        pltpu.VMEM((EC,), jnp.float32),
        pltpu.VMEM((CHE,), jnp.int32),
        pltpu.VMEM((CHE,), jnp.int32),
        pltpu.VMEM((CHE, D), jnp.float32),
        pltpu.VMEM((CHE, D), jnp.float32),
        pltpu.SemaphoreType.DMA,
        pltpu.SemaphoreType.DMA,
        pltpu.SemaphoreType.DMA,
        pltpu.SemaphoreType.DMA,
        pltpu.SemaphoreType.DMA,
        pltpu.SemaphoreType.DMA,
        pltpu.SemaphoreType.DMA,
    ],
)
def _edge_pass(xw_h, gidx2_h, scale_h, dst2_h, aggs_h,
               acc_sp, zrows, gidxv, scalev, dstb0, dstb1,
               rows0, rows1, sz, sg0, sg1, ss0, ss1, sd0, sd1):
    c = lax.axis_index("c")
    s = lax.axis_index("s")
    w = s * NC + c

    pltpu.sync_copy(gidx2_h.at[pl.ds(w * NCHE, NCHE)], gidxv)
    pltpu.sync_copy(scale_h.at[pl.ds(w * EC, EC)], scalev)

    def zfill(r, carry):
        for i in range(D // 16):
            zrows[r, pl.ds(i * 16, 16)] = jnp.zeros((16,), jnp.float32)
        return carry

    lax.fori_loop(0, 25, zfill, 0)
    for m in range(NPT // 25):
        pltpu.async_copy(zrows, acc_sp.at[pl.ds(s * NPT + m * 25, 25)], sz)
    for m in range(NPT // 25):
        pltpu.make_async_copy(zrows, acc_sp.at[pl.ds(s * NPT + m * 25, 25)],
                              sz).wait()
    plsc.subcore_barrier()

    bufs = ((rows0, sg0, ss0, dstb0, sd0), (rows1, sg1, ss1, dstb1, sd1))
    row0 = w * NCHE

    pltpu.async_copy(xw_h.at[gidxv.at[0]], rows0, sg0)
    pltpu.async_copy(dst2_h.at[row0], dstb0, sd0)

    def pipe(i, carry):
        for b in range(2):
            rows, sg, ss, dstb, sd = bufs[b]
            rows_o, sg_o, ss_o, dstb_o, sd_o = bufs[1 - b]
            k = i * 2 + b

            @pl.when(k >= 1)
            def _():
                pltpu.make_async_copy(
                    rows_o, acc_sp.at[dstb_o], ss_o).wait()

            @pl.when(k + 1 < NCHE)
            def _():
                pltpu.async_copy(xw_h.at[gidxv.at[k + 1]], rows_o, sg_o)
                pltpu.async_copy(dst2_h.at[row0 + k + 1], dstb_o, sd_o)

            pltpu.make_async_copy(xw_h.at[gidxv.at[k]], rows, sg).wait()
            pltpu.make_async_copy(dst2_h.at[row0 + k], dstb, sd).wait()

            def mbody(j2, mcarry):
                for u in range(4):
                    j = j2 * 4 + u
                    sp = plsc.load_gather(
                        scalev, [jnp.full((16,), k * CHE + j, jnp.int32)])
                    for i2 in range(D // 16):
                        sl = pl.ds(i2 * 16, 16)
                        rows[j, sl] = rows[j, sl] * sp
                return mcarry

            lax.fori_loop(0, CHE // 4, mbody, 0)
            pltpu.async_copy(rows, acc_sp.at[dstb], ss, add=True)
        return carry

    lax.fori_loop(0, NCHE // 2, pipe, 0)
    pltpu.make_async_copy(rows1, acc_sp.at[dstb1], ss1).wait()
    plsc.subcore_barrier()
    pltpu.sync_copy(acc_sp.at[pl.ds(s * NPT, NPT)],
                    aggs_h.at[pl.ds(c * N + s * NPT, NPT)])


def _xw_body(x_ref, w_ref, o_ref):
    o_ref[...] = jnp.dot(x_ref[...], w_ref[0],
                         preferred_element_type=jnp.float32,
                         precision=jax.lax.Precision.HIGHEST)


def _tc_xw(act, W):
    return pl.pallas_call(
        _xw_body,
        grid=(R, NB),
        in_specs=[pl.BlockSpec((BN, D), lambda r, n: (n, 0)),
                  pl.BlockSpec((1, D, D), lambda r, n: (r, 0, 0))],
        out_specs=pl.BlockSpec((BN, D), lambda r, n: (r * NB + n, 0)),
        out_shape=jax.ShapeDtypeStruct((RN, D), jnp.float32),
    )(act, W)


def _combine_body(relu, a0_ref, a1_ref, act_ref, root_ref, b_ref, o_ref):
    h = (a0_ref[...] + a1_ref[...] + b_ref[...]
         + jnp.dot(act_ref[...], root_ref[...],
                   preferred_element_type=jnp.float32))
    if relu:
        h = jnp.maximum(h, 0.0)
    o_ref[...] = h


def _tc_combine(aggs, act, root, b, relu):
    return pl.pallas_call(
        functools.partial(_combine_body, relu),
        grid=(NB,),
        in_specs=[pl.BlockSpec((BN, D), lambda n: (n, 0)),
                  pl.BlockSpec((BN, D), lambda n: (NB + n, 0)),
                  pl.BlockSpec((BN, D), lambda n: (n, 0)),
                  pl.BlockSpec((D, D), lambda n: (0, 0)),
                  pl.BlockSpec((1, D), lambda n: (0, 0))],
        out_specs=pl.BlockSpec((BN, D), lambda n: (n, 0)),
        out_shape=jax.ShapeDtypeStruct((N, D), jnp.float32),
    )(aggs, aggs, act, root, b.reshape(1, D))


def kernel(x, edge_index, edge_type, W1, root1, b1, W2, root2, b2):
    src = edge_index[0]
    dst = edge_index[1]
    gidx, scale, _ = _prep(edge_type, src, dst)
    gidx2 = gidx.reshape(E // CHE, CHE)
    scale = scale.reshape(E)
    dst2 = dst.reshape(E // CHE, CHE)
    h = x
    for (W, root, b, relu) in ((W1, root1, b1, True), (W2, root2, b2, False)):
        xw = _tc_xw(h, W)
        aggs = _edge_pass(xw, gidx2, scale, dst2)
        h = _tc_combine(aggs, h, root, b, relu)
    return h

# --- scband reference (transcript-rebuilt; emitter-appended) ---
"""Pipeline reference for scband-rgcn-1709396984332 (READ-ONLY COPY).

The authoritative reference and input builder live on the scoring server;
editing this copy changes nothing except your own understanding.
"""

import jax, jax.numpy as jnp
import numpy as np

N = 10000
E = 320000
D_IN = 128
D_OUT = 128
R = 8


def setup_inputs(seed: int = 0) -> dict:
    key = jax.random.key(seed)
    ks = jax.random.split(key, 10)
    x = jax.random.normal(ks[0], (N, D_IN), dtype=jnp.float32)
    edge_index = jax.random.randint(ks[1], (2, E), 0, N, dtype=jnp.int32)
    edge_type = jax.random.randint(ks[2], (E,), 0, R, dtype=jnp.int32)
    s_in = 1.0 / np.sqrt(D_IN)
    s_out = 1.0 / np.sqrt(D_OUT)
    W1 = jax.random.uniform(ks[3], (R, D_IN, D_OUT), jnp.float32, -s_in, s_in)
    root1 = jax.random.uniform(ks[4], (D_IN, D_OUT), jnp.float32, -s_in, s_in)
    b1 = jnp.zeros((D_OUT,), dtype=jnp.float32)
    W2 = jax.random.uniform(ks[5], (R, D_OUT, D_OUT), jnp.float32, -s_out, s_out)
    root2 = jax.random.uniform(ks[6], (D_OUT, D_OUT), jnp.float32, -s_out, s_out)
    b2 = jnp.zeros((D_OUT,), dtype=jnp.float32)
    return {"x": x, "edge_index": edge_index, "edge_type": edge_type,
            "W1": W1, "root1": root1, "b1": b1,
            "W2": W2, "root2": root2, "b2": b2}


def _rgcn_conv(x, edge_index, edge_type, W, root, b):
    # PyG RGCNConv with default aggr='mean':
    # x_i' = root @ x_i + b + sum_r mean_{j in N_r(i)} (W_r @ x_j)
    src = edge_index[0]
    dst = edge_index[1]
    xj = jnp.take(x, src, axis=0)
    n = x.shape[0]
    out = jnp.zeros((n, W.shape[2]), dtype=x.dtype)
    for r in range(W.shape[0]):
        m = (edge_type == r).astype(x.dtype)
        s = jax.ops.segment_sum(xj * m[:, None], dst, num_segments=n)
        c = jax.ops.segment_sum(m, dst, num_segments=n)
        mean = s / jnp.maximum(c, 1.0)[:, None]
        out = out + mean @ W[r]
    out = out + x @ root + b
    return out


def reference(x, edge_index, edge_type, W1, root1, b1, W2, root2, b2):
    h = _rgcn_conv(x, edge_index, edge_type, W1, root1, b1)
    h = jax.nn.relu(h)
    h = _rgcn_conv(h, edge_index, edge_type, W2, root2, b2)
    return h

if __name__ == "__main__":
    import jax
    _d = setup_inputs()
    print(jax.jit(kernel)(*tuple(_d.values())))

</pallas_src>

<mosaic_0001>
#map = affine_map<(d0, d1) -> (0)>
#map1 = affine_map<(d0, d1) -> (0, 0)>
module attributes {stable_mosaic.version = 14 : i64} {
  func.func @_prep(%arg0: i32, %arg1: i32, %arg2: memref<320000xi32, #tpu.memory_space<hbm>>, %arg3: memref<320000xi32, #tpu.memory_space<hbm>>, %arg4: memref<320000xi32, #tpu.memory_space<hbm>>, %arg5: memref<4000x80xi32, #tpu.memory_space<hbm>>, %arg6: memref<4000x80xf32, #tpu.memory_space<hbm>>, %arg7: memref<80000xf32, #tpu.memory_space<hbm>>, %arg8: memref<5016xf32, #tpu.memory_space<vmem>>, %arg9: memref<2000xi32, #tpu.memory_space<vmem>>, %arg10: memref<2000xi32, #tpu.memory_space<vmem>>, %arg11: memref<2000xi32, #tpu.memory_space<vmem>>, %arg12: memref<2000xi32, #tpu.memory_space<vmem>>, %arg13: memref<10000xi32, #tpu.memory_space<vmem>>, %arg14: memref<10000xi32, #tpu.memory_space<vmem>>, %arg15: memref<10000xi32, #tpu.memory_space<vmem>>, %arg16: memref<125x80xi32, #tpu.memory_space<vmem>>, %arg17: memref<125x80xf32, #tpu.memory_space<vmem>>, %arg18: memref<!tpu.dma_semaphore, #tpu.memory_space<semaphore_mem>>, %arg19: memref<!tpu.dma_semaphore, #tpu.memory_space<semaphore_mem>>, %arg20: memref<!tpu.dma_semaphore, #tpu.memory_space<semaphore_mem>>) attributes {dimension_semantics = [#tpu.dimension_semantics<core_parallel>, #tpu.dimension_semantics<subcore_parallel>], iteration_bounds = array<i64: 2, 16>, scalar_prefetch = 0 : i64, scratch_operands = 13 : i64, tpu.core_type = #tpu.core_type<sc_vector_subcore>, window_params = [{transform_indices = #map}, {transform_indices = #map}, {transform_indices = #map}, {transform_indices = #map1}, {transform_indices = #map1}, {transform_indices = #map}]} {
    %mul3A = arith.constant 2 : i32
    %mul3A_0 = arith.muli %arg1, %mul3A : i32
    %add3A = arith.addi %mul3A_0, %arg0 : i32
    %mul3A_1 = arith.constant 5000 : i32
    %mul3A_2 = arith.muli %arg1, %mul3A_1 : i32
    %scan3A = arith.constant 0 : i32
    %scan3A_3 = arith.constant 0 : i32
    %scan3A_4 = arith.constant 313 : i32
    %scan3A_5 = arith.addi %scan3A_3, %scan3A_4 : i32
    %scan3A_6 = arith.constant 1 : i32
    scf.for %scan3A_58 = %scan3A_3 to %scan3A_5 step %scan3A_6  : i32 {
      %broadcast_in_dim3A_59 = arith.constant 0.000000e+00 : f32
      %broadcast_in_dim3A_60 = vector.broadcast %broadcast_in_dim3A_59 : f32 to vector<16xf32>
      %mul3A_61 = arith.constant 16 : i32
      %mul3A_62 = arith.muli %scan3A_58, %mul3A_61 : i32
      %swap3A = arith.index_cast %mul3A_62 : i32 to index
      %swap3A_63 = tpu.vector_load %arg8[%swap3A] {strides = array<i32>} : memref<5016xf32, #tpu.memory_space<vmem>>, vector<16xf32>,
      tpu.vector_store %arg8[%swap3A], %broadcast_in_dim3A_60 {strides = array<i32>} : memref<5016xf32, #tpu.memory_space<vmem>>, vector<16xf32>,
    }
    %scan3A_7 = arith.constant 313 : i32
    %mul3A_8 = arith.constant 10000 : i32
    %mul3A_9 = arith.muli %add3A, %mul3A_8 : i32
    "tpu.region"() ({
      %run_scoped3A = tpu.sem_alloc : memref<!tpu.dma_semaphore, #tpu.memory_space<semaphore_mem>>
      %dma_start3A_58 = tpu.memref_slice %arg2[%mul3A_9] : memref<320000xi32, #tpu.memory_space<hbm>> -> memref<10000xi32, #tpu.memory_space<hbm>>
      %dma_start3A_59 = tpu.memref_slice %arg2[%mul3A_9] : memref<320000xi32, #tpu.memory_space<hbm>> -> memref<10000xi32, #tpu.memory_space<hbm>>
      tpu.enqueue_dma source(%dma_start3A_59 : memref<10000xi32, #tpu.memory_space<hbm>>) target(%arg13 : memref<10000xi32, #tpu.memory_space<vmem>>) target_semaphore(%run_scoped3A : memref<!tpu.dma_semaphore, #tpu.memory_space<semaphore_mem>>)
      %dma_wait3A = tpu.memref_slice %arg2[%mul3A_9] : memref<320000xi32, #tpu.memory_space<hbm>> -> memref<10000xi32, #tpu.memory_space<hbm>>
      %dma_wait3A_60 = tpu.memref_slice %arg2[%mul3A_9] : memref<320000xi32, #tpu.memory_space<hbm>> -> memref<10000xi32, #tpu.memory_space<hbm>>
      tpu.wait_dma2 semaphore(%run_scoped3A : memref<!tpu.dma_semaphore, #tpu.memory_space<semaphore_mem>>) src(%dma_wait3A_60 : memref<10000xi32, #tpu.memory_space<hbm>>) dst(%arg13 : memref<10000xi32, #tpu.memory_space<vmem>>)
      tpu.yield
    }) : () -> ()
    "tpu.region"() ({
      %run_scoped3A = tpu.sem_alloc : memref<!tpu.dma_semaphore, #tpu.memory_space<semaphore_mem>>
      %dma_start3A_58 = tpu.memref_slice %arg4[%mul3A_9] : memref<320000xi32, #tpu.memory_space<hbm>> -> memref<10000xi32, #tpu.memory_space<hbm>>
      %dma_start3A_59 = tpu.memref_slice %arg4[%mul3A_9] : memref<320000xi32, #tpu.memory_space<hbm>> -> memref<10000xi32, #tpu.memory_space<hbm>>
      tpu.enqueue_dma source(%dma_start3A_59 : memref<10000xi32, #tpu.memory_space<hbm>>) target(%arg14 : memref<10000xi32, #tpu.memory_space<vmem>>) target_semaphore(%run_scoped3A : memref<!tpu.dma_semaphore, #tpu.memory_space<semaphore_mem>>)
      %dma_wait3A = tpu.memref_slice %arg4[%mul3A_9] : memref<320000xi32, #tpu.memory_space<hbm>> -> memref<10000xi32, #tpu.memory_space<hbm>>
      %dma_wait3A_60 = tpu.memref_slice %arg4[%mul3A_9] : memref<320000xi32, #tpu.memory_space<hbm>> -> memref<10000xi32, #tpu.memory_space<hbm>>
      tpu.wait_dma2 semaphore(%run_scoped3A : memref<!tpu.dma_semaphore, #tpu.memory_space<semaphore_mem>>) src(%dma_wait3A_60 : memref<10000xi32, #tpu.memory_space<hbm>>) dst(%arg14 : memref<10000xi32, #tpu.memory_space<vmem>>)
      tpu.yield
    }) : () -> ()
    %broadcast_in_dim3A = arith.constant 1.000000e+00 : f32
    %broadcast_in_dim3A_10 = vector.broadcast %broadcast_in_dim3A : f32 to vector<16xf32>
    %dma_start3A = arith.constant 0 : i32
    %dma_start3A_11 = tpu.memref_slice %arg2[%dma_start3A] : memref<320000xi32, #tpu.memory_space<hbm>> -> memref<2000xi32, #tpu.memory_space<hbm>>
    %dma_start3A_12 = arith.constant 0 : i32
    %dma_start3A_13 = tpu.memref_slice %arg2[%dma_start3A_12] : memref<320000xi32, #tpu.memory_space<hbm>> -> memref<2000xi32, #tpu.memory_space<hbm>>
    tpu.enqueue_dma source(%dma_start3A_13 : memref<2000xi32, #tpu.memory_space<hbm>>) target(%arg9 : memref<2000xi32, #tpu.memory_space<vmem>>) target_semaphore(%arg18 : memref<!tpu.dma_semaphore, #tpu.memory_space<semaphore_mem>>)
    %dma_start3A_14 = arith.constant 0 : i32
    %dma_start3A_15 = tpu.memref_slice %arg4[%dma_start3A_14] : memref<320000xi32, #tpu.memory_space<hbm>> -> memref<2000xi32, #tpu.memory_space<hbm>>
    %dma_start3A_16 = arith.constant 0 : i32
    %dma_start3A_17 = tpu.memref_slice %arg4[%dma_start3A_16] : memref<320000xi32, #tpu.memory_space<hbm>> -> memref<2000xi32, #tpu.memory_space<hbm>>
    tpu.enqueue_dma source(%dma_start3A_17 : memref<2000xi32, #tpu.memory_space<hbm>>) target(%arg11 : memref<2000xi32, #tpu.memory_space<vmem>>) target_semaphore(%arg18 : memref<!tpu.dma_semaphore, #tpu.memory_space<semaphore_mem>>)
    %scan3A_18 = arith.constant 0 : i32
    %scan3A_19 = arith.constant 0 : i32
    %scan3A_20 = arith.constant 80 : i32
    %scan3A_21 = arith.addi %scan3A_19, %scan3A_20 : i32
    %scan3A_22 = arith.constant 1 : i32
    scf.for %scan3A_58 = %scan3A_19 to %scan3A_21 step %scan3A_22  : i32 {
      %mul3A_59 = arith.constant 2 : i32
      %mul3A_60 = arith.muli %scan3A_58, %mul3A_59 : i32
      %add3A_61 = arith.constant 0 : i32
      %add3A_62 = arith.addi %mul3A_60, %add3A_61 : i32
      %add3A_63 = arith.constant 1 : i32
      %add3A_64 = arith.addi %add3A_62, %add3A_63 : i32
      %lt3A = arith.constant 160 : i32
      %lt3A_65 = arith.cmpi slt, %add3A_64, %lt3A : i32
      %convert_element_type3A = arith.extui %lt3A_65 : i1 to i32
      %cond3A = arith.constant 0 : i32
      %cond3A_66 = arith.cmpi ne, %convert_element_type3A, %cond3A : i32
      scf.if %cond3A_66 {
        %add3A_101 = arith.constant 1 : i32
        %add3A_102 = arith.addi %add3A_62, %add3A_101 : i32
        %mul3A_103 = arith.constant 2000 : i32
        %mul3A_104 = arith.muli %add3A_102, %mul3A_103 : i32
        %dma_start3A_105 = tpu.memref_slice %arg2[%mul3A_104] : memref<320000xi32, #tpu.memory_space<hbm>> -> memref<2000xi32, #tpu.memory_space<hbm>>
        %dma_start3A_106 = tpu.memref_slice %arg2[%mul3A_104] : memref<320000xi32, #tpu.memory_space<hbm>> -> memref<2000xi32, #tpu.memory_space<hbm>>
        tpu.enqueue_dma source(%dma_start3A_106 : memref<2000xi32, #tpu.memory_space<hbm>>) target(%arg10 : memref<2000xi32, #tpu.memory_space<vmem>>) target_semaphore(%arg19 : memref<!tpu.dma_semaphore, #tpu.memory_space<semaphore_mem>>)
        %dma_start3A_107 = tpu.memref_slice %arg4[%mul3A_104] : memref<320000xi32, #tpu.memory_space<hbm>> -> memref<2000xi32, #tpu.memory_space<hbm>>
        %dma_start3A_108 = tpu.memref_slice %arg4[%mul3A_104] : memref<320000xi32, #tpu.memory_space<hbm>> -> memref<2000xi32, #tpu.memory_space<hbm>>
        tpu.enqueue_dma source(%dma_start3A_108 : memref<2000xi32, #tpu.memory_space<hbm>>) target(%arg12 : memref<2000xi32, #tpu.memory_space<vmem>>) target_semaphore(%arg19 : memref<!tpu.dma_semaphore, #tpu.memory_space<semaphore_mem>>)
      } else {
      }
      %mul3A_67 = arith.constant 2000 : i32
      %mul3A_68 = arith.muli %add3A_62, %mul3A_67 : i32
      %dma_wait3A = tpu.memref_slice %arg2[%mul3A_68] : memref<320000xi32, #tpu.memory_space<hbm>> -> memref<2000xi32, #tpu.memory_space<hbm>>
      %dma_wait3A_69 = tpu.memref_slice %arg2[%mul3A_68] : memref<320000xi32, #tpu.memory_space<hbm>> -> memref<2000xi32, #tpu.memory_space<hbm>>
      tpu.wait_dma2 semaphore(%arg18 : memref<!tpu.dma_semaphore, #tpu.memory_space<semaphore_mem>>) src(%dma_wait3A_69 : memref<2000xi32, #tpu.memory_space<hbm>>) dst(%arg9 : memref<2000xi32, #tpu.memory_space<vmem>>)
      %dma_wait3A_70 = tpu.memref_slice %arg4[%mul3A_68] : memref<320000xi32, #tpu.memory_space<hbm>> -> memref<2000xi32, #tpu.memory_space<hbm>>
      %dma_wait3A_71 = tpu.memref_slice %arg4[%mul3A_68] : memref<320000xi32, #tpu.memory_space<hbm>> -> memref<2000xi32, #tpu.memory_space<hbm>>
      tpu.wait_dma2 semaphore(%arg18 : memref<!tpu.dma_semaphore, #tpu.memory_space<semaphore_mem>>) src(%dma_wait3A_71 : memref<2000xi32, #tpu.memory_space<hbm>>) dst(%arg11 : memref<2000xi32, #tpu.memory_space<vmem>>)
      %scan3A_72 = arith.constant 0 : i32
      %scan3A_73 = arith.constant 0 : i32
      %scan3A_74 = arith.constant 25 : i32
      %scan3A_75 = arith.addi %scan3A_73, %scan3A_74 : i32
      %scan3A_76 = arith.constant 1 : i32
      scf.for %scan3A_101 = %scan3A_73 to %scan3A_75 step %scan3A_76  : i32 {
        %mul3A_102 = arith.constant 5 : i32
        %mul3A_103 = arith.muli %scan3A_101, %mul3A_102 : i32
        %add3A_104 = arith.constant 0 : i32
        %add3A_105 = arith.addi %mul3A_103, %add3A_104 : i32
        %mul3A_106 = arith.constant 16 : i32
        %mul3A_107 = arith.muli %add3A_105, %mul3A_106 : i32
        %get3A = arith.index_cast %mul3A_107 : i32 to index
        %get3A_108 = tpu.vector_load %arg9[%get3A] {strides = array<i32>} : memref<2000xi32, #tpu.memory_space<vmem>>, vector<16xi32>,
        %mul3A_109 = arith.constant 10000 : i32
        %mul3A_110 = vector.broadcast %mul3A_109 : i32 to vector<16xi32>
        %mul3A_111 = arith.muli %get3A_108, %mul3A_110 : vector<16xi32>
        %get3A_112 = arith.index_cast %mul3A_107 : i32 to index
        %get3A_113 = tpu.vector_load %arg11[%get3A_112] {strides = array<i32>} : memref<2000xi32, #tpu.memory_space<vmem>>, vector<16xi32>,
        %add3A_114 = arith.addi %mul3A_111, %get3A_113 : vector<16xi32>
        %sub3A = vector.broadcast %mul3A_2 : i32 to vector<16xi32>
        %sub3A_115 = arith.subi %add3A_114, %sub3A : vector<16xi32>
        %ge3A = arith.constant 0 : i32
        %ge3A_116 = vector.broadcast %ge3A : i32 to vector<16xi32>
        %ge3A_117 = arith.cmpi sge, %sub3A_115, %ge3A_116 : vector<16xi32>
        %lt3A_118 = arith.constant 5000 : i32
        %lt3A_119 = vector.broadcast %lt3A_118 : i32 to vector<16xi32>
        %lt3A_120 = arith.cmpi slt, %sub3A_115, %lt3A_119 : vector<16xi32>
        %and3A = arith.andi %ge3A_117, %lt3A_120 : vector<16xi1>
        %max3A = arith.constant 0 : i32
        %max3A_121 = vector.broadcast %max3A : i32 to vector<16xi32>
        %max3A_122 = arith.maxsi %sub3A_115, %max3A_121 : vector<16xi32>
        %min3A = arith.constant 4999 : i32
        %min3A_123 = vector.broadcast %min3A : i32 to vector<16xi32>
        %min3A_124 = arith.minsi %max3A_122, %min3A_123 : vector<16xi32>
        tpu.vector_store_idx %arg8[%min3A_124], %broadcast_in_dim3A_10 masked %and3A {add = true} : memref<5016xf32, #tpu.memory_space<vmem>>[vector<16xi32>], vector<16xf32>, vector<16xi1>
        %mul3A_125 = arith.constant 5 : i32
        %mul3A_126 = arith.muli %scan3A_101, %mul3A_125 : i32
        %add3A_127 = arith.constant 1 : i32
        %add3A_128 = arith.addi %mul3A_126, %add3A_127 : i32
        %mul3A_129 = arith.constant 16 : i32
        %mul3A_130 = arith.muli %add3A_128, %mul3A_129 : i32
        %get3A_131 = arith.index_cast %mul3A_130 : i32 to index
        %get3A_132 = tpu.vector_load %arg9[%get3A_131] {strides = array<i32>} : memref<2000xi32, #tpu.memory_space<vmem>>, vector<16xi32>,
        %mul3A_133 = arith.constant 10000 : i32
        %mul3A_134 = vector.broadcast %mul3A_133 : i32 to vector<16xi32>
        %mul3A_135 = arith.muli %get3A_132, %mul3A_134 : vector<16xi32>
        %get3A_136 = arith.index_cast %mul3A_130 : i32 to index
        %get3A_137 = tpu.vector_load %arg11[%get3A_136] {strides = array<i32>} : memref<2000xi32, #tpu.memory_space<vmem>>, vector<16xi32>,
        %add3A_138 = arith.addi %mul3A_135, %get3A_137 : vector<16xi32>
        %sub3A_139 = vector.broadcast %mul3A_2 : i32 to vector<16xi32>
        %sub3A_140 = arith.subi %add3A_138, %sub3A_139 : vector<16xi32>
        %ge3A_141 = arith.constant 0 : i32
        %ge3A_142 = vector.broadcast %ge3A_141 : i32 to vector<16xi32>
        %ge3A_143 = arith.cmpi sge, %sub3A_140, %ge3A_142 : vector<16xi32>
        %lt3A_144 = arith.constant 5000 : i32
        %lt3A_145 = vector.broadcast %lt3A_144 : i32 to vector<16xi32>
        %lt3A_146 = arith.cmpi slt, %sub3A_140, %lt3A_145 : vector<16xi32>
        %and3A_147 = arith.andi %ge3A_143, %lt3A_146 : vector<16xi1>
        %max3A_148 = arith.constant 0 : i32
        %max3A_149 = vector.broadcast %max3A_148 : i32 to vector<16xi32>
        %max3A_150 = arith.maxsi %sub3A_140, %max3A_149 : vector<16xi32>
        %min3A_151 = arith.constant 4999 : i32
        %min3A_152 = vector.broadcast %min3A_151 : i32 to vector<16xi32>
        %min3A_153 = arith.minsi %max3A_150, %min3A_152 : vector<16xi32>
        tpu.vector_store_idx %arg8[%min3A_153], %broadcast_in_dim3A_10 masked %and3A_147 {add = true} : memref<5016xf32, #tpu.memory_space<vmem>>[vector<16xi32>], vector<16xf32>, vector<16xi1>
        %mul3A_154 = arith.constant 5 : i32
        %mul3A_155 = arith.muli %scan3A_101, %mul3A_154 : i32
        %add3A_156 = arith.constant 2 : i32
        %add3A_157 = arith.addi %mul3A_155, %add3A_156 : i32
        %mul3A_158 = arith.constant 16 : i32
        %mul3A_159 = arith.muli %add3A_157, %mul3A_158 : i32
        %get3A_160 = arith.index_cast %mul3A_159 : i32 to index
        %get3A_161 = tpu.vector_load %arg9[%get3A_160] {strides = array<i32>} : memref<2000xi32, #tpu.memory_space<vmem>>, vector<16xi32>,
        %mul3A_162 = arith.constant 10000 : i32
        %mul3A_163 = vector.broadcast %mul3A_162 : i32 to vector<16xi32>
        %mul3A_164 = arith.muli %get3A_161, %mul3A_163 : vector<16xi32>
        %get3A_165 = arith.index_cast %mul3A_159 : i32 to index
        %get3A_166 = tpu.vector_load %arg11[%get3A_165] {strides = array<i32>} : memref<2000xi32, #tpu.memory_space<vmem>>, vector<16xi32>,
        %add3A_167 = arith.addi %mul3A_164, %get3A_166 : vector<16xi32>
        %sub3A_168 = vector.broadcast %mul3A_2 : i32 to vector<16xi32>
        %sub3A_169 = arith.subi %add3A_167, %sub3A_168 : vector<16xi32>
        %ge3A_170 = arith.constant 0 : i32
        %ge3A_171 = vector.broadcast %ge3A_170 : i32 to vector<16xi32>
        %ge3A_172 = arith.cmpi sge, %sub3A_169, %ge3A_171 : vector<16xi32>
        %lt3A_173 = arith.constant 5000 : i32
        %lt3A_174 = vector.broadcast %lt3A_173 : i32 to vector<16xi32>
        %lt3A_175 = arith.cmpi slt, %sub3A_169, %lt3A_174 : vector<16xi32>
        %and3A_176 = arith.andi %ge3A_172, %lt3A_175 : vector<16xi1>
        %max3A_177 = arith.constant 0 : i32
        %max3A_178 = vector.broadcast %max3A_177 : i32 to vector<16xi32>
        %max3A_179 = arith.maxsi %sub3A_169, %max3A_178 : vector<16xi32>
        %min3A_180 = arith.constant 4999 : i32
        %min3A_181 = vector.broadcast %min3A_180 : i32 to vector<16xi32>
        %min3A_182 = arith.minsi %max3A_179, %min3A_181 : vector<16xi32>
        tpu.vector_store_idx %arg8[%min3A_182], %broadcast_in_dim3A_10 masked %and3A_176 {add = true} : memref<5016xf32, #tpu.memory_space<vmem>>[vector<16xi32>], vector<16xf32>, vector<16xi1>
        %mul3A_183 = arith.constant 5 : i32
        %mul3A_184 = arith.muli %scan3A_101, %mul3A_183 : i32
        %add3A_185 = arith.constant 3 : i32
        %add3A_186 = arith.addi %mul3A_184, %add3A_185 : i32
        %mul3A_187 = arith.constant 16 : i32
        %mul3A_188 = arith.muli %add3A_186, %mul3A_187 : i32
        %get3A_189 = arith.index_cast %mul3A_188 : i32 to index
        %get3A_190 = tpu.vector_load %arg9[%get3A_189] {strides = array<i32>} : memref<2000xi32, #tpu.memory_space<vmem>>, vector<16xi32>,
        %mul3A_191 = arith.constant 10000 : i32
        %mul3A_192 = vector.broadcast %mul3A_191 : i32 to vector<16xi32>
        %mul3A_193 = arith.muli %get3A_190, %mul3A_192 : vector<16xi32>
        %get3A_194 = arith.index_cast %mul3A_188 : i32 to index
        %get3A_195 = tpu.vector_load %arg11[%get3A_194] {strides = array<i32>} : memref<2000xi32, #tpu.memory_space<vmem>>, vector<16xi32>,
        %add3A_196 = arith.addi %mul3A_193, %get3A_195 : vector<16xi32>
        %sub3A_197 = vector.broadcast %mul3A_2 : i32 to vector<16xi32>
        %sub3A_198 = arith.subi %add3A_196, %sub3A_197 : vector<16xi32>
        %ge3A_199 = arith.constant 0 : i32
        %ge3A_200 = vector.broadcast %ge3A_199 : i32 to vector<16xi32>
        %ge3A_201 = arith.cmpi sge, %sub3A_198, %ge3A_200 : vector<16xi32>
        %lt3A_202 = arith.constant 5000 : i32
        %lt3A_203 = vector.broadcast %lt3A_202 : i32 to vector<16xi32>
        %lt3A_204 = arith.cmpi slt, %sub3A_198, %lt3A_203 : vector<16xi32>
        %and3A_205 = arith.andi %ge3A_201, %lt3A_204 : vector<16xi1>
        %max3A_206 = arith.constant 0 : i32
        %max3A_207 = vector.broadcast %max3A_206 : i32 to vector<16xi32>
        %max3A_208 = arith.maxsi %sub3A_198, %max3A_207 : vector<16xi32>
        %min3A_209 = arith.constant 4999 : i32
        %min3A_210 = vector.broadcast %min3A_209 : i32 to vector<16xi32>
        %min3A_211 = arith.minsi %max3A_208, %min3A_210 : vector<16xi32>
        tpu.vector_store_idx %arg8[%min3A_211], %broadcast_in_dim3A_10 masked %and3A_205 {add = true} : memref<5016xf32, #tpu.memory_space<vmem>>[vector<16xi32>], vector<16xf32>, vector<16xi1>
        %mul3A_212 = arith.constant 5 : i32
        %mul3A_213 = arith.muli %scan3A_101, %mul3A_212 : i32
        %add3A_214 = arith.constant 4 : i32
        %add3A_215 = arith.addi %mul3A_213, %add3A_214 : i32
        %mul3A_216 = arith.constant 16 : i32
        %mul3A_217 = arith.muli %add3A_215, %mul3A_216 : i32
        %get3A_218 = arith.index_cast %mul3A_217 : i32 to index
        %get3A_219 = tpu.vector_load %arg9[%get3A_218] {strides = array<i32>} : memref<2000xi32, #tpu.memory_space<vmem>>, vector<16xi32>,
        %mul3A_220 = arith.constant 10000 : i32
        %mul3A_221 = vector.broadcast %mul3A_220 : i32 to vector<16xi32>
        %mul3A_222 = arith.muli %get3A_219, %mul3A_221 : vector<16xi32>
        %get3A_223 = arith.index_cast %mul3A_217 : i32 to index
        %get3A_224 = tpu.vector_load %arg11[%get3A_223] {strides = array<i32>} : memref<2000xi32, #tpu.memory_space<vmem>>, vector<16xi32>,
        %add3A_225 = arith.addi %mul3A_222, %get3A_224 : vector<16xi32>
        %sub3A_226 = vector.broadcast %mul3A_2 : i32 to vector<16xi32>
        %sub3A_227 = arith.subi %add3A_225, %sub3A_226 : vector<16xi32>
        %ge3A_228 = arith.constant 0 : i32
        %ge3A_229 = vector.broadcast %ge3A_228 : i32 to vector<16xi32>
        %ge3A_230 = arith.cmpi sge, %sub3A_227, %ge3A_229 : vector<16xi32>
        %lt3A_231 = arith.constant 5000 : i32
        %lt3A_232 = vector.broadcast %lt3A_231 : i32 to vector<16xi32>
        %lt3A_233 = arith.cmpi slt, %sub3A_227, %lt3A_232 : vector<16xi32>
        %and3A_234 = arith.andi %ge3A_230, %lt3A_233 : vector<16xi1>
        %max3A_235 = arith.constant 0 : i32
        %max3A_236 = vector.broadcast %max3A_235 : i32 to vector<16xi32>
        %max3A_237 = arith.maxsi %sub3A_227, %max3A_236 : vector<16xi32>
        %min3A_238 = arith.constant 4999 : i32
        %min3A_239 = vector.broadcast %min3A_238 : i32 to vector<16xi32>
        %min3A_240 = arith.minsi %max3A_237, %min3A_239 : vector<16xi32>
        tpu.vector_store_idx %arg8[%min3A_240], %broadcast_in_dim3A_10 masked %and3A_234 {add = true} : memref<5016xf32, #tpu.memory_space<vmem>>[vector<16xi32>], vector<16xf32>, vector<16xi1>
      }
      %scan3A_77 = arith.constant 25 : i32
      %mul3A_78 = arith.constant 2 : i32
      %mul3A_79 = arith.muli %scan3A_58, %mul3A_78 : i32
      %add3A_80 = arith.constant 1 : i32
      %add3A_81 = arith.addi %mul3A_79, %add3A_80 : i32
      %add3A_82 = arith.constant 1 : i32
      %add3A_83 = arith.addi %add3A_81, %add3A_82 : i32
      %lt3A_84 = arith.constant 160 : i32
      %lt3A_85 = arith.cmpi slt, %add3A_83, %lt3A_84 : i32
      %convert_element_type3A_86 = arith.extui %lt3A_85 : i1 to i32
      %cond3A_87 = arith.constant 0 : i32
      %cond3A_88 = arith.cmpi ne, %convert_element_type3A_86, %cond3A_87 : i32
      scf.if %cond3A_88 {
        %add3A_101 = arith.constant 1 : i32
        %add3A_102 = arith.addi %add3A_81, %add3A_101 : i32
        %mul3A_103 = arith.constant 2000 : i32
        %mul3A_104 = arith.muli %add3A_102, %mul3A_103 : i32
        %dma_start3A_105 = tpu.memref_slice %arg2[%mul3A_104] : memref<320000xi32, #tpu.memory_space<hbm>> -> memref<2000xi32, #tpu.memory_space<hbm>>
        %dma_start3A_106 = tpu.memref_slice %arg2[%mul3A_104] : memref<320000xi32, #tpu.memory_space<hbm>> -> memref<2000xi32, #tpu.memory_space<hbm>>
        tpu.enqueue_dma source(%dma_start3A_106 : memref<2000xi32, #tpu.memory_space<hbm>>) target(%arg9 : memref<2000xi32, #tpu.memory_space<vmem>>) target_semaphore(%arg18 : memref<!tpu.dma_semaphore, #tpu.memory_space<semaphore_mem>>)
        %dma_start3A_107 = tpu.memref_slice %arg4[%mul3A_104] : memref<320000xi32, #tpu.memory_space<hbm>> -> memref<2000xi32, #tpu.memory_space<hbm>>
        %dma_start3A_108 = tpu.memref_slice %arg4[%mul3A_104] : memref<320000xi32, #tpu.memory_space<hbm>> -> memref<2000xi32, #tpu.memory_space<hbm>>
        tpu.enqueue_dma source(%dma_start3A_108 : memref<2000xi32, #tpu.memory_space<hbm>>) target(%arg11 : memref<2000xi32, #tpu.memory_space<vmem>>) target_semaphore(%arg18 : memref<!tpu.dma_semaphore, #tpu.memory_space<semaphore_mem>>)
      } else {
      }
      %mul3A_89 = arith.constant 2000 : i32
      %mul3A_90 = arith.muli %add3A_81, %mul3A_89 : i32
      %dma_wait3A_91 = tpu.memref_slice %arg2[%mul3A_90] : memref<320000xi32, #tpu.memory_space<hbm>> -> memref<2000xi32, #tpu.memory_space<hbm>>
      %dma_wait3A_92 = tpu.memref_slice %arg2[%mul3A_90] : memref<320000xi32, #tpu.memory_space<hbm>> -> memref<2000xi32, #tpu.memory_space<hbm>>
      tpu.wait_dma2 semaphore(%arg19 : memref<!tpu.dma_semaphore, #tpu.memory_space<semaphore_mem>>) src(%dma_wait3A_92 : memref<2000xi32, #tpu.memory_space<hbm>>) dst(%arg10 : memref<2000xi32, #tpu.memory_space<vmem>>)
      %dma_wait3A_93 = tpu.memref_slice %arg4[%mul3A_90] : memref<320000xi32, #tpu.memory_space<hbm>> -> memref<2000xi32, #tpu.memory_space<hbm>>
      %dma_wait3A_94 = tpu.memref_slice %arg4[%mul3A_90] : memref<320000xi32, #tpu.memory_space<hbm>> -> memref<2000xi32, #tpu.memory_space<hbm>>
      tpu.wait_dma2 semaphore(%arg19 : memref<!tpu.dma_semaphore, #tpu.memory_space<semaphore_mem>>) src(%dma_wait3A_94 : memref<2000xi32, #tpu.memory_space<hbm>>) dst(%arg12 : memref<2000xi32, #tpu.memory_space<vmem>>)
      %scan3A_95 = arith.constant 0 : i32
      %scan3A_96 = arith.constant 0 : i32
      %scan3A_97 = arith.constant 25 : i32
      %scan3A_98 = arith.addi %scan3A_96, %scan3A_97 : i32
      %scan3A_99 = arith.constant 1 : i32
      scf.for %scan3A_101 = %scan3A_96 to %scan3A_98 step %scan3A_99  : i32 {
        %mul3A_102 = arith.constant 5 : i32
        %mul3A_103 = arith.muli %scan3A_101, %mul3A_102 : i32
        %add3A_104 = arith.constant 0 : i32
        %add3A_105 = arith.addi %mul3A_103, %add3A_104 : i32
        %mul3A_106 = arith.constant 16 : i32
        %mul3A_107 = arith.muli %add3A_105, %mul3A_106 : i32
        %get3A = arith.index_cast %mul3A_107 : i32 to index
        %get3A_108 = tpu.vector_load %arg10[%get3A] {strides = array<i32>} : memref<2000xi32, #tpu.memory_space<vmem>>, vector<16xi32>,
        %mul3A_109 = arith.constant 10000 : i32
        %mul3A_110 = vector.broadcast %mul3A_109 : i32 to vector<16xi32>
        %mul3A_111 = arith.muli %get3A_108, %mul3A_110 : vector<16xi32>
        %get3A_112 = arith.index_cast %mul3A_107 : i32 to index
        %get3A_113 = tpu.vector_load %arg12[%get3A_112] {strides = array<i32>} : memref<2000xi32, #tpu.memory_space<vmem>>, vector<16xi32>,
        %add3A_114 = arith.addi %mul3A_111, %get3A_113 : vector<16xi32>
        %sub3A = vector.broadcast %mul3A_2 : i32 to vector<16xi32>
        %sub3A_115 = arith.subi %add3A_114, %sub3A : vector<16xi32>
        %ge3A = arith.constant 0 : i32
        %ge3A_116 = vector.broadcast %ge3A : i32 to vector<16xi32>
        %ge3A_117 = arith.cmpi sge, %sub3A_115, %ge3A_116 : vector<16xi32>
        %lt3A_118 = arith.constant 5000 : i32
        %lt3A_119 = vector.broadcast %lt3A_118 : i32 to vector<16xi32>
        %lt3A_120 = arith.cmpi slt, %sub3A_115, %lt3A_119 : vector<16xi32>
        %and3A = arith.andi %ge3A_117, %lt3A_120 : vector<16xi1>
        %max3A = arith.constant 0 : i32
        %max3A_121 = vector.broadcast %max3A : i32 to vector<16xi32>
        %max3A_122 = arith.maxsi %sub3A_115, %max3A_121 : vector<16xi32>
        %min3A = arith.constant 4999 : i32
        %min3A_123 = vector.broadcast %min3A : i32 to vector<16xi32>
        %min3A_124 = arith.minsi %max3A_122, %min3A_123 : vector<16xi32>
        tpu.vector_store_idx %arg8[%min3A_124], %broadcast_in_dim3A_10 masked %and3A {add = true} : memref<5016xf32, #tpu.memory_space<vmem>>[vector<16xi32>], vector<16xf32>, vector<16xi1>
        %mul3A_125 = arith.constant 5 : i32
        %mul3A_126 = arith.muli %scan3A_101, %mul3A_125 : i32
        %add3A_127 = arith.constant 1 : i32
        %add3A_128 = arith.addi %mul3A_126, %add3A_127 : i32
        %mul3A_129 = arith.constant 16 : i32
        %mul3A_130 = arith.muli %add3A_128, %mul3A_129 : i32
        %get3A_131 = arith.index_cast %mul3A_130 : i32 to index
        %get3A_132 = tpu.vector_load %arg10[%get3A_131] {strides = array<i32>} : memref<2000xi32, #tpu.memory_space<vmem>>, vector<16xi32>,
        %mul3A_133 = arith.constant 10000 : i32
        %mul3A_134 = vector.broadcast %mul3A_133 : i32 to vector<16xi32>
        %mul3A_135 = arith.muli %get3A_132, %mul3A_134 : vector<16xi32>
        %get3A_136 = arith.index_cast %mul3A_130 : i32 to index
        %get3A_137 = tpu.vector_load %arg12[%get3A_136] {strides = array<i32>} : memref<2000xi32, #tpu.memory_space<vmem>>, vector<16xi32>,
        %add3A_138 = arith.addi %mul3A_135, %get3A_137 : vector<16xi32>
        %sub3A_139 = vector.broadcast %mul3A_2 : i32 to vector<16xi32>
        %sub3A_140 = arith.subi %add3A_138, %sub3A_139 : vector<16xi32>
        %ge3A_141 = arith.constant 0 : i32
        %ge3A_142 = vector.broadcast %ge3A_141 : i32 to vector<16xi32>
        %ge3A_143 = arith.cmpi sge, %sub3A_140, %ge3A_142 : vector<16xi32>
        %lt3A_144 = arith.constant 5000 : i32
        %lt3A_145 = vector.broadcast %lt3A_144 : i32 to vector<16xi32>
        %lt3A_146 = arith.cmpi slt, %sub3A_140, %lt3A_145 : vector<16xi32>
        %and3A_147 = arith.andi %ge3A_143, %lt3A_146 : vector<16xi1>
        %max3A_148 = arith.constant 0 : i32
        %max3A_149 = vector.broadcast %max3A_148 : i32 to vector<16xi32>
        %max3A_150 = arith.maxsi %sub3A_140, %max3A_149 : vector<16xi32>
        %min3A_151 = arith.constant 4999 : i32
        %min3A_152 = vector.broadcast %min3A_151 : i32 to vector<16xi32>
        %min3A_153 = arith.minsi %max3A_150, %min3A_152 : vector<16xi32>
        tpu.vector_store_idx %arg8[%min3A_153], %broadcast_in_dim3A_10 masked %and3A_147 {add = true} : memref<5016xf32, #tpu.memory_space<vmem>>[vector<16xi32>], vector<16xf32>, vector<16xi1>
        %mul3A_154 = arith.constant 5 : i32
        %mul3A_155 = arith.muli %scan3A_101, %mul3A_154 : i32
        %add3A_156 = arith.constant 2 : i32
        %add3A_157 = arith.addi %mul3A_155, %add3A_156 : i32
        %mul3A_158 = arith.constant 16 : i32
        %mul3A_159 = arith.muli %add3A_157, %mul3A_158 : i32
        %get3A_160 = arith.index_cast %mul3A_159 : i32 to index
        %get3A_161 = tpu.vector_load %arg10[%get3A_160] {strides = array<i32>} : memref<2000xi32, #tpu.memory_space<vmem>>, vector<16xi32>,
        %mul3A_162 = arith.constant 10000 : i32
        %mul3A_163 = vector.broadcast %mul3A_162 : i32 to vector<16xi32>
        %mul3A_164 = arith.muli %get3A_161, %mul3A_163 : vector<16xi32>
        %get3A_165 = arith.index_cast %mul3A_159 : i32 to index
        %get3A_166 = tpu.vector_load %arg12[%get3A_165] {strides = array<i32>} : memref<2000xi32, #tpu.memory_space<vmem>>, vector<16xi32>,
        %add3A_167 = arith.addi %mul3A_164, %get3A_166 : vector<16xi32>
        %sub3A_168 = vector.broadcast %mul3A_2 : i32 to vector<16xi32>
        %sub3A_169 = arith.subi %add3A_167, %sub3A_168 : vector<16xi32>
        %ge3A_170 = arith.constant 0 : i32
        %ge3A_171 = vector.broadcast %ge3A_170 : i32 to vector<16xi32>
        %ge3A_172 = arith.cmpi sge, %sub3A_169, %ge3A_171 : vector<16xi32>
        %lt3A_173 = arith.constant 5000 : i32
        %lt3A_174 = vector.broadcast %lt3A_173 : i32 to vector<16xi32>
        %lt3A_175 = arith.cmpi slt, %sub3A_169, %lt3A_174 : vector<16xi32>
        %and3A_176 = arith.andi %ge3A_172, %lt3A_175 : vector<16xi1>
        %max3A_177 = arith.constant 0 : i32
        %max3A_178 = vector.broadcast %max3A_177 : i32 to vector<16xi32>
        %max3A_179 = arith.maxsi %sub3A_169, %max3A_178 : vector<16xi32>
        %min3A_180 = arith.constant 4999 : i32
        %min3A_181 = vector.broadcast %min3A_180 : i32 to vector<16xi32>
        %min3A_182 = arith.minsi %max3A_179, %min3A_181 : vector<16xi32>
        tpu.vector_store_idx %arg8[%min3A_182], %broadcast_in_dim3A_10 masked %and3A_176 {add = true} : memref<5016xf32, #tpu.memory_space<vmem>>[vector<16xi32>], vector<16xf32>, vector<16xi1>
        %mul3A_183 = arith.constant 5 : i32
        %mul3A_184 = arith.muli %scan3A_101, %mul3A_183 : i32
        %add3A_185 = arith.constant 3 : i32
        %add3A_186 = arith.addi %mul3A_184, %add3A_185 : i32
        %mul3A_187 = arith.constant 16 : i32
        %mul3A_188 = arith.muli %add3A_186, %mul3A_187 : i32
        %get3A_189 = arith.index_cast %mul3A_188 : i32 to index
        %get3A_190 = tpu.vector_load %arg10[%get3A_189] {strides = array<i32>} : memref<2000xi32, #tpu.memory_space<vmem>>, vector<16xi32>,
        %mul3A_191 = arith.constant 10000 : i32
        %mul3A_192 = vector.broadcast %mul3A_191 : i32 to vector<16xi32>
        %mul3A_193 = arith.muli %get3A_190, %mul3A_192 : vector<16xi32>
        %get3A_194 = arith.index_cast %mul3A_188 : i32 to index
        %get3A_195 = tpu.vector_load %arg12[%get3A_194] {strides = array<i32>} : memref<2000xi32, #tpu.memory_space<vmem>>, vector<16xi32>,
        %add3A_196 = arith.addi %mul3A_193, %get3A_195 : vector<16xi32>
        %sub3A_197 = vector.broadcast %mul3A_2 : i32 to vector<16xi32>
        %sub3A_198 = arith.subi %add3A_196, %sub3A_197 : vector<16xi32>
        %ge3A_199 = arith.constant 0 : i32
        %ge3A_200 = vector.broadcast %ge3A_199 : i32 to vector<16xi32>
        %ge3A_201 = arith.cmpi sge, %sub3A_198, %ge3A_200 : vector<16xi32>
        %lt3A_202 = arith.constant 5000 : i32
        %lt3A_203 = vector.broadcast %lt3A_202 : i32 to vector<16xi32>
        %lt3A_204 = arith.cmpi slt, %sub3A_198, %lt3A_203 : vector<16xi32>
        %and3A_205 = arith.andi %ge3A_201, %lt3A_204 : vector<16xi1>
        %max3A_206 = arith.constant 0 : i32
        %max3A_207 = vector.broadcast %max3A_206 : i32 to vector<16xi32>
        %max3A_208 = arith.maxsi %sub3A_198, %max3A_207 : vector<16xi32>
        %min3A_209 = arith.constant 4999 : i32
        %min3A_210 = vector.broadcast %min3A_209 : i32 to vector<16xi32>
        %min3A_211 = arith.minsi %max3A_208, %min3A_210 : vector<16xi32>
        tpu.vector_store_idx %arg8[%min3A_211], %broadcast_in_dim3A_10 masked %and3A_205 {add = true} : memref<5016xf32, #tpu.memory_space<vmem>>[vector<16xi32>], vector<16xf32>, vector<16xi1>
        %mul3A_212 = arith.constant 5 : i32
        %mul3A_213 = arith.muli %scan3A_101, %mul3A_212 : i32
        %add3A_214 = arith.constant 4 : i32
        %add3A_215 = arith.addi %mul3A_213, %add3A_214 : i32
        %mul3A_216 = arith.constant 16 : i32
        %mul3A_217 = arith.muli %add3A_215, %mul3A_216 : i32
        %get3A_218 = arith.index_cast %mul3A_217 : i32 to index
        %get3A_219 = tpu.vector_load %arg10[%get3A_218] {strides = array<i32>} : memref<2000xi32, #tpu.memory_space<vmem>>, vector<16xi32>,
        %mul3A_220 = arith.constant 10000 : i32
        %mul3A_221 = vector.broadcast %mul3A_220 : i32 to vector<16xi32>
        %mul3A_222 = arith.muli %get3A_219, %mul3A_221 : vector<16xi32>
        %get3A_223 = arith.index_cast %mul3A_217 : i32 to index
        %get3A_224 = tpu.vector_load %arg12[%get3A_223] {strides = array<i32>} : memref<2000xi32, #tpu.memory_space<vmem>>, vector<16xi32>,
        %add3A_225 = arith.addi %mul3A_222, %get3A_224 : vector<16xi32>
        %sub3A_226 = vector.broadcast %mul3A_2 : i32 to vector<16xi32>
        %sub3A_227 = arith.subi %add3A_225, %sub3A_226 : vector<16xi32>
        %ge3A_228 = arith.constant 0 : i32
        %ge3A_229 = vector.broadcast %ge3A_228 : i32 to vector<16xi32>
        %ge3A_230 = arith.cmpi sge, %sub3A_227, %ge3A_229 : vector<16xi32>
        %lt3A_231 = arith.constant 5000 : i32
        %lt3A_232 = vector.broadcast %lt3A_231 : i32 to vector<16xi32>
        %lt3A_233 = arith.cmpi slt, %sub3A_227, %lt3A_232 : vector<16xi32>
        %and3A_234 = arith.andi %ge3A_230, %lt3A_233 : vector<16xi1>
        %max3A_235 = arith.constant 0 : i32
        %max3A_236 = vector.broadcast %max3A_235 : i32 to vector<16xi32>
        %max3A_237 = arith.maxsi %sub3A_227, %max3A_236 : vector<16xi32>
        %min3A_238 = arith.constant 4999 : i32
        %min3A_239 = vector.broadcast %min3A_238 : i32 to vector<16xi32>
        %min3A_240 = arith.minsi %max3A_237, %min3A_239 : vector<16xi32>
        tpu.vector_store_idx %arg8[%min3A_240], %broadcast_in_dim3A_10 masked %and3A_234 {add = true} : memref<5016xf32, #tpu.memory_space<vmem>>[vector<16xi32>], vector<16xf32>, vector<16xi1>
      }
      %scan3A_100 = arith.constant 25 : i32
    }
    %scan3A_23 = arith.constant 80 : i32
    %scan3A_24 = arith.constant 0 : i32
    %scan3A_25 = arith.constant 0 : i32
    %scan3A_26 = arith.constant 313 : i32
    %scan3A_27 = arith.addi %scan3A_25, %scan3A_26 : i32
    %scan3A_28 = arith.constant 1 : i32
    scf.for %scan3A_58 = %scan3A_25 to %scan3A_27 step %scan3A_28  : i32 {
      %mul3A_59 = arith.constant 16 : i32
      %mul3A_60 = arith.muli %scan3A_58, %mul3A_59 : i32
      %get3A = arith.index_cast %mul3A_60 : i32 to index
      %get3A_61 = tpu.vector_load %arg8[%get3A] {strides = array<i32>} : memref<5016xf32, #tpu.memory_space<vmem>>, vector<16xf32>,
      %max3A = arith.constant 1.000000e+00 : f32
      %max3A_62 = vector.broadcast %max3A : f32 to vector<16xf32>
      %max3A_63 = arith.maximumf %get3A_61, %max3A_62 : vector<16xf32>
      %div3A = arith.constant 1.000000e+00 : f32
      %div3A_64 = vector.broadcast %div3A : f32 to vector<16xf32>
      %div3A_65 = arith.divf %div3A_64, %max3A_63 : vector<16xf32>
      %swap3A = arith.index_cast %mul3A_60 : i32 to index
      %swap3A_66 = tpu.vector_load %arg8[%swap3A] {strides = array<i32>} : memref<5016xf32, #tpu.memory_space<vmem>>, vector<16xf32>,
      tpu.vector_store %arg8[%swap3A], %div3A_65 {strides = array<i32>} : memref<5016xf32, #tpu.memory_space<vmem>>, vector<16xf32>,
    }
    %scan3A_29 = arith.constant 313 : i32
    "tpu.region"() ({
      %run_scoped3A = tpu.sem_alloc : memref<!tpu.dma_semaphore, #tpu.memory_space<semaphore_mem>>
      %dma_start3A_58 = arith.constant 0 : i32
      %dma_start3A_59 = tpu.memref_slice %arg8[%dma_start3A_58] : memref<5016xf32, #tpu.memory_space<vmem>> -> memref<5000xf32, #tpu.memory_space<vmem>>
      %dma_start3A_60 = tpu.memref_slice %arg7[%mul3A_2] : memref<80000xf32, #tpu.memory_space<hbm>> -> memref<5000xf32, #tpu.memory_space<hbm>>
      %dma_start3A_61 = tpu.memref_slice %arg7[%mul3A_2] : memref<80000xf32, #tpu.memory_space<hbm>> -> memref<5000xf32, #tpu.memory_space<hbm>>
      %dma_start3A_62 = arith.constant 0 : i32
      %dma_start3A_63 = tpu.memref_slice %arg8[%dma_start3A_62] : memref<5016xf32, #tpu.memory_space<vmem>> -> memref<5000xf32, #tpu.memory_space<vmem>>
      tpu.enqueue_dma source(%dma_start3A_63 : memref<5000xf32, #tpu.memory_space<vmem>>) target(%dma_start3A_61 : memref<5000xf32, #tpu.memory_space<hbm>>) target_semaphore(%run_scoped3A : memref<!tpu.dma_semaphore, #tpu.memory_space<semaphore_mem>>)
      %dma_wait3A = arith.constant 0 : i32
      %dma_wait3A_64 = tpu.memref_slice %arg8[%dma_wait3A] : memref<5016xf32, #tpu.memory_space<vmem>> -> memref<5000xf32, #tpu.memory_space<vmem>>
      %dma_wait3A_65 = tpu.memref_slice %arg7[%mul3A_2] : memref<80000xf32, #tpu.memory_space<hbm>> -> memref<5000xf32, #tpu.memory_space<hbm>>
      %dma_wait3A_66 = tpu.memref_slice %arg7[%mul3A_2] : memref<80000xf32, #tpu.memory_space<hbm>> -> memref<5000xf32, #tpu.memory_space<hbm>>
      %dma_wait3A_67 = arith.constant 0 : i32
      %dma_wait3A_68 = tpu.memref_slice %arg8[%dma_wait3A_67] : memref<5016xf32, #tpu.memory_space<vmem>> -> memref<5000xf32, #tpu.memory_space<vmem>>
      tpu.wait_dma2 semaphore(%run_scoped3A : memref<!tpu.dma_semaphore, #tpu.memory_space<semaphore_mem>>) src(%dma_wait3A_68 : memref<5000xf32, #tpu.memory_space<vmem>>) dst(%dma_wait3A_66 : memref<5000xf32, #tpu.memory_space<hbm>>)
      tpu.yield
    }) : () -> ()
    %scan3A_30 = arith.constant 0 : i32
    %scan3A_31 = arith.constant 0 : i32
    %scan3A_32 = arith.constant 125 : i32
    %scan3A_33 = arith.addi %scan3A_31, %scan3A_32 : i32
    %scan3A_34 = arith.constant 1 : i32
    scf.for %scan3A_58 = %scan3A_31 to %scan3A_33 step %scan3A_34  : i32 {
      %mul3A_59 = arith.constant 80 : i32
      %mul3A_60 = arith.muli %scan3A_58, %mul3A_59 : i32
      %add3A_61 = arith.constant 0 : i32
      %add3A_62 = arith.addi %mul3A_60, %add3A_61 : i32
      %get3A = arith.index_cast %add3A_62 : i32 to index
      %get3A_63 = tpu.vector_load %arg13[%get3A] {strides = array<i32>} : memref<10000xi32, #tpu.memory_space<vmem>>, vector<16xi32>,
      %mul3A_64 = arith.constant 10000 : i32
      %mul3A_65 = vector.broadcast %mul3A_64 : i32 to vector<16xi32>
      %mul3A_66 = arith.muli %get3A_63, %mul3A_65 : vector<16xi32>
      %get3A_67 = arith.index_cast %add3A_62 : i32 to index
      %get3A_68 = tpu.vector_load %arg14[%get3A_67] {strides = array<i32>} : memref<10000xi32, #tpu.memory_space<vmem>>, vector<16xi32>,
      %add3A_69 = arith.addi %mul3A_66, %get3A_68 : vector<16xi32>
      %swap3A = arith.index_cast %add3A_62 : i32 to index
      %swap3A_70 = tpu.vector_load %arg15[%swap3A] {strides = array<i32>} : memref<10000xi32, #tpu.memory_space<vmem>>, vector<16xi32>,
      tpu.vector_store %arg15[%swap3A], %add3A_69 {strides = array<i32>} : memref<10000xi32, #tpu.memory_space<vmem>>, vector<16xi32>,
      %mul3A_71 = arith.constant 80 : i32
      %mul3A_72 = arith.muli %scan3A_58, %mul3A_71 : i32
      %add3A_73 = arith.constant 16 : i32
      %add3A_74 = arith.addi %mul3A_72, %add3A_73 : i32
      %get3A_75 = arith.index_cast %add3A_74 : i32 to index
      %get3A_76 = tpu.vector_load %arg13[%get3A_75] {strides = array<i32>} : memref<10000xi32, #tpu.memory_space<vmem>>, vector<16xi32>,
      %mul3A_77 = arith.constant 10000 : i32
      %mul3A_78 = vector.broadcast %mul3A_77 : i32 to vector<16xi32>
      %mul3A_79 = arith.muli %get3A_76, %mul3A_78 : vector<16xi32>
      %get3A_80 = arith.index_cast %add3A_74 : i32 to index
      %get3A_81 = tpu.vector_load %arg14[%get3A_80] {strides = array<i32>} : memref<10000xi32, #tpu.memory_space<vmem>>, vector<16xi32>,
      %add3A_82 = arith.addi %mul3A_79, %get3A_81 : vector<16xi32>
      %swap3A_83 = arith.index_cast %add3A_74 : i32 to index
      %swap3A_84 = tpu.vector_load %arg15[%swap3A_83] {strides = array<i32>} : memref<10000xi32, #tpu.memory_space<vmem>>, vector<16xi32>,
      tpu.vector_store %arg15[%swap3A_83], %add3A_82 {strides = array<i32>} : memref<10000xi32, #tpu.memory_space<vmem>>, vector<16xi32>,
      %mul3A_85 = arith.constant 80 : i32
      %mul3A_86 = arith.muli %scan3A_58, %mul3A_85 : i32
      %add3A_87 = arith.constant 32 : i32
      %add3A_88 = arith.addi %mul3A_86, %add3A_87 : i32
      %get3A_89 = arith.index_cast %add3A_88 : i32 to index
      %get3A_90 = tpu.vector_load %arg13[%get3A_89] {strides = array<i32>} : memref<10000xi32, #tpu.memory_space<vmem>>, vector<16xi32>,
      %mul3A_91 = arith.constant 10000 : i32
      %mul3A_92 = vector.broadcast %mul3A_91 : i32 to vector<16xi32>
      %mul3A_93 = arith.muli %get3A_90, %mul3A_92 : vector<16xi32>
      %get3A_94 = arith.index_cast %add3A_88 : i32 to index
      %get3A_95 = tpu.vector_load %arg14[%get3A_94] {strides = array<i32>} : memref<10000xi32, #tpu.memory_space<vmem>>, vector<16xi32>,
      %add3A_96 = arith.addi %mul3A_93, %get3A_95 : vector<16xi32>
      %swap3A_97 = arith.index_cast %add3A_88 : i32 to index
      %swap3A_98 = tpu.vector_load %arg15[%swap3A_97] {strides = array<i32>} : memref<10000xi32, #tpu.memory_space<vmem>>, vector<16xi32>,
      tpu.vector_store %arg15[%swap3A_97], %add3A_96 {strides = array<i32>} : memref<10000xi32, #tpu.memory_space<vmem>>, vector<16xi32>,
      %mul3A_99 = arith.constant 80 : i32
      %mul3A_100 = arith.muli %scan3A_58, %mul3A_99 : i32
      %add3A_101 = arith.constant 48 : i32
      %add3A_102 = arith.addi %mul3A_100, %add3A_101 : i32
      %get3A_103 = arith.index_cast %add3A_102 : i32 to index
      %get3A_104 = tpu.vector_load %arg13[%get3A_103] {strides = array<i32>} : memref<10000xi32, #tpu.memory_space<vmem>>, vector<16xi32>,
      %mul3A_105 = arith.constant 10000 : i32
      %mul3A_106 = vector.broadcast %mul3A_105 : i32 to vector<16xi32>
      %mul3A_107 = arith.muli %get3A_104, %mul3A_106 : vector<16xi32>
      %get3A_108 = arith.index_cast %add3A_102 : i32 to index
      %get3A_109 = tpu.vector_load %arg14[%get3A_108] {strides = array<i32>} : memref<10000xi32, #tpu.memory_space<vmem>>, vector<16xi32>,
      %add3A_110 = arith.addi %mul3A_107, %get3A_109 : vector<16xi32>
      %swap3A_111 = arith.index_cast %add3A_102 : i32 to index
      %swap3A_112 = tpu.vector_load %arg15[%swap3A_111] {strides = array<i32>} : memref<10000xi32, #tpu.memory_space<vmem>>, vector<16xi32>,
      tpu.vector_store %arg15[%swap3A_111], %add3A_110 {strides = array<i32>} : memref<10000xi32, #tpu.memory_space<vmem>>, vector<16xi32>,
      %mul3A_113 = arith.constant 80 : i32
      %mul3A_114 = arith.muli %scan3A_58, %mul3A_113 : i32
      %add3A_115 = arith.constant 64 : i32
      %add3A_116 = arith.addi %mul3A_114, %add3A_115 : i32
      %get3A_117 = arith.index_cast %add3A_116 : i32 to index
      %get3A_118 = tpu.vector_load %arg13[%get3A_117] {strides = array<i32>} : memref<10000xi32, #tpu.memory_space<vmem>>, vector<16xi32>,
      %mul3A_119 = arith.constant 10000 : i32
      %mul3A_120 = vector.broadcast %mul3A_119 : i32 to vector<16xi32>
      %mul3A_121 = arith.muli %get3A_118, %mul3A_120 : vector<16xi32>
      %get3A_122 = arith.index_cast %add3A_116 : i32 to index
      %get3A_123 = tpu.vector_load %arg14[%get3A_122] {strides = array<i32>} : memref<10000xi32, #tpu.memory_space<vmem>>, vector<16xi32>,
      %add3A_124 = arith.addi %mul3A_121, %get3A_123 : vector<16xi32>
      %swap3A_125 = arith.index_cast %add3A_116 : i32 to index
      %swap3A_126 = tpu.vector_load %arg15[%swap3A_125] {strides = array<i32>} : memref<10000xi32, #tpu.memory_space<vmem>>, vector<16xi32>,
      tpu.vector_store %arg15[%swap3A_125], %add3A_124 {strides = array<i32>} : memref<10000xi32, #tpu.memory_space<vmem>>, vector<16xi32>,
    }
    %scan3A_35 = arith.constant 125 : i32
    "tpu.region"() ({
      %run_scoped3A = tpu.sem_alloc : memref<!tpu.dma_semaphore, #tpu.memory_space<semaphore_mem>>
      %dma_start3A_58 = tpu.memref_slice %arg3[%mul3A_9] : memref<320000xi32, #tpu.memory_space<hbm>> -> memref<10000xi32, #tpu.memory_space<hbm>>
      %dma_start3A_59 = tpu.memref_slice %arg3[%mul3A_9] : memref<320000xi32, #tpu.memory_space<hbm>> -> memref<10000xi32, #tpu.memory_space<hbm>>
      tpu.enqueue_dma source(%dma_start3A_59 : memref<10000xi32, #tpu.memory_space<hbm>>) target(%arg14 : memref<10000xi32, #tpu.memory_space<vmem>>) target_semaphore(%run_scoped3A : memref<!tpu.dma_semaphore, #tpu.memory_space<semaphore_mem>>)
      %dma_wait3A = tpu.memref_slice %arg3[%mul3A_9] : memref<320000xi32, #tpu.memory_space<hbm>> -> memref<10000xi32, #tpu.memory_space<hbm>>
      %dma_wait3A_60 = tpu.memref_slice %arg3[%mul3A_9] : memref<320000xi32, #tpu.memory_space<hbm>> -> memref<10000xi32, #tpu.memory_space<hbm>>
      tpu.wait_dma2 semaphore(%run_scoped3A : memref<!tpu.dma_semaphore, #tpu.memory_space<semaphore_mem>>) src(%dma_wait3A_60 : memref<10000xi32, #tpu.memory_space<hbm>>) dst(%arg14 : memref<10000xi32, #tpu.memory_space<vmem>>)
      tpu.yield
    }) : () -> ()
    %scan3A_36 = arith.constant 0 : i32
    %scan3A_37 = arith.constant 0 : i32
    %scan3A_38 = arith.constant 125 : i32
    %scan3A_39 = arith.addi %scan3A_37, %scan3A_38 : i32
    %scan3A_40 = arith.constant 1 : i32
    scf.for %scan3A_58 = %scan3A_37 to %scan3A_39 step %scan3A_40  : i32 {
      %mul3A_59 = arith.constant 80 : i32
      %mul3A_60 = arith.muli %scan3A_58, %mul3A_59 : i32
      %add3A_61 = arith.constant 0 : i32
      %add3A_62 = arith.addi %mul3A_60, %add3A_61 : i32
      %get3A = arith.index_cast %add3A_62 : i32 to index
      %get3A_63 = tpu.vector_load %arg13[%get3A] {strides = array<i32>} : memref<10000xi32, #tpu.memory_space<vmem>>, vector<16xi32>,
      %mul3A_64 = arith.constant 10000 : i32
      %mul3A_65 = vector.broadcast %mul3A_64 : i32 to vector<16xi32>
      %mul3A_66 = arith.muli %get3A_63, %mul3A_65 : vector<16xi32>
      %get3A_67 = arith.index_cast %add3A_62 : i32 to index
      %get3A_68 = tpu.vector_load %arg14[%get3A_67] {strides = array<i32>} : memref<10000xi32, #tpu.memory_space<vmem>>, vector<16xi32>,
      %add3A_69 = arith.addi %mul3A_66, %get3A_68 : vector<16xi32>
      %swap3A = arith.index_cast %scan3A_58 : i32 to index
      %swap3A_70 = arith.constant 0 : index
      %swap3A_71 = tpu.vector_load %arg16[%swap3A, %swap3A_70] {strides = array<i32>} : memref<125x80xi32, #tpu.memory_space<vmem>>, vector<16xi32>,
      tpu.vector_store %arg16[%swap3A, %swap3A_70], %add3A_69 {strides = array<i32>} : memref<125x80xi32, #tpu.memory_space<vmem>>, vector<16xi32>,
      %mul3A_72 = arith.constant 80 : i32
      %mul3A_73 = arith.muli %scan3A_58, %mul3A_72 : i32
      %add3A_74 = arith.constant 16 : i32
      %add3A_75 = arith.addi %mul3A_73, %add3A_74 : i32
      %get3A_76 = arith.index_cast %add3A_75 : i32 to index
      %get3A_77 = tpu.vector_load %arg13[%get3A_76] {strides = array<i32>} : memref<10000xi32, #tpu.memory_space<vmem>>, vector<16xi32>,
      %mul3A_78 = arith.constant 10000 : i32
      %mul3A_79 = vector.broadcast %mul3A_78 : i32 to vector<16xi32>
      %mul3A_80 = arith.muli %get3A_77, %mul3A_79 : vector<16xi32>
      %get3A_81 = arith.index_cast %add3A_75 : i32 to index
      %get3A_82 = tpu.vector_load %arg14[%get3A_81] {strides = array<i32>} : memref<10000xi32, #tpu.memory_space<vmem>>, vector<16xi32>,
      %add3A_83 = arith.addi %mul3A_80, %get3A_82 : vector<16xi32>
      %swap3A_84 = arith.index_cast %scan3A_58 : i32 to index
      %swap3A_85 = arith.constant 16 : index
      %swap3A_86 = tpu.vector_load %arg16[%swap3A_84, %swap3A_85] {strides = array<i32>} : memref<125x80xi32, #tpu.memory_space<vmem>>, vector<16xi32>,
      tpu.vector_store %arg16[%swap3A_84, %swap3A_85], %add3A_83 {strides = array<i32>} : memref<125x80xi32, #tpu.memory_space<vmem>>, vector<16xi32>,
      %mul3A_87 = arith.constant 80 : i32
      %mul3A_88 = arith.muli %scan3A_58, %mul3A_87 : i32
      %add3A_89 = arith.constant 32 : i32
      %add3A_90 = arith.addi %mul3A_88, %add3A_89 : i32
      %get3A_91 = arith.index_cast %add3A_90 : i32 to index
      %get3A_92 = tpu.vector_load %arg13[%get3A_91] {strides = array<i32>} : memref<10000xi32, #tpu.memory_space<vmem>>, vector<16xi32>,
      %mul3A_93 = arith.constant 10000 : i32
      %mul3A_94 = vector.broadcast %mul3A_93 : i32 to vector<16xi32>
      %mul3A_95 = arith.muli %get3A_92, %mul3A_94 : vector<16xi32>
      %get3A_96 = arith.index_cast %add3A_90 : i32 to index
      %get3A_97 = tpu.vector_load %arg14[%get3A_96] {strides = array<i32>} : memref<10000xi32, #tpu.memory_space<vmem>>, vector<16xi32>,
      %add3A_98 = arith.addi %mul3A_95, %get3A_97 : vector<16xi32>
      %swap3A_99 = arith.index_cast %scan3A_58 : i32 to index
      %swap3A_100 = arith.constant 32 : index
      %swap3A_101 = tpu.vector_load %arg16[%swap3A_99, %swap3A_100] {strides = array<i32>} : memref<125x80xi32, #tpu.memory_space<vmem>>, vector<16xi32>,
      tpu.vector_store %arg16[%swap3A_99, %swap3A_100], %add3A_98 {strides = array<i32>} : memref<125x80xi32, #tpu.memory_space<vmem>>, vector<16xi32>,
      %mul3A_102 = arith.constant 80 : i32
      %mul3A_103 = arith.muli %scan3A_58, %mul3A_102 : i32
      %add3A_104 = arith.constant 48 : i32
      %add3A_105 = arith.addi %mul3A_103, %add3A_104 : i32
      %get3A_106 = arith.index_cast %add3A_105 : i32 to index
      %get3A_107 = tpu.vector_load %arg13[%get3A_106] {strides = array<i32>} : memref<10000xi32, #tpu.memory_space<vmem>>, vector<16xi32>,
      %mul3A_108 = arith.constant 10000 : i32
      %mul3A_109 = vector.broadcast %mul3A_108 : i32 to vector<16xi32>
      %mul3A_110 = arith.muli %get3A_107, %mul3A_109 : vector<16xi32>
      %get3A_111 = arith.index_cast %add3A_105 : i32 to index
      %get3A_112 = tpu.vector_load %arg14[%get3A_111] {strides = array<i32>} : memref<10000xi32, #tpu.memory_space<vmem>>, vector<16xi32>,
      %add3A_113 = arith.addi %mul3A_110, %get3A_112 : vector<16xi32>
      %swap3A_114 = arith.index_cast %scan3A_58 : i32 to index
      %swap3A_115 = arith.constant 48 : index
      %swap3A_116 = tpu.vector_load %arg16[%swap3A_114, %swap3A_115] {strides = array<i32>} : memref<125x80xi32, #tpu.memory_space<vmem>>, vector<16xi32>,
      tpu.vector_store %arg16[%swap3A_114, %swap3A_115], %add3A_113 {strides = array<i32>} : memref<125x80xi32, #tpu.memory_space<vmem>>, vector<16xi32>,
      %mul3A_117 = arith.constant 80 : i32
      %mul3A_118 = arith.muli %scan3A_58, %mul3A_117 : i32
      %add3A_119 = arith.constant 64 : i32
      %add3A_120 = arith.addi %mul3A_118, %add3A_119 : i32
      %get3A_121 = arith.index_cast %add3A_120 : i32 to index
      %get3A_122 = tpu.vector_load %arg13[%get3A_121] {strides = array<i32>} : memref<10000xi32, #tpu.memory_space<vmem>>, vector<16xi32>,
      %mul3A_123 = arith.constant 10000 : i32
      %mul3A_124 = vector.broadcast %mul3A_123 : i32 to vector<16xi32>
      %mul3A_125 = arith.muli %get3A_122, %mul3A_124 : vector<16xi32>
      %get3A_126 = arith.index_cast %add3A_120 : i32 to index
      %get3A_127 = tpu.vector_load %arg14[%get3A_126] {strides = array<i32>} : memref<10000xi32, #tpu.memory_space<vmem>>, vector<16xi32>,
      %add3A_128 = arith.addi %mul3A_125, %get3A_127 : vector<16xi32>
      %swap3A_129 = arith.index_cast %scan3A_58 : i32 to index
      %swap3A_130 = arith.constant 64 : index
      %swap3A_131 = tpu.vector_load %arg16[%swap3A_129, %swap3A_130] {strides = array<i32>} : memref<125x80xi32, #tpu.memory_space<vmem>>, vector<16xi32>,
      tpu.vector_store %arg16[%swap3A_129, %swap3A_130], %add3A_128 {strides = array<i32>} : memref<125x80xi32, #tpu.memory_space<vmem>>, vector<16xi32>,
    }
    %scan3A_41 = arith.constant 125 : i32
    %barrier3A = arith.constant 0 : index
    tpu.barrier barrier_id(%barrier3A)
    %scan3A_42 = arith.constant 0 : i32
    %scan3A_43 = arith.constant 0 : i32
    %scan3A_44 = arith.constant 125 : i32
    %scan3A_45 = arith.addi %scan3A_43, %scan3A_44 : i32
    %scan3A_46 = arith.constant 1 : i32
    scf.for %scan3A_58 = %scan3A_43 to %scan3A_45 step %scan3A_46  : i32 {
      %mul3A_59 = arith.constant 80 : i32
      %mul3A_60 = arith.muli %scan3A_58, %mul3A_59 : i32
      %dma_start3A_61 = arith.constant 0 : i32
      %dma_start3A_62 = tpu.memref_slice %arg17[%scan3A_58, %dma_start3A_61] : memref<125x80xf32, #tpu.memory_space<vmem>> -> memref<1x80xf32, #tpu.memory_space<vmem>>
      %dma_start3A_63 = tpu.memref_squeeze %dma_start3A_62 : memref<1x80xf32, #tpu.memory_space<vmem>> -> memref<80xf32, #tpu.memory_space<vmem>>
      %dma_start3A_64 = tpu.memref_slice %arg15[%mul3A_60] : memref<10000xi32, #tpu.memory_space<vmem>> -> memref<80xi32, #tpu.memory_space<vmem>>
      %dma_start3A_65 = arith.constant 0 : i32
      %dma_start3A_66 = tpu.memref_slice %arg7[%dma_start3A_65] : memref<80000xf32, #tpu.memory_space<hbm>> -> memref<80000xf32, #tpu.memory_space<hbm>>
      tpu.enqueue_indirect_dma source(%dma_start3A_66 : memref<80000xf32, #tpu.memory_space<hbm>>) target(%dma_start3A_63 : memref<80xf32, #tpu.memory_space<vmem>>) offsets(%dma_start3A_64 : memref<80xi32, #tpu.memory_space<vmem>>) semaphore(%arg20 : memref<!tpu.dma_semaphore, #tpu.memory_space<semaphore_mem>>)
    }
    %scan3A_47 = arith.constant 125 : i32
    %scan3A_48 = arith.constant 0 : i32
    %scan3A_49 = arith.constant 0 : i32
    %scan3A_50 = arith.constant 125 : i32
    %scan3A_51 = arith.addi %scan3A_49, %scan3A_50 : i32
    %scan3A_52 = arith.constant 1 : i32
    scf.for %scan3A_58 = %scan3A_49 to %scan3A_51 step %scan3A_52  : i32 {
      %mul3A_59 = arith.constant 80 : i32
      %mul3A_60 = arith.muli %scan3A_58, %mul3A_59 : i32
      %dma_wait3A = arith.constant 0 : i32
      %dma_wait3A_61 = tpu.memref_slice %arg17[%scan3A_58, %dma_wait3A] : memref<125x80xf32, #tpu.memory_space<vmem>> -> memref<1x80xf32, #tpu.memory_space<vmem>>
      %dma_wait3A_62 = tpu.memref_squeeze %dma_wait3A_61 : memref<1x80xf32, #tpu.memory_space<vmem>> -> memref<80xf32, #tpu.memory_space<vmem>>
      %dma_wait3A_63 = tpu.memref_slice %arg15[%mul3A_60] : memref<10000xi32, #tpu.memory_space<vmem>> -> memref<80xi32, #tpu.memory_space<vmem>>
      %dma_wait3A_64 = arith.constant 0 : i32
      %dma_wait3A_65 = tpu.memref_slice %arg7[%dma_wait3A_64] : memref<80000xf32, #tpu.memory_space<hbm>> -> memref<80000xf32, #tpu.memory_space<hbm>>
      tpu.wait_indirect_dma semaphore(%arg20 : memref<!tpu.dma_semaphore, #tpu.memory_space<semaphore_mem>>) src(%dma_wait3A_65 : memref<80000xf32, #tpu.memory_space<hbm>>) dst(%dma_wait3A_62 : memref<80xf32, #tpu.memory_space<vmem>>)
    }
    %scan3A_53 = arith.constant 125 : i32
    %mul3A_54 = arith.constant 125 : i32
    %mul3A_55 = arith.muli %add3A, %mul3A_54 : i32
    "tpu.region"() ({
      %run_scoped3A = tpu.sem_alloc : memref<!tpu.dma_semaphore, #tpu.memory_space<semaphore_mem>>
      %dma_start3A_58 = arith.constant 0 : i32
      %dma_start3A_59 = tpu.memref_slice %arg5[%mul3A_55, %dma_start3A_58] : memref<4000x80xi32, #tpu.memory_space<hbm>> -> memref<125x80xi32, #tpu.memory_space<hbm>>
      %dma_start3A_60 = arith.constant 0 : i32
      %dma_start3A_61 = tpu.memref_slice %arg5[%mul3A_55, %dma_start3A_60] : memref<4000x80xi32, #tpu.memory_space<hbm>> -> memref<125x80xi32, #tpu.memory_space<hbm>>
      tpu.enqueue_dma source(%arg16 : memref<125x80xi32, #tpu.memory_space<vmem>>) target(%dma_start3A_61 : memref<125x80xi32, #tpu.memory_space<hbm>>) target_semaphore(%run_scoped3A : memref<!tpu.dma_semaphore, #tpu.memory_space<semaphore_mem>>)
      %dma_wait3A = arith.constant 0 : i32
      %dma_wait3A_62 = tpu.memref_slice %arg5[%mul3A_55, %dma_wait3A] : memref<4000x80xi32, #tpu.memory_space<hbm>> -> memref<125x80xi32, #tpu.memory_space<hbm>>
      %dma_wait3A_63 = arith.constant 0 : i32
      %dma_wait3A_64 = tpu.memref_slice %arg5[%mul3A_55, %dma_wait3A_63] : memref<4000x80xi32, #tpu.memory_space<hbm>> -> memref<125x80xi32, #tpu.memory_space<hbm>>
      tpu.wait_dma2 semaphore(%run_scoped3A : memref<!tpu.dma_semaphore, #tpu.memory_space<semaphore_mem>>) src(%arg16 : memref<125x80xi32, #tpu.memory_space<vmem>>) dst(%dma_wait3A_64 : memref<125x80xi32, #tpu.memory_space<hbm>>)
      tpu.yield
    }) : () -> ()
    %mul3A_56 = arith.constant 125 : i32
    %mul3A_57 = arith.muli %add3A, %mul3A_56 : i32
    "tpu.region"() ({
      %run_scoped3A = tpu.sem_alloc : memref<!tpu.dma_semaphore, #tpu.memory_space<semaphore_mem>>
      %dma_start3A_58 = arith.constant 0 : i32
      %dma_start3A_59 = tpu.memref_slice %arg6[%mul3A_57, %dma_start3A_58] : memref<4000x80xf32, #tpu.memory_space<hbm>> -> memref<125x80xf32, #tpu.memory_space<hbm>>
      %dma_start3A_60 = arith.constant 0 : i32
      %dma_start3A_61 = tpu.memref_slice %arg6[%mul3A_57, %dma_start3A_60] : memref<4000x80xf32, #tpu.memory_space<hbm>> -> memref<125x80xf32, #tpu.memory_space<hbm>>
      tpu.enqueue_dma source(%arg17 : memref<125x80xf32, #tpu.memory_space<vmem>>) target(%dma_start3A_61 : memref<125x80xf32, #tpu.memory_space<hbm>>) target_semaphore(%run_scoped3A : memref<!tpu.dma_semaphore, #tpu.memory_space<semaphore_mem>>)
      %dma_wait3A = arith.constant 0 : i32
      %dma_wait3A_62 = tpu.memref_slice %arg6[%mul3A_57, %dma_wait3A] : memref<4000x80xf32, #tpu.memory_space<hbm>> -> memref<125x80xf32, #tpu.memory_space<hbm>>
      %dma_wait3A_63 = arith.constant 0 : i32
      %dma_wait3A_64 = tpu.memref_slice %arg6[%mul3A_57, %dma_wait3A_63] : memref<4000x80xf32, #tpu.memory_space<hbm>> -> memref<125x80xf32, #tpu.memory_space<hbm>>
      tpu.wait_dma2 semaphore(%run_scoped3A : memref<!tpu.dma_semaphore, #tpu.memory_space<semaphore_mem>>) src(%arg17 : memref<125x80xf32, #tpu.memory_space<vmem>>) dst(%dma_wait3A_64 : memref<125x80xf32, #tpu.memory_space<hbm>>)
      tpu.yield
    }) : () -> ()
    return
  }
}

#map = affine_map<(d0, d1) -> (0, 0)>
#map1 = affine_map<(d0, d1) -> (0)>
module attributes {stable_mosaic.version = 14 : i64} {
  func.func @_edge_pass(%arg0: i32, %arg1: i32, %arg2: memref<80000x128xf32, #tpu.memory_space<hbm>>, %arg3: memref<3200x100xi32, #tpu.memory_space<hbm>>, %arg4: memref<320000xf32, #tpu.memory_space<hbm>>, %arg5: memref<3200x100xi32, #tpu.memory_space<hbm>>, %arg6: memref<20000x128xf32, #tpu.memory_space<hbm>>, %arg7: memref<10000x128xf32, #tpu.memory_space<vmem_shared>>, %arg8: memref<25x128xf32, #tpu.memory_space<vmem>>, %arg9: memref<100x100xi32, #tpu.memory_space<vmem>>, %arg10: memref<10000xf32, #tpu.memory_space<vmem>>, %arg11: memref<100xi32, #tpu.memory_space<vmem>>, %arg12: memref<100xi32, #tpu.memory_space<vmem>>, %arg13: memref<100x128xf32, #tpu.memory_space<vmem>>, %arg14: memref<100x128xf32, #tpu.memory_space<vmem>>, %arg15: memref<!tpu.dma_semaphore, #tpu.memory_space<semaphore_mem>>, %arg16: memref<!tpu.dma_semaphore, #tpu.memory_space<semaphore_mem>>, %arg17: memref<!tpu.dma_semaphore, #tpu.memory_space<semaphore_mem>>, %arg18: memref<!tpu.dma_semaphore, #tpu.memory_space<semaphore_mem>>, %arg19: memref<!tpu.dma_semaphore, #tpu.memory_space<semaphore_mem>>, %arg20: memref<!tpu.dma_semaphore, #tpu.memory_space<semaphore_mem>>, %arg21: memref<!tpu.dma_semaphore, #tpu.memory_space<semaphore_mem>>) attributes {dimension_semantics = [#tpu.dimension_semantics<core_parallel>, #tpu.dimension_semantics<subcore_parallel>], iteration_bounds = array<i64: 2, 16>, scalar_prefetch = 0 : i64, scratch_operands = 15 : i64, tpu.core_type = #tpu.core_type<sc_vector_subcore>, window_params = [{transform_indices = #map}, {transform_indices = #map}, {transform_indices = #map1}, {transform_indices = #map}, {transform_indices = #map}]} {
    %mul3A = arith.constant 2 : i32
    %mul3A_0 = arith.muli %arg1, %mul3A : i32
    %add3A = arith.addi %mul3A_0, %arg0 : i32
    %mul3A_1 = arith.constant 100 : i32
    %mul3A_2 = arith.muli %add3A, %mul3A_1 : i32
    "tpu.region"() ({
      %run_scoped3A = tpu.sem_alloc : memref<!tpu.dma_semaphore, #tpu.memory_space<semaphore_mem>>
      %dma_start3A_440 = arith.constant 0 : i32
      %dma_start3A_441 = tpu.memref_slice %arg3[%mul3A_2, %dma_start3A_440] : memref<3200x100xi32, #tpu.memory_space<hbm>> -> memref<100x100xi32, #tpu.memory_space<hbm>>
      %dma_start3A_442 = arith.constant 0 : i32
      %dma_start3A_443 = tpu.memref_slice %arg3[%mul3A_2, %dma_start3A_442] : memref<3200x100xi32, #tpu.memory_space<hbm>> -> memref<100x100xi32, #tpu.memory_space<hbm>>
      tpu.enqueue_dma source(%dma_start3A_443 : memref<100x100xi32, #tpu.memory_space<hbm>>) target(%arg9 : memref<100x100xi32, #tpu.memory_space<vmem>>) target_semaphore(%run_scoped3A : memref<!tpu.dma_semaphore, #tpu.memory_space<semaphore_mem>>)
      %dma_wait3A_444 = arith.constant 0 : i32
      %dma_wait3A_445 = tpu.memref_slice %arg3[%mul3A_2, %dma_wait3A_444] : memref<3200x100xi32, #tpu.memory_space<hbm>> -> memref<100x100xi32, #tpu.memory_space<hbm>>
      %dma_wait3A_446 = arith.constant 0 : i32
      %dma_wait3A_447 = tpu.memref_slice %arg3[%mul3A_2, %dma_wait3A_446] : memref<3200x100xi32, #tpu.memory_space<hbm>> -> memref<100x100xi32, #tpu.memory_space<hbm>>
      tpu.wait_dma2 semaphore(%run_scoped3A : memref<!tpu.dma_semaphore, #tpu.memory_space<semaphore_mem>>) src(%dma_wait3A_447 : memref<100x100xi32, #tpu.memory_space<hbm>>) dst(%arg9 : memref<100x100xi32, #tpu.memory_space<vmem>>)
      tpu.yield
    }) : () -> ()
    %mul3A_3 = arith.constant 10000 : i32
    %mul3A_4 = arith.muli %add3A, %mul3A_3 : i32
    "tpu.region"() ({
      %run_scoped3A = tpu.sem_alloc : memref<!tpu.dma_semaphore, #tpu.memory_space<semaphore_mem>>
      %dma_start3A_440 = tpu.memref_slice %arg4[%mul3A_4] : memref<320000xf32, #tpu.memory_space<hbm>> -> memref<10000xf32, #tpu.memory_space<hbm>>
      %dma_start3A_441 = tpu.memref_slice %arg4[%mul3A_4] : memref<320000xf32, #tpu.memory_space<hbm>> -> memref<10000xf32, #tpu.memory_space<hbm>>
      tpu.enqueue_dma source(%dma_start3A_441 : memref<10000xf32, #tpu.memory_space<hbm>>) target(%arg10 : memref<10000xf32, #tpu.memory_space<vmem>>) target_semaphore(%run_scoped3A : memref<!tpu.dma_semaphore, #tpu.memory_space<semaphore_mem>>)
      %dma_wait3A_442 = tpu.memref_slice %arg4[%mul3A_4] : memref<320000xf32, #tpu.memory_space<hbm>> -> memref<10000xf32, #tpu.memory_space<hbm>>
      %dma_wait3A_443 = tpu.memref_slice %arg4[%mul3A_4] : memref<320000xf32, #tpu.memory_space<hbm>> -> memref<10000xf32, #tpu.memory_space<hbm>>
      tpu.wait_dma2 semaphore(%run_scoped3A : memref<!tpu.dma_semaphore, #tpu.memory_space<semaphore_mem>>) src(%dma_wait3A_443 : memref<10000xf32, #tpu.memory_space<hbm>>) dst(%arg10 : memref<10000xf32, #tpu.memory_space<vmem>>)
      tpu.yield
    }) : () -> ()
    %scan3A = arith.constant 0 : i32
    %scan3A_5 = arith.constant 0 : i32
    %scan3A_6 = arith.constant 25 : i32
    %scan3A_7 = arith.addi %scan3A_5, %scan3A_6 : i32
    %scan3A_8 = arith.constant 1 : i32
    scf.for %scan3A_440 = %scan3A_5 to %scan3A_7 step %scan3A_8  : i32 {
      %broadcast_in_dim3A = arith.constant 0.000000e+00 : f32
      %broadcast_in_dim3A_441 = vector.broadcast %broadcast_in_dim3A : f32 to vector<16xf32>
      %swap3A = arith.index_cast %scan3A_440 : i32 to index
      %swap3A_442 = arith.constant 0 : index
      %swap3A_443 = tpu.vector_load %arg8[%swap3A, %swap3A_442] {strides = array<i32>} : memref<25x128xf32, #tpu.memory_space<vmem>>, vector<16xf32>,
      tpu.vector_store %arg8[%swap3A, %swap3A_442], %broadcast_in_dim3A_441 {strides = array<i32>} : memref<25x128xf32, #tpu.memory_space<vmem>>, vector<16xf32>,
      %broadcast_in_dim3A_444 = arith.constant 0.000000e+00 : f32
      %broadcast_in_dim3A_445 = vector.broadcast %broadcast_in_dim3A_444 : f32 to vector<16xf32>
      %swap3A_446 = arith.index_cast %scan3A_440 : i32 to index
      %swap3A_447 = arith.constant 16 : index
      %swap3A_448 = tpu.vector_load %arg8[%swap3A_446, %swap3A_447] {strides = array<i32>} : memref<25x128xf32, #tpu.memory_space<vmem>>, vector<16xf32>,
      tpu.vector_store %arg8[%swap3A_446, %swap3A_447], %broadcast_in_dim3A_445 {strides = array<i32>} : memref<25x128xf32, #tpu.memory_space<vmem>>, vector<16xf32>,
      %broadcast_in_dim3A_449 = arith.constant 0.000000e+00 : f32
      %broadcast_in_dim3A_450 = vector.broadcast %broadcast_in_dim3A_449 : f32 to vector<16xf32>
      %swap3A_451 = arith.index_cast %scan3A_440 : i32 to index
      %swap3A_452 = arith.constant 32 : index
      %swap3A_453 = tpu.vector_load %arg8[%swap3A_451, %swap3A_452] {strides = array<i32>} : memref<25x128xf32, #tpu.memory_space<vmem>>, vector<16xf32>,
      tpu.vector_store %arg8[%swap3A_451, %swap3A_452], %broadcast_in_dim3A_450 {strides = array<i32>} : memref<25x128xf32, #tpu.memory_space<vmem>>, vector<16xf32>,
      %broadcast_in_dim3A_454 = arith.constant 0.000000e+00 : f32
      %broadcast_in_dim3A_455 = vector.broadcast %broadcast_in_dim3A_454 : f32 to vector<16xf32>
      %swap3A_456 = arith.index_cast %scan3A_440 : i32 to index
      %swap3A_457 = arith.constant 48 : index
      %swap3A_458 = tpu.vector_load %arg8[%swap3A_456, %swap3A_457] {strides = array<i32>} : memref<25x128xf32, #tpu.memory_space<vmem>>, vector<16xf32>,
      tpu.vector_store %arg8[%swap3A_456, %swap3A_457], %broadcast_in_dim3A_455 {strides = array<i32>} : memref<25x128xf32, #tpu.memory_space<vmem>>, vector<16xf32>,
      %broadcast_in_dim3A_459 = arith.constant 0.000000e+00 : f32
      %broadcast_in_dim3A_460 = vector.broadcast %broadcast_in_dim3A_459 : f32 to vector<16xf32>
      %swap3A_461 = arith.index_cast %scan3A_440 : i32 to index
      %swap3A_462 = arith.constant 64 : index
      %swap3A_463 = tpu.vector_load %arg8[%swap3A_461, %swap3A_462] {strides = array<i32>} : memref<25x128xf32, #tpu.memory_space<vmem>>, vector<16xf32>,
      tpu.vector_store %arg8[%swap3A_461, %swap3A_462], %broadcast_in_dim3A_460 {strides = array<i32>} : memref<25x128xf32, #tpu.memory_space<vmem>>, vector<16xf32>,
      %broadcast_in_dim3A_464 = arith.constant 0.000000e+00 : f32
      %broadcast_in_dim3A_465 = vector.broadcast %broadcast_in_dim3A_464 : f32 to vector<16xf32>
      %swap3A_466 = arith.index_cast %scan3A_440 : i32 to index
      %swap3A_467 = arith.constant 80 : index
      %swap3A_468 = tpu.vector_load %arg8[%swap3A_466, %swap3A_467] {strides = array<i32>} : memref<25x128xf32, #tpu.memory_space<vmem>>, vector<16xf32>,
      tpu.vector_store %arg8[%swap3A_466, %swap3A_467], %broadcast_in_dim3A_465 {strides = array<i32>} : memref<25x128xf32, #tpu.memory_space<vmem>>, vector<16xf32>,
      %broadcast_in_dim3A_469 = arith.constant 0.000000e+00 : f32
      %broadcast_in_dim3A_470 = vector.broadcast %broadcast_in_dim3A_469 : f32 to vector<16xf32>
      %swap3A_471 = arith.index_cast %scan3A_440 : i32 to index
      %swap3A_472 = arith.constant 96 : index
      %swap3A_473 = tpu.vector_load %arg8[%swap3A_471, %swap3A_472] {strides = array<i32>} : memref<25x128xf32, #tpu.memory_space<vmem>>, vector<16xf32>,
      tpu.vector_store %arg8[%swap3A_471, %swap3A_472], %broadcast_in_dim3A_470 {strides = array<i32>} : memref<25x128xf32, #tpu.memory_space<vmem>>, vector<16xf32>,
      %broadcast_in_dim3A_474 = arith.constant 0.000000e+00 : f32
      %broadcast_in_dim3A_475 = vector.broadcast %broadcast_in_dim3A_474 : f32 to vector<16xf32>
      %swap3A_476 = arith.index_cast %scan3A_440 : i32 to index
      %swap3A_477 = arith.constant 112 : index
      %swap3A_478 = tpu.vector_load %arg8[%swap3A_476, %swap3A_477] {strides = array<i32>} : memref<25x128xf32, #tpu.memory_space<vmem>>, vector<16xf32>,
      tpu.vector_store %arg8[%swap3A_476, %swap3A_477], %broadcast_in_dim3A_475 {strides = array<i32>} : memref<25x128xf32, #tpu.memory_space<vmem>>, vector<16xf32>,
    }
    %scan3A_9 = arith.constant 25 : i32
    %mul3A_10 = arith.constant 625 : i32
    %mul3A_11 = arith.muli %arg1, %mul3A_10 : i32
    %add3A_12 = arith.constant 0 : i32
    %add3A_13 = arith.addi %mul3A_11, %add3A_12 : i32
    %dma_start3A = arith.constant 0 : i32
    %dma_start3A_14 = tpu.memref_slice %arg7[%add3A_13, %dma_start3A] : memref<10000x128xf32, #tpu.memory_space<vmem_shared>> -> memref<25x128xf32, #tpu.memory_space<vmem_shared>>
    %dma_start3A_15 = arith.constant 0 : i32
    %dma_start3A_16 = tpu.memref_slice %arg7[%add3A_13, %dma_start3A_15] : memref<10000x128xf32, #tpu.memory_space<vmem_shared>> -> memref<25x128xf32, #tpu.memory_space<vmem_shared>>
    tpu.enqueue_dma source(%arg8 : memref<25x128xf32, #tpu.memory_space<vmem>>) target(%dma_start3A_16 : memref<25x128xf32, #tpu.memory_space<vmem_shared>>) target_semaphore(%arg15 : memref<!tpu.dma_semaphore, #tpu.memory_space<semaphore_mem>>)
    %mul3A_17 = arith.constant 625 : i32
    %mul3A_18 = arith.muli %arg1, %mul3A_17 : i32
    %add3A_19 = arith.constant 25 : i32
    %add3A_20 = arith.addi %mul3A_18, %add3A_19 : i32
    %dma_start3A_21 = arith.constant 0 : i32
    %dma_start3A_22 = tpu.memref_slice %arg7[%add3A_20, %dma_start3A_21] : memref<10000x128xf32, #tpu.memory_space<vmem_shared>> -> memref<25x128xf32, #tpu.memory_space<vmem_shared>>
    %dma_start3A_23 = arith.constant 0 : i32
    %dma_start3A_24 = tpu.memref_slice %arg7[%add3A_20, %dma_start3A_23] : memref<10000x128xf32, #tpu.memory_space<vmem_shared>> -> memref<25x128xf32, #tpu.memory_space<vmem_shared>>
    tpu.enqueue_dma source(%arg8 : memref<25x128xf32, #tpu.memory_space<vmem>>) target(%dma_start3A_24 : memref<25x128xf32, #tpu.memory_space<vmem_shared>>) target_semaphore(%arg15 : memref<!tpu.dma_semaphore, #tpu.memory_space<semaphore_mem>>)
    %mul3A_25 = arith.constant 625 : i32
    %mul3A_26 = arith.muli %arg1, %mul3A_25 : i32
    %add3A_27 = arith.constant 50 : i32
    %add3A_28 = arith.addi %mul3A_26, %add3A_27 : i32
    %dma_start3A_29 = arith.constant 0 : i32
    %dma_start3A_30 = tpu.memref_slice %arg7[%add3A_28, %dma_start3A_29] : memref<10000x128xf32, #tpu.memory_space<vmem_shared>> -> memref<25x128xf32, #tpu.memory_space<vmem_shared>>
    %dma_start3A_31 = arith.constant 0 : i32
    %dma_start3A_32 = tpu.memref_slice %arg7[%add3A_28, %dma_start3A_31] : memref<10000x128xf32, #tpu.memory_space<vmem_shared>> -> memref<25x128xf32, #tpu.memory_space<vmem_shared>>
    tpu.enqueue_dma source(%arg8 : memref<25x128xf32, #tpu.memory_space<vmem>>) target(%dma_start3A_32 : memref<25x128xf32, #tpu.memory_space<vmem_shared>>) target_semaphore(%arg15 : memref<!tpu.dma_semaphore, #tpu.memory_space<semaphore_mem>>)
    %mul3A_33 = arith.constant 625 : i32
    %mul3A_34 = arith.muli %arg1, %mul3A_33 : i32
    %add3A_35 = arith.constant 75 : i32
    %add3A_36 = arith.addi %mul3A_34, %add3A_35 : i32
    %dma_start3A_37 = arith.constant 0 : i32
    %dma_start3A_38 = tpu.memref_slice %arg7[%add3A_36, %dma_start3A_37] : memref<10000x128xf32, #tpu.memory_space<vmem_shared>> -> memref<25x128xf32, #tpu.memory_space<vmem_shared>>
    %dma_start3A_39 = arith.constant 0 : i32
    %dma_start3A_40 = tpu.memref_slice %arg7[%add3A_36, %dma_start3A_39] : memref<10000x128xf32, #tpu.memory_space<vmem_shared>> -> memref<25x128xf32, #tpu.memory_space<vmem_shared>>
    tpu.enqueue_dma source(%arg8 : memref<25x128xf32, #tpu.memory_space<vmem>>) target(%dma_start3A_40 : memref<25x128xf32, #tpu.memory_space<vmem_shared>>) target_semaphore(%arg15 : memref<!tpu.dma_semaphore, #tpu.memory_space<semaphore_mem>>)
    %mul3A_41 = arith.constant 625 : i32
    %mul3A_42 = arith.muli %arg1, %mul3A_41 : i32
    %add3A_43 = arith.constant 100 : i32
    %add3A_44 = arith.addi %mul3A_42, %add3A_43 : i32
    %dma_start3A_45 = arith.constant 0 : i32
    %dma_start3A_46 = tpu.memref_slice %arg7[%add3A_44, %dma_start3A_45] : memref<10000x128xf32, #tpu.memory_space<vmem_shared>> -> memref<25x128xf32, #tpu.memory_space<vmem_shared>>
    %dma_start3A_47 = arith.constant 0 : i32
    %dma_start3A_48 = tpu.memref_slice %arg7[%add3A_44, %dma_start3A_47] : memref<10000x128xf32, #tpu.memory_space<vmem_shared>> -> memref<25x128xf32, #tpu.memory_space<vmem_shared>>
    tpu.enqueue_dma source(%arg8 : memref<25x128xf32, #tpu.memory_space<vmem>>) target(%dma_start3A_48 : memref<25x128xf32, #tpu.memory_space<vmem_shared>>) target_semaphore(%arg15 : memref<!tpu.dma_semaphore, #tpu.memory_space<semaphore_mem>>)
    %mul3A_49 = arith.constant 625 : i32
    %mul3A_50 = arith.muli %arg1, %mul3A_49 : i32
    %add3A_51 = arith.constant 125 : i32
    %add3A_52 = arith.addi %mul3A_50, %add3A_51 : i32
    %dma_start3A_53 = arith.constant 0 : i32
    %dma_start3A_54 = tpu.memref_slice %arg7[%add3A_52, %dma_start3A_53] : memref<10000x128xf32, #tpu.memory_space<vmem_shared>> -> memref<25x128xf32, #tpu.memory_space<vmem_shared>>
    %dma_start3A_55 = arith.constant 0 : i32
    %dma_start3A_56 = tpu.memref_slice %arg7[%add3A_52, %dma_start3A_55] : memref<10000x128xf32, #tpu.memory_space<vmem_shared>> -> memref<25x128xf32, #tpu.memory_space<vmem_shared>>
    tpu.enqueue_dma source(%arg8 : memref<25x128xf32, #tpu.memory_space<vmem>>) target(%dma_start3A_56 : memref<25x128xf32, #tpu.memory_space<vmem_shared>>) target_semaphore(%arg15 : memref<!tpu.dma_semaphore, #tpu.memory_space<semaphore_mem>>)
    %mul3A_57 = arith.constant 625 : i32
    %mul3A_58 = arith.muli %arg1, %mul3A_57 : i32
    %add3A_59 = arith.constant 150 : i32
    %add3A_60 = arith.addi %mul3A_58, %add3A_59 : i32
    %dma_start3A_61 = arith.constant 0 : i32
    %dma_start3A_62 = tpu.memref_slice %arg7[%add3A_60, %dma_start3A_61] : memref<10000x128xf32, #tpu.memory_space<vmem_shared>> -> memref<25x128xf32, #tpu.memory_space<vmem_shared>>
    %dma_start3A_63 = arith.constant 0 : i32
    %dma_start3A_64 = tpu.memref_slice %arg7[%add3A_60, %dma_start3A_63] : memref<10000x128xf32, #tpu.memory_space<vmem_shared>> -> memref<25x128xf32, #tpu.memory_space<vmem_shared>>
    tpu.enqueue_dma source(%arg8 : memref<25x128xf32, #tpu.memory_space<vmem>>) target(%dma_start3A_64 : memref<25x128xf32, #tpu.memory_space<vmem_shared>>) target_semaphore(%arg15 : memref<!tpu.dma_semaphore, #tpu.memory_space<semaphore_mem>>)
    %mul3A_65 = arith.constant 625 : i32
    %mul3A_66 = arith.muli %arg1, %mul3A_65 : i32
    %add3A_67 = arith.constant 175 : i32
    %add3A_68 = arith.addi %mul3A_66, %add3A_67 : i32
    %dma_start3A_69 = arith.constant 0 : i32
    %dma_start3A_70 = tpu.memref_slice %arg7[%add3A_68, %dma_start3A_69] : memref<10000x128xf32, #tpu.memory_space<vmem_shared>> -> memref<25x128xf32, #tpu.memory_space<vmem_shared>>
    %dma_start3A_71 = arith.constant 0 : i32
    %dma_start3A_72 = tpu.memref_slice %arg7[%add3A_68, %dma_start3A_71] : memref<10000x128xf32, #tpu.memory_space<vmem_shared>> -> memref<25x128xf32, #tpu.memory_space<vmem_shared>>
    tpu.enqueue_dma source(%arg8 : memref<25x128xf32, #tpu.memory_space<vmem>>) target(%dma_start3A_72 : memref<25x128xf32, #tpu.memory_space<vmem_shared>>) target_semaphore(%arg15 : memref<!tpu.dma_semaphore, #tpu.memory_space<semaphore_mem>>)
    %mul3A_73 = arith.constant 625 : i32
    %mul3A_74 = arith.muli %arg1, %mul3A_73 : i32
    %add3A_75 = arith.constant 200 : i32
    %add3A_76 = arith.addi %mul3A_74, %add3A_75 : i32
    %dma_start3A_77 = arith.constant 0 : i32
    %dma_start3A_78 = tpu.memref_slice %arg7[%add3A_76, %dma_start3A_77] : memref<10000x128xf32, #tpu.memory_space<vmem_shared>> -> memref<25x128xf32, #tpu.memory_space<vmem_shared>>
    %dma_start3A_79 = arith.constant 0 : i32
    %dma_start3A_80 = tpu.memref_slice %arg7[%add3A_76, %dma_start3A_79] : memref<10000x128xf32, #tpu.memory_space<vmem_shared>> -> memref<25x128xf32, #tpu.memory_space<vmem_shared>>
    tpu.enqueue_dma source(%arg8 : memref<25x128xf32, #tpu.memory_space<vmem>>) target(%dma_start3A_80 : memref<25x128xf32, #tpu.memory_space<vmem_shared>>) target_semaphore(%arg15 : memref<!tpu.dma_semaphore, #tpu.memory_space<semaphore_mem>>)
    %mul3A_81 = arith.constant 625 : i32
    %mul3A_82 = arith.muli %arg1, %mul3A_81 : i32
    %add3A_83 = arith.constant 225 : i32
    %add3A_84 = arith.addi %mul3A_82, %add3A_83 : i32
    %dma_start3A_85 = arith.constant 0 : i32
    %dma_start3A_86 = tpu.memref_slice %arg7[%add3A_84, %dma_start3A_85] : memref<10000x128xf32, #tpu.memory_space<vmem_shared>> -> memref<25x128xf32, #tpu.memory_space<vmem_shared>>
    %dma_start3A_87 = arith.constant 0 : i32
    %dma_start3A_88 = tpu.memref_slice %arg7[%add3A_84, %dma_start3A_87] : memref<10000x128xf32, #tpu.memory_space<vmem_shared>> -> memref<25x128xf32, #tpu.memory_space<vmem_shared>>
    tpu.enqueue_dma source(%arg8 : memref<25x128xf32, #tpu.memory_space<vmem>>) target(%dma_start3A_88 : memref<25x128xf32, #tpu.memory_space<vmem_shared>>) target_semaphore(%arg15 : memref<!tpu.dma_semaphore, #tpu.memory_space<semaphore_mem>>)
    %mul3A_89 = arith.constant 625 : i32
    %mul3A_90 = arith.muli %arg1, %mul3A_89 : i32
    %add3A_91 = arith.constant 250 : i32
    %add3A_92 = arith.addi %mul3A_90, %add3A_91 : i32
    %dma_start3A_93 = arith.constant 0 : i32
    %dma_start3A_94 = tpu.memref_slice %arg7[%add3A_92, %dma_start3A_93] : memref<10000x128xf32, #tpu.memory_space<vmem_shared>> -> memref<25x128xf32, #tpu.memory_space<vmem_shared>>
    %dma_start3A_95 = arith.constant 0 : i32
    %dma_start3A_96 = tpu.memref_slice %arg7[%add3A_92, %dma_start3A_95] : memref<10000x128xf32, #tpu.memory_space<vmem_shared>> -> memref<25x128xf32, #tpu.memory_space<vmem_shared>>
    tpu.enqueue_dma source(%arg8 : memref<25x128xf32, #tpu.memory_space<vmem>>) target(%dma_start3A_96 : memref<25x128xf32, #tpu.memory_space<vmem_shared>>) target_semaphore(%arg15 : memref<!tpu.dma_semaphore, #tpu.memory_space<semaphore_mem>>)
    %mul3A_97 = arith.constant 625 : i32
    %mul3A_98 = arith.muli %arg1, %mul3A_97 : i32
    %add3A_99 = arith.constant 275 : i32
    %add3A_100 = arith.addi %mul3A_98, %add3A_99 : i32
    %dma_start3A_101 = arith.constant 0 : i32
    %dma_start3A_102 = tpu.memref_slice %arg7[%add3A_100, %dma_start3A_101] : memref<10000x128xf32, #tpu.memory_space<vmem_shared>> -> memref<25x128xf32, #tpu.memory_space<vmem_shared>>
    %dma_start3A_103 = arith.constant 0 : i32
    %dma_start3A_104 = tpu.memref_slice %arg7[%add3A_100, %dma_start3A_103] : memref<10000x128xf32, #tpu.memory_space<vmem_shared>> -> memref<25x128xf32, #tpu.memory_space<vmem_shared>>
    tpu.enqueue_dma source(%arg8 : memref<25x128xf32, #tpu.memory_space<vmem>>) target(%dma_start3A_104 : memref<25x128xf32, #tpu.memory_space<vmem_shared>>) target_semaphore(%arg15 : memref<!tpu.dma_semaphore, #tpu.memory_space<semaphore_mem>>)
    %mul3A_105 = arith.constant 625 : i32
    %mul3A_106 = arith.muli %arg1, %mul3A_105 : i32
    %add3A_107 = arith.constant 300 : i32
    %add3A_108 = arith.addi %mul3A_106, %add3A_107 : i32
    %dma_start3A_109 = arith.constant 0 : i32
    %dma_start3A_110 = tpu.memref_slice %arg7[%add3A_108, %dma_start3A_109] : memref<10000x128xf32, #tpu.memory_space<vmem_shared>> -> memref<25x128xf32, #tpu.memory_space<vmem_shared>>
    %dma_start3A_111 = arith.constant 0 : i32
    %dma_start3A_112 = tpu.memref_slice %arg7[%add3A_108, %dma_start3A_111] : memref<10000x128xf32, #tpu.memory_space<vmem_shared>> -> memref<25x128xf32, #tpu.memory_space<vmem_shared>>
    tpu.enqueue_dma source(%arg8 : memref<25x128xf32, #tpu.memory_space<vmem>>) target(%dma_start3A_112 : memref<25x128xf32, #tpu.memory_space<vmem_shared>>) target_semaphore(%arg15 : memref<!tpu.dma_semaphore, #tpu.memory_space<semaphore_mem>>)
    %mul3A_113 = arith.constant 625 : i32
    %mul3A_114 = arith.muli %arg1, %mul3A_113 : i32
    %add3A_115 = arith.constant 325 : i32
    %add3A_116 = arith.addi %mul3A_114, %add3A_115 : i32
    %dma_start3A_117 = arith.constant 0 : i32
    %dma_start3A_118 = tpu.memref_slice %arg7[%add3A_116, %dma_start3A_117] : memref<10000x128xf32, #tpu.memory_space<vmem_shared>> -> memref<25x128xf32, #tpu.memory_space<vmem_shared>>
    %dma_start3A_119 = arith.constant 0 : i32
    %dma_start3A_120 = tpu.memref_slice %arg7[%add3A_116, %dma_start3A_119] : memref<10000x128xf32, #tpu.memory_space<vmem_shared>> -> memref<25x128xf32, #tpu.memory_space<vmem_shared>>
    tpu.enqueue_dma source(%arg8 : memref<25x128xf32, #tpu.memory_space<vmem>>) target(%dma_start3A_120 : memref<25x128xf32, #tpu.memory_space<vmem_shared>>) target_semaphore(%arg15 : memref<!tpu.dma_semaphore, #tpu.memory_space<semaphore_mem>>)
    %mul3A_121 = arith.constant 625 : i32
    %mul3A_122 = arith.muli %arg1, %mul3A_121 : i32
    %add3A_123 = arith.constant 350 : i32
    %add3A_124 = arith.addi %mul3A_122, %add3A_123 : i32
    %dma_start3A_125 = arith.constant 0 : i32
    %dma_start3A_126 = tpu.memref_slice %arg7[%add3A_124, %dma_start3A_125] : memref<10000x128xf32, #tpu.memory_space<vmem_shared>> -> memref<25x128xf32, #tpu.memory_space<vmem_shared>>
    %dma_start3A_127 = arith.constant 0 : i32
    %dma_start3A_128 = tpu.memref_slice %arg7[%add3A_124, %dma_start3A_127] : memref<10000x128xf32, #tpu.memory_space<vmem_shared>> -> memref<25x128xf32, #tpu.memory_space<vmem_shared>>
    tpu.enqueue_dma source(%arg8 : memref<25x128xf32, #tpu.memory_space<vmem>>) target(%dma_start3A_128 : memref<25x128xf32, #tpu.memory_space<vmem_shared>>) target_semaphore(%arg15 : memref<!tpu.dma_semaphore, #tpu.memory_space<semaphore_mem>>)
    %mul3A_129 = arith.constant 625 : i32
    %mul3A_130 = arith.muli %arg1, %mul3A_129 : i32
    %add3A_131 = arith.constant 375 : i32
    %add3A_132 = arith.addi %mul3A_130, %add3A_131 : i32
    %dma_start3A_133 = arith.constant 0 : i32
    %dma_start3A_134 = tpu.memref_slice %arg7[%add3A_132, %dma_start3A_133] : memref<10000x128xf32, #tpu.memory_space<vmem_shared>> -> memref<25x128xf32, #tpu.memory_space<vmem_shared>>
    %dma_start3A_135 = arith.constant 0 : i32
    %dma_start3A_136 = tpu.memref_slice %arg7[%add3A_132, %dma_start3A_135] : memref<10000x128xf32, #tpu.memory_space<vmem_shared>> -> memref<25x128xf32, #tpu.memory_space<vmem_shared>>
    tpu.enqueue_dma source(%arg8 : memref<25x128xf32, #tpu.memory_space<vmem>>) target(%dma_start3A_136 : memref<25x128xf32, #tpu.memory_space<vmem_shared>>) target_semaphore(%arg15 : memref<!tpu.dma_semaphore, #tpu.memory_space<semaphore_mem>>)
    %mul3A_137 = arith.constant 625 : i32
    %mul3A_138 = arith.muli %arg1, %mul3A_137 : i32
    %add3A_139 = arith.constant 400 : i32
    %add3A_140 = arith.addi %mul3A_138, %add3A_139 : i32
    %dma_start3A_141 = arith.constant 0 : i32
    %dma_start3A_142 = tpu.memref_slice %arg7[%add3A_140, %dma_start3A_141] : memref<10000x128xf32, #tpu.memory_space<vmem_shared>> -> memref<25x128xf32, #tpu.memory_space<vmem_shared>>
    %dma_start3A_143 = arith.constant 0 : i32
    %dma_start3A_144 = tpu.memref_slice %arg7[%add3A_140, %dma_start3A_143] : memref<10000x128xf32, #tpu.memory_space<vmem_shared>> -> memref<25x128xf32, #tpu.memory_space<vmem_shared>>
    tpu.enqueue_dma source(%arg8 : memref<25x128xf32, #tpu.memory_space<vmem>>) target(%dma_start3A_144 : memref<25x128xf32, #tpu.memory_space<vmem_shared>>) target_semaphore(%arg15 : memref<!tpu.dma_semaphore, #tpu.memory_space<semaphore_mem>>)
    %mul3A_145 = arith.constant 625 : i32
    %mul3A_146 = arith.muli %arg1, %mul3A_145 : i32
    %add3A_147 = arith.constant 425 : i32
    %add3A_148 = arith.addi %mul3A_146, %add3A_147 : i32
    %dma_start3A_149 = arith.constant 0 : i32
    %dma_start3A_150 = tpu.memref_slice %arg7[%add3A_148, %dma_start3A_149] : memref<10000x128xf32, #tpu.memory_space<vmem_shared>> -> memref<25x128xf32, #tpu.memory_space<vmem_shared>>
    %dma_start3A_151 = arith.constant 0 : i32
    %dma_start3A_152 = tpu.memref_slice %arg7[%add3A_148, %dma_start3A_151] : memref<10000x128xf32, #tpu.memory_space<vmem_shared>> -> memref<25x128xf32, #tpu.memory_space<vmem_shared>>
    tpu.enqueue_dma source(%arg8 : memref<25x128xf32, #tpu.memory_space<vmem>>) target(%dma_start3A_152 : memref<25x128xf32, #tpu.memory_space<vmem_shared>>) target_semaphore(%arg15 : memref<!tpu.dma_semaphore, #tpu.memory_space<semaphore_mem>>)
    %mul3A_153 = arith.constant 625 : i32
    %mul3A_154 = arith.muli %arg1, %mul3A_153 : i32
    %add3A_155 = arith.constant 450 : i32
    %add3A_156 = arith.addi %mul3A_154, %add3A_155 : i32
    %dma_start3A_157 = arith.constant 0 : i32
    %dma_start3A_158 = tpu.memref_slice %arg7[%add3A_156, %dma_start3A_157] : memref<10000x128xf32, #tpu.memory_space<vmem_shared>> -> memref<25x128xf32, #tpu.memory_space<vmem_shared>>
    %dma_start3A_159 = arith.constant 0 : i32
    %dma_start3A_160 = tpu.memref_slice %arg7[%add3A_156, %dma_start3A_159] : memref<10000x128xf32, #tpu.memory_space<vmem_shared>> -> memref<25x128xf32, #tpu.memory_space<vmem_shared>>
    tpu.enqueue_dma source(%arg8 : memref<25x128xf32, #tpu.memory_space<vmem>>) target(%dma_start3A_160 : memref<25x128xf32, #tpu.memory_space<vmem_shared>>) target_semaphore(%arg15 : memref<!tpu.dma_semaphore, #tpu.memory_space<semaphore_mem>>)
    %mul3A_161 = arith.constant 625 : i32
    %mul3A_162 = arith.muli %arg1, %mul3A_161 : i32
    %add3A_163 = arith.constant 475 : i32
    %add3A_164 = arith.addi %mul3A_162, %add3A_163 : i32
    %dma_start3A_165 = arith.constant 0 : i32
    %dma_start3A_166 = tpu.memref_slice %arg7[%add3A_164, %dma_start3A_165] : memref<10000x128xf32, #tpu.memory_space<vmem_shared>> -> memref<25x128xf32, #tpu.memory_space<vmem_shared>>
    %dma_start3A_167 = arith.constant 0 : i32
    %dma_start3A_168 = tpu.memref_slice %arg7[%add3A_164, %dma_start3A_167] : memref<10000x128xf32, #tpu.memory_space<vmem_shared>> -> memref<25x128xf32, #tpu.memory_space<vmem_shared>>
    tpu.enqueue_dma source(%arg8 : memref<25x128xf32, #tpu.memory_space<vmem>>) target(%dma_start3A_168 : memref<25x128xf32, #tpu.memory_space<vmem_shared>>) target_semaphore(%arg15 : memref<!tpu.dma_semaphore, #tpu.memory_space<semaphore_mem>>)
    %mul3A_169 = arith.constant 625 : i32
    %mul3A_170 = arith.muli %arg1, %mul3A_169 : i32
    %add3A_171 = arith.constant 500 : i32
    %add3A_172 = arith.addi %mul3A_170, %add3A_171 : i32
    %dma_start3A_173 = arith.constant 0 : i32
    %dma_start3A_174 = tpu.memref_slice %arg7[%add3A_172, %dma_start3A_173] : memref<10000x128xf32, #tpu.memory_space<vmem_shared>> -> memref<25x128xf32, #tpu.memory_space<vmem_shared>>
    %dma_start3A_175 = arith.constant 0 : i32
    %dma_start3A_176 = tpu.memref_slice %arg7[%add3A_172, %dma_start3A_175] : memref<10000x128xf32, #tpu.memory_space<vmem_shared>> -> memref<25x128xf32, #tpu.memory_space<vmem_shared>>
    tpu.enqueue_dma source(%arg8 : memref<25x128xf32, #tpu.memory_space<vmem>>) target(%dma_start3A_176 : memref<25x128xf32, #tpu.memory_space<vmem_shared>>) target_semaphore(%arg15 : memref<!tpu.dma_semaphore, #tpu.memory_space<semaphore_mem>>)
    %mul3A_177 = arith.constant 625 : i32
    %mul3A_178 = arith.muli %arg1, %mul3A_177 : i32
    %add3A_179 = arith.constant 525 : i32
    %add3A_180 = arith.addi %mul3A_178, %add3A_179 : i32
    %dma_start3A_181 = arith.constant 0 : i32
    %dma_start3A_182 = tpu.memref_slice %arg7[%add3A_180, %dma_start3A_181] : memref<10000x128xf32, #tpu.memory_space<vmem_shared>> -> memref<25x128xf32, #tpu.memory_space<vmem_shared>>
    %dma_start3A_183 = arith.constant 0 : i32
    %dma_start3A_184 = tpu.memref_slice %arg7[%add3A_180, %dma_start3A_183] : memref<10000x128xf32, #tpu.memory_space<vmem_shared>> -> memref<25x128xf32, #tpu.memory_space<vmem_shared>>
    tpu.enqueue_dma source(%arg8 : memref<25x128xf32, #tpu.memory_space<vmem>>) target(%dma_start3A_184 : memref<25x128xf32, #tpu.memory_space<vmem_shared>>) target_semaphore(%arg15 : memref<!tpu.dma_semaphore, #tpu.memory_space<semaphore_mem>>)
    %mul3A_185 = arith.constant 625 : i32
    %mul3A_186 = arith.muli %arg1, %mul3A_185 : i32
    %add3A_187 = arith.constant 550 : i32
    %add3A_188 = arith.addi %mul3A_186, %add3A_187 : i32
    %dma_start3A_189 = arith.constant 0 : i32
    %dma_start3A_190 = tpu.memref_slice %arg7[%add3A_188, %dma_start3A_189] : memref<10000x128xf32, #tpu.memory_space<vmem_shared>> -> memref<25x128xf32, #tpu.memory_space<vmem_shared>>
    %dma_start3A_191 = arith.constant 0 : i32
    %dma_start3A_192 = tpu.memref_slice %arg7[%add3A_188, %dma_start3A_191] : memref<10000x128xf32, #tpu.memory_space<vmem_shared>> -> memref<25x128xf32, #tpu.memory_space<vmem_shared>>
    tpu.enqueue_dma source(%arg8 : memref<25x128xf32, #tpu.memory_space<vmem>>) target(%dma_start3A_192 : memref<25x128xf32, #tpu.memory_space<vmem_shared>>) target_semaphore(%arg15 : memref<!tpu.dma_semaphore, #tpu.memory_space<semaphore_mem>>)
    %mul3A_193 = arith.constant 625 : i32
    %mul3A_194 = arith.muli %arg1, %mul3A_193 : i32
    %add3A_195 = arith.constant 575 : i32
    %add3A_196 = arith.addi %mul3A_194, %add3A_195 : i32
    %dma_start3A_197 = arith.constant 0 : i32
    %dma_start3A_198 = tpu.memref_slice %arg7[%add3A_196, %dma_start3A_197] : memref<10000x128xf32, #tpu.memory_space<vmem_shared>> -> memref<25x128xf32, #tpu.memory_space<vmem_shared>>
    %dma_start3A_199 = arith.constant 0 : i32
    %dma_start3A_200 = tpu.memref_slice %arg7[%add3A_196, %dma_start3A_199] : memref<10000x128xf32, #tpu.memory_space<vmem_shared>> -> memref<25x128xf32, #tpu.memory_space<vmem_shared>>
    tpu.enqueue_dma source(%arg8 : memref<25x128xf32, #tpu.memory_space<vmem>>) target(%dma_start3A_200 : memref<25x128xf32, #tpu.memory_space<vmem_shared>>) target_semaphore(%arg15 : memref<!tpu.dma_semaphore, #tpu.memory_space<semaphore_mem>>)
    %mul3A_201 = arith.constant 625 : i32
    %mul3A_202 = arith.muli %arg1, %mul3A_201 : i32
    %add3A_203 = arith.constant 600 : i32
    %add3A_204 = arith.addi %mul3A_202, %add3A_203 : i32
    %dma_start3A_205 = arith.constant 0 : i32
    %dma_start3A_206 = tpu.memref_slice %arg7[%add3A_204, %dma_start3A_205] : memref<10000x128xf32, #tpu.memory_space<vmem_shared>> -> memref<25x128xf32, #tpu.memory_space<vmem_shared>>
    %dma_start3A_207 = arith.constant 0 : i32
    %dma_start3A_208 = tpu.memref_slice %arg7[%add3A_204, %dma_start3A_207] : memref<10000x128xf32, #tpu.memory_space<vmem_shared>> -> memref<25x128xf32, #tpu.memory_space<vmem_shared>>
    tpu.enqueue_dma source(%arg8 : memref<25x128xf32, #tpu.memory_space<vmem>>) target(%dma_start3A_208 : memref<25x128xf32, #tpu.memory_space<vmem_shared>>) target_semaphore(%arg15 : memref<!tpu.dma_semaphore, #tpu.memory_space<semaphore_mem>>)
    %mul3A_209 = arith.constant 625 : i32
    %mul3A_210 = arith.muli %arg1, %mul3A_209 : i32
    %add3A_211 = arith.constant 0 : i32
    %add3A_212 = arith.addi %mul3A_210, %add3A_211 : i32
    %dma_wait3A = arith.constant 0 : i32
    %dma_wait3A_213 = tpu.memref_slice %arg7[%add3A_212, %dma_wait3A] : memref<10000x128xf32, #tpu.memory_space<vmem_shared>> -> memref<25x128xf32, #tpu.memory_space<vmem_shared>>
    %dma_wait3A_214 = arith.constant 0 : i32
    %dma_wait3A_215 = tpu.memref_slice %arg7[%add3A_212, %dma_wait3A_214] : memref<10000x128xf32, #tpu.memory_space<vmem_shared>> -> memref<25x128xf32, #tpu.memory_space<vmem_shared>>
    tpu.wait_dma2 semaphore(%arg15 : memref<!tpu.dma_semaphore, #tpu.memory_space<semaphore_mem>>) src(%arg8 : memref<25x128xf32, #tpu.memory_space<vmem>>) dst(%dma_wait3A_215 : memref<25x128xf32, #tpu.memory_space<vmem_shared>>)
    %mul3A_216 = arith.constant 625 : i32
    %mul3A_217 = arith.muli %arg1, %mul3A_216 : i32
    %add3A_218 = arith.constant 25 : i32
    %add3A_219 = arith.addi %mul3A_217, %add3A_218 : i32
    %dma_wait3A_220 = arith.constant 0 : i32
    %dma_wait3A_221 = tpu.memref_slice %arg7[%add3A_219, %dma_wait3A_220] : memref<10000x128xf32, #tpu.memory_space<vmem_shared>> -> memref<25x128xf32, #tpu.memory_space<vmem_shared>>
    %dma_wait3A_222 = arith.constant 0 : i32
    %dma_wait3A_223 = tpu.memref_slice %arg7[%add3A_219, %dma_wait3A_222] : memref<10000x128xf32, #tpu.memory_space<vmem_shared>> -> memref<25x128xf32, #tpu.memory_space<vmem_shared>>
    tpu.wait_dma2 semaphore(%arg15 : memref<!tpu.dma_semaphore, #tpu.memory_space<semaphore_mem>>) src(%arg8 : memref<25x128xf32, #tpu.memory_space<vmem>>) dst(%dma_wait3A_223 : memref<25x128xf32, #tpu.memory_space<vmem_shared>>)
    %mul3A_224 = arith.constant 625 : i32
    %mul3A_225 = arith.muli %arg1, %mul3A_224 : i32
    %add3A_226 = arith.constant 50 : i32
    %add3A_227 = arith.addi %mul3A_225, %add3A_226 : i32
    %dma_wait3A_228 = arith.constant 0 : i32
    %dma_wait3A_229 = tpu.memref_slice %arg7[%add3A_227, %dma_wait3A_228] : memref<10000x128xf32, #tpu.memory_space<vmem_shared>> -> memref<25x128xf32, #tpu.memory_space<vmem_shared>>
    %dma_wait3A_230 = arith.constant 0 : i32
    %dma_wait3A_231 = tpu.memref_slice %arg7[%add3A_227, %dma_wait3A_230] : memref<10000x128xf32, #tpu.memory_space<vmem_shared>> -> memref<25x128xf32, #tpu.memory_space<vmem_shared>>
    tpu.wait_dma2 semaphore(%arg15 : memref<!tpu.dma_semaphore, #tpu.memory_space<semaphore_mem>>) src(%arg8 : memref<25x128xf32, #tpu.memory_space<vmem>>) dst(%dma_wait3A_231 : memref<25x128xf32, #tpu.memory_space<vmem_shared>>)
    %mul3A_232 = arith.constant 625 : i32
    %mul3A_233 = arith.muli %arg1, %mul3A_232 : i32
    %add3A_234 = arith.constant 75 : i32
    %add3A_235 = arith.addi %mul3A_233, %add3A_234 : i32
    %dma_wait3A_236 = arith.constant 0 : i32
    %dma_wait3A_237 = tpu.memref_slice %arg7[%add3A_235, %dma_wait3A_236] : memref<10000x128xf32, #tpu.memory_space<vmem_shared>> -> memref<25x128xf32, #tpu.memory_space<vmem_shared>>
    %dma_wait3A_238 = arith.constant 0 : i32
    %dma_wait3A_239 = tpu.memref_slice %arg7[%add3A_235, %dma_wait3A_238] : memref<10000x128xf32, #tpu.memory_space<vmem_shared>> -> memref<25x128xf32, #tpu.memory_space<vmem_shared>>
    tpu.wait_dma2 semaphore(%arg15 : memref<!tpu.dma_semaphore, #tpu.memory_space<semaphore_mem>>) src(%arg8 : memref<25x128xf32, #tpu.memory_space<vmem>>) dst(%dma_wait3A_239 : memref<25x128xf32, #tpu.memory_space<vmem_shared>>)
    %mul3A_240 = arith.constant 625 : i32
    %mul3A_241 = arith.muli %arg1, %mul3A_240 : i32
    %add3A_242 = arith.constant 100 : i32
    %add3A_243 = arith.addi %mul3A_241, %add3A_242 : i32
    %dma_wait3A_244 = arith.constant 0 : i32
    %dma_wait3A_245 = tpu.memref_slice %arg7[%add3A_243, %dma_wait3A_244] : memref<10000x128xf32, #tpu.memory_space<vmem_shared>> -> memref<25x128xf32, #tpu.memory_space<vmem_shared>>
    %dma_wait3A_246 = arith.constant 0 : i32
    %dma_wait3A_247 = tpu.memref_slice %arg7[%add3A_243, %dma_wait3A_246] : memref<10000x128xf32, #tpu.memory_space<vmem_shared>> -> memref<25x128xf32, #tpu.memory_space<vmem_shared>>
    tpu.wait_dma2 semaphore(%arg15 : memref<!tpu.dma_semaphore, #tpu.memory_space<semaphore_mem>>) src(%arg8 : memref<25x128xf32, #tpu.memory_space<vmem>>) dst(%dma_wait3A_247 : memref<25x128xf32, #tpu.memory_space<vmem_shared>>)
    %mul3A_248 = arith.constant 625 : i32
    %mul3A_249 = arith.muli %arg1, %mul3A_248 : i32
    %add3A_250 = arith.constant 125 : i32
    %add3A_251 = arith.addi %mul3A_249, %add3A_250 : i32
    %dma_wait3A_252 = arith.constant 0 : i32
    %dma_wait3A_253 = tpu.memref_slice %arg7[%add3A_251, %dma_wait3A_252] : memref<10000x128xf32, #tpu.memory_space<vmem_shared>> -> memref<25x128xf32, #tpu.memory_space<vmem_shared>>
    %dma_wait3A_254 = arith.constant 0 : i32
    %dma_wait3A_255 = tpu.memref_slice %arg7[%add3A_251, %dma_wait3A_254] : memref<10000x128xf32, #tpu.memory_space<vmem_shared>> -> memref<25x128xf32, #tpu.memory_space<vmem_shared>>
    tpu.wait_dma2 semaphore(%arg15 : memref<!tpu.dma_semaphore, #tpu.memory_space<semaphore_mem>>) src(%arg8 : memref<25x128xf32, #tpu.memory_space<vmem>>) dst(%dma_wait3A_255 : memref<25x128xf32, #tpu.memory_space<vmem_shared>>)
    %mul3A_256 = arith.constant 625 : i32
    %mul3A_257 = arith.muli %arg1, %mul3A_256 : i32
    %add3A_258 = arith.constant 150 : i32
    %add3A_259 = arith.addi %mul3A_257, %add3A_258 : i32
    %dma_wait3A_260 = arith.constant 0 : i32
    %dma_wait3A_261 = tpu.memref_slice %arg7[%add3A_259, %dma_wait3A_260] : memref<10000x128xf32, #tpu.memory_space<vmem_shared>> -> memref<25x128xf32, #tpu.memory_space<vmem_shared>>
    %dma_wait3A_262 = arith.constant 0 : i32
    %dma_wait3A_263 = tpu.memref_slice %arg7[%add3A_259, %dma_wait3A_262] : memref<10000x128xf32, #tpu.memory_space<vmem_shared>> -> memref<25x128xf32, #tpu.memory_space<vmem_shared>>
    tpu.wait_dma2 semaphore(%arg15 : memref<!tpu.dma_semaphore, #tpu.memory_space<semaphore_mem>>) src(%arg8 : memref<25x128xf32, #tpu.memory_space<vmem>>) dst(%dma_wait3A_263 : memref<25x128xf32, #tpu.memory_space<vmem_shared>>)
    %mul3A_264 = arith.constant 625 : i32
    %mul3A_265 = arith.muli %arg1, %mul3A_264 : i32
    %add3A_266 = arith.constant 175 : i32
    %add3A_267 = arith.addi %mul3A_265, %add3A_266 : i32
    %dma_wait3A_268 = arith.constant 0 : i32
    %dma_wait3A_269 = tpu.memref_slice %arg7[%add3A_267, %dma_wait3A_268] : memref<10000x128xf32, #tpu.memory_space<vmem_shared>> -> memref<25x128xf32, #tpu.memory_space<vmem_shared>>
    %dma_wait3A_270 = arith.constant 0 : i32
    %dma_wait3A_271 = tpu.memref_slice %arg7[%add3A_267, %dma_wait3A_270] : memref<10000x128xf32, #tpu.memory_space<vmem_shared>> -> memref<25x128xf32, #tpu.memory_space<vmem_shared>>
    tpu.wait_dma2 semaphore(%arg15 : memref<!tpu.dma_semaphore, #tpu.memory_space<semaphore_mem>>) src(%arg8 : memref<25x128xf32, #tpu.memory_space<vmem>>) dst(%dma_wait3A_271 : memref<25x128xf32, #tpu.memory_space<vmem_shared>>)
    %mul3A_272 = arith.constant 625 : i32
    %mul3A_273 = arith.muli %arg1, %mul3A_272 : i32
    %add3A_274 = arith.constant 200 : i32
    %add3A_275 = arith.addi %mul3A_273, %add3A_274 : i32
    %dma_wait3A_276 = arith.constant 0 : i32
    %dma_wait3A_277 = tpu.memref_slice %arg7[%add3A_275, %dma_wait3A_276] : memref<10000x128xf32, #tpu.memory_space<vmem_shared>> -> memref<25x128xf32, #tpu.memory_space<vmem_shared>>
    %dma_wait3A_278 = arith.constant 0 : i32
    %dma_wait3A_279 = tpu.memref_slice %arg7[%add3A_275, %dma_wait3A_278] : memref<10000x128xf32, #tpu.memory_space<vmem_shared>> -> memref<25x128xf32, #tpu.memory_space<vmem_shared>>
    tpu.wait_dma2 semaphore(%arg15 : memref<!tpu.dma_semaphore, #tpu.memory_space<semaphore_mem>>) src(%arg8 : memref<25x128xf32, #tpu.memory_space<vmem>>) dst(%dma_wait3A_279 : memref<25x128xf32, #tpu.memory_space<vmem_shared>>)
    %mul3A_280 = arith.constant 625 : i32
    %mul3A_281 = arith.muli %arg1, %mul3A_280 : i32
    %add3A_282 = arith.constant 225 : i32
    %add3A_283 = arith.addi %mul3A_281, %add3A_282 : i32
    %dma_wait3A_284 = arith.constant 0 : i32
    %dma_wait3A_285 = tpu.memref_slice %arg7[%add3A_283, %dma_wait3A_284] : memref<10000x128xf32, #tpu.memory_space<vmem_shared>> -> memref<25x128xf32, #tpu.memory_space<vmem_shared>>
    %dma_wait3A_286 = arith.constant 0 : i32
    %dma_wait3A_287 = tpu.memref_slice %arg7[%add3A_283, %dma_wait3A_286] : memref<10000x128xf32, #tpu.memory_space<vmem_shared>> -> memref<25x128xf32, #tpu.memory_space<vmem_shared>>
    tpu.wait_dma2 semaphore(%arg15 : memref<!tpu.dma_semaphore, #tpu.memory_space<semaphore_mem>>) src(%arg8 : memref<25x128xf32, #tpu.memory_space<vmem>>) dst(%dma_wait3A_287 : memref<25x128xf32, #tpu.memory_space<vmem_shared>>)
    %mul3A_288 = arith.constant 625 : i32
    %mul3A_289 = arith.muli %arg1, %mul3A_288 : i32
    %add3A_290 = arith.constant 250 : i32
    %add3A_291 = arith.addi %mul3A_289, %add3A_290 : i32
    %dma_wait3A_292 = arith.constant 0 : i32
    %dma_wait3A_293 = tpu.memref_slice %arg7[%add3A_291, %dma_wait3A_292] : memref<10000x128xf32, #tpu.memory_space<vmem_shared>> -> memref<25x128xf32, #tpu.memory_space<vmem_shared>>
    %dma_wait3A_294 = arith.constant 0 : i32
    %dma_wait3A_295 = tpu.memref_slice %arg7[%add3A_291, %dma_wait3A_294] : memref<10000x128xf32, #tpu.memory_space<vmem_shared>> -> memref<25x128xf32, #tpu.memory_space<vmem_shared>>
    tpu.wait_dma2 semaphore(%arg15 : memref<!tpu.dma_semaphore, #tpu.memory_space<semaphore_mem>>) src(%arg8 : memref<25x128xf32, #tpu.memory_space<vmem>>) dst(%dma_wait3A_295 : memref<25x128xf32, #tpu.memory_space<vmem_shared>>)
    %mul3A_296 = arith.constant 625 : i32
    %mul3A_297 = arith.muli %arg1, %mul3A_296 : i32
    %add3A_298 = arith.constant 275 : i32
    %add3A_299 = arith.addi %mul3A_297, %add3A_298 : i32
    %dma_wait3A_300 = arith.constant 0 : i32
    %dma_wait3A_301 = tpu.memref_slice %arg7[%add3A_299, %dma_wait3A_300] : memref<10000x128xf32, #tpu.memory_space<vmem_shared>> -> memref<25x128xf32, #tpu.memory_space<vmem_shared>>
    %dma_wait3A_302 = arith.constant 0 : i32
    %dma_wait3A_303 = tpu.memref_slice %arg7[%add3A_299, %dma_wait3A_302] : memref<10000x128xf32, #tpu.memory_space<vmem_shared>> -> memref<25x128xf32, #tpu.memory_space<vmem_shared>>
    tpu.wait_dma2 semaphore(%arg15 : memref<!tpu.dma_semaphore, #tpu.memory_space<semaphore_mem>>) src(%arg8 : memref<25x128xf32, #tpu.memory_space<vmem>>) dst(%dma_wait3A_303 : memref<25x128xf32, #tpu.memory_space<vmem_shared>>)
    %mul3A_304 = arith.constant 625 : i32
    %mul3A_305 = arith.muli %arg1, %mul3A_304 : i32
    %add3A_306 = arith.constant 300 : i32
    %add3A_307 = arith.addi %mul3A_305, %add3A_306 : i32
    %dma_wait3A_308 = arith.constant 0 : i32
    %dma_wait3A_309 = tpu.memref_slice %arg7[%add3A_307, %dma_wait3A_308] : memref<10000x128xf32, #tpu.memory_space<vmem_shared>> -> memref<25x128xf32, #tpu.memory_space<vmem_shared>>
    %dma_wait3A_310 = arith.constant 0 : i32
    %dma_wait3A_311 = tpu.memref_slice %arg7[%add3A_307, %dma_wait3A_310] : memref<10000x128xf32, #tpu.memory_space<vmem_shared>> -> memref<25x128xf32, #tpu.memory_space<vmem_shared>>
    tpu.wait_dma2 semaphore(%arg15 : memref<!tpu.dma_semaphore, #tpu.memory_space<semaphore_mem>>) src(%arg8 : memref<25x128xf32, #tpu.memory_space<vmem>>) dst(%dma_wait3A_311 : memref<25x128xf32, #tpu.memory_space<vmem_shared>>)
    %mul3A_312 = arith.constant 625 : i32
    %mul3A_313 = arith.muli %arg1, %mul3A_312 : i32
    %add3A_314 = arith.constant 325 : i32
    %add3A_315 = arith.addi %mul3A_313, %add3A_314 : i32
    %dma_wait3A_316 = arith.constant 0 : i32
    %dma_wait3A_317 = tpu.memref_slice %arg7[%add3A_315, %dma_wait3A_316] : memref<10000x128xf32, #tpu.memory_space<vmem_shared>> -> memref<25x128xf32, #tpu.memory_space<vmem_shared>>
    %dma_wait3A_318 = arith.constant 0 : i32
    %dma_wait3A_319 = tpu.memref_slice %arg7[%add3A_315, %dma_wait3A_318] : memref<10000x128xf32, #tpu.memory_space<vmem_shared>> -> memref<25x128xf32, #tpu.memory_space<vmem_shared>>
    tpu.wait_dma2 semaphore(%arg15 : memref<!tpu.dma_semaphore, #tpu.memory_space<semaphore_mem>>) src(%arg8 : memref<25x128xf32, #tpu.memory_space<vmem>>) dst(%dma_wait3A_319 : memref<25x128xf32, #tpu.memory_space<vmem_shared>>)
    %mul3A_320 = arith.constant 625 : i32
    %mul3A_321 = arith.muli %arg1, %mul3A_320 : i32
    %add3A_322 = arith.constant 350 : i32
    %add3A_323 = arith.addi %mul3A_321, %add3A_322 : i32
    %dma_wait3A_324 = arith.constant 0 : i32
    %dma_wait3A_325 = tpu.memref_slice %arg7[%add3A_323, %dma_wait3A_324] : memref<10000x128xf32, #tpu.memory_space<vmem_shared>> -> memref<25x128xf32, #tpu.memory_space<vmem_shared>>
    %dma_wait3A_326 = arith.constant 0 : i32
    %dma_wait3A_327 = tpu.memref_slice %arg7[%add3A_323, %dma_wait3A_326] : memref<10000x128xf32, #tpu.memory_space<vmem_shared>> -> memref<25x128xf32, #tpu.memory_space<vmem_shared>>
    tpu.wait_dma2 semaphore(%arg15 : memref<!tpu.dma_semaphore, #tpu.memory_space<semaphore_mem>>) src(%arg8 : memref<25x128xf32, #tpu.memory_space<vmem>>) dst(%dma_wait3A_327 : memref<25x128xf32, #tpu.memory_space<vmem_shared>>)
    %mul3A_328 = arith.constant 625 : i32
    %mul3A_329 = arith.muli %arg1, %mul3A_328 : i32
    %add3A_330 = arith.constant 375 : i32
    %add3A_331 = arith.addi %mul3A_329, %add3A_330 : i32
    %dma_wait3A_332 = arith.constant 0 : i32
    %dma_wait3A_333 = tpu.memref_slice %arg7[%add3A_331, %dma_wait3A_332] : memref<10000x128xf32, #tpu.memory_space<vmem_shared>> -> memref<25x128xf32, #tpu.memory_space<vmem_shared>>
    %dma_wait3A_334 = arith.constant 0 : i32
    %dma_wait3A_335 = tpu.memref_slice %arg7[%add3A_331, %dma_wait3A_334] : memref<10000x128xf32, #tpu.memory_space<vmem_shared>> -> memref<25x128xf32, #tpu.memory_space<vmem_shared>>
    tpu.wait_dma2 semaphore(%arg15 : memref<!tpu.dma_semaphore, #tpu.memory_space<semaphore_mem>>) src(%arg8 : memref<25x128xf32, #tpu.memory_space<vmem>>) dst(%dma_wait3A_335 : memref<25x128xf32, #tpu.memory_space<vmem_shared>>)
    %mul3A_336 = arith.constant 625 : i32
    %mul3A_337 = arith.muli %arg1, %mul3A_336 : i32
    %add3A_338 = arith.constant 400 : i32
    %add3A_339 = arith.addi %mul3A_337, %add3A_338 : i32
    %dma_wait3A_340 = arith.constant 0 : i32
    %dma_wait3A_341 = tpu.memref_slice %arg7[%add3A_339, %dma_wait3A_340] : memref<10000x128xf32, #tpu.memory_space<vmem_shared>> -> memref<25x128xf32, #tpu.memory_space<vmem_shared>>
    %dma_wait3A_342 = arith.constant 0 : i32
    %dma_wait3A_343 = tpu.memref_slice %arg7[%add3A_339, %dma_wait3A_342] : memref<10000x128xf32, #tpu.memory_space<vmem_shared>> -> memref<25x128xf32, #tpu.memory_space<vmem_shared>>
    tpu.wait_dma2 semaphore(%arg15 : memref<!tpu.dma_semaphore, #tpu.memory_space<semaphore_mem>>) src(%arg8 : memref<25x128xf32, #tpu.memory_space<vmem>>) dst(%dma_wait3A_343 : memref<25x128xf32, #tpu.memory_space<vmem_shared>>)
    %mul3A_344 = arith.constant 625 : i32
    %mul3A_345 = arith.muli %arg1, %mul3A_344 : i32
    %add3A_346 = arith.constant 425 : i32
    %add3A_347 = arith.addi %mul3A_345, %add3A_346 : i32
    %dma_wait3A_348 = arith.constant 0 : i32
    %dma_wait3A_349 = tpu.memref_slice %arg7[%add3A_347, %dma_wait3A_348] : memref<10000x128xf32, #tpu.memory_space<vmem_shared>> -> memref<25x128xf32, #tpu.memory_space<vmem_shared>>
    %dma_wait3A_350 = arith.constant 0 : i32
    %dma_wait3A_351 = tpu.memref_slice %arg7[%add3A_347, %dma_wait3A_350] : memref<10000x128xf32, #tpu.memory_space<vmem_shared>> -> memref<25x128xf32, #tpu.memory_space<vmem_shared>>
    tpu.wait_dma2 semaphore(%arg15 : memref<!tpu.dma_semaphore, #tpu.memory_space<semaphore_mem>>) src(%arg8 : memref<25x128xf32, #tpu.memory_space<vmem>>) dst(%dma_wait3A_351 : memref<25x128xf32, #tpu.memory_space<vmem_shared>>)
    %mul3A_352 = arith.constant 625 : i32
    %mul3A_353 = arith.muli %arg1, %mul3A_352 : i32
    %add3A_354 = arith.constant 450 : i32
    %add3A_355 = arith.addi %mul3A_353, %add3A_354 : i32
    %dma_wait3A_356 = arith.constant 0 : i32
    %dma_wait3A_357 = tpu.memref_slice %arg7[%add3A_355, %dma_wait3A_356] : memref<10000x128xf32, #tpu.memory_space<vmem_shared>> -> memref<25x128xf32, #tpu.memory_space<vmem_shared>>
    %dma_wait3A_358 = arith.constant 0 : i32
    %dma_wait3A_359 = tpu.memref_slice %arg7[%add3A_355, %dma_wait3A_358] : memref<10000x128xf32, #tpu.memory_space<vmem_shared>> -> memref<25x128xf32, #tpu.memory_space<vmem_shared>>
    tpu.wait_dma2 semaphore(%arg15 : memref<!tpu.dma_semaphore, #tpu.memory_space<semaphore_mem>>) src(%arg8 : memref<25x128xf32, #tpu.memory_space<vmem>>) dst(%dma_wait3A_359 : memref<25x128xf32, #tpu.memory_space<vmem_shared>>)
    %mul3A_360 = arith.constant 625 : i32
    %mul3A_361 = arith.muli %arg1, %mul3A_360 : i32
    %add3A_362 = arith.constant 475 : i32
    %add3A_363 = arith.addi %mul3A_361, %add3A_362 : i32
    %dma_wait3A_364 = arith.constant 0 : i32
    %dma_wait3A_365 = tpu.memref_slice %arg7[%add3A_363, %dma_wait3A_364] : memref<10000x128xf32, #tpu.memory_space<vmem_shared>> -> memref<25x128xf32, #tpu.memory_space<vmem_shared>>
    %dma_wait3A_366 = arith.constant 0 : i32
    %dma_wait3A_367 = tpu.memref_slice %arg7[%add3A_363, %dma_wait3A_366] : memref<10000x128xf32, #tpu.memory_space<vmem_shared>> -> memref<25x128xf32, #tpu.memory_space<vmem_shared>>
    tpu.wait_dma2 semaphore(%arg15 : memref<!tpu.dma_semaphore, #tpu.memory_space<semaphore_mem>>) src(%arg8 : memref<25x128xf32, #tpu.memory_space<vmem>>) dst(%dma_wait3A_367 : memref<25x128xf32, #tpu.memory_space<vmem_shared>>)
    %mul3A_368 = arith.constant 625 : i32
    %mul3A_369 = arith.muli %arg1, %mul3A_368 : i32
    %add3A_370 = arith.constant 500 : i32
    %add3A_371 = arith.addi %mul3A_369, %add3A_370 : i32
    %dma_wait3A_372 = arith.constant 0 : i32
    %dma_wait3A_373 = tpu.memref_slice %arg7[%add3A_371, %dma_wait3A_372] : memref<10000x128xf32, #tpu.memory_space<vmem_shared>> -> memref<25x128xf32, #tpu.memory_space<vmem_shared>>
    %dma_wait3A_374 = arith.constant 0 : i32
    %dma_wait3A_375 = tpu.memref_slice %arg7[%add3A_371, %dma_wait3A_374] : memref<10000x128xf32, #tpu.memory_space<vmem_shared>> -> memref<25x128xf32, #tpu.memory_space<vmem_shared>>
    tpu.wait_dma2 semaphore(%arg15 : memref<!tpu.dma_semaphore, #tpu.memory_space<semaphore_mem>>) src(%arg8 : memref<25x128xf32, #tpu.memory_space<vmem>>) dst(%dma_wait3A_375 : memref<25x128xf32, #tpu.memory_space<vmem_shared>>)
    %mul3A_376 = arith.constant 625 : i32
    %mul3A_377 = arith.muli %arg1, %mul3A_376 : i32
    %add3A_378 = arith.constant 525 : i32
    %add3A_379 = arith.addi %mul3A_377, %add3A_378 : i32
    %dma_wait3A_380 = arith.constant 0 : i32
    %dma_wait3A_381 = tpu.memref_slice %arg7[%add3A_379, %dma_wait3A_380] : memref<10000x128xf32, #tpu.memory_space<vmem_shared>> -> memref<25x128xf32, #tpu.memory_space<vmem_shared>>
    %dma_wait3A_382 = arith.constant 0 : i32
    %dma_wait3A_383 = tpu.memref_slice %arg7[%add3A_379, %dma_wait3A_382] : memref<10000x128xf32, #tpu.memory_space<vmem_shared>> -> memref<25x128xf32, #tpu.memory_space<vmem_shared>>
    tpu.wait_dma2 semaphore(%arg15 : memref<!tpu.dma_semaphore, #tpu.memory_space<semaphore_mem>>) src(%arg8 : memref<25x128xf32, #tpu.memory_space<vmem>>) dst(%dma_wait3A_383 : memref<25x128xf32, #tpu.memory_space<vmem_shared>>)
    %mul3A_384 = arith.constant 625 : i32
    %mul3A_385 = arith.muli %arg1, %mul3A_384 : i32
    %add3A_386 = arith.constant 550 : i32
    %add3A_387 = arith.addi %mul3A_385, %add3A_386 : i32
    %dma_wait3A_388 = arith.constant 0 : i32
    %dma_wait3A_389 = tpu.memref_slice %arg7[%add3A_387, %dma_wait3A_388] : memref<10000x128xf32, #tpu.memory_space<vmem_shared>> -> memref<25x128xf32, #tpu.memory_space<vmem_shared>>
    %dma_wait3A_390 = arith.constant 0 : i32
    %dma_wait3A_391 = tpu.memref_slice %arg7[%add3A_387, %dma_wait3A_390] : memref<10000x128xf32, #tpu.memory_space<vmem_shared>> -> memref<25x128xf32, #tpu.memory_space<vmem_shared>>
    tpu.wait_dma2 semaphore(%arg15 : memref<!tpu.dma_semaphore, #tpu.memory_space<semaphore_mem>>) src(%arg8 : memref<25x128xf32, #tpu.memory_space<vmem>>) dst(%dma_wait3A_391 : memref<25x128xf32, #tpu.memory_space<vmem_shared>>)
    %mul3A_392 = arith.constant 625 : i32
    %mul3A_393 = arith.muli %arg1, %mul3A_392 : i32
    %add3A_394 = arith.constant 575 : i32
    %add3A_395 = arith.addi %mul3A_393, %add3A_394 : i32
    %dma_wait3A_396 = arith.constant 0 : i32
    %dma_wait3A_397 = tpu.memref_slice %arg7[%add3A_395, %dma_wait3A_396] : memref<10000x128xf32, #tpu.memory_space<vmem_shared>> -> memref<25x128xf32, #tpu.memory_space<vmem_shared>>
    %dma_wait3A_398 = arith.constant 0 : i32
    %dma_wait3A_399 = tpu.memref_slice %arg7[%add3A_395, %dma_wait3A_398] : memref<10000x128xf32, #tpu.memory_space<vmem_shared>> -> memref<25x128xf32, #tpu.memory_space<vmem_shared>>
    tpu.wait_dma2 semaphore(%arg15 : memref<!tpu.dma_semaphore, #tpu.memory_space<semaphore_mem>>) src(%arg8 : memref<25x128xf32, #tpu.memory_space<vmem>>) dst(%dma_wait3A_399 : memref<25x128xf32, #tpu.memory_space<vmem_shared>>)
    %mul3A_400 = arith.constant 625 : i32
    %mul3A_401 = arith.muli %arg1, %mul3A_400 : i32
    %add3A_402 = arith.constant 600 : i32
    %add3A_403 = arith.addi %mul3A_401, %add3A_402 : i32
    %dma_wait3A_404 = arith.constant 0 : i32
    %dma_wait3A_405 = tpu.memref_slice %arg7[%add3A_403, %dma_wait3A_404] : memref<10000x128xf32, #tpu.memory_space<vmem_shared>> -> memref<25x128xf32, #tpu.memory_space<vmem_shared>>
    %dma_wait3A_406 = arith.constant 0 : i32
    %dma_wait3A_407 = tpu.memref_slice %arg7[%add3A_403, %dma_wait3A_406] : memref<10000x128xf32, #tpu.memory_space<vmem_shared>> -> memref<25x128xf32, #tpu.memory_space<vmem_shared>>
    tpu.wait_dma2 semaphore(%arg15 : memref<!tpu.dma_semaphore, #tpu.memory_space<semaphore_mem>>) src(%arg8 : memref<25x128xf32, #tpu.memory_space<vmem>>) dst(%dma_wait3A_407 : memref<25x128xf32, #tpu.memory_space<vmem_shared>>)
    %barrier3A = arith.constant 0 : index
    tpu.barrier barrier_id(%barrier3A)
    %mul3A_408 = arith.constant 100 : i32
    %mul3A_409 = arith.muli %add3A, %mul3A_408 : i32
    %dma_start3A_410 = arith.constant 0 : i32
    %dma_start3A_411 = arith.constant 0 : i32
    %dma_start3A_412 = tpu.memref_slice %arg9[%dma_start3A_410, %dma_start3A_411] : memref<100x100xi32, #tpu.memory_space<vmem>> -> memref<1x100xi32, #tpu.memory_space<vmem>>
    %dma_start3A_413 = tpu.memref_squeeze %dma_start3A_412 : memref<1x100xi32, #tpu.memory_space<vmem>> -> memref<100xi32, #tpu.memory_space<vmem>>
    %dma_start3A_414 = arith.constant 0 : i32
    %dma_start3A_415 = arith.constant 0 : i32
    %dma_start3A_416 = tpu.memref_slice %arg2[%dma_start3A_414, %dma_start3A_415] : memref<80000x128xf32, #tpu.memory_space<hbm>> -> memref<80000x128xf32, #tpu.memory_space<hbm>>
    tpu.enqueue_indirect_dma source(%dma_start3A_416 : memref<80000x128xf32, #tpu.memory_space<hbm>>) target(%arg13 : memref<100x128xf32, #tpu.memory_space<vmem>>) offsets(%dma_start3A_413 : memref<100xi32, #tpu.memory_space<vmem>>) semaphore(%arg16 : memref<!tpu.dma_semaphore, #tpu.memory_space<semaphore_mem>>)
    %dma_start3A_417 = arith.constant 0 : i32
    %dma_start3A_418 = tpu.memref_slice %arg5[%mul3A_409, %dma_start3A_417] : memref<3200x100xi32, #tpu.memory_space<hbm>> -> memref<1x100xi32, #tpu.memory_space<hbm>>
    %dma_start3A_419 = tpu.memref_squeeze %dma_start3A_418 : memref<1x100xi32, #tpu.memory_space<hbm>> -> memref<100xi32, #tpu.memory_space<hbm>>
    %dma_start3A_420 = arith.constant 0 : i32
    %dma_start3A_421 = tpu.memref_slice %arg5[%mul3A_409, %dma_start3A_420] : memref<3200x100xi32, #tpu.memory_space<hbm>> -> memref<1x100xi32, #tpu.memory_space<hbm>>
    %dma_start3A_422 = tpu.memref_squeeze %dma_start3A_421 : memref<1x100xi32, #tpu.memory_space<hbm>> -> memref<100xi32, #tpu.memory_space<hbm>>
    tpu.enqueue_dma source(%dma_start3A_422 : memref<100xi32, #tpu.memory_space<hbm>>) target(%arg11 : memref<100xi32, #tpu.memory_space<vmem>>) target_semaphore(%arg20 : memref<!tpu.dma_semaphore, #tpu.memory_space<semaphore_mem>>)
    %scan3A_423 = arith.constant 0 : i32
    %scan3A_424 = arith.constant 0 : i32
    %scan3A_425 = arith.constant 50 : i32
    %scan3A_426 = arith.addi %scan3A_424, %scan3A_425 : i32
    %scan3A_427 = arith.constant 1 : i32
    scf.for %scan3A_440 = %scan3A_424 to %scan3A_426 step %scan3A_427  : i32 {
      %mul3A_441 = arith.constant 2 : i32
      %mul3A_442 = arith.muli %scan3A_440, %mul3A_441 : i32
      %add3A_443 = arith.constant 0 : i32
      %add3A_444 = arith.addi %mul3A_442, %add3A_443 : i32
      %ge3A = arith.constant 1 : i32
      %ge3A_445 = arith.cmpi sge, %add3A_444, %ge3A : i32
      %convert_element_type3A = arith.extui %ge3A_445 : i1 to i32
      %cond3A = arith.constant 0 : i32
      %cond3A_446 = arith.cmpi ne, %convert_element_type3A, %cond3A : i32
      scf.if %cond3A_446 {
        %dma_wait3A_513 = arith.constant 0 : i32
        %dma_wait3A_514 = arith.constant 0 : i32
        %dma_wait3A_515 = tpu.memref_slice %arg7[%dma_wait3A_513, %dma_wait3A_514] : memref<10000x128xf32, #tpu.memory_space<vmem_shared>> -> memref<10000x128xf32, #tpu.memory_space<vmem_shared>>
        tpu.wait_indirect_dma semaphore(%arg19 : memref<!tpu.dma_semaphore, #tpu.memory_space<semaphore_mem>>) src(%arg14 : memref<100x128xf32, #tpu.memory_space<vmem>>) dst(%dma_wait3A_515 : memref<10000x128xf32, #tpu.memory_space<vmem_shared>>)
      } else {
      }
      %add3A_447 = arith.constant 1 : i32
      %add3A_448 = arith.addi %add3A_444, %add3A_447 : i32
      %lt3A = arith.constant 100 : i32
      %lt3A_449 = arith.cmpi slt, %add3A_448, %lt3A : i32
      %convert_element_type3A_450 = arith.extui %lt3A_449 : i1 to i32
      %cond3A_451 = arith.constant 0 : i32
      %cond3A_452 = arith.cmpi ne, %convert_element_type3A_450, %cond3A_451 : i32
      scf.if %cond3A_452 {
        %add3A_513 = arith.constant 1 : i32
        %add3A_514 = arith.addi %add3A_444, %add3A_513 : i32
        %dma_start3A_515 = arith.constant 0 : i32
        %dma_start3A_516 = tpu.memref_slice %arg9[%add3A_514, %dma_start3A_515] : memref<100x100xi32, #tpu.memory_space<vmem>> -> memref<1x100xi32, #tpu.memory_space<vmem>>
        %dma_start3A_517 = tpu.memref_squeeze %dma_start3A_516 : memref<1x100xi32, #tpu.memory_space<vmem>> -> memref<100xi32, #tpu.memory_space<vmem>>
        %dma_start3A_518 = arith.constant 0 : i32
        %dma_start3A_519 = arith.constant 0 : i32
        %dma_start3A_520 = tpu.memref_slice %arg2[%dma_start3A_518, %dma_start3A_519] : memref<80000x128xf32, #tpu.memory_space<hbm>> -> memref<80000x128xf32, #tpu.memory_space<hbm>>
        tpu.enqueue_indirect_dma source(%dma_start3A_520 : memref<80000x128xf32, #tpu.memory_space<hbm>>) target(%arg14 : memref<100x128xf32, #tpu.memory_space<vmem>>) offsets(%dma_start3A_517 : memref<100xi32, #tpu.memory_space<vmem>>) semaphore(%arg17 : memref<!tpu.dma_semaphore, #tpu.memory_space<semaphore_mem>>)
        %add3A_521 = arith.addi %mul3A_409, %add3A_444 : i32
        %add3A_522 = arith.constant 1 : i32
        %add3A_523 = arith.addi %add3A_521, %add3A_522 : i32
        %dma_start3A_524 = arith.constant 0 : i32
        %dma_start3A_525 = tpu.memref_slice %arg5[%add3A_523, %dma_start3A_524] : memref<3200x100xi32, #tpu.memory_space<hbm>> -> memref<1x100xi32, #tpu.memory_space<hbm>>
        %dma_start3A_526 = tpu.memref_squeeze %dma_start3A_525 : memref<1x100xi32, #tpu.memory_space<hbm>> -> memref<100xi32, #tpu.memory_space<hbm>>
        %dma_start3A_527 = arith.constant 0 : i32
        %dma_start3A_528 = tpu.memref_slice %arg5[%add3A_523, %dma_start3A_527] : memref<3200x100xi32, #tpu.memory_space<hbm>> -> memref<1x100xi32, #tpu.memory_space<hbm>>
        %dma_start3A_529 = tpu.memref_squeeze %dma_start3A_528 : memref<1x100xi32, #tpu.memory_space<hbm>> -> memref<100xi32, #tpu.memory_space<hbm>>
        tpu.enqueue_dma source(%dma_start3A_529 : memref<100xi32, #tpu.memory_space<hbm>>) target(%arg12 : memref<100xi32, #tpu.memory_space<vmem>>) target_semaphore(%arg21 : memref<!tpu.dma_semaphore, #tpu.memory_space<semaphore_mem>>)
      } else {
      }
      %dma_wait3A_453 = arith.constant 0 : i32
      %dma_wait3A_454 = tpu.memref_slice %arg9[%add3A_444, %dma_wait3A_453] : memref<100x100xi32, #tpu.memory_space<vmem>> -> memref<1x100xi32, #tpu.memory_space<vmem>>
      %dma_wait3A_455 = tpu.memref_squeeze %dma_wait3A_454 : memref<1x100xi32, #tpu.memory_space<vmem>> -> memref<100xi32, #tpu.memory_space<vmem>>
      %dma_wait3A_456 = arith.constant 0 : i32
      %dma_wait3A_457 = arith.constant 0 : i32
      %dma_wait3A_458 = tpu.memref_slice %arg2[%dma_wait3A_456, %dma_wait3A_457] : memref<80000x128xf32, #tpu.memory_space<hbm>> -> memref<80000x128xf32, #tpu.memory_space<hbm>>
      tpu.wait_indirect_dma semaphore(%arg16 : memref<!tpu.dma_semaphore, #tpu.memory_space<semaphore_mem>>) src(%dma_wait3A_458 : memref<80000x128xf32, #tpu.memory_space<hbm>>) dst(%arg13 : memref<100x128xf32, #tpu.memory_space<vmem>>)
      %add3A_459 = arith.addi %mul3A_409, %add3A_444 : i32
      %dma_wait3A_460 = arith.constant 0 : i32
      %dma_wait3A_461 = tpu.memref_slice %arg5[%add3A_459, %dma_wait3A_460] : memref<3200x100xi32, #tpu.memory_space<hbm>> -> memref<1x100xi32, #tpu.memory_space<hbm>>
      %dma_wait3A_462 = tpu.memref_squeeze %dma_wait3A_461 : memref<1x100xi32, #tpu.memory_space<hbm>> -> memref<100xi32, #tpu.memory_space<hbm>>
      %dma_wait3A_463 = arith.constant 0 : i32
      %dma_wait3A_464 = tpu.memref_slice %arg5[%add3A_459, %dma_wait3A_463] : memref<3200x100xi32, #tpu.memory_space<hbm>> -> memref<1x100xi32, #tpu.memory_space<hbm>>
      %dma_wait3A_465 = tpu.memref_squeeze %dma_wait3A_464 : memref<1x100xi32, #tpu.memory_space<hbm>> -> memref<100xi32, #tpu.memory_space<hbm>>
      tpu.wait_dma2 semaphore(%arg20 : memref<!tpu.dma_semaphore, #tpu.memory_space<semaphore_mem>>) src(%dma_wait3A_465 : memref<100xi32, #tpu.memory_space<hbm>>) dst(%arg11 : memref<100xi32, #tpu.memory_space<vmem>>)
      %scan3A_466 = arith.constant 0 : i32
      %scan3A_467 = arith.constant 0 : i32
      %scan3A_468 = arith.constant 25 : i32
      %scan3A_469 = arith.addi %scan3A_467, %scan3A_468 : i32
      %scan3A_470 = arith.constant 1 : i32
      scf.for %scan3A_513 = %scan3A_467 to %scan3A_469 step %scan3A_470  : i32 {
        %mul3A_514 = arith.constant 4 : i32
        %mul3A_515 = arith.muli %scan3A_513, %mul3A_514 : i32
        %add3A_516 = arith.constant 0 : i32
        %add3A_517 = arith.addi %mul3A_515, %add3A_516 : i32
        %mul3A_518 = arith.constant 100 : i32
        %mul3A_519 = arith.muli %add3A_444, %mul3A_518 : i32
        %add3A_520 = arith.addi %mul3A_519, %add3A_517 : i32
        %broadcast_in_dim3A = vector.broadcast %add3A_520 : i32 to vector<16xi32>
        %gather3A = tpu.vector_load_idx %arg10[%broadcast_in_dim3A] : memref<10000xf32, #tpu.memory_space<vmem>>[vector<16xi32>], vector<16xf32>,
        %get3A = arith.index_cast %add3A_517 : i32 to index
        %get3A_521 = arith.constant 0 : index
        %get3A_522 = tpu.vector_load %arg13[%get3A, %get3A_521] {strides = array<i32>} : memref<100x128xf32, #tpu.memory_space<vmem>>, vector<16xf32>,
        %mul3A_523 = arith.mulf %get3A_522, %gather3A : vector<16xf32>
        %swap3A = arith.index_cast %add3A_517 : i32 to index
        %swap3A_524 = arith.constant 0 : index
        %swap3A_525 = tpu.vector_load %arg13[%swap3A, %swap3A_524] {strides = array<i32>} : memref<100x128xf32, #tpu.memory_space<vmem>>, vector<16xf32>,
        tpu.vector_store %arg13[%swap3A, %swap3A_524], %mul3A_523 {strides = array<i32>} : memref<100x128xf32, #tpu.memory_space<vmem>>, vector<16xf32>,
        %get3A_526 = arith.index_cast %add3A_517 : i32 to index
        %get3A_527 = arith.constant 16 : index
        %get3A_528 = tpu.vector_load %arg13[%get3A_526, %get3A_527] {strides = array<i32>} : memref<100x128xf32, #tpu.memory_space<vmem>>, vector<16xf32>,
        %mul3A_529 = arith.mulf %get3A_528, %gather3A : vector<16xf32>
        %swap3A_530 = arith.index_cast %add3A_517 : i32 to index
        %swap3A_531 = arith.constant 16 : index
        %swap3A_532 = tpu.vector_load %arg13[%swap3A_530, %swap3A_531] {strides = array<i32>} : memref<100x128xf32, #tpu.memory_space<vmem>>, vector<16xf32>,
        tpu.vector_store %arg13[%swap3A_530, %swap3A_531], %mul3A_529 {strides = array<i32>} : memref<100x128xf32, #tpu.memory_space<vmem>>, vector<16xf32>,
        %get3A_533 = arith.index_cast %add3A_517 : i32 to index
        %get3A_534 = arith.constant 32 : index
        %get3A_535 = tpu.vector_load %arg13[%get3A_533, %get3A_534] {strides = array<i32>} : memref<100x128xf32, #tpu.memory_space<vmem>>, vector<16xf32>,
        %mul3A_536 = arith.mulf %get3A_535, %gather3A : vector<16xf32>
        %swap3A_537 = arith.index_cast %add3A_517 : i32 to index
        %swap3A_538 = arith.constant 32 : index
        %swap3A_539 = tpu.vector_load %arg13[%swap3A_537, %swap3A_538] {strides = array<i32>} : memref<100x128xf32, #tpu.memory_space<vmem>>, vector<16xf32>,
        tpu.vector_store %arg13[%swap3A_537, %swap3A_538], %mul3A_536 {strides = array<i32>} : memref<100x128xf32, #tpu.memory_space<vmem>>, vector<16xf32>,
        %get3A_540 = arith.index_cast %add3A_517 : i32 to index
        %get3A_541 = arith.constant 48 : index
        %get3A_542 = tpu.vector_load %arg13[%get3A_540, %get3A_541] {strides = array<i32>} : memref<100x128xf32, #tpu.memory_space<vmem>>, vector<16xf32>,
        %mul3A_543 = arith.mulf %get3A_542, %gather3A : vector<16xf32>
        %swap3A_544 = arith.index_cast %add3A_517 : i32 to index
        %swap3A_545 = arith.constant 48 : index
        %swap3A_546 = tpu.vector_load %arg13[%swap3A_544, %swap3A_545] {strides = array<i32>} : memref<100x128xf32, #tpu.memory_space<vmem>>, vector<16xf32>,
        tpu.vector_store %arg13[%swap3A_544, %swap3A_545], %mul3A_543 {strides = array<i32>} : memref<100x128xf32, #tpu.memory_space<vmem>>, vector<16xf32>,
        %get3A_547 = arith.index_cast %add3A_517 : i32 to index
        %get3A_548 = arith.constant 64 : index
        %get3A_549 = tpu.vector_load %arg13[%get3A_547, %get3A_548] {strides = array<i32>} : memref<100x128xf32, #tpu.memory_space<vmem>>, vector<16xf32>,
        %mul3A_550 = arith.mulf %get3A_549, %gather3A : vector<16xf32>
        %swap3A_551 = arith.index_cast %add3A_517 : i32 to index
        %swap3A_552 = arith.constant 64 : index
        %swap3A_553 = tpu.vector_load %arg13[%swap3A_551, %swap3A_552] {strides = array<i32>} : memref<100x128xf32, #tpu.memory_space<vmem>>, vector<16xf32>,
        tpu.vector_store %arg13[%swap3A_551, %swap3A_552], %mul3A_550 {strides = array<i32>} : memref<100x128xf32, #tpu.memory_space<vmem>>, vector<16xf32>,
        %get3A_554 = arith.index_cast %add3A_517 : i32 to index
        %get3A_555 = arith.constant 80 : index
        %get3A_556 = tpu.vector_load %arg13[%get3A_554, %get3A_555] {strides = array<i32>} : memref<100x128xf32, #tpu.memory_space<vmem>>, vector<16xf32>,
        %mul3A_557 = arith.mulf %get3A_556, %gather3A : vector<16xf32>
        %swap3A_558 = arith.index_cast %add3A_517 : i32 to index
        %swap3A_559 = arith.constant 80 : index
        %swap3A_560 = tpu.vector_load %arg13[%swap3A_558, %swap3A_559] {strides = array<i32>} : memref<100x128xf32, #tpu.memory_space<vmem>>, vector<16xf32>,
        tpu.vector_store %arg13[%swap3A_558, %swap3A_559], %mul3A_557 {strides = array<i32>} : memref<100x128xf32, #tpu.memory_space<vmem>>, vector<16xf32>,
        %get3A_561 = arith.index_cast %add3A_517 : i32 to index
        %get3A_562 = arith.constant 96 : index
        %get3A_563 = tpu.vector_load %arg13[%get3A_561, %get3A_562] {strides = array<i32>} : memref<100x128xf32, #tpu.memory_space<vmem>>, vector<16xf32>,
        %mul3A_564 = arith.mulf %get3A_563, %gather3A : vector<16xf32>
        %swap3A_565 = arith.index_cast %add3A_517 : i32 to index
        %swap3A_566 = arith.constant 96 : index
        %swap3A_567 = tpu.vector_load %arg13[%swap3A_565, %swap3A_566] {strides = array<i32>} : memref<100x128xf32, #tpu.memory_space<vmem>>, vector<16xf32>,
        tpu.vector_store %arg13[%swap3A_565, %swap3A_566], %mul3A_564 {strides = array<i32>} : memref<100x128xf32, #tpu.memory_space<vmem>>, vector<16xf32>,
        %get3A_568 = arith.index_cast %add3A_517 : i32 to index
        %get3A_569 = arith.constant 112 : index
        %get3A_570 = tpu.vector_load %arg13[%get3A_568, %get3A_569] {strides = array<i32>} : memref<100x128xf32, #tpu.memory_space<vmem>>, vector<16xf32>,
        %mul3A_571 = arith.mulf %get3A_570, %gather3A : vector<16xf32>
        %swap3A_572 = arith.index_cast %add3A_517 : i32 to index
        %swap3A_573 = arith.constant 112 : index
        %swap3A_574 = tpu.vector_load %arg13[%swap3A_572, %swap3A_573] {strides = array<i32>} : memref<100x128xf32, #tpu.memory_space<vmem>>, vector<16xf32>,
        tpu.vector_store %arg13[%swap3A_572, %swap3A_573], %mul3A_571 {strides = array<i32>} : memref<100x128xf32, #tpu.memory_space<vmem>>, vector<16xf32>,
        %mul3A_575 = arith.constant 4 : i32
        %mul3A_576 = arith.muli %scan3A_513, %mul3A_575 : i32
        %add3A_577 = arith.constant 1 : i32
        %add3A_578 = arith.addi %mul3A_576, %add3A_577 : i32
        %mul3A_579 = arith.constant 100 : i32
        %mul3A_580 = arith.muli %add3A_444, %mul3A_579 : i32
        %add3A_581 = arith.addi %mul3A_580, %add3A_578 : i32
        %broadcast_in_dim3A_582 = vector.broadcast %add3A_581 : i32 to vector<16xi32>
        %gather3A_583 = tpu.vector_load_idx %arg10[%broadcast_in_dim3A_582] : memref<10000xf32, #tpu.memory_space<vmem>>[vector<16xi32>], vector<16xf32>,
        %get3A_584 = arith.index_cast %add3A_578 : i32 to index
        %get3A_585 = arith.constant 0 : index
        %get3A_586 = tpu.vector_load %arg13[%get3A_584, %get3A_585] {strides = array<i32>} : memref<100x128xf32, #tpu.memory_space<vmem>>, vector<16xf32>,
        %mul3A_587 = arith.mulf %get3A_586, %gather3A_583 : vector<16xf32>
        %swap3A_588 = arith.index_cast %add3A_578 : i32 to index
        %swap3A_589 = arith.constant 0 : index
        %swap3A_590 = tpu.vector_load %arg13[%swap3A_588, %swap3A_589] {strides = array<i32>} : memref<100x128xf32, #tpu.memory_space<vmem>>, vector<16xf32>,
        tpu.vector_store %arg13[%swap3A_588, %swap3A_589], %mul3A_587 {strides = array<i32>} : memref<100x128xf32, #tpu.memory_space<vmem>>, vector<16xf32>,
        %get3A_591 = arith.index_cast %add3A_578 : i32 to index
        %get3A_592 = arith.constant 16 : index
        %get3A_593 = tpu.vector_load %arg13[%get3A_591, %get3A_592] {strides = array<i32>} : memref<100x128xf32, #tpu.memory_space<vmem>>, vector<16xf32>,
        %mul3A_594 = arith.mulf %get3A_593, %gather3A_583 : vector<16xf32>
        %swap3A_595 = arith.index_cast %add3A_578 : i32 to index
        %swap3A_596 = arith.constant 16 : index
        %swap3A_597 = tpu.vector_load %arg13[%swap3A_595, %swap3A_596] {strides = array<i32>} : memref<100x128xf32, #tpu.memory_space<vmem>>, vector<16xf32>,
        tpu.vector_store %arg13[%swap3A_595, %swap3A_596], %mul3A_594 {strides = array<i32>} : memref<100x128xf32, #tpu.memory_space<vmem>>, vector<16xf32>,
        %get3A_598 = arith.index_cast %add3A_578 : i32 to index
        %get3A_599 = arith.constant 32 : index
        %get3A_600 = tpu.vector_load %arg13[%get3A_598, %get3A_599] {strides = array<i32>} : memref<100x128xf32, #tpu.memory_space<vmem>>, vector<16xf32>,
        %mul3A_601 = arith.mulf %get3A_600, %gather3A_583 : vector<16xf32>
        %swap3A_602 = arith.index_cast %add3A_578 : i32 to index
        %swap3A_603 = arith.constant 32 : index
        %swap3A_604 = tpu.vector_load %arg13[%swap3A_602, %swap3A_603] {strides = array<i32>} : memref<100x128xf32, #tpu.memory_space<vmem>>, vector<16xf32>,
        tpu.vector_store %arg13[%swap3A_602, %swap3A_603], %mul3A_601 {strides = array<i32>} : memref<100x128xf32, #tpu.memory_space<vmem>>, vector<16xf32>,
        %get3A_605 = arith.index_cast %add3A_578 : i32 to index
        %get3A_606 = arith.constant 48 : index
        %get3A_607 = tpu.vector_load %arg13[%get3A_605, %get3A_606] {strides = array<i32>} : memref<100x128xf32, #tpu.memory_space<vmem>>, vector<16xf32>,
        %mul3A_608 = arith.mulf %get3A_607, %gather3A_583 : vector<16xf32>
        %swap3A_609 = arith.index_cast %add3A_578 : i32 to index
        %swap3A_610 = arith.constant 48 : index
        %swap3A_611 = tpu.vector_load %arg13[%swap3A_609, %swap3A_610] {strides = array<i32>} : memref<100x128xf32, #tpu.memory_space<vmem>>, vector<16xf32>,
        tpu.vector_store %arg13[%swap3A_609, %swap3A_610], %mul3A_608 {strides = array<i32>} : memref<100x128xf32, #tpu.memory_space<vmem>>, vector<16xf32>,
        %get3A_612 = arith.index_cast %add3A_578 : i32 to index
        %get3A_613 = arith.constant 64 : index
        %get3A_614 = tpu.vector_load %arg13[%get3A_612, %get3A_613] {strides = array<i32>} : memref<100x128xf32, #tpu.memory_space<vmem>>, vector<16xf32>,
        %mul3A_615 = arith.mulf %get3A_614, %gather3A_583 : vector<16xf32>
        %swap3A_616 = arith.index_cast %add3A_578 : i32 to index
        %swap3A_617 = arith.constant 64 : index
        %swap3A_618 = tpu.vector_load %arg13[%swap3A_616, %swap3A_617] {strides = array<i32>} : memref<100x128xf32, #tpu.memory_space<vmem>>, vector<16xf32>,
        tpu.vector_store %arg13[%swap3A_616, %swap3A_617], %mul3A_615 {strides = array<i32>} : memref<100x128xf32, #tpu.memory_space<vmem>>, vector<16xf32>,
        %get3A_619 = arith.index_cast %add3A_578 : i32 to index
        %get3A_620 = arith.constant 80 : index
        %get3A_621 = tpu.vector_load %arg13[%get3A_619, %get3A_620] {strides = array<i32>} : memref<100x128xf32, #tpu.memory_space<vmem>>, vector<16xf32>,
        %mul3A_622 = arith.mulf %get3A_621, %gather3A_583 : vector<16xf32>
        %swap3A_623 = arith.index_cast %add3A_578 : i32 to index
        %swap3A_624 = arith.constant 80 : index
        %swap3A_625 = tpu.vector_load %arg13[%swap3A_623, %swap3A_624] {strides = array<i32>} : memref<100x128xf32, #tpu.memory_space<vmem>>, vector<16xf32>,
        tpu.vector_store %arg13[%swap3A_623, %swap3A_624], %mul3A_622 {strides = array<i32>} : memref<100x128xf32, #tpu.memory_space<vmem>>, vector<16xf32>,
        %get3A_626 = arith.index_cast %add3A_578 : i32 to index
        %get3A_627 = arith.constant 96 : index
        %get3A_628 = tpu.vector_load %arg13[%get3A_626, %get3A_627] {strides = array<i32>} : memref<100x128xf32, #tpu.memory_space<vmem>>, vector<16xf32>,
        %mul3A_629 = arith.mulf %get3A_628, %gather3A_583 : vector<16xf32>
        %swap3A_630 = arith.index_cast %add3A_578 : i32 to index
        %swap3A_631 = arith.constant 96 : index
        %swap3A_632 = tpu.vector_load %arg13[%swap3A_630, %swap3A_631] {strides = array<i32>} : memref<100x128xf32, #tpu.memory_space<vmem>>, vector<16xf32>,
        tpu.vector_store %arg13[%swap3A_630, %swap3A_631], %mul3A_629 {strides = array<i32>} : memref<100x128xf32, #tpu.memory_space<vmem>>, vector<16xf32>,
        %get3A_633 = arith.index_cast %add3A_578 : i32 to index
        %get3A_634 = arith.constant 112 : index
        %get3A_635 = tpu.vector_load %arg13[%get3A_633, %get3A_634] {strides = array<i32>} : memref<100x128xf32, #tpu.memory_space<vmem>>, vector<16xf32>,
        %mul3A_636 = arith.mulf %get3A_635, %gather3A_583 : vector<16xf32>
        %swap3A_637 = arith.index_cast %add3A_578 : i32 to index
        %swap3A_638 = arith.constant 112 : index
        %swap3A_639 = tpu.vector_load %arg13[%swap3A_637, %swap3A_638] {strides = array<i32>} : memref<100x128xf32, #tpu.memory_space<vmem>>, vector<16xf32>,
        tpu.vector_store %arg13[%swap3A_637, %swap3A_638], %mul3A_636 {strides = array<i32>} : memref<100x128xf32, #tpu.memory_space<vmem>>, vector<16xf32>,
        %mul3A_640 = arith.constant 4 : i32
        %mul3A_641 = arith.muli %scan3A_513, %mul3A_640 : i32
        %add3A_642 = arith.constant 2 : i32
        %add3A_643 = arith.addi %mul3A_641, %add3A_642 : i32
        %mul3A_644 = arith.constant 100 : i32
        %mul3A_645 = arith.muli %add3A_444, %mul3A_644 : i32
        %add3A_646 = arith.addi %mul3A_645, %add3A_643 : i32
        %broadcast_in_dim3A_647 = vector.broadcast %add3A_646 : i32 to vector<16xi32>
        %gather3A_648 = tpu.vector_load_idx %arg10[%broadcast_in_dim3A_647] : memref<10000xf32, #tpu.memory_space<vmem>>[vector<16xi32>], vector<16xf32>,
        %get3A_649 = arith.index_cast %add3A_643 : i32 to index
        %get3A_650 = arith.constant 0 : index
        %get3A_651 = tpu.vector_load %arg13[%get3A_649, %get3A_650] {strides = array<i32>} : memref<100x128xf32, #tpu.memory_space<vmem>>, vector<16xf32>,
        %mul3A_652 = arith.mulf %get3A_651, %gather3A_648 : vector<16xf32>
        %swap3A_653 = arith.index_cast %add3A_643 : i32 to index
        %swap3A_654 = arith.constant 0 : index
        %swap3A_655 = tpu.vector_load %arg13[%swap3A_653, %swap3A_654] {strides = array<i32>} : memref<100x128xf32, #tpu.memory_space<vmem>>, vector<16xf32>,
        tpu.vector_store %arg13[%swap3A_653, %swap3A_654], %mul3A_652 {strides = array<i32>} : memref<100x128xf32, #tpu.memory_space<vmem>>, vector<16xf32>,
        %get3A_656 = arith.index_cast %add3A_643 : i32 to index
        %get3A_657 = arith.constant 16 : index
        %get3A_658 = tpu.vector_load %arg13[%get3A_656, %get3A_657] {strides = array<i32>} : memref<100x128xf32, #tpu.memory_space<vmem>>, vector<16xf32>,
        %mul3A_659 = arith.mulf %get3A_658, %gather3A_648 : vector<16xf32>
        %swap3A_660 = arith.index_cast %add3A_643 : i32 to index
        %swap3A_661 = arith.constant 16 : index
        %swap3A_662 = tpu.vector_load %arg13[%swap3A_660, %swap3A_661] {strides = array<i32>} : memref<100x128xf32, #tpu.memory_space<vmem>>, vector<16xf32>,
        tpu.vector_store %arg13[%swap3A_660, %swap3A_661], %mul3A_659 {strides = array<i32>} : memref<100x128xf32, #tpu.memory_space<vmem>>, vector<16xf32>,
        %get3A_663 = arith.index_cast %add3A_643 : i32 to index
        %get3A_664 = arith.constant 32 : index
        %get3A_665 = tpu.vector_load %arg13[%get3A_663, %get3A_664] {strides = array<i32>} : memref<100x128xf32, #tpu.memory_space<vmem>>, vector<16xf32>,
        %mul3A_666 = arith.mulf %get3A_665, %gather3A_648 : vector<16xf32>
        %swap3A_667 = arith.index_cast %add3A_643 : i32 to index
        %swap3A_668 = arith.constant 32 : index
        %swap3A_669 = tpu.vector_load %arg13[%swap3A_667, %swap3A_668] {strides = array<i32>} : memref<100x128xf32, #tpu.memory_space<vmem>>, vector<16xf32>,
        tpu.vector_store %arg13[%swap3A_667, %swap3A_668], %mul3A_666 {strides = array<i32>} : memref<100x128xf32, #tpu.memory_space<vmem>>, vector<16xf32>,
        %get3A_670 = arith.index_cast %add3A_643 : i32 to index
        %get3A_671 = arith.constant 48 : index
        %get3A_672 = tpu.vector_load %arg13[%get3A_670, %get3A_671] {strides = array<i32>} : memref<100x128xf32, #tpu.memory_space<vmem>>, vector<16xf32>,
        %mul3A_673 = arith.mulf %get3A_672, %gather3A_648 : vector<16xf32>
        %swap3A_674 = arith.index_cast %add3A_643 : i32 to index
        %swap3A_675 = arith.constant 48 : index
        %swap3A_676 = tpu.vector_load %arg13[%swap3A_674, %swap3A_675] {strides = array<i32>} : memref<100x128xf32, #tpu.memory_space<vmem>>, vector<16xf32>,
        tpu.vector_store %arg13[%swap3A_674, %swap3A_675], %mul3A_673 {strides = array<i32>} : memref<100x128xf32, #tpu.memory_space<vmem>>, vector<16xf32>,
        %get3A_677 = arith.index_cast %add3A_643 : i32 to index
        %get3A_678 = arith.constant 64 : index
        %get3A_679 = tpu.vector_load %arg13[%get3A_677, %get3A_678] {strides = array<i32>} : memref<100x128xf32, #tpu.memory_space<vmem>>, vector<16xf32>,
        %mul3A_680 = arith.mulf %get3A_679, %gather3A_648 : vector<16xf32>
        %swap3A_681 = arith.index_cast %add3A_643 : i32 to index
        %swap3A_682 = arith.constant 64 : index
        %swap3A_683 = tpu.vector_load %arg13[%swap3A_681, %swap3A_682] {strides = array<i32>} : memref<100x128xf32, #tpu.memory_space<vmem>>, vector<16xf32>,
        tpu.vector_store %arg13[%swap3A_681, %swap3A_682], %mul3A_680 {strides = array<i32>} : memref<100x128xf32, #tpu.memory_space<vmem>>, vector<16xf32>,
        %get3A_684 = arith.index_cast %add3A_643 : i32 to index
        %get3A_685 = arith.constant 80 : index
        %get3A_686 = tpu.vector_load %arg13[%get3A_684, %get3A_685] {strides = array<i32>} : memref<100x128xf32, #tpu.memory_space<vmem>>, vector<16xf32>,
        %mul3A_687 = arith.mulf %get3A_686, %gather3A_648 : vector<16xf32>
        %swap3A_688 = arith.index_cast %add3A_643 : i32 to index
        %swap3A_689 = arith.constant 80 : index
        %swap3A_690 = tpu.vector_load %arg13[%swap3A_688, %swap3A_689] {strides = array<i32>} : memref<100x128xf32, #tpu.memory_space<vmem>>, vector<16xf32>,
        tpu.vector_store %arg13[%swap3A_688, %swap3A_689], %mul3A_687 {strides = array<i32>} : memref<100x128xf32, #tpu.memory_space<vmem>>, vector<16xf32>,
        %get3A_691 = arith.index_cast %add3A_643 : i32 to index
        %get3A_692 = arith.constant 96 : index
        %get3A_693 = tpu.vector_load %arg13[%get3A_691, %get3A_692] {strides = array<i32>} : memref<100x128xf32, #tpu.memory_space<vmem>>, vector<16xf32>,
        %mul3A_694 = arith.mulf %get3A_693, %gather3A_648 : vector<16xf32>
        %swap3A_695 = arith.index_cast %add3A_643 : i32 to index
        %swap3A_696 = arith.constant 96 : index
        %swap3A_697 = tpu.vector_load %arg13[%swap3A_695, %swap3A_696] {strides = array<i32>} : memref<100x128xf32, #tpu.memory_space<vmem>>, vector<16xf32>,
        tpu.vector_store %arg13[%swap3A_695, %swap3A_696], %mul3A_694 {strides = array<i32>} : memref<100x128xf32, #tpu.memory_space<vmem>>, vector<16xf32>,
        %get3A_698 = arith.index_cast %add3A_643 : i32 to index
        %get3A_699 = arith.constant 112 : index
        %get3A_700 = tpu.vector_load %arg13[%get3A_698, %get3A_699] {strides = array<i32>} : memref<100x128xf32, #tpu.memory_space<vmem>>, vector<16xf32>,
        %mul3A_701 = arith.mulf %get3A_700, %gather3A_648 : vector<16xf32>
        %swap3A_702 = arith.index_cast %add3A_643 : i32 to index
        %swap3A_703 = arith.constant 112 : index
        %swap3A_704 = tpu.vector_load %arg13[%swap3A_702, %swap3A_703] {strides = array<i32>} : memref<100x128xf32, #tpu.memory_space<vmem>>, vector<16xf32>,
        tpu.vector_store %arg13[%swap3A_702, %swap3A_703], %mul3A_701 {strides = array<i32>} : memref<100x128xf32, #tpu.memory_space<vmem>>, vector<16xf32>,
        %mul3A_705 = arith.constant 4 : i32
        %mul3A_706 = arith.muli %scan3A_513, %mul3A_705 : i32
        %add3A_707 = arith.constant 3 : i32
        %add3A_708 = arith.addi %mul3A_706, %add3A_707 : i32
        %mul3A_709 = arith.constant 100 : i32
        %mul3A_710 = arith.muli %add3A_444, %mul3A_709 : i32
        %add3A_711 = arith.addi %mul3A_710, %add3A_708 : i32
        %broadcast_in_dim3A_712 = vector.broadcast %add3A_711 : i32 to vector<16xi32>
        %gather3A_713 = tpu.vector_load_idx %arg10[%broadcast_in_dim3A_712] : memref<10000xf32, #tpu.memory_space<vmem>>[vector<16xi32>], vector<16xf32>,
        %get3A_714 = arith.index_cast %add3A_708 : i32 to index
        %get3A_715 = arith.constant 0 : index
        %get3A_716 = tpu.vector_load %arg13[%get3A_714, %get3A_715] {strides = array<i32>} : memref<100x128xf32, #tpu.memory_space<vmem>>, vector<16xf32>,
        %mul3A_717 = arith.mulf %get3A_716, %gather3A_713 : vector<16xf32>
        %swap3A_718 = arith.index_cast %add3A_708 : i32 to index
        %swap3A_719 = arith.constant 0 : index
        %swap3A_720 = tpu.vector_load %arg13[%swap3A_718, %swap3A_719] {strides = array<i32>} : memref<100x128xf32, #tpu.memory_space<vmem>>, vector<16xf32>,
        tpu.vector_store %arg13[%swap3A_718, %swap3A_719], %mul3A_717 {strides = array<i32>} : memref<100x128xf32, #tpu.memory_space<vmem>>, vector<16xf32>,
        %get3A_721 = arith.index_cast %add3A_708 : i32 to index
        %get3A_722 = arith.constant 16 : index
        %get3A_723 = tpu.vector_load %arg13[%get3A_721, %get3A_722] {strides = array<i32>} : memref<100x128xf32, #tpu.memory_space<vmem>>, vector<16xf32>,
        %mul3A_724 = arith.mulf %get3A_723, %gather3A_713 : vector<16xf32>
        %swap3A_725 = arith.index_cast %add3A_708 : i32 to index
        %swap3A_726 = arith.constant 16 : index
        %swap3A_727 = tpu.vector_load %arg13[%swap3A_725, %swap3A_726] {strides = array<i32>} : memref<100x128xf32, #tpu.memory_space<vmem>>, vector<16xf32>,
        tpu.vector_store %arg13[%swap3A_725, %swap3A_726], %mul3A_724 {strides = array<i32>} : memref<100x128xf32, #tpu.memory_space<vmem>>, vector<16xf32>,
        %get3A_728 = arith.index_cast %add3A_708 : i32 to index
        %get3A_729 = arith.constant 32 : index
        %get3A_730 = tpu.vector_load %arg13[%get3A_728, %get3A_729] {strides = array<i32>} : memref<100x128xf32, #tpu.memory_space<vmem>>, vector<16xf32>,
        %mul3A_731 = arith.mulf %get3A_730, %gather3A_713 : vector<16xf32>
        %swap3A_732 = arith.index_cast %add3A_708 : i32 to index
        %swap3A_733 = arith.constant 32 : index
        %swap3A_734 = tpu.vector_load %arg13[%swap3A_732, %swap3A_733] {strides = array<i32>} : memref<100x128xf32, #tpu.memory_space<vmem>>, vector<16xf32>,
        tpu.vector_store %arg13[%swap3A_732, %swap3A_733], %mul3A_731 {strides = array<i32>} : memref<100x128xf32, #tpu.memory_space<vmem>>, vector<16xf32>,
        %get3A_735 = arith.index_cast %add3A_708 : i32 to index
        %get3A_736 = arith.constant 48 : index
        %get3A_737 = tpu.vector_load %arg13[%get3A_735, %get3A_736] {strides = array<i32>} : memref<100x128xf32, #tpu.memory_space<vmem>>, vector<16xf32>,
        %mul3A_738 = arith.mulf %get3A_737, %gather3A_713 : vector<16xf32>
        %swap3A_739 = arith.index_cast %add3A_708 : i32 to index
        %swap3A_740 = arith.constant 48 : index
        %swap3A_741 = tpu.vector_load %arg13[%swap3A_739, %swap3A_740] {strides = array<i32>} : memref<100x128xf32, #tpu.memory_space<vmem>>, vector<16xf32>,
        tpu.vector_store %arg13[%swap3A_739, %swap3A_740], %mul3A_738 {strides = array<i32>} : memref<100x128xf32, #tpu.memory_space<vmem>>, vector<16xf32>,
        %get3A_742 = arith.index_cast %add3A_708 : i32 to index
        %get3A_743 = arith.constant 64 : index
        %get3A_744 = tpu.vector_load %arg13[%get3A_742, %get3A_743] {strides = array<i32>} : memref<100x128xf32, #tpu.memory_space<vmem>>, vector<16xf32>,
        %mul3A_745 = arith.mulf %get3A_744, %gather3A_713 : vector<16xf32>
        %swap3A_746 = arith.index_cast %add3A_708 : i32 to index
        %swap3A_747 = arith.constant 64 : index
        %swap3A_748 = tpu.vector_load %arg13[%swap3A_746, %swap3A_747] {strides = array<i32>} : memref<100x128xf32, #tpu.memory_space<vmem>>, vector<16xf32>,
        tpu.vector_store %arg13[%swap3A_746, %swap3A_747], %mul3A_745 {strides = array<i32>} : memref<100x128xf32, #tpu.memory_space<vmem>>, vector<16xf32>,
        %get3A_749 = arith.index_cast %add3A_708 : i32 to index
        %get3A_750 = arith.constant 80 : index
        %get3A_751 = tpu.vector_load %arg13[%get3A_749, %get3A_750] {strides = array<i32>} : memref<100x128xf32, #tpu.memory_space<vmem>>, vector<16xf32>,
        %mul3A_752 = arith.mulf %get3A_751, %gather3A_713 : vector<16xf32>
        %swap3A_753 = arith.index_cast %add3A_708 : i32 to index
        %swap3A_754 = arith.constant 80 : index
        %swap3A_755 = tpu.vector_load %arg13[%swap3A_753, %swap3A_754] {strides = array<i32>} : memref<100x128xf32, #tpu.memory_space<vmem>>, vector<16xf32>,
        tpu.vector_store %arg13[%swap3A_753, %swap3A_754], %mul3A_752 {strides = array<i32>} : memref<100x128xf32, #tpu.memory_space<vmem>>, vector<16xf32>,
        %get3A_756 = arith.index_cast %add3A_708 : i32 to index
        %get3A_757 = arith.constant 96 : index
        %get3A_758 = tpu.vector_load %arg13[%get3A_756, %get3A_757] {strides = array<i32>} : memref<100x128xf32, #tpu.memory_space<vmem>>, vector<16xf32>,
        %mul3A_759 = arith.mulf %get3A_758, %gather3A_713 : vector<16xf32>
        %swap3A_760 = arith.index_cast %add3A_708 : i32 to index
        %swap3A_761 = arith.constant 96 : index
        %swap3A_762 = tpu.vector_load %arg13[%swap3A_760, %swap3A_761] {strides = array<i32>} : memref<100x128xf32, #tpu.memory_space<vmem>>, vector<16xf32>,
        tpu.vector_store %arg13[%swap3A_760, %swap3A_761], %mul3A_759 {strides = array<i32>} : memref<100x128xf32, #tpu.memory_space<vmem>>, vector<16xf32>,
        %get3A_763 = arith.index_cast %add3A_708 : i32 to index
        %get3A_764 = arith.constant 112 : index
        %get3A_765 = tpu.vector_load %arg13[%get3A_763, %get3A_764] {strides = array<i32>} : memref<100x128xf32, #tpu.memory_space<vmem>>, vector<16xf32>,
        %mul3A_766 = arith.mulf %get3A_765, %gather3A_713 : vector<16xf32>
        %swap3A_767 = arith.index_cast %add3A_708 : i32 to index
        %swap3A_768 = arith.constant 112 : index
        %swap3A_769 = tpu.vector_load %arg13[%swap3A_767, %swap3A_768] {strides = array<i32>} : memref<100x128xf32, #tpu.memory_space<vmem>>, vector<16xf32>,
        tpu.vector_store %arg13[%swap3A_767, %swap3A_768], %mul3A_766 {strides = array<i32>} : memref<100x128xf32, #tpu.memory_space<vmem>>, vector<16xf32>,
      }
      %scan3A_471 = arith.constant 25 : i32
      %dma_start3A_472 = arith.constant 0 : i32
      %dma_start3A_473 = arith.constant 0 : i32
      %dma_start3A_474 = tpu.memref_slice %arg7[%dma_start3A_472, %dma_start3A_473] : memref<10000x128xf32, #tpu.memory_space<vmem_shared>> -> memref<10000x128xf32, #tpu.memory_space<vmem_shared>>
      tpu.enqueue_indirect_dma source(%arg13 : memref<100x128xf32, #tpu.memory_space<vmem>>) target(%dma_start3A_474 : memref<10000x128xf32, #tpu.memory_space<vmem_shared>>) offsets(%arg11 : memref<100xi32, #tpu.memory_space<vmem>>) semaphore(%arg18 : memref<!tpu.dma_semaphore, #tpu.memory_space<semaphore_mem>>) {add = true}
      %mul3A_475 = arith.constant 2 : i32
      %mul3A_476 = arith.muli %scan3A_440, %mul3A_475 : i32
      %add3A_477 = arith.constant 1 : i32
      %add3A_478 = arith.addi %mul3A_476, %add3A_477 : i32
      %ge3A_479 = arith.constant 1 : i32
      %ge3A_480 = arith.cmpi sge, %add3A_478, %ge3A_479 : i32
      %convert_element_type3A_481 = arith.extui %ge3A_480 : i1 to i32
      %cond3A_482 = arith.constant 0 : i32
      %cond3A_483 = arith.cmpi ne, %convert_element_type3A_481, %cond3A_482 : i32
      scf.if %cond3A_483 {
        %dma_wait3A_513 = arith.constant 0 : i32
        %dma_wait3A_514 = arith.constant 0 : i32
        %dma_wait3A_515 = tpu.memref_slice %arg7[%dma_wait3A_513, %dma_wait3A_514] : memref<10000x128xf32, #tpu.memory_space<vmem_shared>> -> memref<10000x128xf32, #tpu.memory_space<vmem_shared>>
        tpu.wait_indirect_dma semaphore(%arg18 : memref<!tpu.dma_semaphore, #tpu.memory_space<semaphore_mem>>) src(%arg13 : memref<100x128xf32, #tpu.memory_space<vmem>>) dst(%dma_wait3A_515 : memref<10000x128xf32, #tpu.memory_space<vmem_shared>>)
      } else {
      }
      %add3A_484 = arith.constant 1 : i32
      %add3A_485 = arith.addi %add3A_478, %add3A_484 : i32
      %lt3A_486 = arith.constant 100 : i32
      %lt3A_487 = arith.cmpi slt, %add3A_485, %lt3A_486 : i32
      %convert_element_type3A_488 = arith.extui %lt3A_487 : i1 to i32
      %cond3A_489 = arith.constant 0 : i32
      %cond3A_490 = arith.cmpi ne, %convert_element_type3A_488, %cond3A_489 : i32
      scf.if %cond3A_490 {
        %add3A_513 = arith.constant 1 : i32
        %add3A_514 = arith.addi %add3A_478, %add3A_513 : i32
        %dma_start3A_515 = arith.constant 0 : i32
        %dma_start3A_516 = tpu.memref_slice %arg9[%add3A_514, %dma_start3A_515] : memref<100x100xi32, #tpu.memory_space<vmem>> -> memref<1x100xi32, #tpu.memory_space<vmem>>
        %dma_start3A_517 = tpu.memref_squeeze %dma_start3A_516 : memref<1x100xi32, #tpu.memory_space<vmem>> -> memref<100xi32, #tpu.memory_space<vmem>>
        %dma_start3A_518 = arith.constant 0 : i32
        %dma_start3A_519 = arith.constant 0 : i32
        %dma_start3A_520 = tpu.memref_slice %arg2[%dma_start3A_518, %dma_start3A_519] : memref<80000x128xf32, #tpu.memory_space<hbm>> -> memref<80000x128xf32, #tpu.memory_space<hbm>>
        tpu.enqueue_indirect_dma source(%dma_start3A_520 : memref<80000x128xf32, #tpu.memory_space<hbm>>) target(%arg13 : memref<100x128xf32, #tpu.memory_space<vmem>>) offsets(%dma_start3A_517 : memref<100xi32, #tpu.memory_space<vmem>>) semaphore(%arg16 : memref<!tpu.dma_semaphore, #tpu.memory_space<semaphore_mem>>)
        %add3A_521 = arith.addi %mul3A_409, %add3A_478 : i32
        %add3A_522 = arith.constant 1 : i32
        %add3A_523 = arith.addi %add3A_521, %add3A_522 : i32
        %dma_start3A_524 = arith.constant 0 : i32
        %dma_start3A_525 = tpu.memref_slice %arg5[%add3A_523, %dma_start3A_524] : memref<3200x100xi32, #tpu.memory_space<hbm>> -> memref<1x100xi32, #tpu.memory_space<hbm>>
        %dma_start3A_526 = tpu.memref_squeeze %dma_start3A_525 : memref<1x100xi32, #tpu.memory_space<hbm>> -> memref<100xi32, #tpu.memory_space<hbm>>
        %dma_start3A_527 = arith.constant 0 : i32
        %dma_start3A_528 = tpu.memref_slice %arg5[%add3A_523, %dma_start3A_527] : memref<3200x100xi32, #tpu.memory_space<hbm>> -> memref<1x100xi32, #tpu.memory_space<hbm>>
        %dma_start3A_529 = tpu.memref_squeeze %dma_start3A_528 : memref<1x100xi32, #tpu.memory_space<hbm>> -> memref<100xi32, #tpu.memory_space<hbm>>
        tpu.enqueue_dma source(%dma_start3A_529 : memref<100xi32, #tpu.memory_space<hbm>>) target(%arg11 : memref<100xi32, #tpu.memory_space<vmem>>) target_semaphore(%arg20 : memref<!tpu.dma_semaphore, #tpu.memory_space<semaphore_mem>>)
      } else {
      }
      %dma_wait3A_491 = arith.constant 0 : i32
      %dma_wait3A_492 = tpu.memref_slice %arg9[%add3A_478, %dma_wait3A_491] : memref<100x100xi32, #tpu.memory_space<vmem>> -> memref<1x100xi32, #tpu.memory_space<vmem>>
      %dma_wait3A_493 = tpu.memref_squeeze %dma_wait3A_492 : memref<1x100xi32, #tpu.memory_space<vmem>> -> memref<100xi32, #tpu.memory_space<vmem>>
      %dma_wait3A_494 = arith.constant 0 : i32
      %dma_wait3A_495 = arith.constant 0 : i32
      %dma_wait3A_496 = tpu.memref_slice %arg2[%dma_wait3A_494, %dma_wait3A_495] : memref<80000x128xf32, #tpu.memory_space<hbm>> -> memref<80000x128xf32, #tpu.memory_space<hbm>>
      tpu.wait_indirect_dma semaphore(%arg17 : memref<!tpu.dma_semaphore, #tpu.memory_space<semaphore_mem>>) src(%dma_wait3A_496 : memref<80000x128xf32, #tpu.memory_space<hbm>>) dst(%arg14 : memref<100x128xf32, #tpu.memory_space<vmem>>)
      %add3A_497 = arith.addi %mul3A_409, %add3A_478 : i32
      %dma_wait3A_498 = arith.constant 0 : i32
      %dma_wait3A_499 = tpu.memref_slice %arg5[%add3A_497, %dma_wait3A_498] : memref<3200x100xi32, #tpu.memory_space<hbm>> -> memref<1x100xi32, #tpu.memory_space<hbm>>
      %dma_wait3A_500 = tpu.memref_squeeze %dma_wait3A_499 : memref<1x100xi32, #tpu.memory_space<hbm>> -> memref<100xi32, #tpu.memory_space<hbm>>
      %dma_wait3A_501 = arith.constant 0 : i32
      %dma_wait3A_502 = tpu.memref_slice %arg5[%add3A_497, %dma_wait3A_501] : memref<3200x100xi32, #tpu.memory_space<hbm>> -> memref<1x100xi32, #tpu.memory_space<hbm>>
      %dma_wait3A_503 = tpu.memref_squeeze %dma_wait3A_502 : memref<1x100xi32, #tpu.memory_space<hbm>> -> memref<100xi32, #tpu.memory_space<hbm>>
      tpu.wait_dma2 semaphore(%arg21 : memref<!tpu.dma_semaphore, #tpu.memory_space<semaphore_mem>>) src(%dma_wait3A_503 : memref<100xi32, #tpu.memory_space<hbm>>) dst(%arg12 : memref<100xi32, #tpu.memory_space<vmem>>)
      %scan3A_504 = arith.constant 0 : i32
      %scan3A_505 = arith.constant 0 : i32
      %scan3A_506 = arith.constant 25 : i32
      %scan3A_507 = arith.addi %scan3A_505, %scan3A_506 : i32
      %scan3A_508 = arith.constant 1 : i32
      scf.for %scan3A_513 = %scan3A_505 to %scan3A_507 step %scan3A_508  : i32 {
        %mul3A_514 = arith.constant 4 : i32
        %mul3A_515 = arith.muli %scan3A_513, %mul3A_514 : i32
        %add3A_516 = arith.constant 0 : i32
        %add3A_517 = arith.addi %mul3A_515, %add3A_516 : i32
        %mul3A_518 = arith.constant 100 : i32
        %mul3A_519 = arith.muli %add3A_478, %mul3A_518 : i32
        %add3A_520 = arith.addi %mul3A_519, %add3A_517 : i32
        %broadcast_in_dim3A = vector.broadcast %add3A_520 : i32 to vector<16xi32>
        %gather3A = tpu.vector_load_idx %arg10[%broadcast_in_dim3A] : memref<10000xf32, #tpu.memory_space<vmem>>[vector<16xi32>], vector<16xf32>,
        %get3A = arith.index_cast %add3A_517 : i32 to index
        %get3A_521 = arith.constant 0 : index
        %get3A_522 = tpu.vector_load %arg14[%get3A, %get3A_521] {strides = array<i32>} : memref<100x128xf32, #tpu.memory_space<vmem>>, vector<16xf32>,
        %mul3A_523 = arith.mulf %get3A_522, %gather3A : vector<16xf32>
        %swap3A = arith.index_cast %add3A_517 : i32 to index
        %swap3A_524 = arith.constant 0 : index
        %swap3A_525 = tpu.vector_load %arg14[%swap3A, %swap3A_524] {strides = array<i32>} : memref<100x128xf32, #tpu.memory_space<vmem>>, vector<16xf32>,
        tpu.vector_store %arg14[%swap3A, %swap3A_524], %mul3A_523 {strides = array<i32>} : memref<100x128xf32, #tpu.memory_space<vmem>>, vector<16xf32>,
        %get3A_526 = arith.index_cast %add3A_517 : i32 to index
        %get3A_527 = arith.constant 16 : index
        %get3A_528 = tpu.vector_load %arg14[%get3A_526, %get3A_527] {strides = array<i32>} : memref<100x128xf32, #tpu.memory_space<vmem>>, vector<16xf32>,
        %mul3A_529 = arith.mulf %get3A_528, %gather3A : vector<16xf32>
        %swap3A_530 = arith.index_cast %add3A_517 : i32 to index
        %swap3A_531 = arith.constant 16 : index
        %swap3A_532 = tpu.vector_load %arg14[%swap3A_530, %swap3A_531] {strides = array<i32>} : memref<100x128xf32, #tpu.memory_space<vmem>>, vector<16xf32>,
        tpu.vector_store %arg14[%swap3A_530, %swap3A_531], %mul3A_529 {strides = array<i32>} : memref<100x128xf32, #tpu.memory_space<vmem>>, vector<16xf32>,
        %get3A_533 = arith.index_cast %add3A_517 : i32 to index
        %get3A_534 = arith.constant 32 : index
        %get3A_535 = tpu.vector_load %arg14[%get3A_533, %get3A_534] {strides = array<i32>} : memref<100x128xf32, #tpu.memory_space<vmem>>, vector<16xf32>,
        %mul3A_536 = arith.mulf %get3A_535, %gather3A : vector<16xf32>
        %swap3A_537 = arith.index_cast %add3A_517 : i32 to index
        %swap3A_538 = arith.constant 32 : index
        %swap3A_539 = tpu.vector_load %arg14[%swap3A_537, %swap3A_538] {strides = array<i32>} : memref<100x128xf32, #tpu.memory_space<vmem>>, vector<16xf32>,
        tpu.vector_store %arg14[%swap3A_537, %swap3A_538], %mul3A_536 {strides = array<i32>} : memref<100x128xf32, #tpu.memory_space<vmem>>, vector<16xf32>,
        %get3A_540 = arith.index_cast %add3A_517 : i32 to index
        %get3A_541 = arith.constant 48 : index
        %get3A_542 = tpu.vector_load %arg14[%get3A_540, %get3A_541] {strides = array<i32>} : memref<100x128xf32, #tpu.memory_space<vmem>>, vector<16xf32>,
        %mul3A_543 = arith.mulf %get3A_542, %gather3A : vector<16xf32>
        %swap3A_544 = arith.index_cast %add3A_517 : i32 to index
        %swap3A_545 = arith.constant 48 : index
        %swap3A_546 = tpu.vector_load %arg14[%swap3A_544, %swap3A_545] {strides = array<i32>} : memref<100x128xf32, #tpu.memory_space<vmem>>, vector<16xf32>,
        tpu.vector_store %arg14[%swap3A_544, %swap3A_545], %mul3A_543 {strides = array<i32>} : memref<100x128xf32, #tpu.memory_space<vmem>>, vector<16xf32>,
        %get3A_547 = arith.index_cast %add3A_517 : i32 to index
        %get3A_548 = arith.constant 64 : index
        %get3A_549 = tpu.vector_load %arg14[%get3A_547, %get3A_548] {strides = array<i32>} : memref<100x128xf32, #tpu.memory_space<vmem>>, vector<16xf32>,
        %mul3A_550 = arith.mulf %get3A_549, %gather3A : vector<16xf32>
        %swap3A_551 = arith.index_cast %add3A_517 : i32 to index
        %swap3A_552 = arith.constant 64 : index
        %swap3A_553 = tpu.vector_load %arg14[%swap3A_551, %swap3A_552] {strides = array<i32>} : memref<100x128xf32, #tpu.memory_space<vmem>>, vector<16xf32>,
        tpu.vector_store %arg14[%swap3A_551, %swap3A_552], %mul3A_550 {strides = array<i32>} : memref<100x128xf32, #tpu.memory_space<vmem>>, vector<16xf32>,
        %get3A_554 = arith.index_cast %add3A_517 : i32 to index
        %get3A_555 = arith.constant 80 : index
        %get3A_556 = tpu.vector_load %arg14[%get3A_554, %get3A_555] {strides = array<i32>} : memref<100x128xf32, #tpu.memory_space<vmem>>, vector<16xf32>,
        %mul3A_557 = arith.mulf %get3A_556, %gather3A : vector<16xf32>
        %swap3A_558 = arith.index_cast %add3A_517 : i32 to index
        %swap3A_559 = arith.constant 80 : index
        %swap3A_560 = tpu.vector_load %arg14[%swap3A_558, %swap3A_559] {strides = array<i32>} : memref<100x128xf32, #tpu.memory_space<vmem>>, vector<16xf32>,
        tpu.vector_store %arg14[%swap3A_558, %swap3A_559], %mul3A_557 {strides = array<i32>} : memref<100x128xf32, #tpu.memory_space<vmem>>, vector<16xf32>,
        %get3A_561 = arith.index_cast %add3A_517 : i32 to index
        %get3A_562 = arith.constant 96 : index
        %get3A_563 = tpu.vector_load %arg14[%get3A_561, %get3A_562] {strides = array<i32>} : memref<100x128xf32, #tpu.memory_space<vmem>>, vector<16xf32>,
        %mul3A_564 = arith.mulf %get3A_563, %gather3A : vector<16xf32>
        %swap3A_565 = arith.index_cast %add3A_517 : i32 to index
        %swap3A_566 = arith.constant 96 : index
        %swap3A_567 = tpu.vector_load %arg14[%swap3A_565, %swap3A_566] {strides = array<i32>} : memref<100x128xf32, #tpu.memory_space<vmem>>, vector<16xf32>,
        tpu.vector_store %arg14[%swap3A_565, %swap3A_566], %mul3A_564 {strides = array<i32>} : memref<100x128xf32, #tpu.memory_space<vmem>>, vector<16xf32>,
        %get3A_568 = arith.index_cast %add3A_517 : i32 to index
        %get3A_569 = arith.constant 112 : index
        %get3A_570 = tpu.vector_load %arg14[%get3A_568, %get3A_569] {strides = array<i32>} : memref<100x128xf32, #tpu.memory_space<vmem>>, vector<16xf32>,
        %mul3A_571 = arith.mulf %get3A_570, %gather3A : vector<16xf32>
        %swap3A_572 = arith.index_cast %add3A_517 : i32 to index
        %swap3A_573 = arith.constant 112 : index
        %swap3A_574 = tpu.vector_load %arg14[%swap3A_572, %swap3A_573] {strides = array<i32>} : memref<100x128xf32, #tpu.memory_space<vmem>>, vector<16xf32>,
        tpu.vector_store %arg14[%swap3A_572, %swap3A_573], %mul3A_571 {strides = array<i32>} : memref<100x128xf32, #tpu.memory_space<vmem>>, vector<16xf32>,
        %mul3A_575 = arith.constant 4 : i32
        %mul3A_576 = arith.muli %scan3A_513, %mul3A_575 : i32
        %add3A_577 = arith.constant 1 : i32
        %add3A_578 = arith.addi %mul3A_576, %add3A_577 : i32
        %mul3A_579 = arith.constant 100 : i32
        %mul3A_580 = arith.muli %add3A_478, %mul3A_579 : i32
        %add3A_581 = arith.addi %mul3A_580, %add3A_578 : i32
        %broadcast_in_dim3A_582 = vector.broadcast %add3A_581 : i32 to vector<16xi32>
        %gather3A_583 = tpu.vector_load_idx %arg10[%broadcast_in_dim3A_582] : memref<10000xf32, #tpu.memory_space<vmem>>[vector<16xi32>], vector<16xf32>,
        %get3A_584 = arith.index_cast %add3A_578 : i32 to index
        %get3A_585 = arith.constant 0 : index
        %get3A_586 = tpu.vector_load %arg14[%get3A_584, %get3A_585] {strides = array<i32>} : memref<100x128xf32, #tpu.memory_space<vmem>>, vector<16xf32>,
        %mul3A_587 = arith.mulf %get3A_586, %gather3A_583 : vector<16xf32>
        %swap3A_588 = arith.index_cast %add3A_578 : i32 to index
        %swap3A_589 = arith.constant 0 : index
        %swap3A_590 = tpu.vector_load %arg14[%swap3A_588, %swap3A_589] {strides = array<i32>} : memref<100x128xf32, #tpu.memory_space<vmem>>, vector<16xf32>,
        tpu.vector_store %arg14[%swap3A_588, %swap3A_589], %mul3A_587 {strides = array<i32>} : memref<100x128xf32, #tpu.memory_space<vmem>>, vector<16xf32>,
        %get3A_591 = arith.index_cast %add3A_578 : i32 to index
        %get3A_592 = arith.constant 16 : index
        %get3A_593 = tpu.vector_load %arg14[%get3A_591, %get3A_592] {strides = array<i32>} : memref<100x128xf32, #tpu.memory_space<vmem>>, vector<16xf32>,
        %mul3A_594 = arith.mulf %get3A_593, %gather3A_583 : vector<16xf32>
        %swap3A_595 = arith.index_cast %add3A_578 : i32 to index
        %swap3A_596 = arith.constant 16 : index
        %swap3A_597 = tpu.vector_load %arg14[%swap3A_595, %swap3A_596] {strides = array<i32>} : memref<100x128xf32, #tpu.memory_space<vmem>>, vector<16xf32>,
        tpu.vector_store %arg14[%swap3A_595, %swap3A_596], %mul3A_594 {strides = array<i32>} : memref<100x128xf32, #tpu.memory_space<vmem>>, vector<16xf32>,
        %get3A_598 = arith.index_cast %add3A_578 : i32 to index
        %get3A_599 = arith.constant 32 : index
        %get3A_600 = tpu.vector_load %arg14[%get3A_598, %get3A_599] {strides = array<i32>} : memref<100x128xf32, #tpu.memory_space<vmem>>, vector<16xf32>,
        %mul3A_601 = arith.mulf %get3A_600, %gather3A_583 : vector<16xf32>
        %swap3A_602 = arith.index_cast %add3A_578 : i32 to index
        %swap3A_603 = arith.constant 32 : index
        %swap3A_604 = tpu.vector_load %arg14[%swap3A_602, %swap3A_603] {strides = array<i32>} : memref<100x128xf32, #tpu.memory_space<vmem>>, vector<16xf32>,
        tpu.vector_store %arg14[%swap3A_602, %swap3A_603], %mul3A_601 {strides = array<i32>} : memref<100x128xf32, #tpu.memory_space<vmem>>, vector<16xf32>,
        %get3A_605 = arith.index_cast %add3A_578 : i32 to index
        %get3A_606 = arith.constant 48 : index
        %get3A_607 = tpu.vector_load %arg14[%get3A_605, %get3A_606] {strides = array<i32>} : memref<100x128xf32, #tpu.memory_space<vmem>>, vector<16xf32>,
        %mul3A_608 = arith.mulf %get3A_607, %gather3A_583 : vector<16xf32>
        %swap3A_609 = arith.index_cast %add3A_578 : i32 to index
        %swap3A_610 = arith.constant 48 : index
        %swap3A_611 = tpu.vector_load %arg14[%swap3A_609, %swap3A_610] {strides = array<i32>} : memref<100x128xf32, #tpu.memory_space<vmem>>, vector<16xf32>,
        tpu.vector_store %arg14[%swap3A_609, %swap3A_610], %mul3A_608 {strides = array<i32>} : memref<100x128xf32, #tpu.memory_space<vmem>>, vector<16xf32>,
        %get3A_612 = arith.index_cast %add3A_578 : i32 to index
        %get3A_613 = arith.constant 64 : index
        %get3A_614 = tpu.vector_load %arg14[%get3A_612, %get3A_613] {strides = array<i32>} : memref<100x128xf32, #tpu.memory_space<vmem>>, vector<16xf32>,
        %mul3A_615 = arith.mulf %get3A_614, %gather3A_583 : vector<16xf32>
        %swap3A_616 = arith.index_cast %add3A_578 : i32 to index
        %swap3A_617 = arith.constant 64 : index
        %swap3A_618 = tpu.vector_load %arg14[%swap3A_616, %swap3A_617] {strides = array<i32>} : memref<100x128xf32, #tpu.memory_space<vmem>>, vector<16xf32>,
        tpu.vector_store %arg14[%swap3A_616, %swap3A_617], %mul3A_615 {strides = array<i32>} : memref<100x128xf32, #tpu.memory_space<vmem>>, vector<16xf32>,
        %get3A_619 = arith.index_cast %add3A_578 : i32 to index
        %get3A_620 = arith.constant 80 : index
        %get3A_621 = tpu.vector_load %arg14[%get3A_619, %get3A_620] {strides = array<i32>} : memref<100x128xf32, #tpu.memory_space<vmem>>, vector<16xf32>,
        %mul3A_622 = arith.mulf %get3A_621, %gather3A_583 : vector<16xf32>
        %swap3A_623 = arith.index_cast %add3A_578 : i32 to index
        %swap3A_624 = arith.constant 80 : index
        %swap3A_625 = tpu.vector_load %arg14[%swap3A_623, %swap3A_624] {strides = array<i32>} : memref<100x128xf32, #tpu.memory_space<vmem>>, vector<16xf32>,
        tpu.vector_store %arg14[%swap3A_623, %swap3A_624], %mul3A_622 {strides = array<i32>} : memref<100x128xf32, #tpu.memory_space<vmem>>, vector<16xf32>,
        %get3A_626 = arith.index_cast %add3A_578 : i32 to index
        %get3A_627 = arith.constant 96 : index
        %get3A_628 = tpu.vector_load %arg14[%get3A_626, %get3A_627] {strides = array<i32>} : memref<100x128xf32, #tpu.memory_space<vmem>>, vector<16xf32>,
        %mul3A_629 = arith.mulf %get3A_628, %gather3A_583 : vector<16xf32>
        %swap3A_630 = arith.index_cast %add3A_578 : i32 to index
        %swap3A_631 = arith.constant 96 : index
        %swap3A_632 = tpu.vector_load %arg14[%swap3A_630, %swap3A_631] {strides = array<i32>} : memref<100x128xf32, #tpu.memory_space<vmem>>, vector<16xf32>,
        tpu.vector_store %arg14[%swap3A_630, %swap3A_631], %mul3A_629 {strides = array<i32>} : memref<100x128xf32, #tpu.memory_space<vmem>>, vector<16xf32>,
        %get3A_633 = arith.index_cast %add3A_578 : i32 to index
        %get3A_634 = arith.constant 112 : index
        %get3A_635 = tpu.vector_load %arg14[%get3A_633, %get3A_634] {strides = array<i32>} : memref<100x128xf32, #tpu.memory_space<vmem>>, vector<16xf32>,
        %mul3A_636 = arith.mulf %get3A_635, %gather3A_583 : vector<16xf32>
        %swap3A_637 = arith.index_cast %add3A_578 : i32 to index
        %swap3A_638 = arith.constant 112 : index
        %swap3A_639 = tpu.vector_load %arg14[%swap3A_637, %swap3A_638] {strides = array<i32>} : memref<100x128xf32, #tpu.memory_space<vmem>>, vector<16xf32>,
        tpu.vector_store %arg14[%swap3A_637, %swap3A_638], %mul3A_636 {strides = array<i32>} : memref<100x128xf32, #tpu.memory_space<vmem>>, vector<16xf32>,
        %mul3A_640 = arith.constant 4 : i32
        %mul3A_641 = arith.muli %scan3A_513, %mul3A_640 : i32
        %add3A_642 = arith.constant 2 : i32
        %add3A_643 = arith.addi %mul3A_641, %add3A_642 : i32
        %mul3A_644 = arith.constant 100 : i32
        %mul3A_645 = arith.muli %add3A_478, %mul3A_644 : i32
        %add3A_646 = arith.addi %mul3A_645, %add3A_643 : i32
        %broadcast_in_dim3A_647 = vector.broadcast %add3A_646 : i32 to vector<16xi32>
        %gather3A_648 = tpu.vector_load_idx %arg10[%broadcast_in_dim3A_647] : memref<10000xf32, #tpu.memory_space<vmem>>[vector<16xi32>], vector<16xf32>,
        %get3A_649 = arith.index_cast %add3A_643 : i32 to index
        %get3A_650 = arith.constant 0 : index
        %get3A_651 = tpu.vector_load %arg14[%get3A_649, %get3A_650] {strides = array<i32>} : memref<100x128xf32, #tpu.memory_space<vmem>>, vector<16xf32>,
        %mul3A_652 = arith.mulf %get3A_651, %gather3A_648 : vector<16xf32>
        %swap3A_653 = arith.index_cast %add3A_643 : i32 to index
        %swap3A_654 = arith.constant 0 : index
        %swap3A_655 = tpu.vector_load %arg14[%swap3A_653, %swap3A_654] {strides = array<i32>} : memref<100x128xf32, #tpu.memory_space<vmem>>, vector<16xf32>,
        tpu.vector_store %arg14[%swap3A_653, %swap3A_654], %mul3A_652 {strides = array<i32>} : memref<100x128xf32, #tpu.memory_space<vmem>>, vector<16xf32>,
        %get3A_656 = arith.index_cast %add3A_643 : i32 to index
        %get3A_657 = arith.constant 16 : index
        %get3A_658 = tpu.vector_load %arg14[%get3A_656, %get3A_657] {strides = array<i32>} : memref<100x128xf32, #tpu.memory_space<vmem>>, vector<16xf32>,
        %mul3A_659 = arith.mulf %get3A_658, %gather3A_648 : vector<16xf32>
        %swap3A_660 = arith.index_cast %add3A_643 : i32 to index
        %swap3A_661 = arith.constant 16 : index
        %swap3A_662 = tpu.vector_load %arg14[%swap3A_660, %swap3A_661] {strides = array<i32>} : memref<100x128xf32, #tpu.memory_space<vmem>>, vector<16xf32>,
        tpu.vector_store %arg14[%swap3A_660, %swap3A_661], %mul3A_659 {strides = array<i32>} : memref<100x128xf32, #tpu.memory_space<vmem>>, vector<16xf32>,
        %get3A_663 = arith.index_cast %add3A_643 : i32 to index
        %get3A_664 = arith.constant 32 : index
        %get3A_665 = tpu.vector_load %arg14[%get3A_663, %get3A_664] {strides = array<i32>} : memref<100x128xf32, #tpu.memory_space<vmem>>, vector<16xf32>,
        %mul3A_666 = arith.mulf %get3A_665, %gather3A_648 : vector<16xf32>
        %swap3A_667 = arith.index_cast %add3A_643 : i32 to index
        %swap3A_668 = arith.constant 32 : index
        %swap3A_669 = tpu.vector_load %arg14[%swap3A_667, %swap3A_668] {strides = array<i32>} : memref<100x128xf32, #tpu.memory_space<vmem>>, vector<16xf32>,
        tpu.vector_store %arg14[%swap3A_667, %swap3A_668], %mul3A_666 {strides = array<i32>} : memref<100x128xf32, #tpu.memory_space<vmem>>, vector<16xf32>,
        %get3A_670 = arith.index_cast %add3A_643 : i32 to index
        %get3A_671 = arith.constant 48 : index
        %get3A_672 = tpu.vector_load %arg14[%get3A_670, %get3A_671] {strides = array<i32>} : memref<100x128xf32, #tpu.memory_space<vmem>>, vector<16xf32>,
        %mul3A_673 = arith.mulf %get3A_672, %gather3A_648 : vector<16xf32>
        %swap3A_674 = arith.index_cast %add3A_643 : i32 to index
        %swap3A_675 = arith.constant 48 : index
        %swap3A_676 = tpu.vector_load %arg14[%swap3A_674, %swap3A_675] {strides = array<i32>} : memref<100x128xf32, #tpu.memory_space<vmem>>, vector<16xf32>,
        tpu.vector_store %arg14[%swap3A_674, %swap3A_675], %mul3A_673 {strides = array<i32>} : memref<100x128xf32, #tpu.memory_space<vmem>>, vector<16xf32>,
        %get3A_677 = arith.index_cast %add3A_643 : i32 to index
        %get3A_678 = arith.constant 64 : index
        %get3A_679 = tpu.vector_load %arg14[%get3A_677, %get3A_678] {strides = array<i32>} : memref<100x128xf32, #tpu.memory_space<vmem>>, vector<16xf32>,
        %mul3A_680 = arith.mulf %get3A_679, %gather3A_648 : vector<16xf32>
        %swap3A_681 = arith.index_cast %add3A_643 : i32 to index
        %swap3A_682 = arith.constant 64 : index
        %swap3A_683 = tpu.vector_load %arg14[%swap3A_681, %swap3A_682] {strides = array<i32>} : memref<100x128xf32, #tpu.memory_space<vmem>>, vector<16xf32>,
        tpu.vector_store %arg14[%swap3A_681, %swap3A_682], %mul3A_680 {strides = array<i32>} : memref<100x128xf32, #tpu.memory_space<vmem>>, vector<16xf32>,
        %get3A_684 = arith.index_cast %add3A_643 : i32 to index
        %get3A_685 = arith.constant 80 : index
        %get3A_686 = tpu.vector_load %arg14[%get3A_684, %get3A_685] {strides = array<i32>} : memref<100x128xf32, #tpu.memory_space<vmem>>, vector<16xf32>,
        %mul3A_687 = arith.mulf %get3A_686, %gather3A_648 : vector<16xf32>
        %swap3A_688 = arith.index_cast %add3A_643 : i32 to index
        %swap3A_689 = arith.constant 80 : index
        %swap3A_690 = tpu.vector_load %arg14[%swap3A_688, %swap3A_689] {strides = array<i32>} : memref<100x128xf32, #tpu.memory_space<vmem>>, vector<16xf32>,
        tpu.vector_store %arg14[%swap3A_688, %swap3A_689], %mul3A_687 {strides = array<i32>} : memref<100x128xf32, #tpu.memory_space<vmem>>, vector<16xf32>,
        %get3A_691 = arith.index_cast %add3A_643 : i32 to index
        %get3A_692 = arith.constant 96 : index
        %get3A_693 = tpu.vector_load %arg14[%get3A_691, %get3A_692] {strides = array<i32>} : memref<100x128xf32, #tpu.memory_space<vmem>>, vector<16xf32>,
        %mul3A_694 = arith.mulf %get3A_693, %gather3A_648 : vector<16xf32>
        %swap3A_695 = arith.index_cast %add3A_643 : i32 to index
        %swap3A_696 = arith.constant 96 : index
        %swap3A_697 = tpu.vector_load %arg14[%swap3A_695, %swap3A_696] {strides = array<i32>} : memref<100x128xf32, #tpu.memory_space<vmem>>, vector<16xf32>,
        tpu.vector_store %arg14[%swap3A_695, %swap3A_696], %mul3A_694 {strides = array<i32>} : memref<100x128xf32, #tpu.memory_space<vmem>>, vector<16xf32>,
        %get3A_698 = arith.index_cast %add3A_643 : i32 to index
        %get3A_699 = arith.constant 112 : index
        %get3A_700 = tpu.vector_load %arg14[%get3A_698, %get3A_699] {strides = array<i32>} : memref<100x128xf32, #tpu.memory_space<vmem>>, vector<16xf32>,
        %mul3A_701 = arith.mulf %get3A_700, %gather3A_648 : vector<16xf32>
        %swap3A_702 = arith.index_cast %add3A_643 : i32 to index
        %swap3A_703 = arith.constant 112 : index
        %swap3A_704 = tpu.vector_load %arg14[%swap3A_702, %swap3A_703] {strides = array<i32>} : memref<100x128xf32, #tpu.memory_space<vmem>>, vector<16xf32>,
        tpu.vector_store %arg14[%swap3A_702, %swap3A_703], %mul3A_701 {strides = array<i32>} : memref<100x128xf32, #tpu.memory_space<vmem>>, vector<16xf32>,
        %mul3A_705 = arith.constant 4 : i32
        %mul3A_706 = arith.muli %scan3A_513, %mul3A_705 : i32
        %add3A_707 = arith.constant 3 : i32
        %add3A_708 = arith.addi %mul3A_706, %add3A_707 : i32
        %mul3A_709 = arith.constant 100 : i32
        %mul3A_710 = arith.muli %add3A_478, %mul3A_709 : i32
        %add3A_711 = arith.addi %mul3A_710, %add3A_708 : i32
        %broadcast_in_dim3A_712 = vector.broadcast %add3A_711 : i32 to vector<16xi32>
        %gather3A_713 = tpu.vector_load_idx %arg10[%broadcast_in_dim3A_712] : memref<10000xf32, #tpu.memory_space<vmem>>[vector<16xi32>], vector<16xf32>,
        %get3A_714 = arith.index_cast %add3A_708 : i32 to index
        %get3A_715 = arith.constant 0 : index
        %get3A_716 = tpu.vector_load %arg14[%get3A_714, %get3A_715] {strides = array<i32>} : memref<100x128xf32, #tpu.memory_space<vmem>>, vector<16xf32>,
        %mul3A_717 = arith.mulf %get3A_716, %gather3A_713 : vector<16xf32>
        %swap3A_718 = arith.index_cast %add3A_708 : i32 to index
        %swap3A_719 = arith.constant 0 : index
        %swap3A_720 = tpu.vector_load %arg14[%swap3A_718, %swap3A_719] {strides = array<i32>} : memref<100x128xf32, #tpu.memory_space<vmem>>, vector<16xf32>,
        tpu.vector_store %arg14[%swap3A_718, %swap3A_719], %mul3A_717 {strides = array<i32>} : memref<100x128xf32, #tpu.memory_space<vmem>>, vector<16xf32>,
        %get3A_721 = arith.index_cast %add3A_708 : i32 to index
        %get3A_722 = arith.constant 16 : index
        %get3A_723 = tpu.vector_load %arg14[%get3A_721, %get3A_722] {strides = array<i32>} : memref<100x128xf32, #tpu.memory_space<vmem>>, vector<16xf32>,
        %mul3A_724 = arith.mulf %get3A_723, %gather3A_713 : vector<16xf32>
        %swap3A_725 = arith.index_cast %add3A_708 : i32 to index
        %swap3A_726 = arith.constant 16 : index
        %swap3A_727 = tpu.vector_load %arg14[%swap3A_725, %swap3A_726] {strides = array<i32>} : memref<100x128xf32, #tpu.memory_space<vmem>>, vector<16xf32>,
        tpu.vector_store %arg14[%swap3A_725, %swap3A_726], %mul3A_724 {strides = array<i32>} : memref<100x128xf32, #tpu.memory_space<vmem>>, vector<16xf32>,
        %get3A_728 = arith.index_cast %add3A_708 : i32 to index
        %get3A_729 = arith.constant 32 : index
        %get3A_730 = tpu.vector_load %arg14[%get3A_728, %get3A_729] {strides = array<i32>} : memref<100x128xf32, #tpu.memory_space<vmem>>, vector<16xf32>,
        %mul3A_731 = arith.mulf %get3A_730, %gather3A_713 : vector<16xf32>
        %swap3A_732 = arith.index_cast %add3A_708 : i32 to index
        %swap3A_733 = arith.constant 32 : index
        %swap3A_734 = tpu.vector_load %arg14[%swap3A_732, %swap3A_733] {strides = array<i32>} : memref<100x128xf32, #tpu.memory_space<vmem>>, vector<16xf32>,
        tpu.vector_store %arg14[%swap3A_732, %swap3A_733], %mul3A_731 {strides = array<i32>} : memref<100x128xf32, #tpu.memory_space<vmem>>, vector<16xf32>,
        %get3A_735 = arith.index_cast %add3A_708 : i32 to index
        %get3A_736 = arith.constant 48 : index
        %get3A_737 = tpu.vector_load %arg14[%get3A_735, %get3A_736] {strides = array<i32>} : memref<100x128xf32, #tpu.memory_space<vmem>>, vector<16xf32>,
        %mul3A_738 = arith.mulf %get3A_737, %gather3A_713 : vector<16xf32>
        %swap3A_739 = arith.index_cast %add3A_708 : i32 to index
        %swap3A_740 = arith.constant 48 : index
        %swap3A_741 = tpu.vector_load %arg14[%swap3A_739, %swap3A_740] {strides = array<i32>} : memref<100x128xf32, #tpu.memory_space<vmem>>, vector<16xf32>,
        tpu.vector_store %arg14[%swap3A_739, %swap3A_740], %mul3A_738 {strides = array<i32>} : memref<100x128xf32, #tpu.memory_space<vmem>>, vector<16xf32>,
        %get3A_742 = arith.index_cast %add3A_708 : i32 to index
        %get3A_743 = arith.constant 64 : index
        %get3A_744 = tpu.vector_load %arg14[%get3A_742, %get3A_743] {strides = array<i32>} : memref<100x128xf32, #tpu.memory_space<vmem>>, vector<16xf32>,
        %mul3A_745 = arith.mulf %get3A_744, %gather3A_713 : vector<16xf32>
        %swap3A_746 = arith.index_cast %add3A_708 : i32 to index
        %swap3A_747 = arith.constant 64 : index
        %swap3A_748 = tpu.vector_load %arg14[%swap3A_746, %swap3A_747] {strides = array<i32>} : memref<100x128xf32, #tpu.memory_space<vmem>>, vector<16xf32>,
        tpu.vector_store %arg14[%swap3A_746, %swap3A_747], %mul3A_745 {strides = array<i32>} : memref<100x128xf32, #tpu.memory_space<vmem>>, vector<16xf32>,
        %get3A_749 = arith.index_cast %add3A_708 : i32 to index
        %get3A_750 = arith.constant 80 : index
        %get3A_751 = tpu.vector_load %arg14[%get3A_749, %get3A_750] {strides = array<i32>} : memref<100x128xf32, #tpu.memory_space<vmem>>, vector<16xf32>,
        %mul3A_752 = arith.mulf %get3A_751, %gather3A_713 : vector<16xf32>
        %swap3A_753 = arith.index_cast %add3A_708 : i32 to index
        %swap3A_754 = arith.constant 80 : index
        %swap3A_755 = tpu.vector_load %arg14[%swap3A_753, %swap3A_754] {strides = array<i32>} : memref<100x128xf32, #tpu.memory_space<vmem>>, vector<16xf32>,
        tpu.vector_store %arg14[%swap3A_753, %swap3A_754], %mul3A_752 {strides = array<i32>} : memref<100x128xf32, #tpu.memory_space<vmem>>, vector<16xf32>,
        %get3A_756 = arith.index_cast %add3A_708 : i32 to index
        %get3A_757 = arith.constant 96 : index
        %get3A_758 = tpu.vector_load %arg14[%get3A_756, %get3A_757] {strides = array<i32>} : memref<100x128xf32, #tpu.memory_space<vmem>>, vector<16xf32>,
        %mul3A_759 = arith.mulf %get3A_758, %gather3A_713 : vector<16xf32>
        %swap3A_760 = arith.index_cast %add3A_708 : i32 to index
        %swap3A_761 = arith.constant 96 : index
        %swap3A_762 = tpu.vector_load %arg14[%swap3A_760, %swap3A_761] {strides = array<i32>} : memref<100x128xf32, #tpu.memory_space<vmem>>, vector<16xf32>,
        tpu.vector_store %arg14[%swap3A_760, %swap3A_761], %mul3A_759 {strides = array<i32>} : memref<100x128xf32, #tpu.memory_space<vmem>>, vector<16xf32>,
        %get3A_763 = arith.index_cast %add3A_708 : i32 to index
        %get3A_764 = arith.constant 112 : index
        %get3A_765 = tpu.vector_load %arg14[%get3A_763, %get3A_764] {strides = array<i32>} : memref<100x128xf32, #tpu.memory_space<vmem>>, vector<16xf32>,
        %mul3A_766 = arith.mulf %get3A_765, %gather3A_713 : vector<16xf32>
        %swap3A_767 = arith.index_cast %add3A_708 : i32 to index
        %swap3A_768 = arith.constant 112 : index
        %swap3A_769 = tpu.vector_load %arg14[%swap3A_767, %swap3A_768] {strides = array<i32>} : memref<100x128xf32, #tpu.memory_space<vmem>>, vector<16xf32>,
        tpu.vector_store %arg14[%swap3A_767, %swap3A_768], %mul3A_766 {strides = array<i32>} : memref<100x128xf32, #tpu.memory_space<vmem>>, vector<16xf32>,
      }
      %scan3A_509 = arith.constant 25 : i32
      %dma_start3A_510 = arith.constant 0 : i32
      %dma_start3A_511 = arith.constant 0 : i32
      %dma_start3A_512 = tpu.memref_slice %arg7[%dma_start3A_510, %dma_start3A_511] : memref<10000x128xf32, #tpu.memory_space<vmem_shared>> -> memref<10000x128xf32, #tpu.memory_space<vmem_shared>>
      tpu.enqueue_indirect_dma source(%arg14 : memref<100x128xf32, #tpu.memory_space<vmem>>) target(%dma_start3A_512 : memref<10000x128xf32, #tpu.memory_space<vmem_shared>>) offsets(%arg12 : memref<100xi32, #tpu.memory_space<vmem>>) semaphore(%arg19 : memref<!tpu.dma_semaphore, #tpu.memory_space<semaphore_mem>>) {add = true}
    }
    %scan3A_428 = arith.constant 50 : i32
    %dma_wait3A_429 = arith.constant 0 : i32
    %dma_wait3A_430 = arith.constant 0 : i32
    %dma_wait3A_431 = tpu.memref_slice %arg7[%dma_wait3A_429, %dma_wait3A_430] : memref<10000x128xf32, #tpu.memory_space<vmem_shared>> -> memref<10000x128xf32, #tpu.memory_space<vmem_shared>>
    tpu.wait_indirect_dma semaphore(%arg19 : memref<!tpu.dma_semaphore, #tpu.memory_space<semaphore_mem>>) src(%arg14 : memref<100x128xf32, #tpu.memory_space<vmem>>) dst(%dma_wait3A_431 : memref<10000x128xf32, #tpu.memory_space<vmem_shared>>)
    %barrier3A_432 = arith.constant 0 : index
    tpu.barrier barrier_id(%barrier3A_432)
    %mul3A_433 = arith.constant 625 : i32
    %mul3A_434 = arith.muli %arg1, %mul3A_433 : i32
    %mul3A_435 = arith.constant 10000 : i32
    %mul3A_436 = arith.muli %arg0, %mul3A_435 : i32
    %mul3A_437 = arith.constant 625 : i32
    %mul3A_438 = arith.muli %arg1, %mul3A_437 : i32
    %add3A_439 = arith.addi %mul3A_436, %mul3A_438 : i32
    "tpu.region"() ({
      %run_scoped3A = tpu.sem_alloc : memref<!tpu.dma_semaphore, #tpu.memory_space<semaphore_mem>>
      %dma_start3A_440 = arith.constant 0 : i32
      %dma_start3A_441 = tpu.memref_slice %arg6[%add3A_439, %dma_start3A_440] : memref<20000x128xf32, #tpu.memory_space<hbm>> -> memref<625x128xf32, #tpu.memory_space<hbm>>
      %dma_start3A_442 = arith.constant 0 : i32
      %dma_start3A_443 = tpu.memref_slice %arg7[%mul3A_434, %dma_start3A_442] : memref<10000x128xf32, #tpu.memory_space<vmem_shared>> -> memref<625x128xf32, #tpu.memory_space<vmem_shared>>
      tpu.enqueue_dma source(%dma_start3A_443 : memref<625x128xf32, #tpu.memory_space<vmem_shared>>) target(%dma_start3A_441 : memref<625x128xf32, #tpu.memory_space<hbm>>) target_semaphore(%run_scoped3A : memref<!tpu.dma_semaphore, #tpu.memory_space<semaphore_mem>>)
      %dma_wait3A_444 = arith.constant 0 : i32
      %dma_wait3A_445 = tpu.memref_slice %arg6[%add3A_439, %dma_wait3A_444] : memref<20000x128xf32, #tpu.memory_space<hbm>> -> memref<625x128xf32, #tpu.memory_space<hbm>>
      %dma_wait3A_446 = arith.constant 0 : i32
      %dma_wait3A_447 = tpu.memref_slice %arg7[%mul3A_434, %dma_wait3A_446] : memref<10000x128xf32, #tpu.memory_space<vmem_shared>> -> memref<625x128xf32, #tpu.memory_space<vmem_shared>>
      tpu.wait_dma2 semaphore(%run_scoped3A : memref<!tpu.dma_semaphore, #tpu.memory_space<semaphore_mem>>) src(%dma_wait3A_447 : memref<625x128xf32, #tpu.memory_space<vmem_shared>>) dst(%dma_wait3A_445 : memref<625x128xf32, #tpu.memory_space<hbm>>)
      tpu.yield
    }) : () -> ()
    return
  }
}

#map = affine_map<(d0, d1) -> (0, 0)>
#map1 = affine_map<(d0, d1) -> (0)>
module attributes {stable_mosaic.version = 14 : i64} {
  func.func @_edge_pass(%arg0: i32, %arg1: i32, %arg2: memref<80000x128xf32, #tpu.memory_space<hbm>>, %arg3: memref<3200x100xi32, #tpu.memory_space<hbm>>, %arg4: memref<320000xf32, #tpu.memory_space<hbm>>, %arg5: memref<3200x100xi32, #tpu.memory_space<hbm>>, %arg6: memref<20000x128xf32, #tpu.memory_space<hbm>>, %arg7: memref<10000x128xf32, #tpu.memory_space<vmem_shared>>, %arg8: memref<25x128xf32, #tpu.memory_space<vmem>>, %arg9: memref<100x100xi32, #tpu.memory_space<vmem>>, %arg10: memref<10000xf32, #tpu.memory_space<vmem>>, %arg11: memref<100xi32, #tpu.memory_space<vmem>>, %arg12: memref<100xi32, #tpu.memory_space<vmem>>, %arg13: memref<100x128xf32, #tpu.memory_space<vmem>>, %arg14: memref<100x128xf32, #tpu.memory_space<vmem>>, %arg15: memref<!tpu.dma_semaphore, #tpu.memory_space<semaphore_mem>>, %arg16: memref<!tpu.dma_semaphore, #tpu.memory_space<semaphore_mem>>, %arg17: memref<!tpu.dma_semaphore, #tpu.memory_space<semaphore_mem>>, %arg18: memref<!tpu.dma_semaphore, #tpu.memory_space<semaphore_mem>>, %arg19: memref<!tpu.dma_semaphore, #tpu.memory_space<semaphore_mem>>, %arg20: memref<!tpu.dma_semaphore, #tpu.memory_space<semaphore_mem>>, %arg21: memref<!tpu.dma_semaphore, #tpu.memory_space<semaphore_mem>>) attributes {dimension_semantics = [#tpu.dimension_semantics<core_parallel>, #tpu.dimension_semantics<subcore_parallel>], iteration_bounds = array<i64: 2, 16>, scalar_prefetch = 0 : i64, scratch_operands = 15 : i64, tpu.core_type = #tpu.core_type<sc_vector_subcore>, window_params = [{transform_indices = #map}, {transform_indices = #map}, {transform_indices = #map1}, {transform_indices = #map}, {transform_indices = #map}]} {
    %mul3A = arith.constant 2 : i32
    %mul3A_0 = arith.muli %arg1, %mul3A : i32
    %add3A = arith.addi %mul3A_0, %arg0 : i32
    %mul3A_1 = arith.constant 100 : i32
    %mul3A_2 = arith.muli %add3A, %mul3A_1 : i32
    "tpu.region"() ({
      %run_scoped3A = tpu.sem_alloc : memref<!tpu.dma_semaphore, #tpu.memory_space<semaphore_mem>>
      %dma_start3A_440 = arith.constant 0 : i32
      %dma_start3A_441 = tpu.memref_slice %arg3[%mul3A_2, %dma_start3A_440] : memref<3200x100xi32, #tpu.memory_space<hbm>> -> memref<100x100xi32, #tpu.memory_space<hbm>>
      %dma_start3A_442 = arith.constant 0 : i32
      %dma_start3A_443 = tpu.memref_slice %arg3[%mul3A_2, %dma_start3A_442] : memref<3200x100xi32, #tpu.memory_space<hbm>> -> memref<100x100xi32, #tpu.memory_space<hbm>>
      tpu.enqueue_dma source(%dma_start3A_443 : memref<100x100xi32, #tpu.memory_space<hbm>>) target(%arg9 : memref<100x100xi32, #tpu.memory_space<vmem>>) target_semaphore(%run_scoped3A : memref<!tpu.dma_semaphore, #tpu.memory_space<semaphore_mem>>)
      %dma_wait3A_444 = arith.constant 0 : i32
      %dma_wait3A_445 = tpu.memref_slice %arg3[%mul3A_2, %dma_wait3A_444] : memref<3200x100xi32, #tpu.memory_space<hbm>> -> memref<100x100xi32, #tpu.memory_space<hbm>>
      %dma_wait3A_446 = arith.constant 0 : i32
      %dma_wait3A_447 = tpu.memref_slice %arg3[%mul3A_2, %dma_wait3A_446] : memref<3200x100xi32, #tpu.memory_space<hbm>> -> memref<100x100xi32, #tpu.memory_space<hbm>>
      tpu.wait_dma2 semaphore(%run_scoped3A : memref<!tpu.dma_semaphore, #tpu.memory_space<semaphore_mem>>) src(%dma_wait3A_447 : memref<100x100xi32, #tpu.memory_space<hbm>>) dst(%arg9 : memref<100x100xi32, #tpu.memory_space<vmem>>)
      tpu.yield
    }) : () -> ()
    %mul3A_3 = arith.constant 10000 : i32
    %mul3A_4 = arith.muli %add3A, %mul3A_3 : i32
    "tpu.region"() ({
      %run_scoped3A = tpu.sem_alloc : memref<!tpu.dma_semaphore, #tpu.memory_space<semaphore_mem>>
      %dma_start3A_440 = tpu.memref_slice %arg4[%mul3A_4] : memref<320000xf32, #tpu.memory_space<hbm>> -> memref<10000xf32, #tpu.memory_space<hbm>>
      %dma_start3A_441 = tpu.memref_slice %arg4[%mul3A_4] : memref<320000xf32, #tpu.memory_space<hbm>> -> memref<10000xf32, #tpu.memory_space<hbm>>
      tpu.enqueue_dma source(%dma_start3A_441 : memref<10000xf32, #tpu.memory_space<hbm>>) target(%arg10 : memref<10000xf32, #tpu.memory_space<vmem>>) target_semaphore(%run_scoped3A : memref<!tpu.dma_semaphore, #tpu.memory_space<semaphore_mem>>)
      %dma_wait3A_442 = tpu.memref_slice %arg4[%mul3A_4] : memref<320000xf32, #tpu.memory_space<hbm>> -> memref<10000xf32, #tpu.memory_space<hbm>>
      %dma_wait3A_443 = tpu.memref_slice %arg4[%mul3A_4] : memref<320000xf32, #tpu.memory_space<hbm>> -> memref<10000xf32, #tpu.memory_space<hbm>>
      tpu.wait_dma2 semaphore(%run_scoped3A : memref<!tpu.dma_semaphore, #tpu.memory_space<semaphore_mem>>) src(%dma_wait3A_443 : memref<10000xf32, #tpu.memory_space<hbm>>) dst(%arg10 : memref<10000xf32, #tpu.memory_space<vmem>>)
      tpu.yield
    }) : () -> ()
    %scan3A = arith.constant 0 : i32
    %scan3A_5 = arith.constant 0 : i32
    %scan3A_6 = arith.constant 25 : i32
    %scan3A_7 = arith.addi %scan3A_5, %scan3A_6 : i32
    %scan3A_8 = arith.constant 1 : i32
    scf.for %scan3A_440 = %scan3A_5 to %scan3A_7 step %scan3A_8  : i32 {
      %broadcast_in_dim3A = arith.constant 0.000000e+00 : f32
      %broadcast_in_dim3A_441 = vector.broadcast %broadcast_in_dim3A : f32 to vector<16xf32>
      %swap3A = arith.index_cast %scan3A_440 : i32 to index
      %swap3A_442 = arith.constant 0 : index
      %swap3A_443 = tpu.vector_load %arg8[%swap3A, %swap3A_442] {strides = array<i32>} : memref<25x128xf32, #tpu.memory_space<vmem>>, vector<16xf32>,
      tpu.vector_store %arg8[%swap3A, %swap3A_442], %broadcast_in_dim3A_441 {strides = array<i32>} : memref<25x128xf32, #tpu.memory_space<vmem>>, vector<16xf32>,
      %broadcast_in_dim3A_444 = arith.constant 0.000000e+00 : f32
      %broadcast_in_dim3A_445 = vector.broadcast %broadcast_in_dim3A_444 : f32 to vector<16xf32>
      %swap3A_446 = arith.index_cast %scan3A_440 : i32 to index
      %swap3A_447 = arith.constant 16 : index
      %swap3A_448 = tpu.vector_load %arg8[%swap3A_446, %swap3A_447] {strides = array<i32>} : memref<25x128xf32, #tpu.memory_space<vmem>>, vector<16xf32>,
      tpu.vector_store %arg8[%swap3A_446, %swap3A_447], %broadcast_in_dim3A_445 {strides = array<i32>} : memref<25x128xf32, #tpu.memory_space<vmem>>, vector<16xf32>,
      %broadcast_in_dim3A_449 = arith.constant 0.000000e+00 : f32
      %broadcast_in_dim3A_450 = vector.broadcast %broadcast_in_dim3A_449 : f32 to vector<16xf32>
      %swap3A_451 = arith.index_cast %scan3A_440 : i32 to index
      %swap3A_452 = arith.constant 32 : index
      %swap3A_453 = tpu.vector_load %arg8[%swap3A_451, %swap3A_452] {strides = array<i32>} : memref<25x128xf32, #tpu.memory_space<vmem>>, vector<16xf32>,
      tpu.vector_store %arg8[%swap3A_451, %swap3A_452], %broadcast_in_dim3A_450 {strides = array<i32>} : memref<25x128xf32, #tpu.memory_space<vmem>>, vector<16xf32>,
      %broadcast_in_dim3A_454 = arith.constant 0.000000e+00 : f32
      %broadcast_in_dim3A_455 = vector.broadcast %broadcast_in_dim3A_454 : f32 to vector<16xf32>
      %swap3A_456 = arith.index_cast %scan3A_440 : i32 to index
      %swap3A_457 = arith.constant 48 : index
      %swap3A_458 = tpu.vector_load %arg8[%swap3A_456, %swap3A_457] {strides = array<i32>} : memref<25x128xf32, #tpu.memory_space<vmem>>, vector<16xf32>,
      tpu.vector_store %arg8[%swap3A_456, %swap3A_457], %broadcast_in_dim3A_455 {strides = array<i32>} : memref<25x128xf32, #tpu.memory_space<vmem>>, vector<16xf32>,
      %broadcast_in_dim3A_459 = arith.constant 0.000000e+00 : f32
      %broadcast_in_dim3A_460 = vector.broadcast %broadcast_in_dim3A_459 : f32 to vector<16xf32>
      %swap3A_461 = arith.index_cast %scan3A_440 : i32 to index
      %swap3A_462 = arith.constant 64 : index
      %swap3A_463 = tpu.vector_load %arg8[%swap3A_461, %swap3A_462] {strides = array<i32>} : memref<25x128xf32, #tpu.memory_space<vmem>>, vector<16xf32>,
      tpu.vector_store %arg8[%swap3A_461, %swap3A_462], %broadcast_in_dim3A_460 {strides = array<i32>} : memref<25x128xf32, #tpu.memory_space<vmem>>, vector<16xf32>,
      %broadcast_in_dim3A_464 = arith.constant 0.000000e+00 : f32
      %broadcast_in_dim3A_465 = vector.broadcast %broadcast_in_dim3A_464 : f32 to vector<16xf32>
      %swap3A_466 = arith.index_cast %scan3A_440 : i32 to index
      %swap3A_467 = arith.constant 80 : index
      %swap3A_468 = tpu.vector_load %arg8[%swap3A_466, %swap3A_467] {strides = array<i32>} : memref<25x128xf32, #tpu.memory_space<vmem>>, vector<16xf32>,
      tpu.vector_store %arg8[%swap3A_466, %swap3A_467], %broadcast_in_dim3A_465 {strides = array<i32>} : memref<25x128xf32, #tpu.memory_space<vmem>>, vector<16xf32>,
      %broadcast_in_dim3A_469 = arith.constant 0.000000e+00 : f32
      %broadcast_in_dim3A_470 = vector.broadcast %broadcast_in_dim3A_469 : f32 to vector<16xf32>
      %swap3A_471 = arith.index_cast %scan3A_440 : i32 to index
      %swap3A_472 = arith.constant 96 : index
      %swap3A_473 = tpu.vector_load %arg8[%swap3A_471, %swap3A_472] {strides = array<i32>} : memref<25x128xf32, #tpu.memory_space<vmem>>, vector<16xf32>,
      tpu.vector_store %arg8[%swap3A_471, %swap3A_472], %broadcast_in_dim3A_470 {strides = array<i32>} : memref<25x128xf32, #tpu.memory_space<vmem>>, vector<16xf32>,
      %broadcast_in_dim3A_474 = arith.constant 0.000000e+00 : f32
      %broadcast_in_dim3A_475 = vector.broadcast %broadcast_in_dim3A_474 : f32 to vector<16xf32>
      %swap3A_476 = arith.index_cast %scan3A_440 : i32 to index
      %swap3A_477 = arith.constant 112 : index
      %swap3A_478 = tpu.vector_load %arg8[%swap3A_476, %swap3A_477] {strides = array<i32>} : memref<25x128xf32, #tpu.memory_space<vmem>>, vector<16xf32>,
      tpu.vector_store %arg8[%swap3A_476, %swap3A_477], %broadcast_in_dim3A_475 {strides = array<i32>} : memref<25x128xf32, #tpu.memory_space<vmem>>, vector<16xf32>,
    }
    %scan3A_9 = arith.constant 25 : i32
    %mul3A_10 = arith.constant 625 : i32
    %mul3A_11 = arith.muli %arg1, %mul3A_10 : i32
    %add3A_12 = arith.constant 0 : i32
    %add3A_13 = arith.addi %mul3A_11, %add3A_12 : i32
    %dma_start3A = arith.constant 0 : i32
    %dma_start3A_14 = tpu.memref_slice %arg7[%add3A_13, %dma_start3A] : memref<10000x128xf32, #tpu.memory_space<vmem_shared>> -> memref<25x128xf32, #tpu.memory_space<vmem_shared>>
    %dma_start3A_15 = arith.constant 0 : i32
    %dma_start3A_16 = tpu.memref_slice %arg7[%add3A_13, %dma_start3A_15] : memref<10000x128xf32, #tpu.memory_space<vmem_shared>> -> memref<25x128xf32, #tpu.memory_space<vmem_shared>>
    tpu.enqueue_dma source(%arg8 : memref<25x128xf32, #tpu.memory_space<vmem>>) target(%dma_start3A_16 : memref<25x128xf32, #tpu.memory_space<vmem_shared>>) target_semaphore(%arg15 : memref<!tpu.dma_semaphore, #tpu.memory_space<semaphore_mem>>)
    %mul3A_17 = arith.constant 625 : i32
    %mul3A_18 = arith.muli %arg1, %mul3A_17 : i32
    %add3A_19 = arith.constant 25 : i32
    %add3A_20 = arith.addi %mul3A_18, %add3A_19 : i32
    %dma_start3A_21 = arith.constant 0 : i32
    %dma_start3A_22 = tpu.memref_slice %arg7[%add3A_20, %dma_start3A_21] : memref<10000x128xf32, #tpu.memory_space<vmem_shared>> -> memref<25x128xf32, #tpu.memory_space<vmem_shared>>
    %dma_start3A_23 = arith.constant 0 : i32
    %dma_start3A_24 = tpu.memref_slice %arg7[%add3A_20, %dma_start3A_23] : memref<10000x128xf32, #tpu.memory_space<vmem_shared>> -> memref<25x128xf32, #tpu.memory_space<vmem_shared>>
    tpu.enqueue_dma source(%arg8 : memref<25x128xf32, #tpu.memory_space<vmem>>) target(%dma_start3A_24 : memref<25x128xf32, #tpu.memory_space<vmem_shared>>) target_semaphore(%arg15 : memref<!tpu.dma_semaphore, #tpu.memory_space<semaphore_mem>>)
    %mul3A_25 = arith.constant 625 : i32
    %mul3A_26 = arith.muli %arg1, %mul3A_25 : i32
    %add3A_27 = arith.constant 50 : i32
    %add3A_28 = arith.addi %mul3A_26, %add3A_27 : i32
    %dma_start3A_29 = arith.constant 0 : i32
    %dma_start3A_30 = tpu.memref_slice %arg7[%add3A_28, %dma_start3A_29] : memref<10000x128xf32, #tpu.memory_space<vmem_shared>> -> memref<25x128xf32, #tpu.memory_space<vmem_shared>>
    %dma_start3A_31 = arith.constant 0 : i32
    %dma_start3A_32 = tpu.memref_slice %arg7[%add3A_28, %dma_start3A_31] : memref<10000x128xf32, #tpu.memory_space<vmem_shared>> -> memref<25x128xf32, #tpu.memory_space<vmem_shared>>
    tpu.enqueue_dma source(%arg8 : memref<25x128xf32, #tpu.memory_space<vmem>>) target(%dma_start3A_32 : memref<25x128xf32, #tpu.memory_space<vmem_shared>>) target_semaphore(%arg15 : memref<!tpu.dma_semaphore, #tpu.memory_space<semaphore_mem>>)
    %mul3A_33 = arith.constant 625 : i32
    %mul3A_34 = arith.muli %arg1, %mul3A_33 : i32
    %add3A_35 = arith.constant 75 : i32
    %add3A_36 = arith.addi %mul3A_34, %add3A_35 : i32
    %dma_start3A_37 = arith.constant 0 : i32
    %dma_start3A_38 = tpu.memref_slice %arg7[%add3A_36, %dma_start3A_37] : memref<10000x128xf32, #tpu.memory_space<vmem_shared>> -> memref<25x128xf32, #tpu.memory_space<vmem_shared>>
    %dma_start3A_39 = arith.constant 0 : i32
    %dma_start3A_40 = tpu.memref_slice %arg7[%add3A_36, %dma_start3A_39] : memref<10000x128xf32, #tpu.memory_space<vmem_shared>> -> memref<25x128xf32, #tpu.memory_space<vmem_shared>>
    tpu.enqueue_dma source(%arg8 : memref<25x128xf32, #tpu.memory_space<vmem>>) target(%dma_start3A_40 : memref<25x128xf32, #tpu.memory_space<vmem_shared>>) target_semaphore(%arg15 : memref<!tpu.dma_semaphore, #tpu.memory_space<semaphore_mem>>)
    %mul3A_41 = arith.constant 625 : i32
    %mul3A_42 = arith.muli %arg1, %mul3A_41 : i32
    %add3A_43 = arith.constant 100 : i32
    %add3A_44 = arith.addi %mul3A_42, %add3A_43 : i32
    %dma_start3A_45 = arith.constant 0 : i32
    %dma_start3A_46 = tpu.memref_slice %arg7[%add3A_44, %dma_start3A_45] : memref<10000x128xf32, #tpu.memory_space<vmem_shared>> -> memref<25x128xf32, #tpu.memory_space<vmem_shared>>
    %dma_start3A_47 = arith.constant 0 : i32
    %dma_start3A_48 = tpu.memref_slice %arg7[%add3A_44, %dma_start3A_47] : memref<10000x128xf32, #tpu.memory_space<vmem_shared>> -> memref<25x128xf32, #tpu.memory_space<vmem_shared>>
    tpu.enqueue_dma source(%arg8 : memref<25x128xf32, #tpu.memory_space<vmem>>) target(%dma_start3A_48 : memref<25x128xf32, #tpu.memory_space<vmem_shared>>) target_semaphore(%arg15 : memref<!tpu.dma_semaphore, #tpu.memory_space<semaphore_mem>>)
    %mul3A_49 = arith.constant 625 : i32
    %mul3A_50 = arith.muli %arg1, %mul3A_49 : i32
    %add3A_51 = arith.constant 125 : i32
    %add3A_52 = arith.addi %mul3A_50, %add3A_51 : i32
    %dma_start3A_53 = arith.constant 0 : i32
    %dma_start3A_54 = tpu.memref_slice %arg7[%add3A_52, %dma_start3A_53] : memref<10000x128xf32, #tpu.memory_space<vmem_shared>> -> memref<25x128xf32, #tpu.memory_space<vmem_shared>>
    %dma_start3A_55 = arith.constant 0 : i32
    %dma_start3A_56 = tpu.memref_slice %arg7[%add3A_52, %dma_start3A_55] : memref<10000x128xf32, #tpu.memory_space<vmem_shared>> -> memref<25x128xf32, #tpu.memory_space<vmem_shared>>
    tpu.enqueue_dma source(%arg8 : memref<25x128xf32, #tpu.memory_space<vmem>>) target(%dma_start3A_56 : memref<25x128xf32, #tpu.memory_space<vmem_shared>>) target_semaphore(%arg15 : memref<!tpu.dma_semaphore, #tpu.memory_space<semaphore_mem>>)
    %mul3A_57 = arith.constant 625 : i32
    %mul3A_58 = arith.muli %arg1, %mul3A_57 : i32
    %add3A_59 = arith.constant 150 : i32
    %add3A_60 = arith.addi %mul3A_58, %add3A_59 : i32
    %dma_start3A_61 = arith.constant 0 : i32
    %dma_start3A_62 = tpu.memref_slice %arg7[%add3A_60, %dma_start3A_61] : memref<10000x128xf32, #tpu.memory_space<vmem_shared>> -> memref<25x128xf32, #tpu.memory_space<vmem_shared>>
    %dma_start3A_63 = arith.constant 0 : i32
    %dma_start3A_64 = tpu.memref_slice %arg7[%add3A_60, %dma_start3A_63] : memref<10000x128xf32, #tpu.memory_space<vmem_shared>> -> memref<25x128xf32, #tpu.memory_space<vmem_shared>>
    tpu.enqueue_dma source(%arg8 : memref<25x128xf32, #tpu.memory_space<vmem>>) target(%dma_start3A_64 : memref<25x128xf32, #tpu.memory_space<vmem_shared>>) target_semaphore(%arg15 : memref<!tpu.dma_semaphore, #tpu.memory_space<semaphore_mem>>)
    %mul3A_65 = arith.constant 625 : i32
    %mul3A_66 = arith.muli %arg1, %mul3A_65 : i32
    %add3A_67 = arith.constant 175 : i32
    %add3A_68 = arith.addi %mul3A_66, %add3A_67 : i32
    %dma_start3A_69 = arith.constant 0 : i32
    %dma_start3A_70 = tpu.memref_slice %arg7[%add3A_68, %dma_start3A_69] : memref<10000x128xf32, #tpu.memory_space<vmem_shared>> -> memref<25x128xf32, #tpu.memory_space<vmem_shared>>
    %dma_start3A_71 = arith.constant 0 : i32
    %dma_start3A_72 = tpu.memref_slice %arg7[%add3A_68, %dma_start3A_71] : memref<10000x128xf32, #tpu.memory_space<vmem_shared>> -> memref<25x128xf32, #tpu.memory_space<vmem_shared>>
    tpu.enqueue_dma source(%arg8 : memref<25x128xf32, #tpu.memory_space<vmem>>) target(%dma_start3A_72 : memref<25x128xf32, #tpu.memory_space<vmem_shared>>) target_semaphore(%arg15 : memref<!tpu.dma_semaphore, #tpu.memory_space<semaphore_mem>>)
    %mul3A_73 = arith.constant 625 : i32
    %mul3A_74 = arith.muli %arg1, %mul3A_73 : i32
    %add3A_75 = arith.constant 200 : i32
    %add3A_76 = arith.addi %mul3A_74, %add3A_75 : i32
    %dma_start3A_77 = arith.constant 0 : i32
    %dma_start3A_78 = tpu.memref_slice %arg7[%add3A_76, %dma_start3A_77] : memref<10000x128xf32, #tpu.memory_space<vmem_shared>> -> memref<25x128xf32, #tpu.memory_space<vmem_shared>>
    %dma_start3A_79 = arith.constant 0 : i32
    %dma_start3A_80 = tpu.memref_slice %arg7[%add3A_76, %dma_start3A_79] : memref<10000x128xf32, #tpu.memory_space<vmem_shared>> -> memref<25x128xf32, #tpu.memory_space<vmem_shared>>
    tpu.enqueue_dma source(%arg8 : memref<25x128xf32, #tpu.memory_space<vmem>>) target(%dma_start3A_80 : memref<25x128xf32, #tpu.memory_space<vmem_shared>>) target_semaphore(%arg15 : memref<!tpu.dma_semaphore, #tpu.memory_space<semaphore_mem>>)
    %mul3A_81 = arith.constant 625 : i32
    %mul3A_82 = arith.muli %arg1, %mul3A_81 : i32
    %add3A_83 = arith.constant 225 : i32
    %add3A_84 = arith.addi %mul3A_82, %add3A_83 : i32
    %dma_start3A_85 = arith.constant 0 : i32
    %dma_start3A_86 = tpu.memref_slice %arg7[%add3A_84, %dma_start3A_85] : memref<10000x128xf32, #tpu.memory_space<vmem_shared>> -> memref<25x128xf32, #tpu.memory_space<vmem_shared>>
    %dma_start3A_87 = arith.constant 0 : i32
    %dma_start3A_88 = tpu.memref_slice %arg7[%add3A_84, %dma_start3A_87] : memref<10000x128xf32, #tpu.memory_space<vmem_shared>> -> memref<25x128xf32, #tpu.memory_space<vmem_shared>>
    tpu.enqueue_dma source(%arg8 : memref<25x128xf32, #tpu.memory_space<vmem>>) target(%dma_start3A_88 : memref<25x128xf32, #tpu.memory_space<vmem_shared>>) target_semaphore(%arg15 : memref<!tpu.dma_semaphore, #tpu.memory_space<semaphore_mem>>)
    %mul3A_89 = arith.constant 625 : i32
    %mul3A_90 = arith.muli %arg1, %mul3A_89 : i32
    %add3A_91 = arith.constant 250 : i32
    %add3A_92 = arith.addi %mul3A_90, %add3A_91 : i32
    %dma_start3A_93 = arith.constant 0 : i32
    %dma_start3A_94 = tpu.memref_slice %arg7[%add3A_92, %dma_start3A_93] : memref<10000x128xf32, #tpu.memory_space<vmem_shared>> -> memref<25x128xf32, #tpu.memory_space<vmem_shared>>
    %dma_start3A_95 = arith.constant 0 : i32
    %dma_start3A_96 = tpu.memref_slice %arg7[%add3A_92, %dma_start3A_95] : memref<10000x128xf32, #tpu.memory_space<vmem_shared>> -> memref<25x128xf32, #tpu.memory_space<vmem_shared>>
    tpu.enqueue_dma source(%arg8 : memref<25x128xf32, #tpu.memory_space<vmem>>) target(%dma_start3A_96 : memref<25x128xf32, #tpu.memory_space<vmem_shared>>) target_semaphore(%arg15 : memref<!tpu.dma_semaphore, #tpu.memory_space<semaphore_mem>>)
    %mul3A_97 = arith.constant 625 : i32
    %mul3A_98 = arith.muli %arg1, %mul3A_97 : i32
    %add3A_99 = arith.constant 275 : i32
    %add3A_100 = arith.addi %mul3A_98, %add3A_99 : i32
    %dma_start3A_101 = arith.constant 0 : i32
    %dma_start3A_102 = tpu.memref_slice %arg7[%add3A_100, %dma_start3A_101] : memref<10000x128xf32, #tpu.memory_space<vmem_shared>> -> memref<25x128xf32, #tpu.memory_space<vmem_shared>>
    %dma_start3A_103 = arith.constant 0 : i32
    %dma_start3A_104 = tpu.memref_slice %arg7[%add3A_100, %dma_start3A_103] : memref<10000x128xf32, #tpu.memory_space<vmem_shared>> -> memref<25x128xf32, #tpu.memory_space<vmem_shared>>
    tpu.enqueue_dma source(%arg8 : memref<25x128xf32, #tpu.memory_space<vmem>>) target(%dma_start3A_104 : memref<25x128xf32, #tpu.memory_space<vmem_shared>>) target_semaphore(%arg15 : memref<!tpu.dma_semaphore, #tpu.memory_space<semaphore_mem>>)
    %mul3A_105 = arith.constant 625 : i32
    %mul3A_106 = arith.muli %arg1, %mul3A_105 : i32
    %add3A_107 = arith.constant 300 : i32
    %add3A_108 = arith.addi %mul3A_106, %add3A_107 : i32
    %dma_start3A_109 = arith.constant 0 : i32
    %dma_start3A_110 = tpu.memref_slice %arg7[%add3A_108, %dma_start3A_109] : memref<10000x128xf32, #tpu.memory_space<vmem_shared>> -> memref<25x128xf32, #tpu.memory_space<vmem_shared>>
    %dma_start3A_111 = arith.constant 0 : i32
    %dma_start3A_112 = tpu.memref_slice %arg7[%add3A_108, %dma_start3A_111] : memref<10000x128xf32, #tpu.memory_space<vmem_shared>> -> memref<25x128xf32, #tpu.memory_space<vmem_shared>>
    tpu.enqueue_dma source(%arg8 : memref<25x128xf32, #tpu.memory_space<vmem>>) target(%dma_start3A_112 : memref<25x128xf32, #tpu.memory_space<vmem_shared>>) target_semaphore(%arg15 : memref<!tpu.dma_semaphore, #tpu.memory_space<semaphore_mem>>)
    %mul3A_113 = arith.constant 625 : i32
    %mul3A_114 = arith.muli %arg1, %mul3A_113 : i32
    %add3A_115 = arith.constant 325 : i32
    %add3A_116 = arith.addi %mul3A_114, %add3A_115 : i32
    %dma_start3A_117 = arith.constant 0 : i32
    %dma_start3A_118 = tpu.memref_slice %arg7[%add3A_116, %dma_start3A_117] : memref<10000x128xf32, #tpu.memory_space<vmem_shared>> -> memref<25x128xf32, #tpu.memory_space<vmem_shared>>
    %dma_start3A_119 = arith.constant 0 : i32
    %dma_start3A_120 = tpu.memref_slice %arg7[%add3A_116, %dma_start3A_119] : memref<10000x128xf32, #tpu.memory_space<vmem_shared>> -> memref<25x128xf32, #tpu.memory_space<vmem_shared>>
    tpu.enqueue_dma source(%arg8 : memref<25x128xf32, #tpu.memory_space<vmem>>) target(%dma_start3A_120 : memref<25x128xf32, #tpu.memory_space<vmem_shared>>) target_semaphore(%arg15 : memref<!tpu.dma_semaphore, #tpu.memory_space<semaphore_mem>>)
    %mul3A_121 = arith.constant 625 : i32
    %mul3A_122 = arith.muli %arg1, %mul3A_121 : i32
    %add3A_123 = arith.constant 350 : i32
    %add3A_124 = arith.addi %mul3A_122, %add3A_123 : i32
    %dma_start3A_125 = arith.constant 0 : i32
    %dma_start3A_126 = tpu.memref_slice %arg7[%add3A_124, %dma_start3A_125] : memref<10000x128xf32, #tpu.memory_space<vmem_shared>> -> memref<25x128xf32, #tpu.memory_space<vmem_shared>>
    %dma_start3A_127 = arith.constant 0 : i32
    %dma_start3A_128 = tpu.memref_slice %arg7[%add3A_124, %dma_start3A_127] : memref<10000x128xf32, #tpu.memory_space<vmem_shared>> -> memref<25x128xf32, #tpu.memory_space<vmem_shared>>
    tpu.enqueue_dma source(%arg8 : memref<25x128xf32, #tpu.memory_space<vmem>>) target(%dma_start3A_128 : memref<25x128xf32, #tpu.memory_space<vmem_shared>>) target_semaphore(%arg15 : memref<!tpu.dma_semaphore, #tpu.memory_space<semaphore_mem>>)
    %mul3A_129 = arith.constant 625 : i32
    %mul3A_130 = arith.muli %arg1, %mul3A_129 : i32
    %add3A_131 = arith.constant 375 : i32
    %add3A_132 = arith.addi %mul3A_130, %add3A_131 : i32
    %dma_start3A_133 = arith.constant 0 : i32
    %dma_start3A_134 = tpu.memref_slice %arg7[%add3A_132, %dma_start3A_133] : memref<10000x128xf32, #tpu.memory_space<vmem_shared>> -> memref<25x128xf32, #tpu.memory_space<vmem_shared>>
    %dma_start3A_135 = arith.constant 0 : i32
    %dma_start3A_136 = tpu.memref_slice %arg7[%add3A_132, %dma_start3A_135] : memref<10000x128xf32, #tpu.memory_space<vmem_shared>> -> memref<25x128xf32, #tpu.memory_space<vmem_shared>>
    tpu.enqueue_dma source(%arg8 : memref<25x128xf32, #tpu.memory_space<vmem>>) target(%dma_start3A_136 : memref<25x128xf32, #tpu.memory_space<vmem_shared>>) target_semaphore(%arg15 : memref<!tpu.dma_semaphore, #tpu.memory_space<semaphore_mem>>)
    %mul3A_137 = arith.constant 625 : i32
    %mul3A_138 = arith.muli %arg1, %mul3A_137 : i32
    %add3A_139 = arith.constant 400 : i32
    %add3A_140 = arith.addi %mul3A_138, %add3A_139 : i32
    %dma_start3A_141 = arith.constant 0 : i32
    %dma_start3A_142 = tpu.memref_slice %arg7[%add3A_140, %dma_start3A_141] : memref<10000x128xf32, #tpu.memory_space<vmem_shared>> -> memref<25x128xf32, #tpu.memory_space<vmem_shared>>
    %dma_start3A_143 = arith.constant 0 : i32
    %dma_start3A_144 = tpu.memref_slice %arg7[%add3A_140, %dma_start3A_143] : memref<10000x128xf32, #tpu.memory_space<vmem_shared>> -> memref<25x128xf32, #tpu.memory_space<vmem_shared>>
    tpu.enqueue_dma source(%arg8 : memref<25x128xf32, #tpu.memory_space<vmem>>) target(%dma_start3A_144 : memref<25x128xf32, #tpu.memory_space<vmem_shared>>) target_semaphore(%arg15 : memref<!tpu.dma_semaphore, #tpu.memory_space<semaphore_mem>>)
    %mul3A_145 = arith.constant 625 : i32
    %mul3A_146 = arith.muli %arg1, %mul3A_145 : i32
    %add3A_147 = arith.constant 425 : i32
    %add3A_148 = arith.addi %mul3A_146, %add3A_147 : i32
    %dma_start3A_149 = arith.constant 0 : i32
    %dma_start3A_150 = tpu.memref_slice %arg7[%add3A_148, %dma_start3A_149] : memref<10000x128xf32, #tpu.memory_space<vmem_shared>> -> memref<25x128xf32, #tpu.memory_space<vmem_shared>>
    %dma_start3A_151 = arith.constant 0 : i32
    %dma_start3A_152 = tpu.memref_slice %arg7[%add3A_148, %dma_start3A_151] : memref<10000x128xf32, #tpu.memory_space<vmem_shared>> -> memref<25x128xf32, #tpu.memory_space<vmem_shared>>
    tpu.enqueue_dma source(%arg8 : memref<25x128xf32, #tpu.memory_space<vmem>>) target(%dma_start3A_152 : memref<25x128xf32, #tpu.memory_space<vmem_shared>>) target_semaphore(%arg15 : memref<!tpu.dma_semaphore, #tpu.memory_space<semaphore_mem>>)
    %mul3A_153 = arith.constant 625 : i32
    %mul3A_154 = arith.muli %arg1, %mul3A_153 : i32
    %add3A_155 = arith.constant 450 : i32
    %add3A_156 = arith.addi %mul3A_154, %add3A_155 : i32
    %dma_start3A_157 = arith.constant 0 : i32
    %dma_start3A_158 = tpu.memref_slice %arg7[%add3A_156, %dma_start3A_157] : memref<10000x128xf32, #tpu.memory_space<vmem_shared>> -> memref<25x128xf32, #tpu.memory_space<vmem_shared>>
    %dma_start3A_159 = arith.constant 0 : i32
    %dma_start3A_160 = tpu.memref_slice %arg7[%add3A_156, %dma_start3A_159] : memref<10000x128xf32, #tpu.memory_space<vmem_shared>> -> memref<25x128xf32, #tpu.memory_space<vmem_shared>>
    tpu.enqueue_dma source(%arg8 : memref<25x128xf32, #tpu.memory_space<vmem>>) target(%dma_start3A_160 : memref<25x128xf32, #tpu.memory_space<vmem_shared>>) target_semaphore(%arg15 : memref<!tpu.dma_semaphore, #tpu.memory_space<semaphore_mem>>)
    %mul3A_161 = arith.constant 625 : i32
    %mul3A_162 = arith.muli %arg1, %mul3A_161 : i32
    %add3A_163 = arith.constant 475 : i32
    %add3A_164 = arith.addi %mul3A_162, %add3A_163 : i32
    %dma_start3A_165 = arith.constant 0 : i32
    %dma_start3A_166 = tpu.memref_slice %arg7[%add3A_164, %dma_start3A_165] : memref<10000x128xf32, #tpu.memory_space<vmem_shared>> -> memref<25x128xf32, #tpu.memory_space<vmem_shared>>
    %dma_start3A_167 = arith.constant 0 : i32
    %dma_start3A_168 = tpu.memref_slice %arg7[%add3A_164, %dma_start3A_167] : memref<10000x128xf32, #tpu.memory_space<vmem_shared>> -> memref<25x128xf32, #tpu.memory_space<vmem_shared>>
    tpu.enqueue_dma source(%arg8 : memref<25x128xf32, #tpu.memory_space<vmem>>) target(%dma_start3A_168 : memref<25x128xf32, #tpu.memory_space<vmem_shared>>) target_semaphore(%arg15 : memref<!tpu.dma_semaphore, #tpu.memory_space<semaphore_mem>>)
    %mul3A_169 = arith.constant 625 : i32
    %mul3A_170 = arith.muli %arg1, %mul3A_169 : i32
    %add3A_171 = arith.constant 500 : i32
    %add3A_172 = arith.addi %mul3A_170, %add3A_171 : i32
    %dma_start3A_173 = arith.constant 0 : i32
    %dma_start3A_174 = tpu.memref_slice %arg7[%add3A_172, %dma_start3A_173] : memref<10000x128xf32, #tpu.memory_space<vmem_shared>> -> memref<25x128xf32, #tpu.memory_space<vmem_shared>>
    %dma_start3A_175 = arith.constant 0 : i32
    %dma_start3A_176 = tpu.memref_slice %arg7[%add3A_172, %dma_start3A_175] : memref<10000x128xf32, #tpu.memory_space<vmem_shared>> -> memref<25x128xf32, #tpu.memory_space<vmem_shared>>
    tpu.enqueue_dma source(%arg8 : memref<25x128xf32, #tpu.memory_space<vmem>>) target(%dma_start3A_176 : memref<25x128xf32, #tpu.memory_space<vmem_shared>>) target_semaphore(%arg15 : memref<!tpu.dma_semaphore, #tpu.memory_space<semaphore_mem>>)
    %mul3A_177 = arith.constant 625 : i32
    %mul3A_178 = arith.muli %arg1, %mul3A_177 : i32
    %add3A_179 = arith.constant 525 : i32
    %add3A_180 = arith.addi %mul3A_178, %add3A_179 : i32
    %dma_start3A_181 = arith.constant 0 : i32
    %dma_start3A_182 = tpu.memref_slice %arg7[%add3A_180, %dma_start3A_181] : memref<10000x128xf32, #tpu.memory_space<vmem_shared>> -> memref<25x128xf32, #tpu.memory_space<vmem_shared>>
    %dma_start3A_183 = arith.constant 0 : i32
    %dma_start3A_184 = tpu.memref_slice %arg7[%add3A_180, %dma_start3A_183] : memref<10000x128xf32, #tpu.memory_space<vmem_shared>> -> memref<25x128xf32, #tpu.memory_space<vmem_shared>>
    tpu.enqueue_dma source(%arg8 : memref<25x128xf32, #tpu.memory_space<vmem>>) target(%dma_start3A_184 : memref<25x128xf32, #tpu.memory_space<vmem_shared>>) target_semaphore(%arg15 : memref<!tpu.dma_semaphore, #tpu.memory_space<semaphore_mem>>)
    %mul3A_185 = arith.constant 625 : i32
    %mul3A_186 = arith.muli %arg1, %mul3A_185 : i32
    %add3A_187 = arith.constant 550 : i32
    %add3A_188 = arith.addi %mul3A_186, %add3A_187 : i32
    %dma_start3A_189 = arith.constant 0 : i32
    %dma_start3A_190 = tpu.memref_slice %arg7[%add3A_188, %dma_start3A_189] : memref<10000x128xf32, #tpu.memory_space<vmem_shared>> -> memref<25x128xf32, #tpu.memory_space<vmem_shared>>
    %dma_start3A_191 = arith.constant 0 : i32
    %dma_start3A_192 = tpu.memref_slice %arg7[%add3A_188, %dma_start3A_191] : memref<10000x128xf32, #tpu.memory_space<vmem_shared>> -> memref<25x128xf32, #tpu.memory_space<vmem_shared>>
    tpu.enqueue_dma source(%arg8 : memref<25x128xf32, #tpu.memory_space<vmem>>) target(%dma_start3A_192 : memref<25x128xf32, #tpu.memory_space<vmem_shared>>) target_semaphore(%arg15 : memref<!tpu.dma_semaphore, #tpu.memory_space<semaphore_mem>>)
    %mul3A_193 = arith.constant 625 : i32
    %mul3A_194 = arith.muli %arg1, %mul3A_193 : i32
    %add3A_195 = arith.constant 575 : i32
    %add3A_196 = arith.addi %mul3A_194, %add3A_195 : i32
    %dma_start3A_197 = arith.constant 0 : i32
    %dma_start3A_198 = tpu.memref_slice %arg7[%add3A_196, %dma_start3A_197] : memref<10000x128xf32, #tpu.memory_space<vmem_shared>> -> memref<25x128xf32, #tpu.memory_space<vmem_shared>>
    %dma_start3A_199 = arith.constant 0 : i32
    %dma_start3A_200 = tpu.memref_slice %arg7[%add3A_196, %dma_start3A_199] : memref<10000x128xf32, #tpu.memory_space<vmem_shared>> -> memref<25x128xf32, #tpu.memory_space<vmem_shared>>
    tpu.enqueue_dma source(%arg8 : memref<25x128xf32, #tpu.memory_space<vmem>>) target(%dma_start3A_200 : memref<25x128xf32, #tpu.memory_space<vmem_shared>>) target_semaphore(%arg15 : memref<!tpu.dma_semaphore, #tpu.memory_space<semaphore_mem>>)
    %mul3A_201 = arith.constant 625 : i32
    %mul3A_202 = arith.muli %arg1, %mul3A_201 : i32
    %add3A_203 = arith.constant 600 : i32
    %add3A_204 = arith.addi %mul3A_202, %add3A_203 : i32
    %dma_start3A_205 = arith.constant 0 : i32
    %dma_start3A_206 = tpu.memref_slice %arg7[%add3A_204, %dma_start3A_205] : memref<10000x128xf32, #tpu.memory_space<vmem_shared>> -> memref<25x128xf32, #tpu.memory_space<vmem_shared>>
    %dma_start3A_207 = arith.constant 0 : i32
    %dma_start3A_208 = tpu.memref_slice %arg7[%add3A_204, %dma_start3A_207] : memref<10000x128xf32, #tpu.memory_space<vmem_shared>> -> memref<25x128xf32, #tpu.memory_space<vmem_shared>>
    tpu.enqueue_dma source(%arg8 : memref<25x128xf32, #tpu.memory_space<vmem>>) target(%dma_start3A_208 : memref<25x128xf32, #tpu.memory_space<vmem_shared>>) target_semaphore(%arg15 : memref<!tpu.dma_semaphore, #tpu.memory_space<semaphore_mem>>)
    %mul3A_209 = arith.constant 625 : i32
    %mul3A_210 = arith.muli %arg1, %mul3A_209 : i32
    %add3A_211 = arith.constant 0 : i32
    %add3A_212 = arith.addi %mul3A_210, %add3A_211 : i32
    %dma_wait3A = arith.constant 0 : i32
    %dma_wait3A_213 = tpu.memref_slice %arg7[%add3A_212, %dma_wait3A] : memref<10000x128xf32, #tpu.memory_space<vmem_shared>> -> memref<25x128xf32, #tpu.memory_space<vmem_shared>>
    %dma_wait3A_214 = arith.constant 0 : i32
    %dma_wait3A_215 = tpu.memref_slice %arg7[%add3A_212, %dma_wait3A_214] : memref<10000x128xf32, #tpu.memory_space<vmem_shared>> -> memref<25x128xf32, #tpu.memory_space<vmem_shared>>
    tpu.wait_dma2 semaphore(%arg15 : memref<!tpu.dma_semaphore, #tpu.memory_space<semaphore_mem>>) src(%arg8 : memref<25x128xf32, #tpu.memory_space<vmem>>) dst(%dma_wait3A_215 : memref<25x128xf32, #tpu.memory_space<vmem_shared>>)
    %mul3A_216 = arith.constant 625 : i32
    %mul3A_217 = arith.muli %arg1, %mul3A_216 : i32
    %add3A_218 = arith.constant 25 : i32
    %add3A_219 = arith.addi %mul3A_217, %add3A_218 : i32
    %dma_wait3A_220 = arith.constant 0 : i32
    %dma_wait3A_221 = tpu.memref_slice %arg7[%add3A_219, %dma_wait3A_220] : memref<10000x128xf32, #tpu.memory_space<vmem_shared>> -> memref<25x128xf32, #tpu.memory_space<vmem_shared>>
    %dma_wait3A_222 = arith.constant 0 : i32
    %dma_wait3A_223 = tpu.memref_slice %arg7[%add3A_219, %dma_wait3A_222] : memref<10000x128xf32, #tpu.memory_space<vmem_shared>> -> memref<25x128xf32, #tpu.memory_space<vmem_shared>>
    tpu.wait_dma2 semaphore(%arg15 : memref<!tpu.dma_semaphore, #tpu.memory_space<semaphore_mem>>) src(%arg8 : memref<25x128xf32, #tpu.memory_space<vmem>>) dst(%dma_wait3A_223 : memref<25x128xf32, #tpu.memory_space<vmem_shared>>)
    %mul3A_224 = arith.constant 625 : i32
    %mul3A_225 = arith.muli %arg1, %mul3A_224 : i32
    %add3A_226 = arith.constant 50 : i32
    %add3A_227 = arith.addi %mul3A_225, %add3A_226 : i32
    %dma_wait3A_228 = arith.constant 0 : i32
    %dma_wait3A_229 = tpu.memref_slice %arg7[%add3A_227, %dma_wait3A_228] : memref<10000x128xf32, #tpu.memory_space<vmem_shared>> -> memref<25x128xf32, #tpu.memory_space<vmem_shared>>
    %dma_wait3A_230 = arith.constant 0 : i32
    %dma_wait3A_231 = tpu.memref_slice %arg7[%add3A_227, %dma_wait3A_230] : memref<10000x128xf32, #tpu.memory_space<vmem_shared>> -> memref<25x128xf32, #tpu.memory_space<vmem_shared>>
    tpu.wait_dma2 semaphore(%arg15 : memref<!tpu.dma_semaphore, #tpu.memory_space<semaphore_mem>>) src(%arg8 : memref<25x128xf32, #tpu.memory_space<vmem>>) dst(%dma_wait3A_231 : memref<25x128xf32, #tpu.memory_space<vmem_shared>>)
    %mul3A_232 = arith.constant 625 : i32
    %mul3A_233 = arith.muli %arg1, %mul3A_232 : i32
    %add3A_234 = arith.constant 75 : i32
    %add3A_235 = arith.addi %mul3A_233, %add3A_234 : i32
    %dma_wait3A_236 = arith.constant 0 : i32
    %dma_wait3A_237 = tpu.memref_slice %arg7[%add3A_235, %dma_wait3A_236] : memref<10000x128xf32, #tpu.memory_space<vmem_shared>> -> memref<25x128xf32, #tpu.memory_space<vmem_shared>>
    %dma_wait3A_238 = arith.constant 0 : i32
    %dma_wait3A_239 = tpu.memref_slice %arg7[%add3A_235, %dma_wait3A_238] : memref<10000x128xf32, #tpu.memory_space<vmem_shared>> -> memref<25x128xf32, #tpu.memory_space<vmem_shared>>
    tpu.wait_dma2 semaphore(%arg15 : memref<!tpu.dma_semaphore, #tpu.memory_space<semaphore_mem>>) src(%arg8 : memref<25x128xf32, #tpu.memory_space<vmem>>) dst(%dma_wait3A_239 : memref<25x128xf32, #tpu.memory_space<vmem_shared>>)
    %mul3A_240 = arith.constant 625 : i32
    %mul3A_241 = arith.muli %arg1, %mul3A_240 : i32
    %add3A_242 = arith.constant 100 : i32
    %add3A_243 = arith.addi %mul3A_241, %add3A_242 : i32
    %dma_wait3A_244 = arith.constant 0 : i32
    %dma_wait3A_245 = tpu.memref_slice %arg7[%add3A_243, %dma_wait3A_244] : memref<10000x128xf32, #tpu.memory_space<vmem_shared>> -> memref<25x128xf32, #tpu.memory_space<vmem_shared>>
    %dma_wait3A_246 = arith.constant 0 : i32
    %dma_wait3A_247 = tpu.memref_slice %arg7[%add3A_243, %dma_wait3A_246] : memref<10000x128xf32, #tpu.memory_space<vmem_shared>> -> memref<25x128xf32, #tpu.memory_space<vmem_shared>>
    tpu.wait_dma2 semaphore(%arg15 : memref<!tpu.dma_semaphore, #tpu.memory_space<semaphore_mem>>) src(%arg8 : memref<25x128xf32, #tpu.memory_space<vmem>>) dst(%dma_wait3A_247 : memref<25x128xf32, #tpu.memory_space<vmem_shared>>)
    %mul3A_248 = arith.constant 625 : i32
    %mul3A_249 = arith.muli %arg1, %mul3A_248 : i32
    %add3A_250 = arith.constant 125 : i32
    %add3A_251 = arith.addi %mul3A_249, %add3A_250 : i32
    %dma_wait3A_252 = arith.constant 0 : i32
    %dma_wait3A_253 = tpu.memref_slice %arg7[%add3A_251, %dma_wait3A_252] : memref<10000x128xf32, #tpu.memory_space<vmem_shared>> -> memref<25x128xf32, #tpu.memory_space<vmem_shared>>
    %dma_wait3A_254 = arith.constant 0 : i32
    %dma_wait3A_255 = tpu.memref_slice %arg7[%add3A_251, %dma_wait3A_254] : memref<10000x128xf32, #tpu.memory_space<vmem_shared>> -> memref<25x128xf32, #tpu.memory_space<vmem_shared>>
    tpu.wait_dma2 semaphore(%arg15 : memref<!tpu.dma_semaphore, #tpu.memory_space<semaphore_mem>>) src(%arg8 : memref<25x128xf32, #tpu.memory_space<vmem>>) dst(%dma_wait3A_255 : memref<25x128xf32, #tpu.memory_space<vmem_shared>>)
    %mul3A_256 = arith.constant 625 : i32
    %mul3A_257 = arith.muli %arg1, %mul3A_256 : i32
    %add3A_258 = arith.constant 150 : i32
    %add3A_259 = arith.addi %mul3A_257, %add3A_258 : i32
    %dma_wait3A_260 = arith.constant 0 : i32
    %dma_wait3A_261 = tpu.memref_slice %arg7[%add3A_259, %dma_wait3A_260] : memref<10000x128xf32, #tpu.memory_space<vmem_shared>> -> memref<25x128xf32, #tpu.memory_space<vmem_shared>>
    %dma_wait3A_262 = arith.constant 0 : i32
    %dma_wait3A_263 = tpu.memref_slice %arg7[%add3A_259, %dma_wait3A_262] : memref<10000x128xf32, #tpu.memory_space<vmem_shared>> -> memref<25x128xf32, #tpu.memory_space<vmem_shared>>
    tpu.wait_dma2 semaphore(%arg15 : memref<!tpu.dma_semaphore, #tpu.memory_space<semaphore_mem>>) src(%arg8 : memref<25x128xf32, #tpu.memory_space<vmem>>) dst(%dma_wait3A_263 : memref<25x128xf32, #tpu.memory_space<vmem_shared>>)
    %mul3A_264 = arith.constant 625 : i32
    %mul3A_265 = arith.muli %arg1, %mul3A_264 : i32
    %add3A_266 = arith.constant 175 : i32
    %add3A_267 = arith.addi %mul3A_265, %add3A_266 : i32
    %dma_wait3A_268 = arith.constant 0 : i32
    %dma_wait3A_269 = tpu.memref_slice %arg7[%add3A_267, %dma_wait3A_268] : memref<10000x128xf32, #tpu.memory_space<vmem_shared>> -> memref<25x128xf32, #tpu.memory_space<vmem_shared>>
    %dma_wait3A_270 = arith.constant 0 : i32
    %dma_wait3A_271 = tpu.memref_slice %arg7[%add3A_267, %dma_wait3A_270] : memref<10000x128xf32, #tpu.memory_space<vmem_shared>> -> memref<25x128xf32, #tpu.memory_space<vmem_shared>>
    tpu.wait_dma2 semaphore(%arg15 : memref<!tpu.dma_semaphore, #tpu.memory_space<semaphore_mem>>) src(%arg8 : memref<25x128xf32, #tpu.memory_space<vmem>>) dst(%dma_wait3A_271 : memref<25x128xf32, #tpu.memory_space<vmem_shared>>)
    %mul3A_272 = arith.constant 625 : i32
    %mul3A_273 = arith.muli %arg1, %mul3A_272 : i32
    %add3A_274 = arith.constant 200 : i32
    %add3A_275 = arith.addi %mul3A_273, %add3A_274 : i32
    %dma_wait3A_276 = arith.constant 0 : i32
    %dma_wait3A_277 = tpu.memref_slice %arg7[%add3A_275, %dma_wait3A_276] : memref<10000x128xf32, #tpu.memory_space<vmem_shared>> -> memref<25x128xf32, #tpu.memory_space<vmem_shared>>
    %dma_wait3A_278 = arith.constant 0 : i32
    %dma_wait3A_279 = tpu.memref_slice %arg7[%add3A_275, %dma_wait3A_278] : memref<10000x128xf32, #tpu.memory_space<vmem_shared>> -> memref<25x128xf32, #tpu.memory_space<vmem_shared>>
    tpu.wait_dma2 semaphore(%arg15 : memref<!tpu.dma_semaphore, #tpu.memory_space<semaphore_mem>>) src(%arg8 : memref<25x128xf32, #tpu.memory_space<vmem>>) dst(%dma_wait3A_279 : memref<25x128xf32, #tpu.memory_space<vmem_shared>>)
    %mul3A_280 = arith.constant 625 : i32
    %mul3A_281 = arith.muli %arg1, %mul3A_280 : i32
    %add3A_282 = arith.constant 225 : i32
    %add3A_283 = arith.addi %mul3A_281, %add3A_282 : i32
    %dma_wait3A_284 = arith.constant 0 : i32
    %dma_wait3A_285 = tpu.memref_slice %arg7[%add3A_283, %dma_wait3A_284] : memref<10000x128xf32, #tpu.memory_space<vmem_shared>> -> memref<25x128xf32, #tpu.memory_space<vmem_shared>>
    %dma_wait3A_286 = arith.constant 0 : i32
    %dma_wait3A_287 = tpu.memref_slice %arg7[%add3A_283, %dma_wait3A_286] : memref<10000x128xf32, #tpu.memory_space<vmem_shared>> -> memref<25x128xf32, #tpu.memory_space<vmem_shared>>
    tpu.wait_dma2 semaphore(%arg15 : memref<!tpu.dma_semaphore, #tpu.memory_space<semaphore_mem>>) src(%arg8 : memref<25x128xf32, #tpu.memory_space<vmem>>) dst(%dma_wait3A_287 : memref<25x128xf32, #tpu.memory_space<vmem_shared>>)
    %mul3A_288 = arith.constant 625 : i32
    %mul3A_289 = arith.muli %arg1, %mul3A_288 : i32
    %add3A_290 = arith.constant 250 : i32
    %add3A_291 = arith.addi %mul3A_289, %add3A_290 : i32
    %dma_wait3A_292 = arith.constant 0 : i32
    %dma_wait3A_293 = tpu.memref_slice %arg7[%add3A_291, %dma_wait3A_292] : memref<10000x128xf32, #tpu.memory_space<vmem_shared>> -> memref<25x128xf32, #tpu.memory_space<vmem_shared>>
    %dma_wait3A_294 = arith.constant 0 : i32
    %dma_wait3A_295 = tpu.memref_slice %arg7[%add3A_291, %dma_wait3A_294] : memref<10000x128xf32, #tpu.memory_space<vmem_shared>> -> memref<25x128xf32, #tpu.memory_space<vmem_shared>>
    tpu.wait_dma2 semaphore(%arg15 : memref<!tpu.dma_semaphore, #tpu.memory_space<semaphore_mem>>) src(%arg8 : memref<25x128xf32, #tpu.memory_space<vmem>>) dst(%dma_wait3A_295 : memref<25x128xf32, #tpu.memory_space<vmem_shared>>)
    %mul3A_296 = arith.constant 625 : i32
    %mul3A_297 = arith.muli %arg1, %mul3A_296 : i32
    %add3A_298 = arith.constant 275 : i32
    %add3A_299 = arith.addi %mul3A_297, %add3A_298 : i32
    %dma_wait3A_300 = arith.constant 0 : i32
    %dma_wait3A_301 = tpu.memref_slice %arg7[%add3A_299, %dma_wait3A_300] : memref<10000x128xf32, #tpu.memory_space<vmem_shared>> -> memref<25x128xf32, #tpu.memory_space<vmem_shared>>
    %dma_wait3A_302 = arith.constant 0 : i32
    %dma_wait3A_303 = tpu.memref_slice %arg7[%add3A_299, %dma_wait3A_302] : memref<10000x128xf32, #tpu.memory_space<vmem_shared>> -> memref<25x128xf32, #tpu.memory_space<vmem_shared>>
    tpu.wait_dma2 semaphore(%arg15 : memref<!tpu.dma_semaphore, #tpu.memory_space<semaphore_mem>>) src(%arg8 : memref<25x128xf32, #tpu.memory_space<vmem>>) dst(%dma_wait3A_303 : memref<25x128xf32, #tpu.memory_space<vmem_shared>>)
    %mul3A_304 = arith.constant 625 : i32
    %mul3A_305 = arith.muli %arg1, %mul3A_304 : i32
    %add3A_306 = arith.constant 300 : i32
    %add3A_307 = arith.addi %mul3A_305, %add3A_306 : i32
    %dma_wait3A_308 = arith.constant 0 : i32
    %dma_wait3A_309 = tpu.memref_slice %arg7[%add3A_307, %dma_wait3A_308] : memref<10000x128xf32, #tpu.memory_space<vmem_shared>> -> memref<25x128xf32, #tpu.memory_space<vmem_shared>>
    %dma_wait3A_310 = arith.constant 0 : i32
    %dma_wait3A_311 = tpu.memref_slice %arg7[%add3A_307, %dma_wait3A_310] : memref<10000x128xf32, #tpu.memory_space<vmem_shared>> -> memref<25x128xf32, #tpu.memory_space<vmem_shared>>
    tpu.wait_dma2 semaphore(%arg15 : memref<!tpu.dma_semaphore, #tpu.memory_space<semaphore_mem>>) src(%arg8 : memref<25x128xf32, #tpu.memory_space<vmem>>) dst(%dma_wait3A_311 : memref<25x128xf32, #tpu.memory_space<vmem_shared>>)
    %mul3A_312 = arith.constant 625 : i32
    %mul3A_313 = arith.muli %arg1, %mul3A_312 : i32
    %add3A_314 = arith.constant 325 : i32
    %add3A_315 = arith.addi %mul3A_313, %add3A_314 : i32
    %dma_wait3A_316 = arith.constant 0 : i32
    %dma_wait3A_317 = tpu.memref_slice %arg7[%add3A_315, %dma_wait3A_316] : memref<10000x128xf32, #tpu.memory_space<vmem_shared>> -> memref<25x128xf32, #tpu.memory_space<vmem_shared>>
    %dma_wait3A_318 = arith.constant 0 : i32
    %dma_wait3A_319 = tpu.memref_slice %arg7[%add3A_315, %dma_wait3A_318] : memref<10000x128xf32, #tpu.memory_space<vmem_shared>> -> memref<25x128xf32, #tpu.memory_space<vmem_shared>>
    tpu.wait_dma2 semaphore(%arg15 : memref<!tpu.dma_semaphore, #tpu.memory_space<semaphore_mem>>) src(%arg8 : memref<25x128xf32, #tpu.memory_space<vmem>>) dst(%dma_wait3A_319 : memref<25x128xf32, #tpu.memory_space<vmem_shared>>)
    %mul3A_320 = arith.constant 625 : i32
    %mul3A_321 = arith.muli %arg1, %mul3A_320 : i32
    %add3A_322 = arith.constant 350 : i32
    %add3A_323 = arith.addi %mul3A_321, %add3A_322 : i32
    %dma_wait3A_324 = arith.constant 0 : i32
    %dma_wait3A_325 = tpu.memref_slice %arg7[%add3A_323, %dma_wait3A_324] : memref<10000x128xf32, #tpu.memory_space<vmem_shared>> -> memref<25x128xf32, #tpu.memory_space<vmem_shared>>
    %dma_wait3A_326 = arith.constant 0 : i32
    %dma_wait3A_327 = tpu.memref_slice %arg7[%add3A_323, %dma_wait3A_326] : memref<10000x128xf32, #tpu.memory_space<vmem_shared>> -> memref<25x128xf32, #tpu.memory_space<vmem_shared>>
    tpu.wait_dma2 semaphore(%arg15 : memref<!tpu.dma_semaphore, #tpu.memory_space<semaphore_mem>>) src(%arg8 : memref<25x128xf32, #tpu.memory_space<vmem>>) dst(%dma_wait3A_327 : memref<25x128xf32, #tpu.memory_space<vmem_shared>>)
    %mul3A_328 = arith.constant 625 : i32
    %mul3A_329 = arith.muli %arg1, %mul3A_328 : i32
    %add3A_330 = arith.constant 375 : i32
    %add3A_331 = arith.addi %mul3A_329, %add3A_330 : i32
    %dma_wait3A_332 = arith.constant 0 : i32
    %dma_wait3A_333 = tpu.memref_slice %arg7[%add3A_331, %dma_wait3A_332] : memref<10000x128xf32, #tpu.memory_space<vmem_shared>> -> memref<25x128xf32, #tpu.memory_space<vmem_shared>>
    %dma_wait3A_334 = arith.constant 0 : i32
    %dma_wait3A_335 = tpu.memref_slice %arg7[%add3A_331, %dma_wait3A_334] : memref<10000x128xf32, #tpu.memory_space<vmem_shared>> -> memref<25x128xf32, #tpu.memory_space<vmem_shared>>
    tpu.wait_dma2 semaphore(%arg15 : memref<!tpu.dma_semaphore, #tpu.memory_space<semaphore_mem>>) src(%arg8 : memref<25x128xf32, #tpu.memory_space<vmem>>) dst(%dma_wait3A_335 : memref<25x128xf32, #tpu.memory_space<vmem_shared>>)
    %mul3A_336 = arith.constant 625 : i32
    %mul3A_337 = arith.muli %arg1, %mul3A_336 : i32
    %add3A_338 = arith.constant 400 : i32
    %add3A_339 = arith.addi %mul3A_337, %add3A_338 : i32
    %dma_wait3A_340 = arith.constant 0 : i32
    %dma_wait3A_341 = tpu.memref_slice %arg7[%add3A_339, %dma_wait3A_340] : memref<10000x128xf32, #tpu.memory_space<vmem_shared>> -> memref<25x128xf32, #tpu.memory_space<vmem_shared>>
    %dma_wait3A_342 = arith.constant 0 : i32
    %dma_wait3A_343 = tpu.memref_slice %arg7[%add3A_339, %dma_wait3A_342] : memref<10000x128xf32, #tpu.memory_space<vmem_shared>> -> memref<25x128xf32, #tpu.memory_space<vmem_shared>>
    tpu.wait_dma2 semaphore(%arg15 : memref<!tpu.dma_semaphore, #tpu.memory_space<semaphore_mem>>) src(%arg8 : memref<25x128xf32, #tpu.memory_space<vmem>>) dst(%dma_wait3A_343 : memref<25x128xf32, #tpu.memory_space<vmem_shared>>)
    %mul3A_344 = arith.constant 625 : i32
    %mul3A_345 = arith.muli %arg1, %mul3A_344 : i32
    %add3A_346 = arith.constant 425 : i32
    %add3A_347 = arith.addi %mul3A_345, %add3A_346 : i32
    %dma_wait3A_348 = arith.constant 0 : i32
    %dma_wait3A_349 = tpu.memref_slice %arg7[%add3A_347, %dma_wait3A_348] : memref<10000x128xf32, #tpu.memory_space<vmem_shared>> -> memref<25x128xf32, #tpu.memory_space<vmem_shared>>
    %dma_wait3A_350 = arith.constant 0 : i32
    %dma_wait3A_351 = tpu.memref_slice %arg7[%add3A_347, %dma_wait3A_350] : memref<10000x128xf32, #tpu.memory_space<vmem_shared>> -> memref<25x128xf32, #tpu.memory_space<vmem_shared>>
    tpu.wait_dma2 semaphore(%arg15 : memref<!tpu.dma_semaphore, #tpu.memory_space<semaphore_mem>>) src(%arg8 : memref<25x128xf32, #tpu.memory_space<vmem>>) dst(%dma_wait3A_351 : memref<25x128xf32, #tpu.memory_space<vmem_shared>>)
    %mul3A_352 = arith.constant 625 : i32
    %mul3A_353 = arith.muli %arg1, %mul3A_352 : i32
    %add3A_354 = arith.constant 450 : i32
    %add3A_355 = arith.addi %mul3A_353, %add3A_354 : i32
    %dma_wait3A_356 = arith.constant 0 : i32
    %dma_wait3A_357 = tpu.memref_slice %arg7[%add3A_355, %dma_wait3A_356] : memref<10000x128xf32, #tpu.memory_space<vmem_shared>> -> memref<25x128xf32, #tpu.memory_space<vmem_shared>>
    %dma_wait3A_358 = arith.constant 0 : i32
    %dma_wait3A_359 = tpu.memref_slice %arg7[%add3A_355, %dma_wait3A_358] : memref<10000x128xf32, #tpu.memory_space<vmem_shared>> -> memref<25x128xf32, #tpu.memory_space<vmem_shared>>
    tpu.wait_dma2 semaphore(%arg15 : memref<!tpu.dma_semaphore, #tpu.memory_space<semaphore_mem>>) src(%arg8 : memref<25x128xf32, #tpu.memory_space<vmem>>) dst(%dma_wait3A_359 : memref<25x128xf32, #tpu.memory_space<vmem_shared>>)
    %mul3A_360 = arith.constant 625 : i32
    %mul3A_361 = arith.muli %arg1, %mul3A_360 : i32
    %add3A_362 = arith.constant 475 : i32
    %add3A_363 = arith.addi %mul3A_361, %add3A_362 : i32
    %dma_wait3A_364 = arith.constant 0 : i32
    %dma_wait3A_365 = tpu.memref_slice %arg7[%add3A_363, %dma_wait3A_364] : memref<10000x128xf32, #tpu.memory_space<vmem_shared>> -> memref<25x128xf32, #tpu.memory_space<vmem_shared>>
    %dma_wait3A_366 = arith.constant 0 : i32
    %dma_wait3A_367 = tpu.memref_slice %arg7[%add3A_363, %dma_wait3A_366] : memref<10000x128xf32, #tpu.memory_space<vmem_shared>> -> memref<25x128xf32, #tpu.memory_space<vmem_shared>>
    tpu.wait_dma2 semaphore(%arg15 : memref<!tpu.dma_semaphore, #tpu.memory_space<semaphore_mem>>) src(%arg8 : memref<25x128xf32, #tpu.memory_space<vmem>>) dst(%dma_wait3A_367 : memref<25x128xf32, #tpu.memory_space<vmem_shared>>)
    %mul3A_368 = arith.constant 625 : i32
    %mul3A_369 = arith.muli %arg1, %mul3A_368 : i32
    %add3A_370 = arith.constant 500 : i32
    %add3A_371 = arith.addi %mul3A_369, %add3A_370 : i32
    %dma_wait3A_372 = arith.constant 0 : i32
    %dma_wait3A_373 = tpu.memref_slice %arg7[%add3A_371, %dma_wait3A_372] : memref<10000x128xf32, #tpu.memory_space<vmem_shared>> -> memref<25x128xf32, #tpu.memory_space<vmem_shared>>
    %dma_wait3A_374 = arith.constant 0 : i32
    %dma_wait3A_375 = tpu.memref_slice %arg7[%add3A_371, %dma_wait3A_374] : memref<10000x128xf32, #tpu.memory_space<vmem_shared>> -> memref<25x128xf32, #tpu.memory_space<vmem_shared>>
    tpu.wait_dma2 semaphore(%arg15 : memref<!tpu.dma_semaphore, #tpu.memory_space<semaphore_mem>>) src(%arg8 : memref<25x128xf32, #tpu.memory_space<vmem>>) dst(%dma_wait3A_375 : memref<25x128xf32, #tpu.memory_space<vmem_shared>>)
    %mul3A_376 = arith.constant 625 : i32
    %mul3A_377 = arith.muli %arg1, %mul3A_376 : i32
    %add3A_378 = arith.constant 525 : i32
    %add3A_379 = arith.addi %mul3A_377, %add3A_378 : i32
    %dma_wait3A_380 = arith.constant 0 : i32
    %dma_wait3A_381 = tpu.memref_slice %arg7[%add3A_379, %dma_wait3A_380] : memref<10000x128xf32, #tpu.memory_space<vmem_shared>> -> memref<25x128xf32, #tpu.memory_space<vmem_shared>>
    %dma_wait3A_382 = arith.constant 0 : i32
    %dma_wait3A_383 = tpu.memref_slice %arg7[%add3A_379, %dma_wait3A_382] : memref<10000x128xf32, #tpu.memory_space<vmem_shared>> -> memref<25x128xf32, #tpu.memory_space<vmem_shared>>
    tpu.wait_dma2 semaphore(%arg15 : memref<!tpu.dma_semaphore, #tpu.memory_space<semaphore_mem>>) src(%arg8 : memref<25x128xf32, #tpu.memory_space<vmem>>) dst(%dma_wait3A_383 : memref<25x128xf32, #tpu.memory_space<vmem_shared>>)
    %mul3A_384 = arith.constant 625 : i32
    %mul3A_385 = arith.muli %arg1, %mul3A_384 : i32
    %add3A_386 = arith.constant 550 : i32
    %add3A_387 = arith.addi %mul3A_385, %add3A_386 : i32
    %dma_wait3A_388 = arith.constant 0 : i32
    %dma_wait3A_389 = tpu.memref_slice %arg7[%add3A_387, %dma_wait3A_388] : memref<10000x128xf32, #tpu.memory_space<vmem_shared>> -> memref<25x128xf32, #tpu.memory_space<vmem_shared>>
    %dma_wait3A_390 = arith.constant 0 : i32
    %dma_wait3A_391 = tpu.memref_slice %arg7[%add3A_387, %dma_wait3A_390] : memref<10000x128xf32, #tpu.memory_space<vmem_shared>> -> memref<25x128xf32, #tpu.memory_space<vmem_shared>>
    tpu.wait_dma2 semaphore(%arg15 : memref<!tpu.dma_semaphore, #tpu.memory_space<semaphore_mem>>) src(%arg8 : memref<25x128xf32, #tpu.memory_space<vmem>>) dst(%dma_wait3A_391 : memref<25x128xf32, #tpu.memory_space<vmem_shared>>)
    %mul3A_392 = arith.constant 625 : i32
    %mul3A_393 = arith.muli %arg1, %mul3A_392 : i32
    %add3A_394 = arith.constant 575 : i32
    %add3A_395 = arith.addi %mul3A_393, %add3A_394 : i32
    %dma_wait3A_396 = arith.constant 0 : i32
    %dma_wait3A_397 = tpu.memref_slice %arg7[%add3A_395, %dma_wait3A_396] : memref<10000x128xf32, #tpu.memory_space<vmem_shared>> -> memref<25x128xf32, #tpu.memory_space<vmem_shared>>
    %dma_wait3A_398 = arith.constant 0 : i32
    %dma_wait3A_399 = tpu.memref_slice %arg7[%add3A_395, %dma_wait3A_398] : memref<10000x128xf32, #tpu.memory_space<vmem_shared>> -> memref<25x128xf32, #tpu.memory_space<vmem_shared>>
    tpu.wait_dma2 semaphore(%arg15 : memref<!tpu.dma_semaphore, #tpu.memory_space<semaphore_mem>>) src(%arg8 : memref<25x128xf32, #tpu.memory_space<vmem>>) dst(%dma_wait3A_399 : memref<25x128xf32, #tpu.memory_space<vmem_shared>>)
    %mul3A_400 = arith.constant 625 : i32
    %mul3A_401 = arith.muli %arg1, %mul3A_400 : i32
    %add3A_402 = arith.constant 600 : i32
    %add3A_403 = arith.addi %mul3A_401, %add3A_402 : i32
    %dma_wait3A_404 = arith.constant 0 : i32
    %dma_wait3A_405 = tpu.memref_slice %arg7[%add3A_403, %dma_wait3A_404] : memref<10000x128xf32, #tpu.memory_space<vmem_shared>> -> memref<25x128xf32, #tpu.memory_space<vmem_shared>>
    %dma_wait3A_406 = arith.constant 0 : i32
    %dma_wait3A_407 = tpu.memref_slice %arg7[%add3A_403, %dma_wait3A_406] : memref<10000x128xf32, #tpu.memory_space<vmem_shared>> -> memref<25x128xf32, #tpu.memory_space<vmem_shared>>
    tpu.wait_dma2 semaphore(%arg15 : memref<!tpu.dma_semaphore, #tpu.memory_space<semaphore_mem>>) src(%arg8 : memref<25x128xf32, #tpu.memory_space<vmem>>) dst(%dma_wait3A_407 : memref<25x128xf32, #tpu.memory_space<vmem_shared>>)
    %barrier3A = arith.constant 0 : index
    tpu.barrier barrier_id(%barrier3A)
    %mul3A_408 = arith.constant 100 : i32
    %mul3A_409 = arith.muli %add3A, %mul3A_408 : i32
    %dma_start3A_410 = arith.constant 0 : i32
    %dma_start3A_411 = arith.constant 0 : i32
    %dma_start3A_412 = tpu.memref_slice %arg9[%dma_start3A_410, %dma_start3A_411] : memref<100x100xi32, #tpu.memory_space<vmem>> -> memref<1x100xi32, #tpu.memory_space<vmem>>
    %dma_start3A_413 = tpu.memref_squeeze %dma_start3A_412 : memref<1x100xi32, #tpu.memory_space<vmem>> -> memref<100xi32, #tpu.memory_space<vmem>>
    %dma_start3A_414 = arith.constant 0 : i32
    %dma_start3A_415 = arith.constant 0 : i32
    %dma_start3A_416 = tpu.memref_slice %arg2[%dma_start3A_414, %dma_start3A_415] : memref<80000x128xf32, #tpu.memory_space<hbm>> -> memref<80000x128xf32, #tpu.memory_space<hbm>>
    tpu.enqueue_indirect_dma source(%dma_start3A_416 : memref<80000x128xf32, #tpu.memory_space<hbm>>) target(%arg13 : memref<100x128xf32, #tpu.memory_space<vmem>>) offsets(%dma_start3A_413 : memref<100xi32, #tpu.memory_space<vmem>>) semaphore(%arg16 : memref<!tpu.dma_semaphore, #tpu.memory_space<semaphore_mem>>)
    %dma_start3A_417 = arith.constant 0 : i32
    %dma_start3A_418 = tpu.memref_slice %arg5[%mul3A_409, %dma_start3A_417] : memref<3200x100xi32, #tpu.memory_space<hbm>> -> memref<1x100xi32, #tpu.memory_space<hbm>>
    %dma_start3A_419 = tpu.memref_squeeze %dma_start3A_418 : memref<1x100xi32, #tpu.memory_space<hbm>> -> memref<100xi32, #tpu.memory_space<hbm>>
    %dma_start3A_420 = arith.constant 0 : i32
    %dma_start3A_421 = tpu.memref_slice %arg5[%mul3A_409, %dma_start3A_420] : memref<3200x100xi32, #tpu.memory_space<hbm>> -> memref<1x100xi32, #tpu.memory_space<hbm>>
    %dma_start3A_422 = tpu.memref_squeeze %dma_start3A_421 : memref<1x100xi32, #tpu.memory_space<hbm>> -> memref<100xi32, #tpu.memory_space<hbm>>
    tpu.enqueue_dma source(%dma_start3A_422 : memref<100xi32, #tpu.memory_space<hbm>>) target(%arg11 : memref<100xi32, #tpu.memory_space<vmem>>) target_semaphore(%arg20 : memref<!tpu.dma_semaphore, #tpu.memory_space<semaphore_mem>>)
    %scan3A_423 = arith.constant 0 : i32
    %scan3A_424 = arith.constant 0 : i32
    %scan3A_425 = arith.constant 50 : i32
    %scan3A_426 = arith.addi %scan3A_424, %scan3A_425 : i32
    %scan3A_427 = arith.constant 1 : i32
    scf.for %scan3A_440 = %scan3A_424 to %scan3A_426 step %scan3A_427  : i32 {
      %mul3A_441 = arith.constant 2 : i32
      %mul3A_442 = arith.muli %scan3A_440, %mul3A_441 : i32
      %add3A_443 = arith.constant 0 : i32
      %add3A_444 = arith.addi %mul3A_442, %add3A_443 : i32
      %ge3A = arith.constant 1 : i32
      %ge3A_445 = arith.cmpi sge, %add3A_444, %ge3A : i32
      %convert_element_type3A = arith.extui %ge3A_445 : i1 to i32
      %cond3A = arith.constant 0 : i32
      %cond3A_446 = arith.cmpi ne, %convert_element_type3A, %cond3A : i32
      scf.if %cond3A_446 {
        %dma_wait3A_513 = arith.constant 0 : i32
        %dma_wait3A_514 = arith.constant 0 : i32
        %dma_wait3A_515 = tpu.memref_slice %arg7[%dma_wait3A_513, %dma_wait3A_514] : memref<10000x128xf32, #tpu.memory_space<vmem_shared>> -> memref<10000x128xf32, #tpu.memory_space<vmem_shared>>
        tpu.wait_indirect_dma semaphore(%arg19 : memref<!tpu.dma_semaphore, #tpu.memory_space<semaphore_mem>>) src(%arg14 : memref<100x128xf32, #tpu.memory_space<vmem>>) dst(%dma_wait3A_515 : memref<10000x128xf32, #tpu.memory_space<vmem_shared>>)
      } else {
      }
      %add3A_447 = arith.constant 1 : i32
      %add3A_448 = arith.addi %add3A_444, %add3A_447 : i32
      %lt3A = arith.constant 100 : i32
      %lt3A_449 = arith.cmpi slt, %add3A_448, %lt3A : i32
      %convert_element_type3A_450 = arith.extui %lt3A_449 : i1 to i32
      %cond3A_451 = arith.constant 0 : i32
      %cond3A_452 = arith.cmpi ne, %convert_element_type3A_450, %cond3A_451 : i32
      scf.if %cond3A_452 {
        %add3A_513 = arith.constant 1 : i32
        %add3A_514 = arith.addi %add3A_444, %add3A_513 : i32
        %dma_start3A_515 = arith.constant 0 : i32
        %dma_start3A_516 = tpu.memref_slice %arg9[%add3A_514, %dma_start3A_515] : memref<100x100xi32, #tpu.memory_space<vmem>> -> memref<1x100xi32, #tpu.memory_space<vmem>>
        %dma_start3A_517 = tpu.memref_squeeze %dma_start3A_516 : memref<1x100xi32, #tpu.memory_space<vmem>> -> memref<100xi32, #tpu.memory_space<vmem>>
        %dma_start3A_518 = arith.constant 0 : i32
        %dma_start3A_519 = arith.constant 0 : i32
        %dma_start3A_520 = tpu.memref_slice %arg2[%dma_start3A_518, %dma_start3A_519] : memref<80000x128xf32, #tpu.memory_space<hbm>> -> memref<80000x128xf32, #tpu.memory_space<hbm>>
        tpu.enqueue_indirect_dma source(%dma_start3A_520 : memref<80000x128xf32, #tpu.memory_space<hbm>>) target(%arg14 : memref<100x128xf32, #tpu.memory_space<vmem>>) offsets(%dma_start3A_517 : memref<100xi32, #tpu.memory_space<vmem>>) semaphore(%arg17 : memref<!tpu.dma_semaphore, #tpu.memory_space<semaphore_mem>>)
        %add3A_521 = arith.addi %mul3A_409, %add3A_444 : i32
        %add3A_522 = arith.constant 1 : i32
        %add3A_523 = arith.addi %add3A_521, %add3A_522 : i32
        %dma_start3A_524 = arith.constant 0 : i32
        %dma_start3A_525 = tpu.memref_slice %arg5[%add3A_523, %dma_start3A_524] : memref<3200x100xi32, #tpu.memory_space<hbm>> -> memref<1x100xi32, #tpu.memory_space<hbm>>
        %dma_start3A_526 = tpu.memref_squeeze %dma_start3A_525 : memref<1x100xi32, #tpu.memory_space<hbm>> -> memref<100xi32, #tpu.memory_space<hbm>>
        %dma_start3A_527 = arith.constant 0 : i32
        %dma_start3A_528 = tpu.memref_slice %arg5[%add3A_523, %dma_start3A_527] : memref<3200x100xi32, #tpu.memory_space<hbm>> -> memref<1x100xi32, #tpu.memory_space<hbm>>
        %dma_start3A_529 = tpu.memref_squeeze %dma_start3A_528 : memref<1x100xi32, #tpu.memory_space<hbm>> -> memref<100xi32, #tpu.memory_space<hbm>>
        tpu.enqueue_dma source(%dma_start3A_529 : memref<100xi32, #tpu.memory_space<hbm>>) target(%arg12 : memref<100xi32, #tpu.memory_space<vmem>>) target_semaphore(%arg21 : memref<!tpu.dma_semaphore, #tpu.memory_space<semaphore_mem>>)
      } else {
      }
      %dma_wait3A_453 = arith.constant 0 : i32
      %dma_wait3A_454 = tpu.memref_slice %arg9[%add3A_444, %dma_wait3A_453] : memref<100x100xi32, #tpu.memory_space<vmem>> -> memref<1x100xi32, #tpu.memory_space<vmem>>
      %dma_wait3A_455 = tpu.memref_squeeze %dma_wait3A_454 : memref<1x100xi32, #tpu.memory_space<vmem>> -> memref<100xi32, #tpu.memory_space<vmem>>
      %dma_wait3A_456 = arith.constant 0 : i32
      %dma_wait3A_457 = arith.constant 0 : i32
      %dma_wait3A_458 = tpu.memref_slice %arg2[%dma_wait3A_456, %dma_wait3A_457] : memref<80000x128xf32, #tpu.memory_space<hbm>> -> memref<80000x128xf32, #tpu.memory_space<hbm>>
      tpu.wait_indirect_dma semaphore(%arg16 : memref<!tpu.dma_semaphore, #tpu.memory_space<semaphore_mem>>) src(%dma_wait3A_458 : memref<80000x128xf32, #tpu.memory_space<hbm>>) dst(%arg13 : memref<100x128xf32, #tpu.memory_space<vmem>>)
      %add3A_459 = arith.addi %mul3A_409, %add3A_444 : i32
      %dma_wait3A_460 = arith.constant 0 : i32
      %dma_wait3A_461 = tpu.memref_slice %arg5[%add3A_459, %dma_wait3A_460] : memref<3200x100xi32, #tpu.memory_space<hbm>> -> memref<1x100xi32, #tpu.memory_space<hbm>>
      %dma_wait3A_462 = tpu.memref_squeeze %dma_wait3A_461 : memref<1x100xi32, #tpu.memory_space<hbm>> -> memref<100xi32, #tpu.memory_space<hbm>>
      %dma_wait3A_463 = arith.constant 0 : i32
      %dma_wait3A_464 = tpu.memref_slice %arg5[%add3A_459, %dma_wait3A_463] : memref<3200x100xi32, #tpu.memory_space<hbm>> -> memref<1x100xi32, #tpu.memory_space<hbm>>
      %dma_wait3A_465 = tpu.memref_squeeze %dma_wait3A_464 : memref<1x100xi32, #tpu.memory_space<hbm>> -> memref<100xi32, #tpu.memory_space<hbm>>
      tpu.wait_dma2 semaphore(%arg20 : memref<!tpu.dma_semaphore, #tpu.memory_space<semaphore_mem>>) src(%dma_wait3A_465 : memref<100xi32, #tpu.memory_space<hbm>>) dst(%arg11 : memref<100xi32, #tpu.memory_space<vmem>>)
      %scan3A_466 = arith.constant 0 : i32
      %scan3A_467 = arith.constant 0 : i32
      %scan3A_468 = arith.constant 25 : i32
      %scan3A_469 = arith.addi %scan3A_467, %scan3A_468 : i32
      %scan3A_470 = arith.constant 1 : i32
      scf.for %scan3A_513 = %scan3A_467 to %scan3A_469 step %scan3A_470  : i32 {
        %mul3A_514 = arith.constant 4 : i32
        %mul3A_515 = arith.muli %scan3A_513, %mul3A_514 : i32
        %add3A_516 = arith.constant 0 : i32
        %add3A_517 = arith.addi %mul3A_515, %add3A_516 : i32
        %mul3A_518 = arith.constant 100 : i32
        %mul3A_519 = arith.muli %add3A_444, %mul3A_518 : i32
        %add3A_520 = arith.addi %mul3A_519, %add3A_517 : i32
        %broadcast_in_dim3A = vector.broadcast %add3A_520 : i32 to vector<16xi32>
        %gather3A = tpu.vector_load_idx %arg10[%broadcast_in_dim3A] : memref<10000xf32, #tpu.memory_space<vmem>>[vector<16xi32>], vector<16xf32>,
        %get3A = arith.index_cast %add3A_517 : i32 to index
        %get3A_521 = arith.constant 0 : index
        %get3A_522 = tpu.vector_load %arg13[%get3A, %get3A_521] {strides = array<i32>} : memref<100x128xf32, #tpu.memory_space<vmem>>, vector<16xf32>,
        %mul3A_523 = arith.mulf %get3A_522, %gather3A : vector<16xf32>
        %swap3A = arith.index_cast %add3A_517 : i32 to index
        %swap3A_524 = arith.constant 0 : index
        %swap3A_525 = tpu.vector_load %arg13[%swap3A, %swap3A_524] {strides = array<i32>} : memref<100x128xf32, #tpu.memory_space<vmem>>, vector<16xf32>,
        tpu.vector_store %arg13[%swap3A, %swap3A_524], %mul3A_523 {strides = array<i32>} : memref<100x128xf32, #tpu.memory_space<vmem>>, vector<16xf32>,
        %get3A_526 = arith.index_cast %add3A_517 : i32 to index
        %get3A_527 = arith.constant 16 : index
        %get3A_528 = tpu.vector_load %arg13[%get3A_526, %get3A_527] {strides = array<i32>} : memref<100x128xf32, #tpu.memory_space<vmem>>, vector<16xf32>,
        %mul3A_529 = arith.mulf %get3A_528, %gather3A : vector<16xf32>
        %swap3A_530 = arith.index_cast %add3A_517 : i32 to index
        %swap3A_531 = arith.constant 16 : index
        %swap3A_532 = tpu.vector_load %arg13[%swap3A_530, %swap3A_531] {strides = array<i32>} : memref<100x128xf32, #tpu.memory_space<vmem>>, vector<16xf32>,
        tpu.vector_store %arg13[%swap3A_530, %swap3A_531], %mul3A_529 {strides = array<i32>} : memref<100x128xf32, #tpu.memory_space<vmem>>, vector<16xf32>,
        %get3A_533 = arith.index_cast %add3A_517 : i32 to index
        %get3A_534 = arith.constant 32 : index
        %get3A_535 = tpu.vector_load %arg13[%get3A_533, %get3A_534] {strides = array<i32>} : memref<100x128xf32, #tpu.memory_space<vmem>>, vector<16xf32>,
        %mul3A_536 = arith.mulf %get3A_535, %gather3A : vector<16xf32>
        %swap3A_537 = arith.index_cast %add3A_517 : i32 to index
        %swap3A_538 = arith.constant 32 : index
        %swap3A_539 = tpu.vector_load %arg13[%swap3A_537, %swap3A_538] {strides = array<i32>} : memref<100x128xf32, #tpu.memory_space<vmem>>, vector<16xf32>,
        tpu.vector_store %arg13[%swap3A_537, %swap3A_538], %mul3A_536 {strides = array<i32>} : memref<100x128xf32, #tpu.memory_space<vmem>>, vector<16xf32>,
        %get3A_540 = arith.index_cast %add3A_517 : i32 to index
        %get3A_541 = arith.constant 48 : index
        %get3A_542 = tpu.vector_load %arg13[%get3A_540, %get3A_541] {strides = array<i32>} : memref<100x128xf32, #tpu.memory_space<vmem>>, vector<16xf32>,
        %mul3A_543 = arith.mulf %get3A_542, %gather3A : vector<16xf32>
        %swap3A_544 = arith.index_cast %add3A_517 : i32 to index
        %swap3A_545 = arith.constant 48 : index
        %swap3A_546 = tpu.vector_load %arg13[%swap3A_544, %swap3A_545] {strides = array<i32>} : memref<100x128xf32, #tpu.memory_space<vmem>>, vector<16xf32>,
        tpu.vector_store %arg13[%swap3A_544, %swap3A_545], %mul3A_543 {strides = array<i32>} : memref<100x128xf32, #tpu.memory_space<vmem>>, vector<16xf32>,
        %get3A_547 = arith.index_cast %add3A_517 : i32 to index
        %get3A_548 = arith.constant 64 : index
        %get3A_549 = tpu.vector_load %arg13[%get3A_547, %get3A_548] {strides = array<i32>} : memref<100x128xf32, #tpu.memory_space<vmem>>, vector<16xf32>,
        %mul3A_550 = arith.mulf %get3A_549, %gather3A : vector<16xf32>
        %swap3A_551 = arith.index_cast %add3A_517 : i32 to index
        %swap3A_552 = arith.constant 64 : index
        %swap3A_553 = tpu.vector_load %arg13[%swap3A_551, %swap3A_552] {strides = array<i32>} : memref<100x128xf32, #tpu.memory_space<vmem>>, vector<16xf32>,
        tpu.vector_store %arg13[%swap3A_551, %swap3A_552], %mul3A_550 {strides = array<i32>} : memref<100x128xf32, #tpu.memory_space<vmem>>, vector<16xf32>,
        %get3A_554 = arith.index_cast %add3A_517 : i32 to index
        %get3A_555 = arith.constant 80 : index
        %get3A_556 = tpu.vector_load %arg13[%get3A_554, %get3A_555] {strides = array<i32>} : memref<100x128xf32, #tpu.memory_space<vmem>>, vector<16xf32>,
        %mul3A_557 = arith.mulf %get3A_556, %gather3A : vector<16xf32>
        %swap3A_558 = arith.index_cast %add3A_517 : i32 to index
        %swap3A_559 = arith.constant 80 : index
        %swap3A_560 = tpu.vector_load %arg13[%swap3A_558, %swap3A_559] {strides = array<i32>} : memref<100x128xf32, #tpu.memory_space<vmem>>, vector<16xf32>,
        tpu.vector_store %arg13[%swap3A_558, %swap3A_559], %mul3A_557 {strides = array<i32>} : memref<100x128xf32, #tpu.memory_space<vmem>>, vector<16xf32>,
        %get3A_561 = arith.index_cast %add3A_517 : i32 to index
        %get3A_562 = arith.constant 96 : index
        %get3A_563 = tpu.vector_load %arg13[%get3A_561, %get3A_562] {strides = array<i32>} : memref<100x128xf32, #tpu.memory_space<vmem>>, vector<16xf32>,
        %mul3A_564 = arith.mulf %get3A_563, %gather3A : vector<16xf32>
        %swap3A_565 = arith.index_cast %add3A_517 : i32 to index
        %swap3A_566 = arith.constant 96 : index
        %swap3A_567 = tpu.vector_load %arg13[%swap3A_565, %swap3A_566] {strides = array<i32>} : memref<100x128xf32, #tpu.memory_space<vmem>>, vector<16xf32>,
        tpu.vector_store %arg13[%swap3A_565, %swap3A_566], %mul3A_564 {strides = array<i32>} : memref<100x128xf32, #tpu.memory_space<vmem>>, vector<16xf32>,
        %get3A_568 = arith.index_cast %add3A_517 : i32 to index
        %get3A_569 = arith.constant 112 : index
        %get3A_570 = tpu.vector_load %arg13[%get3A_568, %get3A_569] {strides = array<i32>} : memref<100x128xf32, #tpu.memory_space<vmem>>, vector<16xf32>,
        %mul3A_571 = arith.mulf %get3A_570, %gather3A : vector<16xf32>
        %swap3A_572 = arith.index_cast %add3A_517 : i32 to index
        %swap3A_573 = arith.constant 112 : index
        %swap3A_574 = tpu.vector_load %arg13[%swap3A_572, %swap3A_573] {strides = array<i32>} : memref<100x128xf32, #tpu.memory_space<vmem>>, vector<16xf32>,
        tpu.vector_store %arg13[%swap3A_572, %swap3A_573], %mul3A_571 {strides = array<i32>} : memref<100x128xf32, #tpu.memory_space<vmem>>, vector<16xf32>,
        %mul3A_575 = arith.constant 4 : i32
        %mul3A_576 = arith.muli %scan3A_513, %mul3A_575 : i32
        %add3A_577 = arith.constant 1 : i32
        %add3A_578 = arith.addi %mul3A_576, %add3A_577 : i32
        %mul3A_579 = arith.constant 100 : i32
        %mul3A_580 = arith.muli %add3A_444, %mul3A_579 : i32
        %add3A_581 = arith.addi %mul3A_580, %add3A_578 : i32
        %broadcast_in_dim3A_582 = vector.broadcast %add3A_581 : i32 to vector<16xi32>
        %gather3A_583 = tpu.vector_load_idx %arg10[%broadcast_in_dim3A_582] : memref<10000xf32, #tpu.memory_space<vmem>>[vector<16xi32>], vector<16xf32>,
        %get3A_584 = arith.index_cast %add3A_578 : i32 to index
        %get3A_585 = arith.constant 0 : index
        %get3A_586 = tpu.vector_load %arg13[%get3A_584, %get3A_585] {strides = array<i32>} : memref<100x128xf32, #tpu.memory_space<vmem>>, vector<16xf32>,
        %mul3A_587 = arith.mulf %get3A_586, %gather3A_583 : vector<16xf32>
        %swap3A_588 = arith.index_cast %add3A_578 : i32 to index
        %swap3A_589 = arith.constant 0 : index
        %swap3A_590 = tpu.vector_load %arg13[%swap3A_588, %swap3A_589] {strides = array<i32>} : memref<100x128xf32, #tpu.memory_space<vmem>>, vector<16xf32>,
        tpu.vector_store %arg13[%swap3A_588, %swap3A_589], %mul3A_587 {strides = array<i32>} : memref<100x128xf32, #tpu.memory_space<vmem>>, vector<16xf32>,
        %get3A_591 = arith.index_cast %add3A_578 : i32 to index
        %get3A_592 = arith.constant 16 : index
        %get3A_593 = tpu.vector_load %arg13[%get3A_591, %get3A_592] {strides = array<i32>} : memref<100x128xf32, #tpu.memory_space<vmem>>, vector<16xf32>,
        %mul3A_594 = arith.mulf %get3A_593, %gather3A_583 : vector<16xf32>
        %swap3A_595 = arith.index_cast %add3A_578 : i32 to index
        %swap3A_596 = arith.constant 16 : index
        %swap3A_597 = tpu.vector_load %arg13[%swap3A_595, %swap3A_596] {strides = array<i32>} : memref<100x128xf32, #tpu.memory_space<vmem>>, vector<16xf32>,
        tpu.vector_store %arg13[%swap3A_595, %swap3A_596], %mul3A_594 {strides = array<i32>} : memref<100x128xf32, #tpu.memory_space<vmem>>, vector<16xf32>,
        %get3A_598 = arith.index_cast %add3A_578 : i32 to index
        %get3A_599 = arith.constant 32 : index
        %get3A_600 = tpu.vector_load %arg13[%get3A_598, %get3A_599] {strides = array<i32>} : memref<100x128xf32, #tpu.memory_space<vmem>>, vector<16xf32>,
        %mul3A_601 = arith.mulf %get3A_600, %gather3A_583 : vector<16xf32>
        %swap3A_602 = arith.index_cast %add3A_578 : i32 to index
        %swap3A_603 = arith.constant 32 : index
        %swap3A_604 = tpu.vector_load %arg13[%swap3A_602, %swap3A_603] {strides = array<i32>} : memref<100x128xf32, #tpu.memory_space<vmem>>, vector<16xf32>,
        tpu.vector_store %arg13[%swap3A_602, %swap3A_603], %mul3A_601 {strides = array<i32>} : memref<100x128xf32, #tpu.memory_space<vmem>>, vector<16xf32>,
        %get3A_605 = arith.index_cast %add3A_578 : i32 to index
        %get3A_606 = arith.constant 48 : index
        %get3A_607 = tpu.vector_load %arg13[%get3A_605, %get3A_606] {strides = array<i32>} : memref<100x128xf32, #tpu.memory_space<vmem>>, vector<16xf32>,
        %mul3A_608 = arith.mulf %get3A_607, %gather3A_583 : vector<16xf32>
        %swap3A_609 = arith.index_cast %add3A_578 : i32 to index
        %swap3A_610 = arith.constant 48 : index
        %swap3A_611 = tpu.vector_load %arg13[%swap3A_609, %swap3A_610] {strides = array<i32>} : memref<100x128xf32, #tpu.memory_space<vmem>>, vector<16xf32>,
        tpu.vector_store %arg13[%swap3A_609, %swap3A_610], %mul3A_608 {strides = array<i32>} : memref<100x128xf32, #tpu.memory_space<vmem>>, vector<16xf32>,
        %get3A_612 = arith.index_cast %add3A_578 : i32 to index
        %get3A_613 = arith.constant 64 : index
        %get3A_614 = tpu.vector_load %arg13[%get3A_612, %get3A_613] {strides = array<i32>} : memref<100x128xf32, #tpu.memory_space<vmem>>, vector<16xf32>,
        %mul3A_615 = arith.mulf %get3A_614, %gather3A_583 : vector<16xf32>
        %swap3A_616 = arith.index_cast %add3A_578 : i32 to index
        %swap3A_617 = arith.constant 64 : index
        %swap3A_618 = tpu.vector_load %arg13[%swap3A_616, %swap3A_617] {strides = array<i32>} : memref<100x128xf32, #tpu.memory_space<vmem>>, vector<16xf32>,
        tpu.vector_store %arg13[%swap3A_616, %swap3A_617], %mul3A_615 {strides = array<i32>} : memref<100x128xf32, #tpu.memory_space<vmem>>, vector<16xf32>,
        %get3A_619 = arith.index_cast %add3A_578 : i32 to index
        %get3A_620 = arith.constant 80 : index
        %get3A_621 = tpu.vector_load %arg13[%get3A_619, %get3A_620] {strides = array<i32>} : memref<100x128xf32, #tpu.memory_space<vmem>>, vector<16xf32>,
        %mul3A_622 = arith.mulf %get3A_621, %gather3A_583 : vector<16xf32>
        %swap3A_623 = arith.index_cast %add3A_578 : i32 to index
        %swap3A_624 = arith.constant 80 : index
        %swap3A_625 = tpu.vector_load %arg13[%swap3A_623, %swap3A_624] {strides = array<i32>} : memref<100x128xf32, #tpu.memory_space<vmem>>, vector<16xf32>,
        tpu.vector_store %arg13[%swap3A_623, %swap3A_624], %mul3A_622 {strides = array<i32>} : memref<100x128xf32, #tpu.memory_space<vmem>>, vector<16xf32>,
        %get3A_626 = arith.index_cast %add3A_578 : i32 to index
        %get3A_627 = arith.constant 96 : index
        %get3A_628 = tpu.vector_load %arg13[%get3A_626, %get3A_627] {strides = array<i32>} : memref<100x128xf32, #tpu.memory_space<vmem>>, vector<16xf32>,
        %mul3A_629 = arith.mulf %get3A_628, %gather3A_583 : vector<16xf32>
        %swap3A_630 = arith.index_cast %add3A_578 : i32 to index
        %swap3A_631 = arith.constant 96 : index
        %swap3A_632 = tpu.vector_load %arg13[%swap3A_630, %swap3A_631] {strides = array<i32>} : memref<100x128xf32, #tpu.memory_space<vmem>>, vector<16xf32>,
        tpu.vector_store %arg13[%swap3A_630, %swap3A_631], %mul3A_629 {strides = array<i32>} : memref<100x128xf32, #tpu.memory_space<vmem>>, vector<16xf32>,
        %get3A_633 = arith.index_cast %add3A_578 : i32 to index
        %get3A_634 = arith.constant 112 : index
        %get3A_635 = tpu.vector_load %arg13[%get3A_633, %get3A_634] {strides = array<i32>} : memref<100x128xf32, #tpu.memory_space<vmem>>, vector<16xf32>,
        %mul3A_636 = arith.mulf %get3A_635, %gather3A_583 : vector<16xf32>
        %swap3A_637 = arith.index_cast %add3A_578 : i32 to index
        %swap3A_638 = arith.constant 112 : index
        %swap3A_639 = tpu.vector_load %arg13[%swap3A_637, %swap3A_638] {strides = array<i32>} : memref<100x128xf32, #tpu.memory_space<vmem>>, vector<16xf32>,
        tpu.vector_store %arg13[%swap3A_637, %swap3A_638], %mul3A_636 {strides = array<i32>} : memref<100x128xf32, #tpu.memory_space<vmem>>, vector<16xf32>,
        %mul3A_640 = arith.constant 4 : i32
        %mul3A_641 = arith.muli %scan3A_513, %mul3A_640 : i32
        %add3A_642 = arith.constant 2 : i32
        %add3A_643 = arith.addi %mul3A_641, %add3A_642 : i32
        %mul3A_644 = arith.constant 100 : i32
        %mul3A_645 = arith.muli %add3A_444, %mul3A_644 : i32
        %add3A_646 = arith.addi %mul3A_645, %add3A_643 : i32
        %broadcast_in_dim3A_647 = vector.broadcast %add3A_646 : i32 to vector<16xi32>
        %gather3A_648 = tpu.vector_load_idx %arg10[%broadcast_in_dim3A_647] : memref<10000xf32, #tpu.memory_space<vmem>>[vector<16xi32>], vector<16xf32>,
        %get3A_649 = arith.index_cast %add3A_643 : i32 to index
        %get3A_650 = arith.constant 0 : index
        %get3A_651 = tpu.vector_load %arg13[%get3A_649, %get3A_650] {strides = array<i32>} : memref<100x128xf32, #tpu.memory_space<vmem>>, vector<16xf32>,
        %mul3A_652 = arith.mulf %get3A_651, %gather3A_648 : vector<16xf32>
        %swap3A_653 = arith.index_cast %add3A_643 : i32 to index
        %swap3A_654 = arith.constant 0 : index
        %swap3A_655 = tpu.vector_load %arg13[%swap3A_653, %swap3A_654] {strides = array<i32>} : memref<100x128xf32, #tpu.memory_space<vmem>>, vector<16xf32>,
        tpu.vector_store %arg13[%swap3A_653, %swap3A_654], %mul3A_652 {strides = array<i32>} : memref<100x128xf32, #tpu.memory_space<vmem>>, vector<16xf32>,
        %get3A_656 = arith.index_cast %add3A_643 : i32 to index
        %get3A_657 = arith.constant 16 : index
        %get3A_658 = tpu.vector_load %arg13[%get3A_656, %get3A_657] {strides = array<i32>} : memref<100x128xf32, #tpu.memory_space<vmem>>, vector<16xf32>,
        %mul3A_659 = arith.mulf %get3A_658, %gather3A_648 : vector<16xf32>
        %swap3A_660 = arith.index_cast %add3A_643 : i32 to index
        %swap3A_661 = arith.constant 16 : index
        %swap3A_662 = tpu.vector_load %arg13[%swap3A_660, %swap3A_661] {strides = array<i32>} : memref<100x128xf32, #tpu.memory_space<vmem>>, vector<16xf32>,
        tpu.vector_store %arg13[%swap3A_660, %swap3A_661], %mul3A_659 {strides = array<i32>} : memref<100x128xf32, #tpu.memory_space<vmem>>, vector<16xf32>,
        %get3A_663 = arith.index_cast %add3A_643 : i32 to index
        %get3A_664 = arith.constant 32 : index
        %get3A_665 = tpu.vector_load %arg13[%get3A_663, %get3A_664] {strides = array<i32>} : memref<100x128xf32, #tpu.memory_space<vmem>>, vector<16xf32>,
        %mul3A_666 = arith.mulf %get3A_665, %gather3A_648 : vector<16xf32>
        %swap3A_667 = arith.index_cast %add3A_643 : i32 to index
        %swap3A_668 = arith.constant 32 : index
        %swap3A_669 = tpu.vector_load %arg13[%swap3A_667, %swap3A_668] {strides = array<i32>} : memref<100x128xf32, #tpu.memory_space<vmem>>, vector<16xf32>,
        tpu.vector_store %arg13[%swap3A_667, %swap3A_668], %mul3A_666 {strides = array<i32>} : memref<100x128xf32, #tpu.memory_space<vmem>>, vector<16xf32>,
        %get3A_670 = arith.index_cast %add3A_643 : i32 to index
        %get3A_671 = arith.constant 48 : index
        %get3A_672 = tpu.vector_load %arg13[%get3A_670, %get3A_671] {strides = array<i32>} : memref<100x128xf32, #tpu.memory_space<vmem>>, vector<16xf32>,
        %mul3A_673 = arith.mulf %get3A_672, %gather3A_648 : vector<16xf32>
        %swap3A_674 = arith.index_cast %add3A_643 : i32 to index
        %swap3A_675 = arith.constant 48 : index
        %swap3A_676 = tpu.vector_load %arg13[%swap3A_674, %swap3A_675] {strides = array<i32>} : memref<100x128xf32, #tpu.memory_space<vmem>>, vector<16xf32>,
        tpu.vector_store %arg13[%swap3A_674, %swap3A_675], %mul3A_673 {strides = array<i32>} : memref<100x128xf32, #tpu.memory_space<vmem>>, vector<16xf32>,
        %get3A_677 = arith.index_cast %add3A_643 : i32 to index
        %get3A_678 = arith.constant 64 : index
        %get3A_679 = tpu.vector_load %arg13[%get3A_677, %get3A_678] {strides = array<i32>} : memref<100x128xf32, #tpu.memory_space<vmem>>, vector<16xf32>,
        %mul3A_680 = arith.mulf %get3A_679, %gather3A_648 : vector<16xf32>
        %swap3A_681 = arith.index_cast %add3A_643 : i32 to index
        %swap3A_682 = arith.constant 64 : index
        %swap3A_683 = tpu.vector_load %arg13[%swap3A_681, %swap3A_682] {strides = array<i32>} : memref<100x128xf32, #tpu.memory_space<vmem>>, vector<16xf32>,
        tpu.vector_store %arg13[%swap3A_681, %swap3A_682], %mul3A_680 {strides = array<i32>} : memref<100x128xf32, #tpu.memory_space<vmem>>, vector<16xf32>,
        %get3A_684 = arith.index_cast %add3A_643 : i32 to index
        %get3A_685 = arith.constant 80 : index
        %get3A_686 = tpu.vector_load %arg13[%get3A_684, %get3A_685] {strides = array<i32>} : memref<100x128xf32, #tpu.memory_space<vmem>>, vector<16xf32>,
        %mul3A_687 = arith.mulf %get3A_686, %gather3A_648 : vector<16xf32>
        %swap3A_688 = arith.index_cast %add3A_643 : i32 to index
        %swap3A_689 = arith.constant 80 : index
        %swap3A_690 = tpu.vector_load %arg13[%swap3A_688, %swap3A_689] {strides = array<i32>} : memref<100x128xf32, #tpu.memory_space<vmem>>, vector<16xf32>,
        tpu.vector_store %arg13[%swap3A_688, %swap3A_689], %mul3A_687 {strides = array<i32>} : memref<100x128xf32, #tpu.memory_space<vmem>>, vector<16xf32>,
        %get3A_691 = arith.index_cast %add3A_643 : i32 to index
        %get3A_692 = arith.constant 96 : index
        %get3A_693 = tpu.vector_load %arg13[%get3A_691, %get3A_692] {strides = array<i32>} : memref<100x128xf32, #tpu.memory_space<vmem>>, vector<16xf32>,
        %mul3A_694 = arith.mulf %get3A_693, %gather3A_648 : vector<16xf32>
        %swap3A_695 = arith.index_cast %add3A_643 : i32 to index
        %swap3A_696 = arith.constant 96 : index
        %swap3A_697 = tpu.vector_load %arg13[%swap3A_695, %swap3A_696] {strides = array<i32>} : memref<100x128xf32, #tpu.memory_space<vmem>>, vector<16xf32>,
        tpu.vector_store %arg13[%swap3A_695, %swap3A_696], %mul3A_694 {strides = array<i32>} : memref<100x128xf32, #tpu.memory_space<vmem>>, vector<16xf32>,
        %get3A_698 = arith.index_cast %add3A_643 : i32 to index
        %get3A_699 = arith.constant 112 : index
        %get3A_700 = tpu.vector_load %arg13[%get3A_698, %get3A_699] {strides = array<i32>} : memref<100x128xf32, #tpu.memory_space<vmem>>, vector<16xf32>,
        %mul3A_701 = arith.mulf %get3A_700, %gather3A_648 : vector<16xf32>
        %swap3A_702 = arith.index_cast %add3A_643 : i32 to index
        %swap3A_703 = arith.constant 112 : index
        %swap3A_704 = tpu.vector_load %arg13[%swap3A_702, %swap3A_703] {strides = array<i32>} : memref<100x128xf32, #tpu.memory_space<vmem>>, vector<16xf32>,
        tpu.vector_store %arg13[%swap3A_702, %swap3A_703], %mul3A_701 {strides = array<i32>} : memref<100x128xf32, #tpu.memory_space<vmem>>, vector<16xf32>,
        %mul3A_705 = arith.constant 4 : i32
        %mul3A_706 = arith.muli %scan3A_513, %mul3A_705 : i32
        %add3A_707 = arith.constant 3 : i32
        %add3A_708 = arith.addi %mul3A_706, %add3A_707 : i32
        %mul3A_709 = arith.constant 100 : i32
        %mul3A_710 = arith.muli %add3A_444, %mul3A_709 : i32
        %add3A_711 = arith.addi %mul3A_710, %add3A_708 : i32
        %broadcast_in_dim3A_712 = vector.broadcast %add3A_711 : i32 to vector<16xi32>
        %gather3A_713 = tpu.vector_load_idx %arg10[%broadcast_in_dim3A_712] : memref<10000xf32, #tpu.memory_space<vmem>>[vector<16xi32>], vector<16xf32>,
        %get3A_714 = arith.index_cast %add3A_708 : i32 to index
        %get3A_715 = arith.constant 0 : index
        %get3A_716 = tpu.vector_load %arg13[%get3A_714, %get3A_715] {strides = array<i32>} : memref<100x128xf32, #tpu.memory_space<vmem>>, vector<16xf32>,
        %mul3A_717 = arith.mulf %get3A_716, %gather3A_713 : vector<16xf32>
        %swap3A_718 = arith.index_cast %add3A_708 : i32 to index
        %swap3A_719 = arith.constant 0 : index
        %swap3A_720 = tpu.vector_load %arg13[%swap3A_718, %swap3A_719] {strides = array<i32>} : memref<100x128xf32, #tpu.memory_space<vmem>>, vector<16xf32>,
        tpu.vector_store %arg13[%swap3A_718, %swap3A_719], %mul3A_717 {strides = array<i32>} : memref<100x128xf32, #tpu.memory_space<vmem>>, vector<16xf32>,
        %get3A_721 = arith.index_cast %add3A_708 : i32 to index
        %get3A_722 = arith.constant 16 : index
        %get3A_723 = tpu.vector_load %arg13[%get3A_721, %get3A_722] {strides = array<i32>} : memref<100x128xf32, #tpu.memory_space<vmem>>, vector<16xf32>,
        %mul3A_724 = arith.mulf %get3A_723, %gather3A_713 : vector<16xf32>
        %swap3A_725 = arith.index_cast %add3A_708 : i32 to index
        %swap3A_726 = arith.constant 16 : index
        %swap3A_727 = tpu.vector_load %arg13[%swap3A_725, %swap3A_726] {strides = array<i32>} : memref<100x128xf32, #tpu.memory_space<vmem>>, vector<16xf32>,
        tpu.vector_store %arg13[%swap3A_725, %swap3A_726], %mul3A_724 {strides = array<i32>} : memref<100x128xf32, #tpu.memory_space<vmem>>, vector<16xf32>,
        %get3A_728 = arith.index_cast %add3A_708 : i32 to index
        %get3A_729 = arith.constant 32 : index
        %get3A_730 = tpu.vector_load %arg13[%get3A_728, %get3A_729] {strides = array<i32>} : memref<100x128xf32, #tpu.memory_space<vmem>>, vector<16xf32>,
        %mul3A_731 = arith.mulf %get3A_730, %gather3A_713 : vector<16xf32>
        %swap3A_732 = arith.index_cast %add3A_708 : i32 to index
        %swap3A_733 = arith.constant 32 : index
        %swap3A_734 = tpu.vector_load %arg13[%swap3A_732, %swap3A_733] {strides = array<i32>} : memref<100x128xf32, #tpu.memory_space<vmem>>, vector<16xf32>,
        tpu.vector_store %arg13[%swap3A_732, %swap3A_733], %mul3A_731 {strides = array<i32>} : memref<100x128xf32, #tpu.memory_space<vmem>>, vector<16xf32>,
        %get3A_735 = arith.index_cast %add3A_708 : i32 to index
        %get3A_736 = arith.constant 48 : index
        %get3A_737 = tpu.vector_load %arg13[%get3A_735, %get3A_736] {strides = array<i32>} : memref<100x128xf32, #tpu.memory_space<vmem>>, vector<16xf32>,
        %mul3A_738 = arith.mulf %get3A_737, %gather3A_713 : vector<16xf32>
        %swap3A_739 = arith.index_cast %add3A_708 : i32 to index
        %swap3A_740 = arith.constant 48 : index
        %swap3A_741 = tpu.vector_load %arg13[%swap3A_739, %swap3A_740] {strides = array<i32>} : memref<100x128xf32, #tpu.memory_space<vmem>>, vector<16xf32>,
        tpu.vector_store %arg13[%swap3A_739, %swap3A_740], %mul3A_738 {strides = array<i32>} : memref<100x128xf32, #tpu.memory_space<vmem>>, vector<16xf32>,
        %get3A_742 = arith.index_cast %add3A_708 : i32 to index
        %get3A_743 = arith.constant 64 : index
        %get3A_744 = tpu.vector_load %arg13[%get3A_742, %get3A_743] {strides = array<i32>} : memref<100x128xf32, #tpu.memory_space<vmem>>, vector<16xf32>,
        %mul3A_745 = arith.mulf %get3A_744, %gather3A_713 : vector<16xf32>
        %swap3A_746 = arith.index_cast %add3A_708 : i32 to index
        %swap3A_747 = arith.constant 64 : index
        %swap3A_748 = tpu.vector_load %arg13[%swap3A_746, %swap3A_747] {strides = array<i32>} : memref<100x128xf32, #tpu.memory_space<vmem>>, vector<16xf32>,
        tpu.vector_store %arg13[%swap3A_746, %swap3A_747], %mul3A_745 {strides = array<i32>} : memref<100x128xf32, #tpu.memory_space<vmem>>, vector<16xf32>,
        %get3A_749 = arith.index_cast %add3A_708 : i32 to index
        %get3A_750 = arith.constant 80 : index
        %get3A_751 = tpu.vector_load %arg13[%get3A_749, %get3A_750] {strides = array<i32>} : memref<100x128xf32, #tpu.memory_space<vmem>>, vector<16xf32>,
        %mul3A_752 = arith.mulf %get3A_751, %gather3A_713 : vector<16xf32>
        %swap3A_753 = arith.index_cast %add3A_708 : i32 to index
        %swap3A_754 = arith.constant 80 : index
        %swap3A_755 = tpu.vector_load %arg13[%swap3A_753, %swap3A_754] {strides = array<i32>} : memref<100x128xf32, #tpu.memory_space<vmem>>, vector<16xf32>,
        tpu.vector_store %arg13[%swap3A_753, %swap3A_754], %mul3A_752 {strides = array<i32>} : memref<100x128xf32, #tpu.memory_space<vmem>>, vector<16xf32>,
        %get3A_756 = arith.index_cast %add3A_708 : i32 to index
        %get3A_757 = arith.constant 96 : index
        %get3A_758 = tpu.vector_load %arg13[%get3A_756, %get3A_757] {strides = array<i32>} : memref<100x128xf32, #tpu.memory_space<vmem>>, vector<16xf32>,
        %mul3A_759 = arith.mulf %get3A_758, %gather3A_713 : vector<16xf32>
        %swap3A_760 = arith.index_cast %add3A_708 : i32 to index
        %swap3A_761 = arith.constant 96 : index
        %swap3A_762 = tpu.vector_load %arg13[%swap3A_760, %swap3A_761] {strides = array<i32>} : memref<100x128xf32, #tpu.memory_space<vmem>>, vector<16xf32>,
        tpu.vector_store %arg13[%swap3A_760, %swap3A_761], %mul3A_759 {strides = array<i32>} : memref<100x128xf32, #tpu.memory_space<vmem>>, vector<16xf32>,
        %get3A_763 = arith.index_cast %add3A_708 : i32 to index
        %get3A_764 = arith.constant 112 : index
        %get3A_765 = tpu.vector_load %arg13[%get3A_763, %get3A_764] {strides = array<i32>} : memref<100x128xf32, #tpu.memory_space<vmem>>, vector<16xf32>,
        %mul3A_766 = arith.mulf %get3A_765, %gather3A_713 : vector<16xf32>
        %swap3A_767 = arith.index_cast %add3A_708 : i32 to index
        %swap3A_768 = arith.constant 112 : index
        %swap3A_769 = tpu.vector_load %arg13[%swap3A_767, %swap3A_768] {strides = array<i32>} : memref<100x128xf32, #tpu.memory_space<vmem>>, vector<16xf32>,
        tpu.vector_store %arg13[%swap3A_767, %swap3A_768], %mul3A_766 {strides = array<i32>} : memref<100x128xf32, #tpu.memory_space<vmem>>, vector<16xf32>,
      }
      %scan3A_471 = arith.constant 25 : i32
      %dma_start3A_472 = arith.constant 0 : i32
      %dma_start3A_473 = arith.constant 0 : i32
      %dma_start3A_474 = tpu.memref_slice %arg7[%dma_start3A_472, %dma_start3A_473] : memref<10000x128xf32, #tpu.memory_space<vmem_shared>> -> memref<10000x128xf32, #tpu.memory_space<vmem_shared>>
      tpu.enqueue_indirect_dma source(%arg13 : memref<100x128xf32, #tpu.memory_space<vmem>>) target(%dma_start3A_474 : memref<10000x128xf32, #tpu.memory_space<vmem_shared>>) offsets(%arg11 : memref<100xi32, #tpu.memory_space<vmem>>) semaphore(%arg18 : memref<!tpu.dma_semaphore, #tpu.memory_space<semaphore_mem>>) {add = true}
      %mul3A_475 = arith.constant 2 : i32
      %mul3A_476 = arith.muli %scan3A_440, %mul3A_475 : i32
      %add3A_477 = arith.constant 1 : i32
      %add3A_478 = arith.addi %mul3A_476, %add3A_477 : i32
      %ge3A_479 = arith.constant 1 : i32
      %ge3A_480 = arith.cmpi sge, %add3A_478, %ge3A_479 : i32
      %convert_element_type3A_481 = arith.extui %ge3A_480 : i1 to i32
      %cond3A_482 = arith.constant 0 : i32
      %cond3A_483 = arith.cmpi ne, %convert_element_type3A_481, %cond3A_482 : i32
      scf.if %cond3A_483 {
        %dma_wait3A_513 = arith.constant 0 : i32
        %dma_wait3A_514 = arith.constant 0 : i32
        %dma_wait3A_515 = tpu.memref_slice %arg7[%dma_wait3A_513, %dma_wait3A_514] : memref<10000x128xf32, #tpu.memory_space<vmem_shared>> -> memref<10000x128xf32, #tpu.memory_space<vmem_shared>>
        tpu.wait_indirect_dma semaphore(%arg18 : memref<!tpu.dma_semaphore, #tpu.memory_space<semaphore_mem>>) src(%arg13 : memref<100x128xf32, #tpu.memory_space<vmem>>) dst(%dma_wait3A_515 : memref<10000x128xf32, #tpu.memory_space<vmem_shared>>)
      } else {
      }
      %add3A_484 = arith.constant 1 : i32
      %add3A_485 = arith.addi %add3A_478, %add3A_484 : i32
      %lt3A_486 = arith.constant 100 : i32
      %lt3A_487 = arith.cmpi slt, %add3A_485, %lt3A_486 : i32
      %convert_element_type3A_488 = arith.extui %lt3A_487 : i1 to i32
      %cond3A_489 = arith.constant 0 : i32
      %cond3A_490 = arith.cmpi ne, %convert_element_type3A_488, %cond3A_489 : i32
      scf.if %cond3A_490 {
        %add3A_513 = arith.constant 1 : i32
        %add3A_514 = arith.addi %add3A_478, %add3A_513 : i32
        %dma_start3A_515 = arith.constant 0 : i32
        %dma_start3A_516 = tpu.memref_slice %arg9[%add3A_514, %dma_start3A_515] : memref<100x100xi32, #tpu.memory_space<vmem>> -> memref<1x100xi32, #tpu.memory_space<vmem>>
        %dma_start3A_517 = tpu.memref_squeeze %dma_start3A_516 : memref<1x100xi32, #tpu.memory_space<vmem>> -> memref<100xi32, #tpu.memory_space<vmem>>
        %dma_start3A_518 = arith.constant 0 : i32
        %dma_start3A_519 = arith.constant 0 : i32
        %dma_start3A_520 = tpu.memref_slice %arg2[%dma_start3A_518, %dma_start3A_519] : memref<80000x128xf32, #tpu.memory_space<hbm>> -> memref<80000x128xf32, #tpu.memory_space<hbm>>
        tpu.enqueue_indirect_dma source(%dma_start3A_520 : memref<80000x128xf32, #tpu.memory_space<hbm>>) target(%arg13 : memref<100x128xf32, #tpu.memory_space<vmem>>) offsets(%dma_start3A_517 : memref<100xi32, #tpu.memory_space<vmem>>) semaphore(%arg16 : memref<!tpu.dma_semaphore, #tpu.memory_space<semaphore_mem>>)
        %add3A_521 = arith.addi %mul3A_409, %add3A_478 : i32
        %add3A_522 = arith.constant 1 : i32
        %add3A_523 = arith.addi %add3A_521, %add3A_522 : i32
        %dma_start3A_524 = arith.constant 0 : i32
        %dma_start3A_525 = tpu.memref_slice %arg5[%add3A_523, %dma_start3A_524] : memref<3200x100xi32, #tpu.memory_space<hbm>> -> memref<1x100xi32, #tpu.memory_space<hbm>>
        %dma_start3A_526 = tpu.memref_squeeze %dma_start3A_525 : memref<1x100xi32, #tpu.memory_space<hbm>> -> memref<100xi32, #tpu.memory_space<hbm>>
        %dma_start3A_527 = arith.constant 0 : i32
        %dma_start3A_528 = tpu.memref_slice %arg5[%add3A_523, %dma_start3A_527] : memref<3200x100xi32, #tpu.memory_space<hbm>> -> memref<1x100xi32, #tpu.memory_space<hbm>>
        %dma_start3A_529 = tpu.memref_squeeze %dma_start3A_528 : memref<1x100xi32, #tpu.memory_space<hbm>> -> memref<100xi32, #tpu.memory_space<hbm>>
        tpu.enqueue_dma source(%dma_start3A_529 : memref<100xi32, #tpu.memory_space<hbm>>) target(%arg11 : memref<100xi32, #tpu.memory_space<vmem>>) target_semaphore(%arg20 : memref<!tpu.dma_semaphore, #tpu.memory_space<semaphore_mem>>)
      } else {
      }
      %dma_wait3A_491 = arith.constant 0 : i32
      %dma_wait3A_492 = tpu.memref_slice %arg9[%add3A_478, %dma_wait3A_491] : memref<100x100xi32, #tpu.memory_space<vmem>> -> memref<1x100xi32, #tpu.memory_space<vmem>>
      %dma_wait3A_493 = tpu.memref_squeeze %dma_wait3A_492 : memref<1x100xi32, #tpu.memory_space<vmem>> -> memref<100xi32, #tpu.memory_space<vmem>>
      %dma_wait3A_494 = arith.constant 0 : i32
      %dma_wait3A_495 = arith.constant 0 : i32
      %dma_wait3A_496 = tpu.memref_slice %arg2[%dma_wait3A_494, %dma_wait3A_495] : memref<80000x128xf32, #tpu.memory_space<hbm>> -> memref<80000x128xf32, #tpu.memory_space<hbm>>
      tpu.wait_indirect_dma semaphore(%arg17 : memref<!tpu.dma_semaphore, #tpu.memory_space<semaphore_mem>>) src(%dma_wait3A_496 : memref<80000x128xf32, #tpu.memory_space<hbm>>) dst(%arg14 : memref<100x128xf32, #tpu.memory_space<vmem>>)
      %add3A_497 = arith.addi %mul3A_409, %add3A_478 : i32
      %dma_wait3A_498 = arith.constant 0 : i32
      %dma_wait3A_499 = tpu.memref_slice %arg5[%add3A_497, %dma_wait3A_498] : memref<3200x100xi32, #tpu.memory_space<hbm>> -> memref<1x100xi32, #tpu.memory_space<hbm>>
      %dma_wait3A_500 = tpu.memref_squeeze %dma_wait3A_499 : memref<1x100xi32, #tpu.memory_space<hbm>> -> memref<100xi32, #tpu.memory_space<hbm>>
      %dma_wait3A_501 = arith.constant 0 : i32
      %dma_wait3A_502 = tpu.memref_slice %arg5[%add3A_497, %dma_wait3A_501] : memref<3200x100xi32, #tpu.memory_space<hbm>> -> memref<1x100xi32, #tpu.memory_space<hbm>>
      %dma_wait3A_503 = tpu.memref_squeeze %dma_wait3A_502 : memref<1x100xi32, #tpu.memory_space<hbm>> -> memref<100xi32, #tpu.memory_space<hbm>>
      tpu.wait_dma2 semaphore(%arg21 : memref<!tpu.dma_semaphore, #tpu.memory_space<semaphore_mem>>) src(%dma_wait3A_503 : memref<100xi32, #tpu.memory_space<hbm>>) dst(%arg12 : memref<100xi32, #tpu.memory_space<vmem>>)
      %scan3A_504 = arith.constant 0 : i32
      %scan3A_505 = arith.constant 0 : i32
      %scan3A_506 = arith.constant 25 : i32
      %scan3A_507 = arith.addi %scan3A_505, %scan3A_506 : i32
      %scan3A_508 = arith.constant 1 : i32
      scf.for %scan3A_513 = %scan3A_505 to %scan3A_507 step %scan3A_508  : i32 {
        %mul3A_514 = arith.constant 4 : i32
        %mul3A_515 = arith.muli %scan3A_513, %mul3A_514 : i32
        %add3A_516 = arith.constant 0 : i32
        %add3A_517 = arith.addi %mul3A_515, %add3A_516 : i32
        %mul3A_518 = arith.constant 100 : i32
        %mul3A_519 = arith.muli %add3A_478, %mul3A_518 : i32
        %add3A_520 = arith.addi %mul3A_519, %add3A_517 : i32
        %broadcast_in_dim3A = vector.broadcast %add3A_520 : i32 to vector<16xi32>
        %gather3A = tpu.vector_load_idx %arg10[%broadcast_in_dim3A] : memref<10000xf32, #tpu.memory_space<vmem>>[vector<16xi32>], vector<16xf32>,
        %get3A = arith.index_cast %add3A_517 : i32 to index
        %get3A_521 = arith.constant 0 : index
        %get3A_522 = tpu.vector_load %arg14[%get3A, %get3A_521] {strides = array<i32>} : memref<100x128xf32, #tpu.memory_space<vmem>>, vector<16xf32>,
        %mul3A_523 = arith.mulf %get3A_522, %gather3A : vector<16xf32>
        %swap3A = arith.index_cast %add3A_517 : i32 to index
        %swap3A_524 = arith.constant 0 : index
        %swap3A_525 = tpu.vector_load %arg14[%swap3A, %swap3A_524] {strides = array<i32>} : memref<100x128xf32, #tpu.memory_space<vmem>>, vector<16xf32>,
        tpu.vector_store %arg14[%swap3A, %swap3A_524], %mul3A_523 {strides = array<i32>} : memref<100x128xf32, #tpu.memory_space<vmem>>, vector<16xf32>,
        %get3A_526 = arith.index_cast %add3A_517 : i32 to index
        %get3A_527 = arith.constant 16 : index
        %get3A_528 = tpu.vector_load %arg14[%get3A_526, %get3A_527] {strides = array<i32>} : memref<100x128xf32, #tpu.memory_space<vmem>>, vector<16xf32>,
        %mul3A_529 = arith.mulf %get3A_528, %gather3A : vector<16xf32>
        %swap3A_530 = arith.index_cast %add3A_517 : i32 to index
        %swap3A_531 = arith.constant 16 : index
        %swap3A_532 = tpu.vector_load %arg14[%swap3A_530, %swap3A_531] {strides = array<i32>} : memref<100x128xf32, #tpu.memory_space<vmem>>, vector<16xf32>,
        tpu.vector_store %arg14[%swap3A_530, %swap3A_531], %mul3A_529 {strides = array<i32>} : memref<100x128xf32, #tpu.memory_space<vmem>>, vector<16xf32>,
        %get3A_533 = arith.index_cast %add3A_517 : i32 to index
        %get3A_534 = arith.constant 32 : index
        %get3A_535 = tpu.vector_load %arg14[%get3A_533, %get3A_534] {strides = array<i32>} : memref<100x128xf32, #tpu.memory_space<vmem>>, vector<16xf32>,
        %mul3A_536 = arith.mulf %get3A_535, %gather3A : vector<16xf32>
        %swap3A_537 = arith.index_cast %add3A_517 : i32 to index
        %swap3A_538 = arith.constant 32 : index
        %swap3A_539 = tpu.vector_load %arg14[%swap3A_537, %swap3A_538] {strides = array<i32>} : memref<100x128xf32, #tpu.memory_space<vmem>>, vector<16xf32>,
        tpu.vector_store %arg14[%swap3A_537, %swap3A_538], %mul3A_536 {strides = array<i32>} : memref<100x128xf32, #tpu.memory_space<vmem>>, vector<16xf32>,
        %get3A_540 = arith.index_cast %add3A_517 : i32 to index
        %get3A_541 = arith.constant 48 : index
        %get3A_542 = tpu.vector_load %arg14[%get3A_540, %get3A_541] {strides = array<i32>} : memref<100x128xf32, #tpu.memory_space<vmem>>, vector<16xf32>,
        %mul3A_543 = arith.mulf %get3A_542, %gather3A : vector<16xf32>
        %swap3A_544 = arith.index_cast %add3A_517 : i32 to index
        %swap3A_545 = arith.constant 48 : index
        %swap3A_546 = tpu.vector_load %arg14[%swap3A_544, %swap3A_545] {strides = array<i32>} : memref<100x128xf32, #tpu.memory_space<vmem>>, vector<16xf32>,
        tpu.vector_store %arg14[%swap3A_544, %swap3A_545], %mul3A_543 {strides = array<i32>} : memref<100x128xf32, #tpu.memory_space<vmem>>, vector<16xf32>,
        %get3A_547 = arith.index_cast %add3A_517 : i32 to index
        %get3A_548 = arith.constant 64 : index
        %get3A_549 = tpu.vector_load %arg14[%get3A_547, %get3A_548] {strides = array<i32>} : memref<100x128xf32, #tpu.memory_space<vmem>>, vector<16xf32>,
        %mul3A_550 = arith.mulf %get3A_549, %gather3A : vector<16xf32>
        %swap3A_551 = arith.index_cast %add3A_517 : i32 to index
        %swap3A_552 = arith.constant 64 : index
        %swap3A_553 = tpu.vector_load %arg14[%swap3A_551, %swap3A_552] {strides = array<i32>} : memref<100x128xf32, #tpu.memory_space<vmem>>, vector<16xf32>,
        tpu.vector_store %arg14[%swap3A_551, %swap3A_552], %mul3A_550 {strides = array<i32>} : memref<100x128xf32, #tpu.memory_space<vmem>>, vector<16xf32>,
        %get3A_554 = arith.index_cast %add3A_517 : i32 to index
        %get3A_555 = arith.constant 80 : index
        %get3A_556 = tpu.vector_load %arg14[%get3A_554, %get3A_555] {strides = array<i32>} : memref<100x128xf32, #tpu.memory_space<vmem>>, vector<16xf32>,
        %mul3A_557 = arith.mulf %get3A_556, %gather3A : vector<16xf32>
        %swap3A_558 = arith.index_cast %add3A_517 : i32 to index
        %swap3A_559 = arith.constant 80 : index
        %swap3A_560 = tpu.vector_load %arg14[%swap3A_558, %swap3A_559] {strides = array<i32>} : memref<100x128xf32, #tpu.memory_space<vmem>>, vector<16xf32>,
        tpu.vector_store %arg14[%swap3A_558, %swap3A_559], %mul3A_557 {strides = array<i32>} : memref<100x128xf32, #tpu.memory_space<vmem>>, vector<16xf32>,
        %get3A_561 = arith.index_cast %add3A_517 : i32 to index
        %get3A_562 = arith.constant 96 : index
        %get3A_563 = tpu.vector_load %arg14[%get3A_561, %get3A_562] {strides = array<i32>} : memref<100x128xf32, #tpu.memory_space<vmem>>, vector<16xf32>,
        %mul3A_564 = arith.mulf %get3A_563, %gather3A : vector<16xf32>
        %swap3A_565 = arith.index_cast %add3A_517 : i32 to index
        %swap3A_566 = arith.constant 96 : index
        %swap3A_567 = tpu.vector_load %arg14[%swap3A_565, %swap3A_566] {strides = array<i32>} : memref<100x128xf32, #tpu.memory_space<vmem>>, vector<16xf32>,
        tpu.vector_store %arg14[%swap3A_565, %swap3A_566], %mul3A_564 {strides = array<i32>} : memref<100x128xf32, #tpu.memory_space<vmem>>, vector<16xf32>,
        %get3A_568 = arith.index_cast %add3A_517 : i32 to index
        %get3A_569 = arith.constant 112 : index
        %get3A_570 = tpu.vector_load %arg14[%get3A_568, %get3A_569] {strides = array<i32>} : memref<100x128xf32, #tpu.memory_space<vmem>>, vector<16xf32>,
        %mul3A_571 = arith.mulf %get3A_570, %gather3A : vector<16xf32>
        %swap3A_572 = arith.index_cast %add3A_517 : i32 to index
        %swap3A_573 = arith.constant 112 : index
        %swap3A_574 = tpu.vector_load %arg14[%swap3A_572, %swap3A_573] {strides = array<i32>} : memref<100x128xf32, #tpu.memory_space<vmem>>, vector<16xf32>,
        tpu.vector_store %arg14[%swap3A_572, %swap3A_573], %mul3A_571 {strides = array<i32>} : memref<100x128xf32, #tpu.memory_space<vmem>>, vector<16xf32>,
        %mul3A_575 = arith.constant 4 : i32
        %mul3A_576 = arith.muli %scan3A_513, %mul3A_575 : i32
        %add3A_577 = arith.constant 1 : i32
        %add3A_578 = arith.addi %mul3A_576, %add3A_577 : i32
        %mul3A_579 = arith.constant 100 : i32
        %mul3A_580 = arith.muli %add3A_478, %mul3A_579 : i32
        %add3A_581 = arith.addi %mul3A_580, %add3A_578 : i32
        %broadcast_in_dim3A_582 = vector.broadcast %add3A_581 : i32 to vector<16xi32>
        %gather3A_583 = tpu.vector_load_idx %arg10[%broadcast_in_dim3A_582] : memref<10000xf32, #tpu.memory_space<vmem>>[vector<16xi32>], vector<16xf32>,
        %get3A_584 = arith.index_cast %add3A_578 : i32 to index
        %get3A_585 = arith.constant 0 : index
        %get3A_586 = tpu.vector_load %arg14[%get3A_584, %get3A_585] {strides = array<i32>} : memref<100x128xf32, #tpu.memory_space<vmem>>, vector<16xf32>,
        %mul3A_587 = arith.mulf %get3A_586, %gather3A_583 : vector<16xf32>
        %swap3A_588 = arith.index_cast %add3A_578 : i32 to index
        %swap3A_589 = arith.constant 0 : index
        %swap3A_590 = tpu.vector_load %arg14[%swap3A_588, %swap3A_589] {strides = array<i32>} : memref<100x128xf32, #tpu.memory_space<vmem>>, vector<16xf32>,
        tpu.vector_store %arg14[%swap3A_588, %swap3A_589], %mul3A_587 {strides = array<i32>} : memref<100x128xf32, #tpu.memory_space<vmem>>, vector<16xf32>,
        %get3A_591 = arith.index_cast %add3A_578 : i32 to index
        %get3A_592 = arith.constant 16 : index
        %get3A_593 = tpu.vector_load %arg14[%get3A_591, %get3A_592] {strides = array<i32>} : memref<100x128xf32, #tpu.memory_space<vmem>>, vector<16xf32>,
        %mul3A_594 = arith.mulf %get3A_593, %gather3A_583 : vector<16xf32>
        %swap3A_595 = arith.index_cast %add3A_578 : i32 to index
        %swap3A_596 = arith.constant 16 : index
        %swap3A_597 = tpu.vector_load %arg14[%swap3A_595, %swap3A_596] {strides = array<i32>} : memref<100x128xf32, #tpu.memory_space<vmem>>, vector<16xf32>,
        tpu.vector_store %arg14[%swap3A_595, %swap3A_596], %mul3A_594 {strides = array<i32>} : memref<100x128xf32, #tpu.memory_space<vmem>>, vector<16xf32>,
        %get3A_598 = arith.index_cast %add3A_578 : i32 to index
        %get3A_599 = arith.constant 32 : index
        %get3A_600 = tpu.vector_load %arg14[%get3A_598, %get3A_599] {strides = array<i32>} : memref<100x128xf32, #tpu.memory_space<vmem>>, vector<16xf32>,
        %mul3A_601 = arith.mulf %get3A_600, %gather3A_583 : vector<16xf32>
        %swap3A_602 = arith.index_cast %add3A_578 : i32 to index
        %swap3A_603 = arith.constant 32 : index
        %swap3A_604 = tpu.vector_load %arg14[%swap3A_602, %swap3A_603] {strides = array<i32>} : memref<100x128xf32, #tpu.memory_space<vmem>>, vector<16xf32>,
        tpu.vector_store %arg14[%swap3A_602, %swap3A_603], %mul3A_601 {strides = array<i32>} : memref<100x128xf32, #tpu.memory_space<vmem>>, vector<16xf32>,
        %get3A_605 = arith.index_cast %add3A_578 : i32 to index
        %get3A_606 = arith.constant 48 : index
        %get3A_607 = tpu.vector_load %arg14[%get3A_605, %get3A_606] {strides = array<i32>} : memref<100x128xf32, #tpu.memory_space<vmem>>, vector<16xf32>,
        %mul3A_608 = arith.mulf %get3A_607, %gather3A_583 : vector<16xf32>
        %swap3A_609 = arith.index_cast %add3A_578 : i32 to index
        %swap3A_610 = arith.constant 48 : index
        %swap3A_611 = tpu.vector_load %arg14[%swap3A_609, %swap3A_610] {strides = array<i32>} : memref<100x128xf32, #tpu.memory_space<vmem>>, vector<16xf32>,
        tpu.vector_store %arg14[%swap3A_609, %swap3A_610], %mul3A_608 {strides = array<i32>} : memref<100x128xf32, #tpu.memory_space<vmem>>, vector<16xf32>,
        %get3A_612 = arith.index_cast %add3A_578 : i32 to index
        %get3A_613 = arith.constant 64 : index
        %get3A_614 = tpu.vector_load %arg14[%get3A_612, %get3A_613] {strides = array<i32>} : memref<100x128xf32, #tpu.memory_space<vmem>>, vector<16xf32>,
        %mul3A_615 = arith.mulf %get3A_614, %gather3A_583 : vector<16xf32>
        %swap3A_616 = arith.index_cast %add3A_578 : i32 to index
        %swap3A_617 = arith.constant 64 : index
        %swap3A_618 = tpu.vector_load %arg14[%swap3A_616, %swap3A_617] {strides = array<i32>} : memref<100x128xf32, #tpu.memory_space<vmem>>, vector<16xf32>,
        tpu.vector_store %arg14[%swap3A_616, %swap3A_617], %mul3A_615 {strides = array<i32>} : memref<100x128xf32, #tpu.memory_space<vmem>>, vector<16xf32>,
        %get3A_619 = arith.index_cast %add3A_578 : i32 to index
        %get3A_620 = arith.constant 80 : index
        %get3A_621 = tpu.vector_load %arg14[%get3A_619, %get3A_620] {strides = array<i32>} : memref<100x128xf32, #tpu.memory_space<vmem>>, vector<16xf32>,
        %mul3A_622 = arith.mulf %get3A_621, %gather3A_583 : vector<16xf32>
        %swap3A_623 = arith.index_cast %add3A_578 : i32 to index
        %swap3A_624 = arith.constant 80 : index
        %swap3A_625 = tpu.vector_load %arg14[%swap3A_623, %swap3A_624] {strides = array<i32>} : memref<100x128xf32, #tpu.memory_space<vmem>>, vector<16xf32>,
        tpu.vector_store %arg14[%swap3A_623, %swap3A_624], %mul3A_622 {strides = array<i32>} : memref<100x128xf32, #tpu.memory_space<vmem>>, vector<16xf32>,
        %get3A_626 = arith.index_cast %add3A_578 : i32 to index
        %get3A_627 = arith.constant 96 : index
        %get3A_628 = tpu.vector_load %arg14[%get3A_626, %get3A_627] {strides = array<i32>} : memref<100x128xf32, #tpu.memory_space<vmem>>, vector<16xf32>,
        %mul3A_629 = arith.mulf %get3A_628, %gather3A_583 : vector<16xf32>
        %swap3A_630 = arith.index_cast %add3A_578 : i32 to index
        %swap3A_631 = arith.constant 96 : index
        %swap3A_632 = tpu.vector_load %arg14[%swap3A_630, %swap3A_631] {strides = array<i32>} : memref<100x128xf32, #tpu.memory_space<vmem>>, vector<16xf32>,
        tpu.vector_store %arg14[%swap3A_630, %swap3A_631], %mul3A_629 {strides = array<i32>} : memref<100x128xf32, #tpu.memory_space<vmem>>, vector<16xf32>,
        %get3A_633 = arith.index_cast %add3A_578 : i32 to index
        %get3A_634 = arith.constant 112 : index
        %get3A_635 = tpu.vector_load %arg14[%get3A_633, %get3A_634] {strides = array<i32>} : memref<100x128xf32, #tpu.memory_space<vmem>>, vector<16xf32>,
        %mul3A_636 = arith.mulf %get3A_635, %gather3A_583 : vector<16xf32>
        %swap3A_637 = arith.index_cast %add3A_578 : i32 to index
        %swap3A_638 = arith.constant 112 : index
        %swap3A_639 = tpu.vector_load %arg14[%swap3A_637, %swap3A_638] {strides = array<i32>} : memref<100x128xf32, #tpu.memory_space<vmem>>, vector<16xf32>,
        tpu.vector_store %arg14[%swap3A_637, %swap3A_638], %mul3A_636 {strides = array<i32>} : memref<100x128xf32, #tpu.memory_space<vmem>>, vector<16xf32>,
        %mul3A_640 = arith.constant 4 : i32
        %mul3A_641 = arith.muli %scan3A_513, %mul3A_640 : i32
        %add3A_642 = arith.constant 2 : i32
        %add3A_643 = arith.addi %mul3A_641, %add3A_642 : i32
        %mul3A_644 = arith.constant 100 : i32
        %mul3A_645 = arith.muli %add3A_478, %mul3A_644 : i32
        %add3A_646 = arith.addi %mul3A_645, %add3A_643 : i32
        %broadcast_in_dim3A_647 = vector.broadcast %add3A_646 : i32 to vector<16xi32>
        %gather3A_648 = tpu.vector_load_idx %arg10[%broadcast_in_dim3A_647] : memref<10000xf32, #tpu.memory_space<vmem>>[vector<16xi32>], vector<16xf32>,
        %get3A_649 = arith.index_cast %add3A_643 : i32 to index
        %get3A_650 = arith.constant 0 : index
        %get3A_651 = tpu.vector_load %arg14[%get3A_649, %get3A_650] {strides = array<i32>} : memref<100x128xf32, #tpu.memory_space<vmem>>, vector<16xf32>,
        %mul3A_652 = arith.mulf %get3A_651, %gather3A_648 : vector<16xf32>
        %swap3A_653 = arith.index_cast %add3A_643 : i32 to index
        %swap3A_654 = arith.constant 0 : index
        %swap3A_655 = tpu.vector_load %arg14[%swap3A_653, %swap3A_654] {strides = array<i32>} : memref<100x128xf32, #tpu.memory_space<vmem>>, vector<16xf32>,
        tpu.vector_store %arg14[%swap3A_653, %swap3A_654], %mul3A_652 {strides = array<i32>} : memref<100x128xf32, #tpu.memory_space<vmem>>, vector<16xf32>,
        %get3A_656 = arith.index_cast %add3A_643 : i32 to index
        %get3A_657 = arith.constant 16 : index
        %get3A_658 = tpu.vector_load %arg14[%get3A_656, %get3A_657] {strides = array<i32>} : memref<100x128xf32, #tpu.memory_space<vmem>>, vector<16xf32>,
        %mul3A_659 = arith.mulf %get3A_658, %gather3A_648 : vector<16xf32>
        %swap3A_660 = arith.index_cast %add3A_643 : i32 to index
        %swap3A_661 = arith.constant 16 : index
        %swap3A_662 = tpu.vector_load %arg14[%swap3A_660, %swap3A_661] {strides = array<i32>} : memref<100x128xf32, #tpu.memory_space<vmem>>, vector<16xf32>,
        tpu.vector_store %arg14[%swap3A_660, %swap3A_661], %mul3A_659 {strides = array<i32>} : memref<100x128xf32, #tpu.memory_space<vmem>>, vector<16xf32>,
        %get3A_663 = arith.index_cast %add3A_643 : i32 to index
        %get3A_664 = arith.constant 32 : index
        %get3A_665 = tpu.vector_load %arg14[%get3A_663, %get3A_664] {strides = array<i32>} : memref<100x128xf32, #tpu.memory_space<vmem>>, vector<16xf32>,
        %mul3A_666 = arith.mulf %get3A_665, %gather3A_648 : vector<16xf32>
        %swap3A_667 = arith.index_cast %add3A_643 : i32 to index
        %swap3A_668 = arith.constant 32 : index
        %swap3A_669 = tpu.vector_load %arg14[%swap3A_667, %swap3A_668] {strides = array<i32>} : memref<100x128xf32, #tpu.memory_space<vmem>>, vector<16xf32>,
        tpu.vector_store %arg14[%swap3A_667, %swap3A_668], %mul3A_666 {strides = array<i32>} : memref<100x128xf32, #tpu.memory_space<vmem>>, vector<16xf32>,
        %get3A_670 = arith.index_cast %add3A_643 : i32 to index
        %get3A_671 = arith.constant 48 : index
        %get3A_672 = tpu.vector_load %arg14[%get3A_670, %get3A_671] {strides = array<i32>} : memref<100x128xf32, #tpu.memory_space<vmem>>, vector<16xf32>,
        %mul3A_673 = arith.mulf %get3A_672, %gather3A_648 : vector<16xf32>
        %swap3A_674 = arith.index_cast %add3A_643 : i32 to index
        %swap3A_675 = arith.constant 48 : index
        %swap3A_676 = tpu.vector_load %arg14[%swap3A_674, %swap3A_675] {strides = array<i32>} : memref<100x128xf32, #tpu.memory_space<vmem>>, vector<16xf32>,
        tpu.vector_store %arg14[%swap3A_674, %swap3A_675], %mul3A_673 {strides = array<i32>} : memref<100x128xf32, #tpu.memory_space<vmem>>, vector<16xf32>,
        %get3A_677 = arith.index_cast %add3A_643 : i32 to index
        %get3A_678 = arith.constant 64 : index
        %get3A_679 = tpu.vector_load %arg14[%get3A_677, %get3A_678] {strides = array<i32>} : memref<100x128xf32, #tpu.memory_space<vmem>>, vector<16xf32>,
        %mul3A_680 = arith.mulf %get3A_679, %gather3A_648 : vector<16xf32>
        %swap3A_681 = arith.index_cast %add3A_643 : i32 to index
        %swap3A_682 = arith.constant 64 : index
        %swap3A_683 = tpu.vector_load %arg14[%swap3A_681, %swap3A_682] {strides = array<i32>} : memref<100x128xf32, #tpu.memory_space<vmem>>, vector<16xf32>,
        tpu.vector_store %arg14[%swap3A_681, %swap3A_682], %mul3A_680 {strides = array<i32>} : memref<100x128xf32, #tpu.memory_space<vmem>>, vector<16xf32>,
        %get3A_684 = arith.index_cast %add3A_643 : i32 to index
        %get3A_685 = arith.constant 80 : index
        %get3A_686 = tpu.vector_load %arg14[%get3A_684, %get3A_685] {strides = array<i32>} : memref<100x128xf32, #tpu.memory_space<vmem>>, vector<16xf32>,
        %mul3A_687 = arith.mulf %get3A_686, %gather3A_648 : vector<16xf32>
        %swap3A_688 = arith.index_cast %add3A_643 : i32 to index
        %swap3A_689 = arith.constant 80 : index
        %swap3A_690 = tpu.vector_load %arg14[%swap3A_688, %swap3A_689] {strides = array<i32>} : memref<100x128xf32, #tpu.memory_space<vmem>>, vector<16xf32>,
        tpu.vector_store %arg14[%swap3A_688, %swap3A_689], %mul3A_687 {strides = array<i32>} : memref<100x128xf32, #tpu.memory_space<vmem>>, vector<16xf32>,
        %get3A_691 = arith.index_cast %add3A_643 : i32 to index
        %get3A_692 = arith.constant 96 : index
        %get3A_693 = tpu.vector_load %arg14[%get3A_691, %get3A_692] {strides = array<i32>} : memref<100x128xf32, #tpu.memory_space<vmem>>, vector<16xf32>,
        %mul3A_694 = arith.mulf %get3A_693, %gather3A_648 : vector<16xf32>
        %swap3A_695 = arith.index_cast %add3A_643 : i32 to index
        %swap3A_696 = arith.constant 96 : index
        %swap3A_697 = tpu.vector_load %arg14[%swap3A_695, %swap3A_696] {strides = array<i32>} : memref<100x128xf32, #tpu.memory_space<vmem>>, vector<16xf32>,
        tpu.vector_store %arg14[%swap3A_695, %swap3A_696], %mul3A_694 {strides = array<i32>} : memref<100x128xf32, #tpu.memory_space<vmem>>, vector<16xf32>,
        %get3A_698 = arith.index_cast %add3A_643 : i32 to index
        %get3A_699 = arith.constant 112 : index
        %get3A_700 = tpu.vector_load %arg14[%get3A_698, %get3A_699] {strides = array<i32>} : memref<100x128xf32, #tpu.memory_space<vmem>>, vector<16xf32>,
        %mul3A_701 = arith.mulf %get3A_700, %gather3A_648 : vector<16xf32>
        %swap3A_702 = arith.index_cast %add3A_643 : i32 to index
        %swap3A_703 = arith.constant 112 : index
        %swap3A_704 = tpu.vector_load %arg14[%swap3A_702, %swap3A_703] {strides = array<i32>} : memref<100x128xf32, #tpu.memory_space<vmem>>, vector<16xf32>,
        tpu.vector_store %arg14[%swap3A_702, %swap3A_703], %mul3A_701 {strides = array<i32>} : memref<100x128xf32, #tpu.memory_space<vmem>>, vector<16xf32>,
        %mul3A_705 = arith.constant 4 : i32
        %mul3A_706 = arith.muli %scan3A_513, %mul3A_705 : i32
        %add3A_707 = arith.constant 3 : i32
        %add3A_708 = arith.addi %mul3A_706, %add3A_707 : i32
        %mul3A_709 = arith.constant 100 : i32
        %mul3A_710 = arith.muli %add3A_478, %mul3A_709 : i32
        %add3A_711 = arith.addi %mul3A_710, %add3A_708 : i32
        %broadcast_in_dim3A_712 = vector.broadcast %add3A_711 : i32 to vector<16xi32>
        %gather3A_713 = tpu.vector_load_idx %arg10[%broadcast_in_dim3A_712] : memref<10000xf32, #tpu.memory_space<vmem>>[vector<16xi32>], vector<16xf32>,
        %get3A_714 = arith.index_cast %add3A_708 : i32 to index
        %get3A_715 = arith.constant 0 : index
        %get3A_716 = tpu.vector_load %arg14[%get3A_714, %get3A_715] {strides = array<i32>} : memref<100x128xf32, #tpu.memory_space<vmem>>, vector<16xf32>,
        %mul3A_717 = arith.mulf %get3A_716, %gather3A_713 : vector<16xf32>
        %swap3A_718 = arith.index_cast %add3A_708 : i32 to index
        %swap3A_719 = arith.constant 0 : index
        %swap3A_720 = tpu.vector_load %arg14[%swap3A_718, %swap3A_719] {strides = array<i32>} : memref<100x128xf32, #tpu.memory_space<vmem>>, vector<16xf32>,
        tpu.vector_store %arg14[%swap3A_718, %swap3A_719], %mul3A_717 {strides = array<i32>} : memref<100x128xf32, #tpu.memory_space<vmem>>, vector<16xf32>,
        %get3A_721 = arith.index_cast %add3A_708 : i32 to index
        %get3A_722 = arith.constant 16 : index
        %get3A_723 = tpu.vector_load %arg14[%get3A_721, %get3A_722] {strides = array<i32>} : memref<100x128xf32, #tpu.memory_space<vmem>>, vector<16xf32>,
        %mul3A_724 = arith.mulf %get3A_723, %gather3A_713 : vector<16xf32>
        %swap3A_725 = arith.index_cast %add3A_708 : i32 to index
        %swap3A_726 = arith.constant 16 : index
        %swap3A_727 = tpu.vector_load %arg14[%swap3A_725, %swap3A_726] {strides = array<i32>} : memref<100x128xf32, #tpu.memory_space<vmem>>, vector<16xf32>,
        tpu.vector_store %arg14[%swap3A_725, %swap3A_726], %mul3A_724 {strides = array<i32>} : memref<100x128xf32, #tpu.memory_space<vmem>>, vector<16xf32>,
        %get3A_728 = arith.index_cast %add3A_708 : i32 to index
        %get3A_729 = arith.constant 32 : index
        %get3A_730 = tpu.vector_load %arg14[%get3A_728, %get3A_729] {strides = array<i32>} : memref<100x128xf32, #tpu.memory_space<vmem>>, vector<16xf32>,
        %mul3A_731 = arith.mulf %get3A_730, %gather3A_713 : vector<16xf32>
        %swap3A_732 = arith.index_cast %add3A_708 : i32 to index
        %swap3A_733 = arith.constant 32 : index
        %swap3A_734 = tpu.vector_load %arg14[%swap3A_732, %swap3A_733] {strides = array<i32>} : memref<100x128xf32, #tpu.memory_space<vmem>>, vector<16xf32>,
        tpu.vector_store %arg14[%swap3A_732, %swap3A_733], %mul3A_731 {strides = array<i32>} : memref<100x128xf32, #tpu.memory_space<vmem>>, vector<16xf32>,
        %get3A_735 = arith.index_cast %add3A_708 : i32 to index
        %get3A_736 = arith.constant 48 : index
        %get3A_737 = tpu.vector_load %arg14[%get3A_735, %get3A_736] {strides = array<i32>} : memref<100x128xf32, #tpu.memory_space<vmem>>, vector<16xf32>,
        %mul3A_738 = arith.mulf %get3A_737, %gather3A_713 : vector<16xf32>
        %swap3A_739 = arith.index_cast %add3A_708 : i32 to index
        %swap3A_740 = arith.constant 48 : index
        %swap3A_741 = tpu.vector_load %arg14[%swap3A_739, %swap3A_740] {strides = array<i32>} : memref<100x128xf32, #tpu.memory_space<vmem>>, vector<16xf32>,
        tpu.vector_store %arg14[%swap3A_739, %swap3A_740], %mul3A_738 {strides = array<i32>} : memref<100x128xf32, #tpu.memory_space<vmem>>, vector<16xf32>,
        %get3A_742 = arith.index_cast %add3A_708 : i32 to index
        %get3A_743 = arith.constant 64 : index
        %get3A_744 = tpu.vector_load %arg14[%get3A_742, %get3A_743] {strides = array<i32>} : memref<100x128xf32, #tpu.memory_space<vmem>>, vector<16xf32>,
        %mul3A_745 = arith.mulf %get3A_744, %gather3A_713 : vector<16xf32>
        %swap3A_746 = arith.index_cast %add3A_708 : i32 to index
        %swap3A_747 = arith.constant 64 : index
        %swap3A_748 = tpu.vector_load %arg14[%swap3A_746, %swap3A_747] {strides = array<i32>} : memref<100x128xf32, #tpu.memory_space<vmem>>, vector<16xf32>,
        tpu.vector_store %arg14[%swap3A_746, %swap3A_747], %mul3A_745 {strides = array<i32>} : memref<100x128xf32, #tpu.memory_space<vmem>>, vector<16xf32>,
        %get3A_749 = arith.index_cast %add3A_708 : i32 to index
        %get3A_750 = arith.constant 80 : index
        %get3A_751 = tpu.vector_load %arg14[%get3A_749, %get3A_750] {strides = array<i32>} : memref<100x128xf32, #tpu.memory_space<vmem>>, vector<16xf32>,
        %mul3A_752 = arith.mulf %get3A_751, %gather3A_713 : vector<16xf32>
        %swap3A_753 = arith.index_cast %add3A_708 : i32 to index
        %swap3A_754 = arith.constant 80 : index
        %swap3A_755 = tpu.vector_load %arg14[%swap3A_753, %swap3A_754] {strides = array<i32>} : memref<100x128xf32, #tpu.memory_space<vmem>>, vector<16xf32>,
        tpu.vector_store %arg14[%swap3A_753, %swap3A_754], %mul3A_752 {strides = array<i32>} : memref<100x128xf32, #tpu.memory_space<vmem>>, vector<16xf32>,
        %get3A_756 = arith.index_cast %add3A_708 : i32 to index
        %get3A_757 = arith.constant 96 : index
        %get3A_758 = tpu.vector_load %arg14[%get3A_756, %get3A_757] {strides = array<i32>} : memref<100x128xf32, #tpu.memory_space<vmem>>, vector<16xf32>,
        %mul3A_759 = arith.mulf %get3A_758, %gather3A_713 : vector<16xf32>
        %swap3A_760 = arith.index_cast %add3A_708 : i32 to index
        %swap3A_761 = arith.constant 96 : index
        %swap3A_762 = tpu.vector_load %arg14[%swap3A_760, %swap3A_761] {strides = array<i32>} : memref<100x128xf32, #tpu.memory_space<vmem>>, vector<16xf32>,
        tpu.vector_store %arg14[%swap3A_760, %swap3A_761], %mul3A_759 {strides = array<i32>} : memref<100x128xf32, #tpu.memory_space<vmem>>, vector<16xf32>,
        %get3A_763 = arith.index_cast %add3A_708 : i32 to index
        %get3A_764 = arith.constant 112 : index
        %get3A_765 = tpu.vector_load %arg14[%get3A_763, %get3A_764] {strides = array<i32>} : memref<100x128xf32, #tpu.memory_space<vmem>>, vector<16xf32>,
        %mul3A_766 = arith.mulf %get3A_765, %gather3A_713 : vector<16xf32>
        %swap3A_767 = arith.index_cast %add3A_708 : i32 to index
        %swap3A_768 = arith.constant 112 : index
        %swap3A_769 = tpu.vector_load %arg14[%swap3A_767, %swap3A_768] {strides = array<i32>} : memref<100x128xf32, #tpu.memory_space<vmem>>, vector<16xf32>,
        tpu.vector_store %arg14[%swap3A_767, %swap3A_768], %mul3A_766 {strides = array<i32>} : memref<100x128xf32, #tpu.memory_space<vmem>>, vector<16xf32>,
      }
      %scan3A_509 = arith.constant 25 : i32
      %dma_start3A_510 = arith.constant 0 : i32
      %dma_start3A_511 = arith.constant 0 : i32
      %dma_start3A_512 = tpu.memref_slice %arg7[%dma_start3A_510, %dma_start3A_511] : memref<10000x128xf32, #tpu.memory_space<vmem_shared>> -> memref<10000x128xf32, #tpu.memory_space<vmem_shared>>
      tpu.enqueue_indirect_dma source(%arg14 : memref<100x128xf32, #tpu.memory_space<vmem>>) target(%dma_start3A_512 : memref<10000x128xf32, #tpu.memory_space<vmem_shared>>) offsets(%arg12 : memref<100xi32, #tpu.memory_space<vmem>>) semaphore(%arg19 : memref<!tpu.dma_semaphore, #tpu.memory_space<semaphore_mem>>) {add = true}
    }
    %scan3A_428 = arith.constant 50 : i32
    %dma_wait3A_429 = arith.constant 0 : i32
    %dma_wait3A_430 = arith.constant 0 : i32
    %dma_wait3A_431 = tpu.memref_slice %arg7[%dma_wait3A_429, %dma_wait3A_430] : memref<10000x128xf32, #tpu.memory_space<vmem_shared>> -> memref<10000x128xf32, #tpu.memory_space<vmem_shared>>
    tpu.wait_indirect_dma semaphore(%arg19 : memref<!tpu.dma_semaphore, #tpu.memory_space<semaphore_mem>>) src(%arg14 : memref<100x128xf32, #tpu.memory_space<vmem>>) dst(%dma_wait3A_431 : memref<10000x128xf32, #tpu.memory_space<vmem_shared>>)
    %barrier3A_432 = arith.constant 0 : index
    tpu.barrier barrier_id(%barrier3A_432)
    %mul3A_433 = arith.constant 625 : i32
    %mul3A_434 = arith.muli %arg1, %mul3A_433 : i32
    %mul3A_435 = arith.constant 10000 : i32
    %mul3A_436 = arith.muli %arg0, %mul3A_435 : i32
    %mul3A_437 = arith.constant 625 : i32
    %mul3A_438 = arith.muli %arg1, %mul3A_437 : i32
    %add3A_439 = arith.addi %mul3A_436, %mul3A_438 : i32
    "tpu.region"() ({
      %run_scoped3A = tpu.sem_alloc : memref<!tpu.dma_semaphore, #tpu.memory_space<semaphore_mem>>
      %dma_start3A_440 = arith.constant 0 : i32
      %dma_start3A_441 = tpu.memref_slice %arg6[%add3A_439, %dma_start3A_440] : memref<20000x128xf32, #tpu.memory_space<hbm>> -> memref<625x128xf32, #tpu.memory_space<hbm>>
      %dma_start3A_442 = arith.constant 0 : i32
      %dma_start3A_443 = tpu.memref_slice %arg7[%mul3A_434, %dma_start3A_442] : memref<10000x128xf32, #tpu.memory_space<vmem_shared>> -> memref<625x128xf32, #tpu.memory_space<vmem_shared>>
      tpu.enqueue_dma source(%dma_start3A_443 : memref<625x128xf32, #tpu.memory_space<vmem_shared>>) target(%dma_start3A_441 : memref<625x128xf32, #tpu.memory_space<hbm>>) target_semaphore(%run_scoped3A : memref<!tpu.dma_semaphore, #tpu.memory_space<semaphore_mem>>)
      %dma_wait3A_444 = arith.constant 0 : i32
      %dma_wait3A_445 = tpu.memref_slice %arg6[%add3A_439, %dma_wait3A_444] : memref<20000x128xf32, #tpu.memory_space<hbm>> -> memref<625x128xf32, #tpu.memory_space<hbm>>
      %dma_wait3A_446 = arith.constant 0 : i32
      %dma_wait3A_447 = tpu.memref_slice %arg7[%mul3A_434, %dma_wait3A_446] : memref<10000x128xf32, #tpu.memory_space<vmem_shared>> -> memref<625x128xf32, #tpu.memory_space<vmem_shared>>
      tpu.wait_dma2 semaphore(%run_scoped3A : memref<!tpu.dma_semaphore, #tpu.memory_space<semaphore_mem>>) src(%dma_wait3A_447 : memref<625x128xf32, #tpu.memory_space<vmem_shared>>) dst(%dma_wait3A_445 : memref<625x128xf32, #tpu.memory_space<hbm>>)
      tpu.yield
    }) : () -> ()
    return
  }
}

module attributes {stable_mosaic.version = 14 : i64} {
  func.func @_xw_body(%arg0: i32, %arg1: i32, %arg2: memref<1000x128xf32, #tpu.memory_space<vmem>>, %arg3: memref<1x128x128xf32, #tpu.memory_space<vmem>>, %arg4: memref<1000x128xf32, #tpu.memory_space<vmem>>) attributes {dimension_semantics = [#tpu.dimension_semantics<arbitrary>, #tpu.dimension_semantics<arbitrary>], iteration_bounds = array<i64: 8, 10>, scalar_prefetch = 0 : i64, scratch_operands = 0 : i64, tpu.core_type = #tpu.core_type<tc>, window_params = [{transform_indices = @transform_0, window_bounds = array<i64: 1000, 128>}, {transform_indices = @transform_1, window_bounds = array<i64: 1, 128, 128>}, {transform_indices = @transform_2, window_bounds = array<i64: 1000, 128>}]} {
    %get3A = arith.constant 0 : index
    %get3A_0 = arith.constant 0 : index
    %get3A_1 = vector.load %arg2[%get3A, %get3A_0] : memref<1000x128xf32, #tpu.memory_space<vmem>>, vector<1000x128xf32>
    %get3A_2 = arith.constant 0 : index
    %get3A_3 = arith.constant 0 : index
    %get3A_4 = arith.constant 0 : index
    %get3A_5 = vector.load %arg3[%get3A_2, %get3A_3, %get3A_4] : memref<1x128x128xf32, #tpu.memory_space<vmem>>, vector<1x128x128xf32>
    %get3A_6 = vector.shape_cast %get3A_5 : vector<1x128x128xf32> to vector<128x128xf32>
    %dot_general3A = arith.constant dense<0.000000e+00> : vector<1000x128xf32>
    %dot_general3A_7 = tpu.matmul %get3A_1, %get3A_6, %dot_general3A {dimension_numbers = #tpu.dot_dimension_numbers<[1], [0], [0], [1], [0, 0, 1, 1], [], []>, precision = #tpu.contract_precision<fp32>, transpose_lhs_hint = false} : vector<1000x128xf32>, vector<128x128xf32>, vector<1000x128xf32> -> vector<1000x128xf32>
    %swap3A = arith.constant 0 : index
    %swap3A_8 = arith.constant 0 : index
    %swap3A_9 = vector.load %arg4[%swap3A, %swap3A_8] : memref<1000x128xf32, #tpu.memory_space<vmem>>, vector<1000x128xf32>
    tpu.vector_store %arg4[%swap3A, %swap3A_8], %dot_general3A_7 {strides = array<i32>} : memref<1000x128xf32, #tpu.memory_space<vmem>>, vector<1000x128xf32>,
    return
  }
  func.func @transform_0(%arg0: i32, %arg1: i32) -> (i32, i32) {
    %c0_i32 = arith.constant 0 : i32
    %c0_i32_0 = arith.constant 0 : i32
    return %arg1, %c0_i32 : i32, i32
  }
  func.func @transform_1(%arg0: i32, %arg1: i32) -> (i32, i32, i32) {
    %c0_i32 = arith.constant 0 : i32
    %c0_i32_0 = arith.constant 0 : i32
    %c0_i32_1 = arith.constant 0 : i32
    return %arg0, %c0_i32, %c0_i32_0 : i32, i32, i32
  }
  func.func @transform_2(%arg0: i32, %arg1: i32) -> (i32, i32) {
    %mul3A = arith.constant 10 : i32
    %mul3A_0 = arith.muli %arg0, %mul3A : i32
    %add3A = arith.addi %mul3A_0, %arg1 : i32
    %c0_i32 = arith.constant 0 : i32
    %c0_i32_1 = arith.constant 0 : i32
    return %add3A, %c0_i32 : i32, i32
  }
}

module attributes {stable_mosaic.version = 14 : i64} {
  func.func @_combine_body(%arg0: i32, %arg1: memref<1000x128xf32, #tpu.memory_space<vmem>>, %arg2: memref<1000x128xf32, #tpu.memory_space<vmem>>, %arg3: memref<1000x128xf32, #tpu.memory_space<vmem>>, %arg4: memref<128x128xf32, #tpu.memory_space<vmem>>, %arg5: memref<1x128xf32, #tpu.memory_space<vmem>>, %arg6: memref<1000x128xf32, #tpu.memory_space<vmem>>) attributes {dimension_semantics = [#tpu.dimension_semantics<arbitrary>], iteration_bounds = array<i64: 10>, scalar_prefetch = 0 : i64, scratch_operands = 0 : i64, tpu.core_type = #tpu.core_type<tc>, window_params = [{transform_indices = @transform_0, window_bounds = array<i64: 1000, 128>}, {transform_indices = @transform_1, window_bounds = array<i64: 1000, 128>}, {transform_indices = @transform_2, window_bounds = array<i64: 1000, 128>}, {pipeline_mode = #tpu.pipeline_mode<synchronous>, transform_indices = @transform_3, window_bounds = array<i64: 128, 128>}, {pipeline_mode = #tpu.pipeline_mode<synchronous>, transform_indices = @transform_4, window_bounds = array<i64: 1, 128>}, {transform_indices = @transform_5, window_bounds = array<i64: 1000, 128>}]} {
    %get3A = arith.constant 0 : index
    %get3A_0 = arith.constant 0 : index
    %get3A_1 = vector.load %arg1[%get3A, %get3A_0] : memref<1000x128xf32, #tpu.memory_space<vmem>>, vector<1000x128xf32>
    %get3A_2 = arith.constant 0 : index
    %get3A_3 = arith.constant 0 : index
    %get3A_4 = vector.load %arg2[%get3A_2, %get3A_3] : memref<1000x128xf32, #tpu.memory_space<vmem>>, vector<1000x128xf32>
    %add3A = arith.addf %get3A_1, %get3A_4 : vector<1000x128xf32>
    %get3A_5 = arith.constant 0 : index
    %get3A_6 = arith.constant 0 : index
    %get3A_7 = vector.load %arg5[%get3A_5, %get3A_6] : memref<1x128xf32, #tpu.memory_space<vmem>>, vector<1x128xf32>
    %add3A_8 = vector.broadcast %get3A_7 : vector<1x128xf32> to vector<1000x128xf32>
    %add3A_9 = arith.addf %add3A, %add3A_8 : vector<1000x128xf32>
    %get3A_10 = arith.constant 0 : index
    %get3A_11 = arith.constant 0 : index
    %get3A_12 = vector.load %arg3[%get3A_10, %get3A_11] : memref<1000x128xf32, #tpu.memory_space<vmem>>, vector<1000x128xf32>
    %get3A_13 = arith.constant 0 : index
    %get3A_14 = arith.constant 0 : index
    %get3A_15 = vector.load %arg4[%get3A_13, %get3A_14] : memref<128x128xf32, #tpu.memory_space<vmem>>, vector<128x128xf32>
    %dot_general3A = arith.constant dense<0.000000e+00> : vector<1000x128xf32>
    %dot_general3A_16 = tpu.matmul %get3A_12, %get3A_15, %dot_general3A {dimension_numbers = #tpu.dot_dimension_numbers<[1], [0], [0], [1], [0, 0, 1, 1], [], []>, transpose_lhs_hint = false} : vector<1000x128xf32>, vector<128x128xf32>, vector<1000x128xf32> -> vector<1000x128xf32>
    %add3A_17 = arith.addf %add3A_9, %dot_general3A_16 : vector<1000x128xf32>
    %max3A = arith.constant 0.000000e+00 : f32
    %max3A_18 = vector.broadcast %max3A : f32 to vector<1000x128xf32>
    %max3A_19 = arith.maximumf %add3A_17, %max3A_18 : vector<1000x128xf32>
    %swap3A = arith.constant 0 : index
    %swap3A_20 = arith.constant 0 : index
    %swap3A_21 = vector.load %arg6[%swap3A, %swap3A_20] : memref<1000x128xf32, #tpu.memory_space<vmem>>, vector<1000x128xf32>
    tpu.vector_store %arg6[%swap3A, %swap3A_20], %max3A_19 {strides = array<i32>} : memref<1000x128xf32, #tpu.memory_space<vmem>>, vector<1000x128xf32>,
    return
  }
  func.func @transform_0(%arg0: i32) -> (i32, i32) {
    %c0_i32 = arith.constant 0 : i32
    %c0_i32_0 = arith.constant 0 : i32
    return %arg0, %c0_i32 : i32, i32
  }
  func.func @transform_1(%arg0: i32) -> (i32, i32) {
    %add3A = arith.constant 10 : i32
    %add3A_0 = arith.addi %add3A, %arg0 : i32
    %c0_i32 = arith.constant 0 : i32
    %c0_i32_1 = arith.constant 0 : i32
    return %add3A_0, %c0_i32 : i32, i32
  }
  func.func @transform_2(%arg0: i32) -> (i32, i32) {
    %c0_i32 = arith.constant 0 : i32
    %c0_i32_0 = arith.constant 0 : i32
    return %arg0, %c0_i32 : i32, i32
  }
  func.func @transform_3(%arg0: i32) -> (i32, i32) {
    %c0_i32 = arith.constant 0 : i32
    %c0_i32_0 = arith.constant 0 : i32
    %c0_i32_1 = arith.constant 0 : i32
    return %c0_i32, %c0_i32_0 : i32, i32
  }
  func.func @transform_4(%arg0: i32) -> (i32, i32) {
    %c0_i32 = arith.constant 0 : i32
    %c0_i32_0 = arith.constant 0 : i32
    %c0_i32_1 = arith.constant 0 : i32
    return %c0_i32, %c0_i32_0 : i32, i32
  }
  func.func @transform_5(%arg0: i32) -> (i32, i32) {
    %c0_i32 = arith.constant 0 : i32
    %c0_i32_0 = arith.constant 0 : i32
    return %arg0, %c0_i32 : i32, i32
  }
}

module attributes {stable_mosaic.version = 14 : i64} {
  func.func @_combine_body(%arg0: i32, %arg1: memref<1000x128xf32, #tpu.memory_space<vmem>>, %arg2: memref<1000x128xf32, #tpu.memory_space<vmem>>, %arg3: memref<1000x128xf32, #tpu.memory_space<vmem>>, %arg4: memref<128x128xf32, #tpu.memory_space<vmem>>, %arg5: memref<1x128xf32, #tpu.memory_space<vmem>>, %arg6: memref<1000x128xf32, #tpu.memory_space<vmem>>) attributes {dimension_semantics = [#tpu.dimension_semantics<arbitrary>], iteration_bounds = array<i64: 10>, scalar_prefetch = 0 : i64, scratch_operands = 0 : i64, tpu.core_type = #tpu.core_type<tc>, window_params = [{transform_indices = @transform_0, window_bounds = array<i64: 1000, 128>}, {transform_indices = @transform_1, window_bounds = array<i64: 1000, 128>}, {transform_indices = @transform_2, window_bounds = array<i64: 1000, 128>}, {pipeline_mode = #tpu.pipeline_mode<synchronous>, transform_indices = @transform_3, window_bounds = array<i64: 128, 128>}, {pipeline_mode = #tpu.pipeline_mode<synchronous>, transform_indices = @transform_4, window_bounds = array<i64: 1, 128>}, {transform_indices = @transform_5, window_bounds = array<i64: 1000, 128>}]} {
    %get3A = arith.constant 0 : index
    %get3A_0 = arith.constant 0 : index
    %get3A_1 = vector.load %arg1[%get3A, %get3A_0] : memref<1000x128xf32, #tpu.memory_space<vmem>>, vector<1000x128xf32>
    %get3A_2 = arith.constant 0 : index
    %get3A_3 = arith.constant 0 : index
    %get3A_4 = vector.load %arg2[%get3A_2, %get3A_3] : memref<1000x128xf32, #tpu.memory_space<vmem>>, vector<1000x128xf32>
    %add3A = arith.addf %get3A_1, %get3A_4 : vector<1000x128xf32>
    %get3A_5 = arith.constant 0 : index
    %get3A_6 = arith.constant 0 : index
    %get3A_7 = vector.load %arg5[%get3A_5, %get3A_6] : memref<1x128xf32, #tpu.memory_space<vmem>>, vector<1x128xf32>
    %add3A_8 = vector.broadcast %get3A_7 : vector<1x128xf32> to vector<1000x128xf32>
    %add3A_9 = arith.addf %add3A, %add3A_8 : vector<1000x128xf32>
    %get3A_10 = arith.constant 0 : index
    %get3A_11 = arith.constant 0 : index
    %get3A_12 = vector.load %arg3[%get3A_10, %get3A_11] : memref<1000x128xf32, #tpu.memory_space<vmem>>, vector<1000x128xf32>
    %get3A_13 = arith.constant 0 : index
    %get3A_14 = arith.constant 0 : index
    %get3A_15 = vector.load %arg4[%get3A_13, %get3A_14] : memref<128x128xf32, #tpu.memory_space<vmem>>, vector<128x128xf32>
    %dot_general3A = arith.constant dense<0.000000e+00> : vector<1000x128xf32>
    %dot_general3A_16 = tpu.matmul %get3A_12, %get3A_15, %dot_general3A {dimension_numbers = #tpu.dot_dimension_numbers<[1], [0], [0], [1], [0, 0, 1, 1], [], []>, transpose_lhs_hint = false} : vector<1000x128xf32>, vector<128x128xf32>, vector<1000x128xf32> -> vector<1000x128xf32>
    %add3A_17 = arith.addf %add3A_9, %dot_general3A_16 : vector<1000x128xf32>
    %swap3A = arith.constant 0 : index
    %swap3A_18 = arith.constant 0 : index
    %swap3A_19 = vector.load %arg6[%swap3A, %swap3A_18] : memref<1000x128xf32, #tpu.memory_space<vmem>>, vector<1000x128xf32>
    tpu.vector_store %arg6[%swap3A, %swap3A_18], %add3A_17 {strides = array<i32>} : memref<1000x128xf32, #tpu.memory_space<vmem>>, vector<1000x128xf32>,
    return
  }
  func.func @transform_0(%arg0: i32) -> (i32, i32) {
    %c0_i32 = arith.constant 0 : i32
    %c0_i32_0 = arith.constant 0 : i32
    return %arg0, %c0_i32 : i32, i32
  }
  func.func @transform_1(%arg0: i32) -> (i32, i32) {
    %add3A = arith.constant 10 : i32
    %add3A_0 = arith.addi %add3A, %arg0 : i32
    %c0_i32 = arith.constant 0 : i32
    %c0_i32_1 = arith.constant 0 : i32
    return %add3A_0, %c0_i32 : i32, i32
  }
  func.func @transform_2(%arg0: i32) -> (i32, i32) {
    %c0_i32 = arith.constant 0 : i32
    %c0_i32_0 = arith.constant 0 : i32
    return %arg0, %c0_i32 : i32, i32
  }
  func.func @transform_3(%arg0: i32) -> (i32, i32) {
    %c0_i32 = arith.constant 0 : i32
    %c0_i32_0 = arith.constant 0 : i32
    %c0_i32_1 = arith.constant 0 : i32
    return %c0_i32, %c0_i32_0 : i32, i32
  }
  func.func @transform_4(%arg0: i32) -> (i32, i32) {
    %c0_i32 = arith.constant 0 : i32
    %c0_i32_0 = arith.constant 0 : i32
    %c0_i32_1 = arith.constant 0 : i32
    return %c0_i32, %c0_i32_0 : i32, i32
  }
  func.func @transform_5(%arg0: i32) -> (i32, i32) {
    %c0_i32 = arith.constant 0 : i32
    %c0_i32_0 = arith.constant 0 : i32
    return %arg0, %c0_i32 : i32, i32
  }
}

</mosaic_0001>

<sc_bundles>
// kernel: kernel.12.cloned.1.call-start
scs
__scs_entry_jumppad:
0x0: {  	(pc) =	sbr.rel $0x88, $3  }
0x1: {  	(tag) =	ssettag $0x0;
	lr =	simm.s32 $0x1  }
0x2: {  	[smem:$0x3F98] =	sst lr;
	_ =	strace $0xD0000000  }
0x3: {  	_ = 	snop  }
0x4: {  	_ = 	snop  }
0x5: {  	_ = 	snop  }
0x6: {  	_ = 	snop  }
0x7: {  	_ = 	snop  }
__scs_overlays_trampoline_lowered:
0x8: {  	[smem:$0x3FA7] =	sst s0  }
0x9: {  	[smem:$0x3FA8] =	sst s1  }
0xa: {  	[smem:$0x3FA9] =	sst s2  }
0xb: {  	[smem:$0x3FAA] =	sst s3  }
0xc: {  	[smem:$0x3FAB] =	sst s4  }
0xd: {  	[smem:$0x3FAC] =	sst s5  }
0xe: {  	[smem:$0x3FAD] =	sst s6  }
0xf: {  	[smem:$0x3FAE] =	sst s7  }
0x10: {  	[smem:$0x3FAF] =	sst s8  }
0x11: {  	[smem:$0x3FB0] =	sst s9;
	s0 =	simm.s32 @!p0 $0x0  }
0x12: {  	s1 =	sld [smem:$0x3F96];
	s0 =	simm.s32 @p0 $0x1  }
0x13: {  	[smem:$0x3FB1] =	sst s0;
	s0 =	simm.s32 @!p1 $0x0  }
0x14: {  	s2 =	sld [smem:$0x3F95];
	s0 =	simm.s32 @p1 $0x1  }
0x15: {  	[smem:$0x3FB2] =	sst s0;
	s0 =	simm.s32 @!p2 $0x0  }
0x16: {  	s3 =	sld [smem:$0x3FDB];
	s0 =	simm.s32 @p2 $0x1  }
0x17: {  	s4 =	simm.s32 $0x1BF5;
	[smem:$0x3FB4] =	sst s0  }
0x18: {  	s0 =	sld [smem:$0x3F97];
	_ =	swait.ge [sflag:s4], $0x0  }
0x19: {  	s7 =	sld [smem:$0x3F98]  }
0x1a: {  	s8 =	sadd.s32 $0xFFFFE003, lr  }
0x1b: {  	s9 =	sadd.s32 $0xFFFFFEF7, lr;
	s5 =	simm.s32 $0xFFFFFFFF;
	p2 =	slt.u32 s8, $0xFFFFF086  }
0x1c: {  	p1 =	slt.u32 s9, $0xF7A;
	s5 =	simm.s32 @!p2 $0x0  }
0x1d: {  	s5 =	simm.s32 @p1 $0x1;
	p0 =	seq.s32 s7, s2  }
0x1e: {  	s7 =	smul.u32 @!p0 $0xF7A, s2;
	p2 =	seq.s32 @!p0 s5, $0x0  }
0x1f: {  	s9 =	smul.u32 $0xF7A, s1;
	s8 =	simm.s32 @!p0 $0x1BF5;
	p2 =	por !p2, p0  }
0x20: {  	[sflag:s8] =	ssyncset.s32 @!p0 $0xFFFFF086;
	s6 =	sadd.s32 @!p0 s3, s7;
	s7 =	simm.s32 @!p0 $0x108  }
0x21: {  	s3 =	sadd.s32 s3, s9;
	s6 =	sadd.s32 @!p0 $0x88, s6;
	s7 =	simm.s32 @p2 $0x1082  }
0x22: {  	[simem:s7], [sflag:s8] =	dma.local @!p0 [hbm:s6], $0xF7A  }
0x23: {  	s9 =	sor.u32 $0xD0000000, s2;
	s6 =	simm.s32 $0x108;
	_ =	swait.ge @!p0 [sflag:s8], $0x0  }
0x24: {  	s3 =	sadd.s32 $0x88, s3;
	s6 =	simm.s32 @!p1 $0x1082;
	[sflag:s4] =	ssyncset.s32 $0xFFFFF086  }
0x25: {  	[simem:s6], [sflag:s4] =	dma.local [hbm:s3], $0xF7A  }
0x26: {  	[smem:$0x3F98] =	sst s1;
	(tag) =	ssettag s2;
	_ =	strace s9  }
0x27: {  	s1 =	sld [smem:$0x3FA8]  }
0x28: {  	s2 =	sld [smem:$0x3FA9]  }
0x29: {  	s4 =	sld [smem:$0x3FAB]  }
0x2a: {  	p0 =	seq.s32 s5, $0x0;
	s5 =	sld [smem:$0x3FAC]  }
0x2b: {  	s6 =	sld [smem:$0x3FAD]  }
0x2c: {  	s7 =	sld [smem:$0x3FAE]  }
0x2d: {  	s3 =	simm.s32 $0x108;
	s8 =	sld [smem:$0x3FAF]  }
0x2e: {  	s3 =	simm.s32 @!p0 $0x1082;
	s9 =	sld [smem:$0x3FB0]  }
0x2f: {  	lr =	sadd.s32 s0, s3;
	s0 =	sld [smem:$0x3FA7]  }
0x30: {  	s3 =	sld [smem:$0x3FAA]  }
0x31: {  	[smem:$0x3FB3] =	sst s10  }
0x32: {  	s10 =	sld [smem:$0x3FB1];
	_ =	sdelay $0x3  }
0x33: {  	p0 =	seq.s32 s10, $0x1;
	s10 =	sld [smem:$0x3FB3];
	_ =	sdelay $0x3  }
0x34: {  	[smem:$0x3FB3] =	sst s10  }
0x35: {  	s10 =	sld [smem:$0x3FB2];
	_ =	sdelay $0x3  }
0x36: {  	p1 =	seq.s32 s10, $0x1;
	s10 =	sld [smem:$0x3FB3];
	_ =	sdelay $0x3  }
0x37: {  	[smem:$0x3FB3] =	sst s10  }
0x38: {  	s10 =	sld [smem:$0x3FB4]  }
0x39: {  	_ = 	snop;
	(pc) =	sbr.ind lr, $3  }
0x3a: {  	_ = 	snop  }
0x3b: {  	_ = 	snop  }
0x3c: {  	p2 =	seq.s32 s10, $0x1;
	s10 =	sld [smem:$0x3FB3]  }
0x3d: {  	_ =	shalt  }
0x3e: {  	_ =	shalt  }
0x3f: {  	_ =	shalt  }
0x40: {  	_ =	shalt  }
0x41: {  	_ =	shalt  }
0x42: {  	_ =	shalt  }
0x43: {  	_ =	shalt  }
0x44: {  	_ =	shalt  }
0x45: {  	_ =	shalt  }
0x46: {  	_ =	shalt  }
0x47: {  	_ =	shalt  }
0x48: {  	_ =	shalt  }
0x49: {  	_ =	shalt  }
0x4a: {  	_ =	shalt  }
0x4b: {  	_ =	shalt  }
0x4c: {  	_ =	shalt  }
0x4d: {  	_ =	shalt  }
0x4e: {  	_ =	shalt  }
0x4f: {  	_ =	shalt  }
0x50: {  	_ =	shalt  }
0x51: {  	_ =	shalt  }
0x52: {  	_ =	shalt  }
0x53: {  	_ =	shalt  }
0x54: {  	_ =	shalt  }
0x55: {  	_ =	shalt  }
0x56: {  	_ =	shalt  }
0x57: {  	_ =	shalt  }
0x58: {  	_ =	shalt  }
0x59: {  	_ =	shalt  }
0x5a: {  	_ =	shalt  }
0x5b: {  	_ =	shalt  }
0x5c: {  	_ =	shalt  }
0x5d: {  	_ =	shalt  }
0x5e: {  	_ =	shalt  }
0x5f: {  	_ =	shalt  }
0x60: {  	_ =	shalt  }
0x61: {  	_ =	shalt  }
0x62: {  	_ =	shalt  }
0x63: {  	_ =	shalt  }
0x64: {  	_ =	shalt  }
0x65: {  	_ =	shalt  }
0x66: {  	_ =	shalt  }
0x67: {  	_ =	shalt  }
0x68: {  	_ =	shalt  }
0x69: {  	_ =	shalt  }
0x6a: {  	_ =	shalt  }
0x6b: {  	_ =	shalt  }
0x6c: {  	_ =	shalt  }
0x6d: {  	_ =	shalt  }
0x6e: {  	_ =	shalt  }
0x6f: {  	_ =	shalt  }
0x70: {  	_ =	shalt  }
0x71: {  	_ =	shalt  }
0x72: {  	_ =	shalt  }
0x73: {  	_ =	shalt  }
0x74: {  	_ =	shalt  }
0x75: {  	_ =	shalt  }
0x76: {  	_ =	shalt  }
0x77: {  	_ =	shalt  }
0x78: {  	_ =	shalt  }
0x79: {  	_ =	shalt  }
0x7a: {  	_ =	shalt  }
0x7b: {  	_ =	shalt  }
0x7c: {  	_ =	shalt  }
0x7d: {  	_ =	shalt  }
0x7e: {  	_ =	shalt  }
0x7f: {  	_ =	shalt  }
0x80: {  	_ =	shalt  }
0x81: {  	_ =	shalt  }
0x82: {  	_ =	shalt  }
0x83: {  	_ =	shalt  }
0x84: {  	_ =	shalt  }
0x85: {  	_ =	shalt  }
0x86: {  	_ =	shalt  }
0x87: {  	_ =	shalt  }
.Lfunc_end0:
.L_simem_size_0:
called_computation.1_lowered:
.L_overlay_start_0:
0x88: {  	s2 =	sld [smem:$0x3FD9]  }
0x89: {  	s3 =	sld [smem:$0x3FFE];
	_ =	sdelay $0x1  }
0x8a: {  	s1 =	srdreg.scid  }
0x8b: {  	s0 =	sand.u32 $0x1, s1  }
0x8c: {  	s17 =	sshll.u32 s0, $0xA;
	s2 =	sadd.s32 s3, s2  }
0x8d: {  	s2 =	sadd.s32 s2, s17  }
0x8e: {  	[smem:$0x3FBF] =	sst s2  }
0x8f: {  	_ = 	snop  }
0x90: {  	s2 =	sld [smem:$0x3FD0];
	(tm) =	ssettm $0x1  }
0x91: {  	s18 =	sld [smem:$0x3FFB];
	_ =	sdelay $0x3  }
0x92: {  	_ =	strace s18  }
0x93: {  	s3 =	sld [smem:$0x3FFC];
	_ =	sdelay $0x3  }
0x94: {  	_ =	strace s3  }
0x95: {  	s3 =	sld [smem:$0x3FFD];
	_ =	sdelay $0x3  }
0x96: {  	_ =	strace s3  }
0x97: {  	_ =	strace $0x8FFFFFFF  }
0x98: {  	s19 =	sld [smem:$0x3FDB];
	_ =	sdelay $0x1  }
0x99: {  	s4 =	simm.s32 $_scs_section_size  }
0x9a: {  	s5 =	simm.s32 $_size__tile_overlayer_lowered;
	s6 =	simm.s32 $_tile_overlayer_lowered  }
0x9b: {  	s22 =	simm.s32 $0x1BFF;
	s21 =	sshll.u32 s6, $0x1;
	s3 =	sadd.s32 s4, s19  }
0x9c: {  	s7 =	simm.s32 $0x0;
	s20 =	sshll.u32 s5, $0x1;
	s5 =	sadd.s32 s21, s3  }
0x9d: {  	[timem:s7], [sflag:s22] =	dma.local [hbm:s5], s20  }
0x9e: {  	_ =	swait.ge [sflag:s22], s20  }
0x9f: {  	s4 =	ssub.s32 $0x0, s20;
	[sflag:s22] =	ssyncset.done $0x0  }
0xa0: {  	[sflag:s22] =	ssyncadd.s32 s4;
	_ =	sdelay $0x1  }
0xa1: {  	s23 =	simm.s32 $0x1B8B  }
0xa2: {  	_ =	swait.ge [sflag:s23], $0x1  }
0xa3: {  	[sflag:s23] =	ssyncset.done $0x0  }
0xa4: {  	s25 =	simm.s32 $0x1B8E;
	s24 =	sld [smem:$0x3FFE];
	[sflag:s23] =	ssyncadd.s32 $0xFFFFFFFF  }
0xa5: {  	s26 =	simm.s32 $execute0_lowered;
	[smem:$0x3FD2] =	sst s25  }
0xa6: {  	s5 =	sshll.u32 s26, $0x1;
	_ =	strace $0x80000049;
	[dreg:$0x1] =	wrdreg $0xFFFFFFFF  }
0xa7: {  	s28 =	simm.s32 $_size_execute0_lowered;
	s3 =	sadd.s32 s3, s5;
	[dreg:$0x0] =	wrdreg $0x0  }
0xa8: {  	s5 =	sshll.u32 s28, $0x1;
	[dreg:$0x2] =	wrdreg s3  }
0xa9: {  	[dreg:$0x3] =	wrdreg s5  }
0xaa: {  	[dreg:$0x4] =	wrdreg $0xC0  }
0xab: {  	_ =	task [dreg:s7], $0x5FFFF  }
0xac: {  	[dreg:$0x1] =	wrdreg $0xFFFFFFFF  }
0xad: {  	[dreg:$0x0] =	wrdreg $0x60  }
0xae: {  	[dreg:$0x2] =	wrdreg s24  }
0xaf: {  	[dreg:$0x3] =	wrdreg s2  }
0xb0: {  	[dreg:$0x4] =	wrdreg $0x0  }
0xb1: {  	[dreg:$0x5] =	wrdreg $0x9  }
0xb2: {  	_ =	task.clear_ibuf [dreg:s7], $0x6FFFF;
	_ =	strace $0x90000049  }
0xb3: {  	s29 =	simm.s32 $0x9;
	_ =	strace $0x8000004B  }
0xb4: {  	_ =	swait.ge [sflag:s29], $0x1  }
0xb5: {  	[sflag:s29] =	ssyncadd.s32 $0xFFFFFFFF  }
0xb6: {  	_ =	strace $0x9000004B  }
0xb7: {  	_ =	sfence  }
0xb8: {  	s30 =	sld [smem:$0x0];
	_ =	sdelay $0x2  }
0xb9: {  	s31 =	sshll.u32 s1, $0xD;
	s1 =	sshrl.u32 s1, $0x2  }
0xba: {  	s3 =	sand.u32 $0x4000, s31;
	s1 =	sadd.s32 s1, s30  }
0xbb: {  	s0 =	sor.u32 s3, s0;
	s1 =	sshll.u32 s1, $0x11  }
0xbc: {  	s0 =	sor.u32 s1, s0  }
0xbd: {  	s0 =	sadd.s32 $0x8F2B, s0  }
0xbe: {  	[sflag:s0] =	ssyncadd.remote.s32 $0x1  }
0xbf: {  	_ =	sfence.sel $0xFFFF  }
0xc0: {  	[dreg:$0x0] =	wrdreg $0xFFFFFFFF;
	(pc) =	sbr.abs _section_cstart, $3  }
0xc1: {  	[dreg:$0x1] =	wrdreg $0xFFFFFFFF  }
0xc2: {  	_ =	task.clear_ibuf [dreg:s7], $0x2FFFF;
	_ =	strace $0x9FFFFFFF  }
0xc3: {  	(tm) =	ssettm $0x7FFFFFFF  }
tec
execute0_lowered:
.L_overlay_start_1:
0x0: {  	(tag) =	ssettag $0x1  }
0x1: {  	s0 =	rddreg [dreg:$0x0];
	s10 =	stileid.u32  }
0x2: {  	s3 =	srdreg.scid;
	s7 =	smul.u32 $0x2710, s10  }
0x3: {  	s3 =	sand.u32 $0x1, s3;
	s4 =	sshll.u32 s10, $0x1;
	s10 =	smul.u32 $0x4E200, s10  }
0x4: {  	s1 =	rddreg [dreg:$0x1];
	s6 =	sor.u32 s3, s4;
	s8 =	smul.u32 $0x27100, s3  }
0x5: {  	s2 =	rddreg [dreg:$0x2];
	s5 =	simm.s32 $0x0;
	s11 =	smul.u32 $0x514, s6  }
0x6: {  	[smem:$0x7FF] =	sst s5;
	s23 =	sshrl.u32 s10, $0x2  }
0x7: {  	s7 =	sadd.s32 s7, s8;
	s8 =	sadd.s32 s23, s2;
	s1 =	sadd.s32 s1, s11  }
0x8: {  	_ =	strace $0x8000004A;
	s25 =	sadd.s32 $0xC80, s8;
	[dreg:$0x4] =	wrdreg s1  }
0x9: {  	s5 =	sadd.s32 $0x22400, s0;
	s26 =	sadd.s32 $0x1900, s8;
	[dreg:$0x6] =	wrdreg s25  }
0xa: {  	s21 =	smul.u32 $0x4E2, s6;
	s29 =	sadd.s32 $0x2580, s8;
	[dreg:$0x7] =	wrdreg s26  }
0xb: {  	s4 =	sadd.s32 $0x2C800, s0;
	s30 =	sadd.s32 $0x3200, s8;
	[dreg:$0x8] =	wrdreg s29  }
0xc: {  	s9 =	sadd.s32 s21, s0;
	s31 =	sadd.s32 $0x3E80, s8;
	[dreg:$0x9] =	wrdreg s30  }
0xd: {  	s0 =	sadd.s32 s7, s0;
	s7 =	sadd.s32 $0x4B00, s8;
	[dreg:$0xa] =	wrdreg s31  }
0xe: {  	s10 =	sadd.s32 $0x6400, s8;
	[dreg:$0xb] =	wrdreg s7  }
0xf: {  	s12 =	sadd.s32 $0x7080, s8;
	[dreg:$0xd] =	wrdreg s10  }
0x10: {  	s13 =	sadd.s32 $0x7D00, s8;
	[dreg:$0xe] =	wrdreg s12  }
0x11: {  	s14 =	sadd.s32 $0x8980, s8;
	[dreg:$0xf] =	wrdreg s13  }
0x12: {  	s3 =	ssub.s32 $0x2, s3;
	s15 =	sadd.s32 $0x9600, s8;
	[dreg:$0x10] =	wrdreg s14  }
0x13: {  	s22 =	sshrl.u32 s3, $0x1;
	s16 =	sadd.s32 $0xA280, s8;
	[dreg:$0x11] =	wrdreg s15  }
0x14: {  	s3 =	ssub.s32 s3, s22;
	s17 =	sadd.s32 s5, s11;
	[dreg:$0x12] =	wrdreg s16  }
0x15: {  	s18 =	smax.u32 s3, $0x1;
	[dreg:$0x13] =	wrdreg s17  }
0x16: {  	s28 =	simm.s32 $0x0;
	s19 =	sadd.s32 $0xAF00, s8;
	[dreg:$0x15] =	wrdreg s18  }
0x17: {  	s6 =	smul.u32 $0x64, s6;
	s20 =	sadd.s32 $0xBB80, s8;
	[dreg:$0x16] =	wrdreg s19  }
0x18: {  	s21 =	sadd.s32 $0xC800, s8;
	s22 =	sadd.s32 $0xD480, s8;
	[dreg:$0x17] =	wrdreg s20  }
0x19: {  	s23 =	sadd.s32 $0xE100, s8;
	s3 =	simm.s32 $0x14500;
	[dreg:$0x18] =	wrdreg s21  }
0x1a: {  	s11 =	simm.s32 $0x3;
	s24 =	sadd.s32 $0x18600, s9;
	[dreg:$0x19] =	wrdreg s22  }
0x1b: {  	s9 =	sadd.s32 $0x5780, s8;
	s0 =	sadd.s32 $0x165000, s0;
	[dreg:$0x1a] =	wrdreg s23  }
0x1c: {  	s25 =	sadd.s32 $0xFA00, s8;
	s26 =	sadd.s32 $0x10680, s8;
	s29 =	sadd.s32 $0x11300, s8  }
0x1d: {  	s30 =	sadd.s32 $0x11F80, s8;
	s31 =	sadd.s32 $0x12C00, s8;
	[dreg:$0x5] =	wrdreg s24  }
0x1e: {  	s12 =	simm.s32 $0x8;
	s13 =	simm.s32 $0x16DA0;
	[dreg:$0xc] =	wrdreg s9  }
0x1f: {  	s14 =	simm.s32 $0x13880;
	s15 =	simm.s32 $0x1;
	[dreg:$0x14] =	wrdreg s0  }
0x20: {  	s16 =	simm.s32 $0x64;
	s17 =	simm.s32 $0x19580;
	[dreg:$0x1c] =	wrdreg s25  }
0x21: {  	s18 =	simm.s32 $0x194B0;
	s19 =	simm.s32 $0x1C780;
	[dreg:$0x1d] =	wrdreg s26  }
0x22: {  	s20 =	simm.s32 $0x19518;
	s21 =	simm.s32 $0x2;
	[dreg:$0x1e] =	wrdreg s29  }
0x23: {  	s22 =	simm.s32 $0x6;
	s23 =	simm.s32 $0x4;
	[dreg:$0x1f] =	wrdreg s30  }
0x24: {  	s24 =	sadd.s32 $0xED80, s8;
	[smem:$0x7FD] =	sst s31;
	s25 =	simm.s32 $0x5  }
0x25: {  	v0 =	vimm.f32 $0.0e+00;
	s26 =	simm.s32 $0x0;
	[dreg:$0x1b] =	wrdreg s24;
	s24 =	simm.s32 $0x7  }
.LBB2_1:
0x26: {  	s0 =	simm.s32 $0x0;
	s1 =	rddreg [dreg:$0x4]  }
0x27: {  	[tilespmem:s3], [sflag:$0x8] =	stream.linear.gather [hbm4b:s1+s0], $0x28A0, $0x38;
	[tilespmem:$0x1F980] =	vst v63  }
0x28: {  	_ =	swait.ge [sflag:s12], $0x28A0  }
0x29: {  	[sflag:s12] =	ssyncset.done $0x0  }
0x2a: {  	s31 =	rddreg [dreg:$0x5];
	[sflag:s12] =	ssyncadd.s32 $0xFFFFD760  }
0x2b: {  	[tilespmem:s13], [sflag:$0x8] =	stream.linear.gather [hbm4b:s31+s0], $0x2710, $0x38;
	[tilespmem:$0x1F980] =	vst v63  }
0x2c: {  	_ =	swait.ge [sflag:s12], $0x2710  }
0x2d: {  	[sflag:s12] =	ssyncset.done $0x0  }
0x2e: {  	s1 =	simm.s32 $0x200;
	s0 =	simm.s32 $0x0;
	[sflag:s12] =	ssyncadd.s32 $0xFFFFD8F0  }
.LBB2_2:
0x2f: {  	p0 =	sne.s32 s1, $0x3000;
	[tilespmem:s0+$0x138F0] =	vst v0  }
0x30: {  	[tilespmem:s0+$0x13880] =	vst v0  }
0x31: {  	[tilespmem:s0+$0x13890] =	vst v0  }
.Ltmp0:
0x32: {  	[tilespmem:s0+$0x138A0] =	vst v0;
	(pc) =	sbr.rel @p0 .LBB2_2-.Ltmp0, $4  }
0x33: {  	[tilespmem:s0+$0x138B0] =	vst v0  }
0x34: {  	[tilespmem:s0+$0x138C0] =	vst v0  }
0x35: {  	[tilespmem:s0+$0x138D0] =	vst v0  }
0x36: {  	[tilespmem:s0+$0x138E0] =	vst v0;
	s0 =	sshra.s32 s1, $0x2;
	s1 =	sadd.s32 $0x200, s1  }
0x37: {  	[tilespmem:s0+$0x138F0] =	vst v0  }
0x38: {  	[tilespmem:s0+$0x13880] =	vst v0  }
0x39: {  	[tilespmem:s0+$0x13890] =	vst v0  }
0x3a: {  	[tilespmem:s0+$0x138A0] =	vst v0  }
0x3b: {  	[tilespmem:s0+$0x138B0] =	vst v0  }
0x3c: {  	[tilespmem:s0+$0x138C0] =	vst v0  }
0x3d: {  	[tilespmem:s0+$0x138D0] =	vst v0  }
0x3e: {  	[tilespmem:s0+$0x138E0] =	vst v0;
	s1 =	rddreg [dreg:$0x6]  }
0x3f: {  	[spmem:s8] =	stream.linear.scatter [tilespmem:s14], [sflag:$0x1], $0xC80, $0x38;
	[tilespmem:$0x1F980] =	vst v63  }
0x40: {  	s7 =	rddreg [dreg:$0x7]  }
0x41: {  	[spmem:s1] =	stream.linear.scatter [tilespmem:s14], [sflag:$0x1], $0xC80, $0x38;
	[tilespmem:$0x1F980] =	vst v63  }
0x42: {  	s9 =	rddreg [dreg:$0x8]  }
0x43: {  	[spmem:s7] =	stream.linear.scatter [tilespmem:s14], [sflag:$0x1], $0xC80, $0x38;
	[tilespmem:$0x1F980] =	vst v63  }
0x44: {  	s10 =	rddreg [dreg:$0x9]  }
0x45: {  	[spmem:s9] =	stream.linear.scatter [tilespmem:s14], [sflag:$0x1], $0xC80, $0x38;
	[tilespmem:$0x1F980] =	vst v63  }
0x46: {  	s31 =	rddreg [dreg:$0xa]  }
0x47: {  	[spmem:s10] =	stream.linear.scatter [tilespmem:s14], [sflag:$0x1], $0xC80, $0x38;
	[tilespmem:$0x1F980] =	vst v63  }
0x48: {  	s1 =	rddreg [dreg:$0xb]  }
0x49: {  	[spmem:s31] =	stream.linear.scatter [tilespmem:s14], [sflag:$0x1], $0xC80, $0x38;
	[tilespmem:$0x1F980] =	vst v63  }
0x4a: {  	s7 =	rddreg [dreg:$0xc]  }
0x4b: {  	[spmem:s1] =	stream.linear.scatter [tilespmem:s14], [sflag:$0x1], $0xC80, $0x38;
	[tilespmem:$0x1F980] =	vst v63  }
0x4c: {  	s9 =	rddreg [dreg:$0xd]  }
0x4d: {  	[spmem:s7] =	stream.linear.scatter [tilespmem:s14], [sflag:$0x1], $0xC80, $0x38;
	[tilespmem:$0x1F980] =	vst v63  }
0x4e: {  	s10 =	rddreg [dreg:$0xe]  }
0x4f: {  	[spmem:s9] =	stream.linear.scatter [tilespmem:s14], [sflag:$0x1], $0xC80, $0x38;
	[tilespmem:$0x1F980] =	vst v63  }
0x50: {  	s31 =	rddreg [dreg:$0xf]  }
0x51: {  	[spmem:s10] =	stream.linear.scatter [tilespmem:s14], [sflag:$0x1], $0xC80, $0x38;
	[tilespmem:$0x1F980] =	vst v63  }
0x52: {  	s1 =	rddreg [dreg:$0x10]  }
0x53: {  	[spmem:s31] =	stream.linear.scatter [tilespmem:s14], [sflag:$0x1], $0xC80, $0x38;
	[tilespmem:$0x1F980] =	vst v63  }
0x54: {  	s7 =	rddreg [dreg:$0x11]  }
0x55: {  	[spmem:s1] =	stream.linear.scatter [tilespmem:s14], [sflag:$0x1], $0xC80, $0x38;
	[tilespmem:$0x1F980] =	vst v63  }
0x56: {  	s9 =	rddreg [dreg:$0x12]  }
0x57: {  	[spmem:s7] =	stream.linear.scatter [tilespmem:s14], [sflag:$0x1], $0xC80, $0x38;
	[tilespmem:$0x1F980] =	vst v63  }
0x58: {  	s10 =	rddreg [dreg:$0x16]  }
0x59: {  	[spmem:s9] =	stream.linear.scatter [tilespmem:s14], [sflag:$0x1], $0xC80, $0x38;
	[tilespmem:$0x1F980] =	vst v63  }
0x5a: {  	s31 =	rddreg [dreg:$0x17]  }
0x5b: {  	[spmem:s10] =	stream.linear.scatter [tilespmem:s14], [sflag:$0x1], $0xC80, $0x38;
	[tilespmem:$0x1F980] =	vst v63  }
0x5c: {  	s1 =	rddreg [dreg:$0x18]  }
0x5d: {  	[spmem:s31] =	stream.linear.scatter [tilespmem:s14], [sflag:$0x1], $0xC80, $0x38;
	[tilespmem:$0x1F980] =	vst v63  }
0x5e: {  	s7 =	rddreg [dreg:$0x19]  }
0x5f: {  	[spmem:s1] =	stream.linear.scatter [tilespmem:s14], [sflag:$0x1], $0xC80, $0x38;
	[tilespmem:$0x1F980] =	vst v63  }
0x60: {  	s9 =	rddreg [dreg:$0x1a]  }
0x61: {  	[spmem:s7] =	stream.linear.scatter [tilespmem:s14], [sflag:$0x1], $0xC80, $0x38;
	[tilespmem:$0x1F980] =	vst v63  }
0x62: {  	s10 =	rddreg [dreg:$0x1b]  }
0x63: {  	[spmem:s9] =	stream.linear.scatter [tilespmem:s14], [sflag:$0x1], $0xC80, $0x38;
	[tilespmem:$0x1F980] =	vst v63  }
0x64: {  	s31 =	rddreg [dreg:$0x1c]  }
0x65: {  	[spmem:s10] =	stream.linear.scatter [tilespmem:s14], [sflag:$0x1], $0xC80, $0x38;
	[tilespmem:$0x1F980] =	vst v63  }
0x66: {  	s1 =	rddreg [dreg:$0x1d]  }
0x67: {  	[spmem:s31] =	stream.linear.scatter [tilespmem:s14], [sflag:$0x1], $0xC80, $0x38;
	[tilespmem:$0x1F980] =	vst v63  }
0x68: {  	s7 =	rddreg [dreg:$0x1e]  }
0x69: {  	[spmem:s1] =	stream.linear.scatter [tilespmem:s14], [sflag:$0x1], $0xC80, $0x38;
	[tilespmem:$0x1F980] =	vst v63  }
0x6a: {  	s9 =	rddreg [dreg:$0x1f]  }
0x6b: {  	[spmem:s7] =	stream.linear.scatter [tilespmem:s14], [sflag:$0x1], $0xC80, $0x38;
	[tilespmem:$0x1F980] =	vst v63  }
0x6c: {  	s10 =	sld [smem:$0x7FD]  }
0x6d: {  	[spmem:s9] =	stream.linear.scatter [tilespmem:s14], [sflag:$0x1], $0xC80, $0x38;
	[tilespmem:$0x1F980] =	vst v63  }
0x6e: {  	_ = 	snop  }
0x6f: {  	[spmem:s10] =	stream.linear.scatter [tilespmem:s14], [sflag:$0x1], $0xC80, $0x38;
	[tilespmem:$0x1F980] =	vst v63  }
0x70: {  	_ =	swait.ge [sflag:s15], $0xC80  }
0x71: {  	[sflag:s15] =	ssyncset.done $0x0  }
0x72: {  	[sflag:s15] =	ssyncadd.s32 $0xFFFFF380  }
0x73: {  	_ =	swait.ge [sflag:s15], $0xC80  }
0x74: {  	[sflag:s15] =	ssyncset.done $0x0  }
0x75: {  	[sflag:s15] =	ssyncadd.s32 $0xFFFFF380  }
0x76: {  	_ =	swait.ge [sflag:s15], $0xC80  }
0x77: {  	[sflag:s15] =	ssyncset.done $0x0  }
0x78: {  	[sflag:s15] =	ssyncadd.s32 $0xFFFFF380  }
0x79: {  	_ =	swait.ge [sflag:s15], $0xC80  }
0x7a: {  	[sflag:s15] =	ssyncset.done $0x0  }
0x7b: {  	[sflag:s15] =	ssyncadd.s32 $0xFFFFF380  }
0x7c: {  	_ =	swait.ge [sflag:s15], $0xC80  }
0x7d: {  	[sflag:s15] =	ssyncset.done $0x0  }
0x7e: {  	[sflag:s15] =	ssyncadd.s32 $0xFFFFF380  }
0x7f: {  	_ =	swait.ge [sflag:s15], $0xC80  }
0x80: {  	[sflag:s15] =	ssyncset.done $0x0  }
0x81: {  	[sflag:s15] =	ssyncadd.s32 $0xFFFFF380  }
0x82: {  	_ =	swait.ge [sflag:s15], $0xC80  }
0x83: {  	[sflag:s15] =	ssyncset.done $0x0  }
0x84: {  	[sflag:s15] =	ssyncadd.s32 $0xFFFFF380  }
0x85: {  	_ =	swait.ge [sflag:s15], $0xC80  }
0x86: {  	[sflag:s15] =	ssyncset.done $0x0  }
0x87: {  	[sflag:s15] =	ssyncadd.s32 $0xFFFFF380  }
0x88: {  	_ =	swait.ge [sflag:s15], $0xC80  }
0x89: {  	[sflag:s15] =	ssyncset.done $0x0  }
0x8a: {  	[sflag:s15] =	ssyncadd.s32 $0xFFFFF380  }
0x8b: {  	_ =	swait.ge [sflag:s15], $0xC80  }
0x8c: {  	[sflag:s15] =	ssyncset.done $0x0  }
0x8d: {  	[sflag:s15] =	ssyncadd.s32 $0xFFFFF380  }
0x8e: {  	_ =	swait.ge [sflag:s15], $0xC80  }
0x8f: {  	[sflag:s15] =	ssyncset.done $0x0  }
0x90: {  	[sflag:s15] =	ssyncadd.s32 $0xFFFFF380  }
0x91: {  	_ =	swait.ge [sflag:s15], $0xC80  }
0x92: {  	[sflag:s15] =	ssyncset.done $0x0  }
0x93: {  	[sflag:s15] =	ssyncadd.s32 $0xFFFFF380  }
0x94: {  	_ =	swait.ge [sflag:s15], $0xC80  }
0x95: {  	[sflag:s15] =	ssyncset.done $0x0  }
0x96: {  	[sflag:s15] =	ssyncadd.s32 $0xFFFFF380  }
0x97: {  	_ =	swait.ge [sflag:s15], $0xC80  }
0x98: {  	[sflag:s15] =	ssyncset.done $0x0  }
0x99: {  	[sflag:s15] =	ssyncadd.s32 $0xFFFFF380  }
0x9a: {  	_ =	swait.ge [sflag:s15], $0xC80  }
0x9b: {  	[sflag:s15] =	ssyncset.done $0x0  }
0x9c: {  	[sflag:s15] =	ssyncadd.s32 $0xFFFFF380  }
0x9d: {  	_ =	swait.ge [sflag:s15], $0xC80  }
0x9e: {  	[sflag:s15] =	ssyncset.done $0x0  }
0x9f: {  	[sflag:s15] =	ssyncadd.s32 $0xFFFFF380  }
0xa0: {  	_ =	swait.ge [sflag:s15], $0xC80  }
0xa1: {  	[sflag:s15] =	ssyncset.done $0x0  }
0xa2: {  	[sflag:s15] =	ssyncadd.s32 $0xFFFFF380  }
0xa3: {  	_ =	swait.ge [sflag:s15], $0xC80  }
0xa4: {  	[sflag:s15] =	ssyncset.done $0x0  }
0xa5: {  	[sflag:s15] =	ssyncadd.s32 $0xFFFFF380  }
0xa6: {  	_ =	swait.ge [sflag:s15], $0xC80  }
0xa7: {  	[sflag:s15] =	ssyncset.done $0x0  }
0xa8: {  	[sflag:s15] =	ssyncadd.s32 $0xFFFFF380  }
0xa9: {  	_ =	swait.ge [sflag:s15], $0xC80  }
0xaa: {  	[sflag:s15] =	ssyncset.done $0x0  }
0xab: {  	[sflag:s15] =	ssyncadd.s32 $0xFFFFF380  }
0xac: {  	_ =	swait.ge [sflag:s15], $0xC80  }
0xad: {  	[sflag:s15] =	ssyncset.done $0x0  }
0xae: {  	[sflag:s15] =	ssyncadd.s32 $0xFFFFF380  }
0xaf: {  	_ =	swait.ge [sflag:s15], $0xC80  }
0xb0: {  	[sflag:s15] =	ssyncset.done $0x0  }
0xb1: {  	[sflag:s15] =	ssyncadd.s32 $0xFFFFF380  }
0xb2: {  	_ =	swait.ge [sflag:s15], $0xC80  }
0xb3: {  	[sflag:s15] =	ssyncset.done $0x0  }
0xb4: {  	[sflag:s15] =	ssyncadd.s32 $0xFFFFF380  }
0xb5: {  	_ =	swait.ge [sflag:s15], $0xC80  }
0xb6: {  	[sflag:s15] =	ssyncset.done $0x0  }
0xb7: {  	[sflag:s15] =	ssyncadd.s32 $0xFFFFF380  }
0xb8: {  	_ =	swait.ge [sflag:s15], $0xC80  }
0xb9: {  	[sflag:s15] =	ssyncset.done $0x0  }
0xba: {  	[sflag:s15] =	ssyncadd.s32 $0xFFFFF380  }
0xbb: {  	[bflag:$0x0] =	sbarrier.arrive $0xFFFF  }
0xbc: {  	[tilespmem:s17], [sflag:$0x2] =	stream.indirect.gather [hbm4b:s4+s16], $0x80, s3, s16, $0xb8;
	[tilespmem:$0x1F980] =	vst v63  }
0xbd: {  	s29 =	simm.s32 $0x0;
	s30 =	simm.s32 $0x0;
	s31 =	rddreg [dreg:$0x13]  }
0xbe: {  	[tilespmem:s18], [sflag:$0x6] =	stream.linear.gather [hbm4b:s31+s28], $0x68, $0x38;
	[tilespmem:$0x1F980] =	vst v63  }
.LBB2_4:
0xbf: {  	s0 =	sshll.u32 s30, $0x1  }
0xc0: {  	s31 =	sor.u32 $0x1, s0  }
0xc1: {  	p0 =	seq.s32 s30, $0x0;
	s0 =	sadd.s32 s6, s0;
	s3 =	smul.u32 $0x1A0, s31  }
0xc2: {  	s1 =	simm.s32 @!p0 $0x5;
	s0 =	smul.u32 $0x68, s0  }
0xc3: {  	_ =	swait.ge @!p0 [sflag:s1], $0x3200  }
0xc4: {  	[sflag:s1] =	ssyncset.done @!p0 $0x0;
	s3 =	sshra.s32 s3, $0x2;
	s0 =	sadd.s32 $0x68, s0  }
0xc5: {  	[sflag:s1] =	ssyncadd.s32 @!p0 $0xFFFFCE00;
	s3 =	sadd.s32 $0x14500, s3;
	s0 =	sshrl.u32 s0, $0x3  }
0xc6: {  	[tilespmem:s19], [sflag:$0x3] =	stream.indirect.gather [hbm4b:s4+s16], $0x80, s3, s16, $0xb8;
	[tilespmem:$0x1F980] =	vst v63  }
0xc7: {  	s7 =	sadd.s32 $0x0, s29;
	s0 =	sadd.s32 s5, s0  }
0xc8: {  	v1 =	vmov s7;
	[tilespmem:s20], [sflag:$0x7] =	stream.linear.gather [hbm4b:s0+s28], $0x68, $0x38;
	[tilespmem:$0x1F980] =	vst v63  }
0xc9: {  	v1 =	vand.u32 $0xFFFFFFFC, v1;
	_ =	swait.ge [sflag:s21], $0x3200  }
0xca: {  	v1 =	vbroadcast v1, $0x0;
	[sflag:s21] =	ssyncset.done $0x0  }
0xcb: {  	[sflag:s21] =	ssyncadd.s32 $0xFFFFCE00  }
0xcc: {  	_ =	swait.ge [sflag:s22], $0x68  }
0xcd: {  	[sflag:s22] =	ssyncset.done $0x0  }
0xce: {  	s1 =	simm.s32 $0x19680;
	[sflag:s22] =	ssyncadd.s32 $0xFFFFFF98  }
0xcf: {  	v2 =	vld [tilespmem:s1+$0xFFFFFF70]  }
0xd0: {  	v1 =	vld.idx.msk [tilespmem:v1+s13+$0x0], $0xffff  }
0xd1: {  	v3 =	vld [tilespmem:s1+$0xFFFFFF00]  }
0xd2: {  	v4 =	vld [tilespmem:s1+$0xFFFFFF20]  }
0xd3: {  	v5 =	vld [tilespmem:s1+$0xFFFFFF50]  }
0xd4: {  	v6 =	vld [tilespmem:s1+$0xFFFFFF40]  }
0xd5: {  	v7 =	vld [tilespmem:s1+$0xFFFFFF60];
	v2 =	vmul.f32 v2, v1  }
0xd6: {  	s9 =	sadd.s32 $0x1, s7;
	v8 =	vld [tilespmem:s1+$0xFFFFFF30];
	v3 =	vmul.f32 v3, v1  }
0xd7: {  	v9 =	vmov s9;
	v10 =	vld [tilespmem:s1+$0xFFFFFF10];
	v4 =	vmul.f32 v4, v1;
	[tilespmem:s1+$0xFFFFFF70] =	vst v2  }
0xd8: {  	v5 =	vmul.f32 v5, v1;
	v2 =	vand.u32 $0xFFFFFFFD, v9;
	[tilespmem:s1+$0xFFFFFF00] =	vst v3  }
0xd9: {  	v3 =	vmul.f32 v6, v1;
	[tilespmem:s1+$0xFFFFFF20] =	vst v4;
	v2 =	vbroadcast v2, $0x0  }
0xda: {  	v4 =	vmul.f32 v7, v1;
	[tilespmem:s1+$0xFFFFFF50] =	vst v5  }
0xdb: {  	v5 =	vmul.f32 v8, v1;
	[tilespmem:s1+$0xFFFFFF40] =	vst v3  }
0xdc: {  	v1 =	vmul.f32 v10, v1;
	[tilespmem:s1+$0xFFFFFF60] =	vst v4  }
0xdd: {  	[tilespmem:s1+$0xFFFFFF30] =	vst v5  }
0xde: {  	[tilespmem:s1+$0xFFFFFF10] =	vst v1;
	v1 =	vld [tilespmem:s1+$0xFFFFFF90]  }
0xdf: {  	v3 =	vld.idx.msk [tilespmem:v2+s13+$0x0], $0xffff  }
0xe0: {  	v2 =	vld [tilespmem:s1+$0xFFFFFFA0]  }
0xe1: {  	v4 =	vld [tilespmem:s1+$0xFFFFFF80]  }
0xe2: {  	v5 =	vld [tilespmem:s1+$0xFFFFFFB0]  }
0xe3: {  	v6 =	vld [tilespmem:s1+$0xFFFFFFC0]  }
0xe4: {  	v7 =	vld [tilespmem:s1+$0xFFFFFFD0];
	v1 =	vmul.f32 v1, v3  }
0xe5: {  	s10 =	sadd.s32 $0x2, s7;
	v8 =	vld [tilespmem:s1+$0xFFFFFFF0];
	v2 =	vmul.f32 v2, v3  }
0xe6: {  	v62 =	vmov s10;
	v63 =	vld [tilespmem:s1+$0xFFFFFFE0];
	v4 =	vmul.f32 v4, v3;
	[tilespmem:s1+$0xFFFFFF90] =	vst v1  }
0xe7: {  	v5 =	vmul.f32 v5, v3;
	v1 =	vand.u32 $0xFFFFFFFE, v62;
	[tilespmem:s1+$0xFFFFFFA0] =	vst v2  }
0xe8: {  	v2 =	vmul.f32 v6, v3;
	[tilespmem:s1+$0xFFFFFF80] =	vst v4;
	v6 =	vld [tilespmem:s1+$0x60];
	v9 =	vbroadcast v1, $0x0  }
0xe9: {  	v4 =	vmul.f32 v7, v3;
	[tilespmem:s1+$0xFFFFFFB0] =	vst v5;
	v7 =	vld [tilespmem:s1+$0x0]  }
0xea: {  	v5 =	vmul.f32 v8, v3;
	v1 =	vld [tilespmem:s1+$0x20];
	[tilespmem:s1+$0xFFFFFFC0] =	vst v2  }
0xeb: {  	v3 =	vmul.f32 v63, v3;
	v2 =	vld [tilespmem:s1+$0x30];
	[tilespmem:s1+$0xFFFFFFD0] =	vst v4  }
0xec: {  	[tilespmem:s1+$0xFFFFFFF0] =	vst v5;
	v4 =	vld [tilespmem:s1+$0x40]  }
0xed: {  	[tilespmem:s1+$0xFFFFFFE0] =	vst v3;
	v5 =	vld [tilespmem:s1+$0x10]  }
0xee: {  	s7 =	sadd.s32 $0x3, s7;
	s3 =	simm.s32 $0x19680;
	s0 =	simm.s32 $0x4;
	v3 =	vld.idx.msk [tilespmem:v9+s13+$0x0], $0xffff  }
.LBB2_5:
0xef: {  	p0 =	sne.s32 s0, $0x60  }
0xf0: {  	v8 =	vld [tilespmem:s1+$0x50];
	s3 =	sadd.s32 $0x200, s3;
	s9 =	smov.u32 s0;
	s0 =	sadd.s32 $0x4, s0  }
0xf1: {  	v9 =	vld [tilespmem:s1+$0x70];
	_ =	sdelay $0x1  }
0xf2: {  	v6 =	vmul.f32 v6, v3;
	v7 =	vmul.f32 v7, v3  }
0xf3: {  	v4 =	vmul.f32 v4, v3;
	v5 =	vmul.f32 v5, v3  }
0xf4: {  	v1 =	vmul.f32 v1, v3;
	v2 =	vmul.f32 v2, v3;
	[tilespmem:s1+$0x60] =	vst v6  }
0xf5: {  	[tilespmem:s1+$0x40] =	vst v4;
	v4 =	vmul.f32 v8, v3;
	v3 =	vmul.f32 v9, v3  }
0xf6: {  	[tilespmem:s1+$0x20] =	vst v1;
	v6 =	vld [tilespmem:s1+$0x80]  }
0xf7: {  	v1 =	vld [tilespmem:s3+$0x20];
	[tilespmem:s1+$0x0] =	vst v7;
	v7 =	vmov s7  }
0xf8: {  	[tilespmem:s1+$0x50] =	vst v4;
	v4 =	vld [tilespmem:s1+$0xE0]  }
0xf9: {  	[tilespmem:s1+$0x30] =	vst v2;
	v8 =	vld [tilespmem:s1+$0xC0]  }
0xfa: {  	v2 =	vld [tilespmem:s3+$0x30];
	[tilespmem:s1+$0x10] =	vst v5  }
0xfb: {  	[tilespmem:s1+$0x70] =	vst v3;
	v3 =	vld [tilespmem:s1+$0xA0]  }
0xfc: {  	v5 =	vld.idx.msk [tilespmem:v7+s13+$0x0], $0xffff  }
0xfd: {  	v7 =	vld [tilespmem:s1+$0x90]  }
0xfe: {  	v9 =	vld [tilespmem:s1+$0xB0]  }
0xff: {  	v10 =	vld [tilespmem:s1+$0xD0]  }
0x100: {  	v11 =	vld [tilespmem:s1+$0xF0];
	_ =	sdelay $0x1  }
0x101: {  	v6 =	vmul.f32 v6, v5;
	v7 =	vmul.f32 v7, v5  }
0x102: {  	s7 =	sadd.s32 s9, s29;
	v3 =	vmul.f32 v3, v5;
	v9 =	vmul.f32 v9, v5  }
0x103: {  	v12 =	vmov s7;
	s9 =	sadd.s32 $0x1, s7;
	s10 =	sadd.s32 $0x2, s7;
	s7 =	sadd.s32 $0x3, s7;
	[tilespmem:s1+$0x80] =	vst v6;
	v6 =	vmul.f32 v8, v5;
	v8 =	vmul.f32 v10, v5  }
0x104: {  	v10 =	vand.u32 $0xFFFFFFFC, v12;
	[tilespmem:s1+$0xA0] =	vst v3;
	v3 =	vmul.f32 v4, v5;
	v4 =	vmul.f32 v11, v5  }
0x105: {  	v5 =	vbroadcast v10, $0x0;
	v10 =	vmov s9;
	v11 =	vmov s10;
	[tilespmem:s1+$0xC0] =	vst v6  }
0x106: {  	v6 =	vand.u32 $0xFFFFFFFD, v10;
	v10 =	vand.u32 $0xFFFFFFFE, v11;
	[tilespmem:s1+$0xF0] =	vst v4  }
0x107: {  	v4 =	vld [tilespmem:s3+$0xFFFFFF40];
	[tilespmem:s1+$0xE0] =	vst v3  }
0x108: {  	v3 =	vld [tilespmem:s3+$0xFFFFFF50];
	[tilespmem:s1+$0x90] =	vst v7  }
0x109: {  	v7 =	vld [tilespmem:s3+$0xFFFFFF60];
	[tilespmem:s1+$0xB0] =	vst v9  }
0x10a: {  	v9 =	vld [tilespmem:s3+$0xFFFFFF70];
	[tilespmem:s1+$0xD0] =	vst v8;
	s1 =	smov.u32 s3  }
0x10b: {  	v5 =	vld.idx.msk [tilespmem:v5+s13+$0x0], $0xffff  }
0x10c: {  	v8 =	vld [tilespmem:s3+$0xFFFFFF00]  }
0x10d: {  	v11 =	vld [tilespmem:s3+$0xFFFFFF20]  }
0x10e: {  	v12 =	vld [tilespmem:s3+$0xFFFFFF10]  }
0x10f: {  	v13 =	vld [tilespmem:s3+$0xFFFFFF30];
	_ =	sdelay $0x1  }
0x110: {  	v9 =	vmul.f32 v9, v5;
	v8 =	vmul.f32 v8, v5  }
0x111: {  	v7 =	vmul.f32 v7, v5;
	v11 =	vmul.f32 v11, v5  }
0x112: {  	v3 =	vmul.f32 v3, v5;
	v12 =	vmul.f32 v12, v5;
	[tilespmem:s3+$0xFFFFFF70] =	vst v9  }
0x113: {  	v4 =	vmul.f32 v4, v5;
	[tilespmem:s3+$0xFFFFFF00] =	vst v8;
	v8 =	vmul.f32 v13, v5  }
0x114: {  	v5 =	vbroadcast v6, $0x0;
	[tilespmem:s3+$0xFFFFFF20] =	vst v11  }
0x115: {  	[tilespmem:s3+$0xFFFFFF50] =	vst v3  }
0x116: {  	[tilespmem:s3+$0xFFFFFF40] =	vst v4;
	v3 =	vld [tilespmem:s3+$0xFFFFFFF0]  }
0x117: {  	[tilespmem:s3+$0xFFFFFF60] =	vst v7;
	v4 =	vld [tilespmem:s3+$0xFFFFFFC0]  }
0x118: {  	[tilespmem:s3+$0xFFFFFF30] =	vst v8;
	v6 =	vld [tilespmem:s3+$0xFFFFFFD0]  }
0x119: {  	[tilespmem:s3+$0xFFFFFF10] =	vst v12;
	v7 =	vld [tilespmem:s3+$0xFFFFFF90]  }
0x11a: {  	v5 =	vld.idx.msk [tilespmem:v5+s13+$0x0], $0xffff  }
0x11b: {  	v8 =	vld [tilespmem:s3+$0xFFFFFF80]  }
0x11c: {  	v9 =	vld [tilespmem:s3+$0xFFFFFFA0]  }
0x11d: {  	v11 =	vld [tilespmem:s3+$0xFFFFFFB0]  }
0x11e: {  	v12 =	vld [tilespmem:s3+$0xFFFFFFE0];
	_ =	sdelay $0x1  }
0x11f: {  	v7 =	vmul.f32 v7, v5;
	v8 =	vmul.f32 v8, v5  }
0x120: {  	v6 =	vmul.f32 v6, v5;
	v9 =	vmul.f32 v9, v5  }
0x121: {  	v4 =	vmul.f32 v4, v5;
	[tilespmem:s3+$0xFFFFFF90] =	vst v7;
	v7 =	vmul.f32 v11, v5  }
0x122: {  	v3 =	vmul.f32 v3, v5;
	[tilespmem:s3+$0xFFFFFFA0] =	vst v9;
	v9 =	vmul.f32 v12, v5  }
0x123: {  	v5 =	vbroadcast v10, $0x0;
	[tilespmem:s3+$0xFFFFFF80] =	vst v8  }
0x124: {  	[tilespmem:s3+$0xFFFFFFB0] =	vst v7  }
0x125: {  	[tilespmem:s3+$0xFFFFFFC0] =	vst v4  }
0x126: {  	[tilespmem:s3+$0xFFFFFFD0] =	vst v6  }
.Ltmp1:
0x127: {  	[tilespmem:s3+$0xFFFFFFF0] =	vst v3;
	v4 =	vld [tilespmem:s3+$0x40];
	(pc) =	sbr.rel @p0 .LBB2_5-.Ltmp1, $4  }
0x128: {  	[tilespmem:s3+$0xFFFFFFE0] =	vst v9;
	v6 =	vld [tilespmem:s3+$0x60]  }
0x129: {  	v3 =	vld.idx.msk [tilespmem:v5+s13+$0x0], $0xffff  }
0x12a: {  	v7 =	vld [tilespmem:s3+$0x0]  }
0x12b: {  	v5 =	vld [tilespmem:s3+$0x10]  }
0x12c: {  	_ =	sdelay $0x1  }
0x12d: {  	v6 =	vmul.f32 v6, v3  }
0x12e: {  	v8 =	vld [tilespmem:s1+$0x50];
	v4 =	vmul.f32 v4, v3  }
0x12f: {  	v9 =	vld [tilespmem:s1+$0x70];
	v1 =	vmul.f32 v1, v3;
	[tilespmem:s1+$0x60] =	vst v6  }
0x130: {  	v6 =	vmul.f32 v7, v3;
	[tilespmem:s1+$0x40] =	vst v4  }
0x131: {  	[tilespmem:s1+$0x20] =	vst v1;
	v1 =	vmul.f32 v2, v3  }
0x132: {  	v5 =	vmul.f32 v5, v3;
	[tilespmem:s1+$0x0] =	vst v6;
	v6 =	vmov s7  }
0x133: {  	v4 =	vmul.f32 v8, v3;
	[tilespmem:s1+$0x30] =	vst v1  }
0x134: {  	v3 =	vmul.f32 v9, v3;
	[tilespmem:s1+$0x10] =	vst v5  }
0x135: {  	[tilespmem:s1+$0x50] =	vst v4  }
0x136: {  	v2 =	vld [tilespmem:s1+$0x80];
	[tilespmem:s1+$0x70] =	vst v3  }
0x137: {  	v1 =	vld.idx.msk [tilespmem:v6+s13+$0x0], $0xffff  }
0x138: {  	v3 =	vld [tilespmem:s1+$0xA0]  }
0x139: {  	v4 =	vld [tilespmem:s1+$0xC0]  }
0x13a: {  	v5 =	vld [tilespmem:s1+$0xF0]  }
0x13b: {  	v6 =	vld [tilespmem:s1+$0xE0]  }
0x13c: {  	v7 =	vld [tilespmem:s1+$0x90];
	v2 =	vmul.f32 v2, v1  }
0x13d: {  	v8 =	vld [tilespmem:s1+$0xB0];
	v3 =	vmul.f32 v3, v1  }
0x13e: {  	v60 =	vld [tilespmem:s1+$0xD0];
	[tilespmem:s1+$0x80] =	vst v2;
	v2 =	vmul.f32 v4, v1  }
0x13f: {  	[tilespmem:s1+$0xA0] =	vst v3;
	v3 =	vmul.f32 v5, v1  }
0x140: {  	v4 =	vmul.f32 v6, v1;
	[tilespmem:s1+$0xC0] =	vst v2  }
0x141: {  	v2 =	vmul.f32 v7, v1;
	[tilespmem:s1+$0xF0] =	vst v3  }
0x142: {  	v3 =	vmul.f32 v8, v1;
	[tilespmem:s1+$0xE0] =	vst v4  }
0x143: {  	v1 =	vmul.f32 v60, v1;
	[tilespmem:s1+$0x90] =	vst v2  }
0x144: {  	p0 =	seq.s32 s30, $0x31;
	[tilespmem:s1+$0xB0] =	vst v3  }
0x145: {  	s0 =	smul.u32 @!p0 $0x340, s30;
	[tilespmem:s1+$0xD0] =	vst v1  }
0x146: {  	[spmem:s2] =	stream.indirect.scatter.add.f32 [tilespmem:s17], [sflag:$0x4], $0x80, s18, s16, $0xb8;
	[tilespmem:$0x1F980] =	vst v63  }
0x147: {  	s3 =	simm.s32 @!p0 $0x64;
	s0 =	sshra.s32 @!p0 s0, $0x2;
	_ =	swait.ge [sflag:s23], $0x3200  }
0x148: {  	s0 =	sadd.s32 @!p0 $0x145D0, s0;
	s1 =	sadd.s32 @!p0 s6, s31;
	[sflag:s23] =	ssyncset.done $0x0  }
0x149: {  	s7 =	simm.s32 @!p0 $0x19580;
	s1 =	smul.u32 @!p0 $0x68, s1;
	[sflag:s23] =	ssyncadd.s32 $0xFFFFCE00  }
0x14a: {  	[tilespmem:s7], [sflag:$0x2] =	stream.indirect.gather @!p0 [hbm4b:s4+s3], $0x80, s0, s3, $0xb8;
	[tilespmem:$0x1F980] =	vst v63  }
0x14b: {  	s0 =	sadd.s32 @!p0 $0x68, s1  }
0x14c: {  	s0 =	sshrl.u32 @!p0 s0, $0x3  }
0x14d: {  	s1 =	sadd.s32 @!p0 s5, s0;
	s0 =	sadd.s32 $0xFFFFFF9C, s29  }
0x14e: {  	s3 =	simm.s32 @!p0 $0x0;
	s7 =	simm.s32 @!p0 $0x194B0;
	s9 =	sadd.s32 $0xC8, s0  }
0x14f: {  	[tilespmem:s7], [sflag:$0x6] =	stream.linear.gather @!p0 [hbm4b:s1+s3], $0x68, $0x38;
	v1 =	vmov s9;
	[tilespmem:$0x1F980] =	vst v63  }
0x150: {  	_ =	swait.ge [sflag:s11], $0x3200;
	v1 =	vand.u32 $0xFFFFFFFC, v1  }
0x151: {  	[sflag:s11] =	ssyncset.done $0x0;
	v1 =	vbroadcast v1, $0x0  }
0x152: {  	[sflag:s11] =	ssyncadd.s32 $0xFFFFCE00  }
0x153: {  	_ =	swait.ge [sflag:s24], $0x68  }
0x154: {  	[sflag:s24] =	ssyncset.done $0x0  }
0x155: {  	s31 =	simm.s32 $0x1C880;
	[sflag:s24] =	ssyncadd.s32 $0xFFFFFF98  }
0x156: {  	v2 =	vld [tilespmem:s31+$0xFFFFFF70]  }
0x157: {  	v1 =	vld.idx.msk [tilespmem:v1+s13+$0x0], $0xffff  }
0x158: {  	v3 =	vld [tilespmem:s31+$0xFFFFFF00]  }
0x159: {  	v4 =	vld [tilespmem:s31+$0xFFFFFF20]  }
0x15a: {  	v5 =	vld [tilespmem:s31+$0xFFFFFF50]  }
0x15b: {  	v6 =	vld [tilespmem:s31+$0xFFFFFF40]  }
0x15c: {  	v7 =	vld [tilespmem:s31+$0xFFFFFF60];
	v2 =	vmul.f32 v2, v1  }
0x15d: {  	s9 =	sadd.s32 $0xC9, s0;
	v8 =	vld [tilespmem:s31+$0xFFFFFF30];
	v3 =	vmul.f32 v3, v1  }
0x15e: {  	v61 =	vmov s9;
	v10 =	vld [tilespmem:s31+$0xFFFFFF10];
	v4 =	vmul.f32 v4, v1;
	[tilespmem:s31+$0xFFFFFF70] =	vst v2  }
0x15f: {  	v5 =	vmul.f32 v5, v1;
	v2 =	vand.u32 $0xFFFFFFFD, v61;
	[tilespmem:s31+$0xFFFFFF00] =	vst v3  }
0x160: {  	v3 =	vmul.f32 v6, v1;
	[tilespmem:s31+$0xFFFFFF20] =	vst v4;
	v2 =	vbroadcast v2, $0x0  }
0x161: {  	v4 =	vmul.f32 v7, v1;
	[tilespmem:s31+$0xFFFFFF50] =	vst v5  }
0x162: {  	v5 =	vmul.f32 v8, v1;
	[tilespmem:s31+$0xFFFFFF40] =	vst v3  }
0x163: {  	v1 =	vmul.f32 v10, v1;
	[tilespmem:s31+$0xFFFFFF60] =	vst v4  }
0x164: {  	[tilespmem:s31+$0xFFFFFF30] =	vst v5  }
0x165: {  	[tilespmem:s31+$0xFFFFFF10] =	vst v1;
	v1 =	vld [tilespmem:s31+$0xFFFFFF90]  }
0x166: {  	v3 =	vld.idx.msk [tilespmem:v2+s13+$0x0], $0xffff  }
0x167: {  	v2 =	vld [tilespmem:s31+$0xFFFFFFA0]  }
0x168: {  	v4 =	vld [tilespmem:s31+$0xFFFFFF80]  }
0x169: {  	v5 =	vld [tilespmem:s31+$0xFFFFFFB0]  }
0x16a: {  	v6 =	vld [tilespmem:s31+$0xFFFFFFC0]  }
0x16b: {  	v7 =	vld [tilespmem:s31+$0xFFFFFFD0];
	v1 =	vmul.f32 v1, v3  }
0x16c: {  	s10 =	sadd.s32 $0xCA, s0;
	v8 =	vld [tilespmem:s31+$0xFFFFFFF0];
	v2 =	vmul.f32 v2, v3  }
0x16d: {  	v62 =	vmov s10;
	v63 =	vld [tilespmem:s31+$0xFFFFFFE0];
	v4 =	vmul.f32 v4, v3;
	[tilespmem:s31+$0xFFFFFF90] =	vst v1  }
0x16e: {  	v5 =	vmul.f32 v5, v3;
	v1 =	vand.u32 $0xFFFFFFFE, v62;
	[tilespmem:s31+$0xFFFFFFA0] =	vst v2  }
0x16f: {  	v2 =	vmul.f32 v6, v3;
	[tilespmem:s31+$0xFFFFFF80] =	vst v4;
	v6 =	vld [tilespmem:s31+$0x60];
	v9 =	vbroadcast v1, $0x0  }
0x170: {  	v4 =	vmul.f32 v7, v3;
	[tilespmem:s31+$0xFFFFFFB0] =	vst v5;
	v7 =	vld [tilespmem:s31+$0x0]  }
0x171: {  	v5 =	vmul.f32 v8, v3;
	v1 =	vld [tilespmem:s31+$0x20];
	[tilespmem:s31+$0xFFFFFFC0] =	vst v2  }
0x172: {  	v3 =	vmul.f32 v63, v3;
	v2 =	vld [tilespmem:s31+$0x30];
	[tilespmem:s31+$0xFFFFFFD0] =	vst v4  }
0x173: {  	[tilespmem:s31+$0xFFFFFFF0] =	vst v5;
	v4 =	vld [tilespmem:s31+$0x40]  }
0x174: {  	[tilespmem:s31+$0xFFFFFFE0] =	vst v3;
	v5 =	vld [tilespmem:s31+$0x10]  }
0x175: {  	s1 =	simm.s32 $0xFFFFFFA0;
	s3 =	sadd.s32 $0xCB, s0;
	s0 =	simm.s32 $0x1C880;
	v3 =	vld.idx.msk [tilespmem:v9+s13+$0x0], $0xffff  }
.LBB2_7:
0x176: {  	p0 =	sne.s32 s1, $0xFFFFFFFC  }
0x177: {  	v8 =	vld [tilespmem:s31+$0x50];
	s0 =	sadd.s32 $0x200, s0;
	s7 =	smov.u32 s1;
	s1 =	sadd.s32 $0x4, s1  }
0x178: {  	v9 =	vld [tilespmem:s31+$0x70];
	_ =	sdelay $0x1  }
0x179: {  	v6 =	vmul.f32 v6, v3;
	v7 =	vmul.f32 v7, v3  }
0x17a: {  	v4 =	vmul.f32 v4, v3;
	v5 =	vmul.f32 v5, v3  }
0x17b: {  	v1 =	vmul.f32 v1, v3;
	v2 =	vmul.f32 v2, v3;
	[tilespmem:s31+$0x60] =	vst v6  }
0x17c: {  	[tilespmem:s31+$0x40] =	vst v4;
	v4 =	vmul.f32 v8, v3;
	v3 =	vmul.f32 v9, v3  }
0x17d: {  	[tilespmem:s31+$0x20] =	vst v1;
	v6 =	vld [tilespmem:s31+$0x80]  }
0x17e: {  	v1 =	vld [tilespmem:s0+$0x20];
	[tilespmem:s31+$0x0] =	vst v7;
	v7 =	vmov s3  }
0x17f: {  	[tilespmem:s31+$0x50] =	vst v4;
	v4 =	vld [tilespmem:s31+$0xE0]  }
0x180: {  	[tilespmem:s31+$0x30] =	vst v2;
	v8 =	vld [tilespmem:s31+$0xC0]  }
0x181: {  	v2 =	vld [tilespmem:s0+$0x30];
	[tilespmem:s31+$0x10] =	vst v5  }
0x182: {  	[tilespmem:s31+$0x70] =	vst v3;
	v3 =	vld [tilespmem:s31+$0xA0]  }
0x183: {  	v5 =	vld.idx.msk [tilespmem:v7+s13+$0x0], $0xffff  }
0x184: {  	v7 =	vld [tilespmem:s31+$0x90]  }
0x185: {  	v9 =	vld [tilespmem:s31+$0xB0]  }
0x186: {  	v10 =	vld [tilespmem:s31+$0xD0]  }
0x187: {  	v11 =	vld [tilespmem:s31+$0xF0];
	_ =	sdelay $0x1  }
0x188: {  	s3 =	sadd.s32 s7, s29;
	v6 =	vmul.f32 v6, v5;
	v7 =	vmul.f32 v7, v5  }
0x189: {  	s7 =	sadd.s32 $0xC8, s3;
	s9 =	sadd.s32 $0xC9, s3;
	s10 =	sadd.s32 $0xCA, s3;
	v3 =	vmul.f32 v3, v5;
	v9 =	vmul.f32 v9, v5  }
0x18a: {  	s3 =	sadd.s32 $0xCB, s3;
	v12 =	vmov s7;
	[tilespmem:s31+$0x80] =	vst v6;
	v6 =	vmul.f32 v8, v5;
	v8 =	vmul.f32 v10, v5  }
0x18b: {  	v10 =	vand.u32 $0xFFFFFFFC, v12;
	[tilespmem:s31+$0xA0] =	vst v3;
	v3 =	vmul.f32 v4, v5;
	v4 =	vmul.f32 v11, v5  }
0x18c: {  	v5 =	vbroadcast v10, $0x0;
	v10 =	vmov s9;
	v11 =	vmov s10;
	[tilespmem:s31+$0xC0] =	vst v6  }
0x18d: {  	v6 =	vand.u32 $0xFFFFFFFD, v10;
	v10 =	vand.u32 $0xFFFFFFFE, v11;
	[tilespmem:s31+$0xF0] =	vst v4  }
0x18e: {  	v4 =	vld [tilespmem:s0+$0xFFFFFF40];
	[tilespmem:s31+$0xE0] =	vst v3  }
0x18f: {  	v3 =	vld [tilespmem:s0+$0xFFFFFF50];
	[tilespmem:s31+$0x90] =	vst v7  }
0x190: {  	v7 =	vld [tilespmem:s0+$0xFFFFFF60];
	[tilespmem:s31+$0xB0] =	vst v9  }
0x191: {  	v9 =	vld [tilespmem:s0+$0xFFFFFF70];
	[tilespmem:s31+$0xD0] =	vst v8;
	s31 =	smov.u32 s0  }
0x192: {  	v5 =	vld.idx.msk [tilespmem:v5+s13+$0x0], $0xffff  }
0x193: {  	v8 =	vld [tilespmem:s0+$0xFFFFFF00]  }
0x194: {  	v11 =	vld [tilespmem:s0+$0xFFFFFF20]  }
0x195: {  	v12 =	vld [tilespmem:s0+$0xFFFFFF10]  }
0x196: {  	v13 =	vld [tilespmem:s0+$0xFFFFFF30];
	_ =	sdelay $0x1  }
0x197: {  	v9 =	vmul.f32 v9, v5;
	v8 =	vmul.f32 v8, v5  }
0x198: {  	v7 =	vmul.f32 v7, v5;
	v11 =	vmul.f32 v11, v5  }
0x199: {  	v3 =	vmul.f32 v3, v5;
	v12 =	vmul.f32 v12, v5;
	[tilespmem:s0+$0xFFFFFF70] =	vst v9  }
0x19a: {  	v4 =	vmul.f32 v4, v5;
	[tilespmem:s0+$0xFFFFFF00] =	vst v8;
	v8 =	vmul.f32 v13, v5  }
0x19b: {  	v5 =	vbroadcast v6, $0x0;
	[tilespmem:s0+$0xFFFFFF20] =	vst v11  }
0x19c: {  	[tilespmem:s0+$0xFFFFFF50] =	vst v3  }
0x19d: {  	[tilespmem:s0+$0xFFFFFF40] =	vst v4;
	v3 =	vld [tilespmem:s0+$0xFFFFFFF0]  }
0x19e: {  	[tilespmem:s0+$0xFFFFFF60] =	vst v7;
	v4 =	vld [tilespmem:s0+$0xFFFFFFC0]  }
0x19f: {  	[tilespmem:s0+$0xFFFFFF30] =	vst v8;
	v6 =	vld [tilespmem:s0+$0xFFFFFFD0]  }
0x1a0: {  	[tilespmem:s0+$0xFFFFFF10] =	vst v12;
	v7 =	vld [tilespmem:s0+$0xFFFFFF90]  }
0x1a1: {  	v5 =	vld.idx.msk [tilespmem:v5+s13+$0x0], $0xffff  }
0x1a2: {  	v8 =	vld [tilespmem:s0+$0xFFFFFF80]  }
0x1a3: {  	v9 =	vld [tilespmem:s0+$0xFFFFFFA0]  }
0x1a4: {  	v11 =	vld [tilespmem:s0+$0xFFFFFFB0]  }
0x1a5: {  	v12 =	vld [tilespmem:s0+$0xFFFFFFE0];
	_ =	sdelay $0x1  }
0x1a6: {  	v7 =	vmul.f32 v7, v5;
	v8 =	vmul.f32 v8, v5  }
0x1a7: {  	v6 =	vmul.f32 v6, v5;
	v9 =	vmul.f32 v9, v5  }
0x1a8: {  	v4 =	vmul.f32 v4, v5;
	[tilespmem:s0+$0xFFFFFF90] =	vst v7;
	v7 =	vmul.f32 v11, v5  }
0x1a9: {  	v3 =	vmul.f32 v3, v5;
	[tilespmem:s0+$0xFFFFFFA0] =	vst v9;
	v9 =	vmul.f32 v12, v5  }
0x1aa: {  	v5 =	vbroadcast v10, $0x0;
	[tilespmem:s0+$0xFFFFFF80] =	vst v8  }
0x1ab: {  	[tilespmem:s0+$0xFFFFFFB0] =	vst v7  }
0x1ac: {  	[tilespmem:s0+$0xFFFFFFC0] =	vst v4  }
0x1ad: {  	[tilespmem:s0+$0xFFFFFFD0] =	vst v6  }
.Ltmp2:
0x1ae: {  	[tilespmem:s0+$0xFFFFFFF0] =	vst v3;
	v4 =	vld [tilespmem:s0+$0x40];
	(pc) =	sbr.rel @p0 .LBB2_7-.Ltmp2, $4  }
0x1af: {  	[tilespmem:s0+$0xFFFFFFE0] =	vst v9;
	v6 =	vld [tilespmem:s0+$0x60]  }
0x1b0: {  	v3 =	vld.idx.msk [tilespmem:v5+s13+$0x0], $0xffff  }
0x1b1: {  	v7 =	vld [tilespmem:s0+$0x0]  }
0x1b2: {  	v5 =	vld [tilespmem:s0+$0x10]  }
0x1b3: {  	_ =	sdelay $0x1  }
0x1b4: {  	v6 =	vmul.f32 v6, v3  }
0x1b5: {  	v8 =	vld [tilespmem:s31+$0x50];
	v4 =	vmul.f32 v4, v3  }
0x1b6: {  	v9 =	vld [tilespmem:s31+$0x70];
	v1 =	vmul.f32 v1, v3;
	[tilespmem:s31+$0x60] =	vst v6  }
0x1b7: {  	v54 =	vmul.f32 v7, v3;
	[tilespmem:s31+$0x40] =	vst v4  }
0x1b8: {  	[tilespmem:s31+$0x20] =	vst v1;
	v1 =	vmul.f32 v2, v3  }
0x1b9: {  	v56 =	vmov s3;
	v5 =	vmul.f32 v5, v3;
	[tilespmem:s31+$0x0] =	vst v54  }
0x1ba: {  	v55 =	vmul.f32 v8, v3;
	[tilespmem:s31+$0x30] =	vst v1  }
0x1bb: {  	v3 =	vmul.f32 v9, v3;
	[tilespmem:s31+$0x10] =	vst v5  }
0x1bc: {  	[tilespmem:s31+$0x50] =	vst v55  }
0x1bd: {  	v2 =	vld [tilespmem:s31+$0x80];
	[tilespmem:s31+$0x70] =	vst v3  }
0x1be: {  	v1 =	vld.idx.msk [tilespmem:v56+s13+$0x0], $0xffff  }
0x1bf: {  	v3 =	vld [tilespmem:s31+$0xA0]  }
0x1c0: {  	v59 =	vld [tilespmem:s31+$0xE0]  }
0x1c1: {  	v57 =	vld [tilespmem:s31+$0xC0]  }
0x1c2: {  	v58 =	vld [tilespmem:s31+$0xF0]  }
0x1c3: {  	v60 =	vld [tilespmem:s31+$0x90];
	v2 =	vmul.f32 v2, v1  }
0x1c4: {  	v61 =	vld [tilespmem:s31+$0xB0];
	v3 =	vmul.f32 v3, v1  }
0x1c5: {  	v62 =	vld [tilespmem:s31+$0xD0];
	v63 =	vmul.f32 v59, v1;
	[tilespmem:s31+$0x80] =	vst v2  }
0x1c6: {  	v2 =	vmul.f32 v57, v1;
	[tilespmem:s31+$0xA0] =	vst v3  }
0x1c7: {  	s30 =	sadd.s32 $0x1, s30;
	v3 =	vmul.f32 v58, v1;
	[tilespmem:s31+$0xE0] =	vst v63  }
0x1c8: {  	p0 =	sne.s32 s30, $0x32;
	[tilespmem:s31+$0xC0] =	vst v2;
	v2 =	vmul.f32 v60, v1  }
.Ltmp3:
0x1c9: {  	[tilespmem:s31+$0xF0] =	vst v3;
	v3 =	vmul.f32 v61, v1;
	(pc) =	sbr.rel @p0 .LBB2_4-.Ltmp3, $4  }
0x1ca: {  	v1 =	vmul.f32 v62, v1;
	[tilespmem:s31+$0x90] =	vst v2  }
0x1cb: {  	[tilespmem:s31+$0xB0] =	vst v3  }
0x1cc: {  	s29 =	sadd.s32 $0xC8, s29;
	[tilespmem:s31+$0xD0] =	vst v1  }
0x1cd: {  	[spmem:s2] =	stream.indirect.scatter.add.f32 [tilespmem:s19], [sflag:$0x5], $0x80, s20, s16, $0xb8;
	[tilespmem:$0x1F980] =	vst v63  }
0x1ce: {  	_ =	swait.ge [sflag:s25], $0x3200  }
0x1cf: {  	[sflag:s25] =	ssyncset.done $0x0  }
0x1d0: {  	s0 =	stileid.u32;
	[sflag:s25] =	ssyncadd.s32 $0xFFFFCE00  }
0x1d1: {  	s0 =	sshll.u32 s0, $0x6;
	[bflag:$0x0] =	sbarrier.arrive $0xFFFF  }
0x1d2: {  	s1 =	sshrl.u32 s8, $0x3;
	s0 =	sor.u32 $0x1C08, s0;
	s3 =	rddreg [dreg:$0x14]  }
0x1d3: {  	[hbm:s3], [sflag:s0] =	dma.local [spmem:s1], $0x2710  }
0x1d4: {  	_ =	swait.ge [sflag:s12], $0x2710  }
0x1d5: {  	s26 =	sadd.s32 $0x1, s26;
	s31 =	rddreg [dreg:$0x15]  }
0x1d6: {  	p0 =	sne.s32 s26, s31  }
.Ltmp4:
0x1d7: {  	_ = 	snop;
	(pc) =	sbr.rel @p0 .LBB2_1-.Ltmp4, $3  }
0x1d8: {  	_ =	sdelay $0x1  }
0x1d9: {  	[sflag:s12] =	ssyncset.done $0x0  }
0x1da: {  	s3 =	simm.s32 $0x14500;
	[sflag:s12] =	ssyncadd.s32 $0xFFFFD8F0  }
0x1db: {  	_ =	sfence.sel $0x180000  }
0x1dc: {  	[bflag:$0x0] =	sbarrier.arrive $0xFFFF  }
0x1dd: {  	_ =	strace $0x9000004A  }
0x1de: {  	s0 =	stileid.u32;
	[bflag:$0x2] =	sbarrier.arrive $0xFFFF  }
0x1df: {  	p0 =	sne.s32 s0, $0x0;
	s0 =	rddreg [dreg:$0x3]  }
0x1e0: {  	s0 =	sadd.s32 @!p0 $0x100000, s0  }
0x1e1: {  	[sflag:s0] =	ssyncadd.tile.s32 @!p0 $0x1;
	_ =	shalt  }
.Lfunc_end2:
_tile_overlayer_lowered:
.L_overlay_start_2:
0x1e2: {  	(tag) =	ssettag $0x2  }
0x1e3: {  	s0 =	rddreg [dreg:$0x0];
	s2 =	stileid.u32  }
0x1e4: {  	s1 =	rddreg [dreg:$0x1];
	p0 =	sne.s32 s2, $0x0  }
0x1e5: {  	s3 =	rddreg [dreg:$0x2];
	[bflag:$0x3] =	sbarrier.arrive $0xFFFF;
	s2 =	simm.s32 @!p0 $0x1C08  }
0x1e6: {  	[timem:s3], [sflag:s2] =	dma.local @!p0 [hbm:s0], s1  }
0x1e7: {  	s0 =	simm.s32 @!p0 $0x8  }
0x1e8: {  	_ =	swait.ge @!p0 [sflag:s0], s1  }
0x1e9: {  	s1 =	ssub.s32 @!p0 $0x0, s1;
	[sflag:s0] =	ssyncset.done @!p0 $0x0  }
0x1ea: {  	[sflag:s0] =	ssyncadd.s32 @!p0 s1  }
0x1eb: {  	[bflag:$0x3] =	sbarrier.arrive $0xFFFF  }
0x1ec: {  	_ =	shalt  }

// kernel: kernel.15.cloned.1.call-start
scs
__scs_entry_jumppad:
0x0: {  	(pc) =	sbr.rel $0x88, $3  }
0x1: {  	(tag) =	ssettag $0x0;
	lr =	simm.s32 $0x1  }
0x2: {  	[smem:$0x3F98] =	sst lr;
	_ =	strace $0xD0000000  }
0x3: {  	_ = 	snop  }
0x4: {  	_ = 	snop  }
0x5: {  	_ = 	snop  }
0x6: {  	_ = 	snop  }
0x7: {  	_ = 	snop  }
__scs_overlays_trampoline_lowered:
0x8: {  	[smem:$0x3FA7] =	sst s0  }
0x9: {  	[smem:$0x3FA8] =	sst s1  }
0xa: {  	[smem:$0x3FA9] =	sst s2  }
0xb: {  	[smem:$0x3FAA] =	sst s3  }
0xc: {  	[smem:$0x3FAB] =	sst s4  }
0xd: {  	[smem:$0x3FAC] =	sst s5  }
0xe: {  	[smem:$0x3FAD] =	sst s6  }
0xf: {  	[smem:$0x3FAE] =	sst s7  }
0x10: {  	[smem:$0x3FAF] =	sst s8  }
0x11: {  	[smem:$0x3FB0] =	sst s9;
	s0 =	simm.s32 @!p0 $0x0  }
0x12: {  	s1 =	sld [smem:$0x3F96];
	s0 =	simm.s32 @p0 $0x1  }
0x13: {  	[smem:$0x3FB1] =	sst s0;
	s0 =	simm.s32 @!p1 $0x0  }
0x14: {  	s2 =	sld [smem:$0x3F95];
	s0 =	simm.s32 @p1 $0x1  }
0x15: {  	[smem:$0x3FB2] =	sst s0;
	s0 =	simm.s32 @!p2 $0x0  }
0x16: {  	s3 =	sld [smem:$0x3FDB];
	s0 =	simm.s32 @p2 $0x1  }
0x17: {  	s4 =	simm.s32 $0x1BF5;
	[smem:$0x3FB4] =	sst s0  }
0x18: {  	s0 =	sld [smem:$0x3F97];
	_ =	swait.ge [sflag:s4], $0x0  }
0x19: {  	s7 =	sld [smem:$0x3F98]  }
0x1a: {  	s8 =	sadd.s32 $0xFFFFE003, lr  }
0x1b: {  	s9 =	sadd.s32 $0xFFFFFEF7, lr;
	s5 =	simm.s32 $0xFFFFFFFF;
	p2 =	slt.u32 s8, $0xFFFFF086  }
0x1c: {  	p1 =	slt.u32 s9, $0xF7A;
	s5 =	simm.s32 @!p2 $0x0  }
0x1d: {  	s5 =	simm.s32 @p1 $0x1;
	p0 =	seq.s32 s7, s2  }
0x1e: {  	s7 =	smul.u32 @!p0 $0xF7A, s2;
	p2 =	seq.s32 @!p0 s5, $0x0  }
0x1f: {  	s9 =	smul.u32 $0xF7A, s1;
	s8 =	simm.s32 @!p0 $0x1BF5;
	p2 =	por !p2, p0  }
0x20: {  	[sflag:s8] =	ssyncset.s32 @!p0 $0xFFFFF086;
	s6 =	sadd.s32 @!p0 s3, s7;
	s7 =	simm.s32 @!p0 $0x108  }
0x21: {  	s3 =	sadd.s32 s3, s9;
	s6 =	sadd.s32 @!p0 $0x88, s6;
	s7 =	simm.s32 @p2 $0x1082  }
0x22: {  	[simem:s7], [sflag:s8] =	dma.local @!p0 [hbm:s6], $0xF7A  }
0x23: {  	s9 =	sor.u32 $0xD0000000, s2;
	s6 =	simm.s32 $0x108;
	_ =	swait.ge @!p0 [sflag:s8], $0x0  }
0x24: {  	s3 =	sadd.s32 $0x88, s3;
	s6 =	simm.s32 @!p1 $0x1082;
	[sflag:s4] =	ssyncset.s32 $0xFFFFF086  }
0x25: {  	[simem:s6], [sflag:s4] =	dma.local [hbm:s3], $0xF7A  }
0x26: {  	[smem:$0x3F98] =	sst s1;
	(tag) =	ssettag s2;
	_ =	strace s9  }
0x27: {  	s1 =	sld [smem:$0x3FA8]  }
0x28: {  	s2 =	sld [smem:$0x3FA9]  }
0x29: {  	s4 =	sld [smem:$0x3FAB]  }
0x2a: {  	p0 =	seq.s32 s5, $0x0;
	s5 =	sld [smem:$0x3FAC]  }
0x2b: {  	s6 =	sld [smem:$0x3FAD]  }
0x2c: {  	s7 =	sld [smem:$0x3FAE]  }
0x2d: {  	s3 =	simm.s32 $0x108;
	s8 =	sld [smem:$0x3FAF]  }
0x2e: {  	s3 =	simm.s32 @!p0 $0x1082;
	s9 =	sld [smem:$0x3FB0]  }
0x2f: {  	lr =	sadd.s32 s0, s3;
	s0 =	sld [smem:$0x3FA7]  }
0x30: {  	s3 =	sld [smem:$0x3FAA]  }
0x31: {  	[smem:$0x3FB3] =	sst s10  }
0x32: {  	s10 =	sld [smem:$0x3FB1];
	_ =	sdelay $0x3  }
0x33: {  	p0 =	seq.s32 s10, $0x1;
	s10 =	sld [smem:$0x3FB3];
	_ =	sdelay $0x3  }
0x34: {  	[smem:$0x3FB3] =	sst s10  }
0x35: {  	s10 =	sld [smem:$0x3FB2];
	_ =	sdelay $0x3  }
0x36: {  	p1 =	seq.s32 s10, $0x1;
	s10 =	sld [smem:$0x3FB3];
	_ =	sdelay $0x3  }
0x37: {  	[smem:$0x3FB3] =	sst s10  }
0x38: {  	s10 =	sld [smem:$0x3FB4]  }
0x39: {  	_ = 	snop;
	(pc) =	sbr.ind lr, $3  }
0x3a: {  	_ = 	snop  }
0x3b: {  	_ = 	snop  }
0x3c: {  	p2 =	seq.s32 s10, $0x1;
	s10 =	sld [smem:$0x3FB3]  }
0x3d: {  	_ =	shalt  }
0x3e: {  	_ =	shalt  }
0x3f: {  	_ =	shalt  }
0x40: {  	_ =	shalt  }
0x41: {  	_ =	shalt  }
0x42: {  	_ =	shalt  }
0x43: {  	_ =	shalt  }
0x44: {  	_ =	shalt  }
0x45: {  	_ =	shalt  }
0x46: {  	_ =	shalt  }
0x47: {  	_ =	shalt  }
0x48: {  	_ =	shalt  }
0x49: {  	_ =	shalt  }
0x4a: {  	_ =	shalt  }
0x4b: {  	_ =	shalt  }
0x4c: {  	_ =	shalt  }
0x4d: {  	_ =	shalt  }
0x4e: {  	_ =	shalt  }
0x4f: {  	_ =	shalt  }
0x50: {  	_ =	shalt  }
0x51: {  	_ =	shalt  }
0x52: {  	_ =	shalt  }
0x53: {  	_ =	shalt  }
0x54: {  	_ =	shalt  }
0x55: {  	_ =	shalt  }
0x56: {  	_ =	shalt  }
0x57: {  	_ =	shalt  }
0x58: {  	_ =	shalt  }
0x59: {  	_ =	shalt  }
0x5a: {  	_ =	shalt  }
0x5b: {  	_ =	shalt  }
0x5c: {  	_ =	shalt  }
0x5d: {  	_ =	shalt  }
0x5e: {  	_ =	shalt  }
0x5f: {  	_ =	shalt  }
0x60: {  	_ =	shalt  }
0x61: {  	_ =	shalt  }
0x62: {  	_ =	shalt  }
0x63: {  	_ =	shalt  }
0x64: {  	_ =	shalt  }
0x65: {  	_ =	shalt  }
0x66: {  	_ =	shalt  }
0x67: {  	_ =	shalt  }
0x68: {  	_ =	shalt  }
0x69: {  	_ =	shalt  }
0x6a: {  	_ =	shalt  }
0x6b: {  	_ =	shalt  }
0x6c: {  	_ =	shalt  }
0x6d: {  	_ =	shalt  }
0x6e: {  	_ =	shalt  }
0x6f: {  	_ =	shalt  }
0x70: {  	_ =	shalt  }
0x71: {  	_ =	shalt  }
0x72: {  	_ =	shalt  }
0x73: {  	_ =	shalt  }
0x74: {  	_ =	shalt  }
0x75: {  	_ =	shalt  }
0x76: {  	_ =	shalt  }
0x77: {  	_ =	shalt  }
0x78: {  	_ =	shalt  }
0x79: {  	_ =	shalt  }
0x7a: {  	_ =	shalt  }
0x7b: {  	_ =	shalt  }
0x7c: {  	_ =	shalt  }
0x7d: {  	_ =	shalt  }
0x7e: {  	_ =	shalt  }
0x7f: {  	_ =	shalt  }
0x80: {  	_ =	shalt  }
0x81: {  	_ =	shalt  }
0x82: {  	_ =	shalt  }
0x83: {  	_ =	shalt  }
0x84: {  	_ =	shalt  }
0x85: {  	_ =	shalt  }
0x86: {  	_ =	shalt  }
0x87: {  	_ =	shalt  }
.Lfunc_end0:
.L_simem_size_0:
called_computation.2_lowered:
.L_overlay_start_0:
0x88: {  	s2 =	sld [smem:$0x3FD9]  }
0x89: {  	s3 =	sld [smem:$0x3FFE];
	_ =	sdelay $0x1  }
0x8a: {  	s1 =	srdreg.scid  }
0x8b: {  	s0 =	sand.u32 $0x1, s1  }
0x8c: {  	s17 =	sshll.u32 s0, $0xA;
	s2 =	sadd.s32 s3, s2  }
0x8d: {  	s2 =	sadd.s32 s2, s17  }
0x8e: {  	[smem:$0x3FBF] =	sst s2  }
0x8f: {  	_ = 	snop  }
0x90: {  	s2 =	sld [smem:$0x3FD0];
	(tm) =	ssettm $0x1  }
0x91: {  	s18 =	sld [smem:$0x3FFB];
	_ =	sdelay $0x3  }
0x92: {  	_ =	strace s18  }
0x93: {  	s3 =	sld [smem:$0x3FFC];
	_ =	sdelay $0x3  }
0x94: {  	_ =	strace s3  }
0x95: {  	s3 =	sld [smem:$0x3FFD];
	_ =	sdelay $0x3  }
0x96: {  	_ =	strace s3  }
0x97: {  	_ =	strace $0x8FFFFFFF  }
0x98: {  	s19 =	sld [smem:$0x3FDB];
	_ =	sdelay $0x1  }
0x99: {  	s4 =	simm.s32 $_scs_section_size  }
0x9a: {  	s5 =	simm.s32 $_size__tile_overlayer_lowered;
	s6 =	simm.s32 $_tile_overlayer_lowered  }
0x9b: {  	s22 =	simm.s32 $0x1BFF;
	s21 =	sshll.u32 s6, $0x1;
	s3 =	sadd.s32 s4, s19  }
0x9c: {  	s7 =	simm.s32 $0x0;
	s20 =	sshll.u32 s5, $0x1;
	s5 =	sadd.s32 s21, s3  }
0x9d: {  	[timem:s7], [sflag:s22] =	dma.local [hbm:s5], s20  }
0x9e: {  	_ =	swait.ge [sflag:s22], s20  }
0x9f: {  	s4 =	ssub.s32 $0x0, s20;
	[sflag:s22] =	ssyncset.done $0x0  }
0xa0: {  	[sflag:s22] =	ssyncadd.s32 s4;
	_ =	sdelay $0x1  }
0xa1: {  	s23 =	simm.s32 $0x1B8B  }
0xa2: {  	_ =	swait.ge [sflag:s23], $0x1  }
0xa3: {  	[sflag:s23] =	ssyncset.done $0x0  }
0xa4: {  	s25 =	simm.s32 $0x1B8E;
	s24 =	sld [smem:$0x3FFE];
	[sflag:s23] =	ssyncadd.s32 $0xFFFFFFFF  }
0xa5: {  	s26 =	simm.s32 $execute0_lowered;
	[smem:$0x3FD2] =	sst s25  }
0xa6: {  	s5 =	sshll.u32 s26, $0x1;
	_ =	strace $0x8000004C;
	[dreg:$0x1] =	wrdreg $0xFFFFFFFF  }
0xa7: {  	s28 =	simm.s32 $_size_execute0_lowered;
	s3 =	sadd.s32 s3, s5;
	[dreg:$0x0] =	wrdreg $0x0  }
0xa8: {  	s5 =	sshll.u32 s28, $0x1;
	[dreg:$0x2] =	wrdreg s3  }
0xa9: {  	[dreg:$0x3] =	wrdreg s5  }
0xaa: {  	[dreg:$0x4] =	wrdreg $0xC0  }
0xab: {  	_ =	task [dreg:s7], $0x5FFFF  }
0xac: {  	[dreg:$0x1] =	wrdreg $0xFFFFFFFF  }
0xad: {  	[dreg:$0x0] =	wrdreg $0x60  }
0xae: {  	[dreg:$0x2] =	wrdreg s24  }
0xaf: {  	[dreg:$0x3] =	wrdreg s2  }
0xb0: {  	[dreg:$0x4] =	wrdreg $0x0  }
0xb1: {  	[dreg:$0x5] =	wrdreg $0x9  }
0xb2: {  	_ =	task.clear_ibuf [dreg:s7], $0x6FFFF;
	_ =	strace $0x9000004C  }
0xb3: {  	s29 =	simm.s32 $0x9;
	_ =	strace $0x8000004E  }
0xb4: {  	_ =	swait.ge [sflag:s29], $0x1  }
0xb5: {  	[sflag:s29] =	ssyncadd.s32 $0xFFFFFFFF  }
0xb6: {  	_ =	strace $0x9000004E  }
0xb7: {  	_ =	sfence  }
0xb8: {  	s30 =	sld [smem:$0x0];
	_ =	sdelay $0x2  }
0xb9: {  	s31 =	sshll.u32 s1, $0xD;
	s1 =	sshrl.u32 s1, $0x2  }
0xba: {  	s3 =	sand.u32 $0x4000, s31;
	s1 =	sadd.s32 s1, s30  }
0xbb: {  	s0 =	sor.u32 s3, s0;
	s1 =	sshll.u32 s1, $0x11  }
0xbc: {  	s0 =	sor.u32 s1, s0  }
0xbd: {  	s0 =	sadd.s32 $0x8F2B, s0  }
0xbe: {  	[sflag:s0] =	ssyncadd.remote.s32 $0x1  }
0xbf: {  	_ =	sfence.sel $0xFFFF  }
0xc0: {  	[dreg:$0x0] =	wrdreg $0xFFFFFFFF;
	(pc) =	sbr.abs _section_cstart, $3  }
0xc1: {  	[dreg:$0x1] =	wrdreg $0xFFFFFFFF  }
0xc2: {  	_ =	task.clear_ibuf [dreg:s7], $0x2FFFF;
	_ =	strace $0x9FFFFFFF  }
0xc3: {  	(tm) =	ssettm $0x7FFFFFFF  }
tec
execute0_lowered:
.L_overlay_start_1:
0x0: {  	(tag) =	ssettag $0x1  }
0x1: {  	s0 =	rddreg [dreg:$0x0];
	s10 =	stileid.u32  }
0x2: {  	s3 =	srdreg.scid;
	s7 =	smul.u32 $0x2710, s10  }
0x3: {  	s3 =	sand.u32 $0x1, s3;
	s4 =	sshll.u32 s10, $0x1;
	s10 =	smul.u32 $0x4E200, s10  }
0x4: {  	s1 =	rddreg [dreg:$0x1];
	s6 =	sor.u32 s3, s4;
	s8 =	smul.u32 $0x27100, s3  }
0x5: {  	s2 =	rddreg [dreg:$0x2];
	s5 =	simm.s32 $0x0;
	s11 =	smul.u32 $0x514, s6  }
0x6: {  	[smem:$0x7FF] =	sst s5;
	s23 =	sshrl.u32 s10, $0x2  }
0x7: {  	s7 =	sadd.s32 s7, s8;
	s8 =	sadd.s32 s23, s2;
	s1 =	sadd.s32 s1, s11  }
0x8: {  	_ =	strace $0x8000004D;
	s25 =	sadd.s32 $0xC80, s8;
	[dreg:$0x4] =	wrdreg s1  }
0x9: {  	s5 =	sadd.s32 $0x22400, s0;
	s26 =	sadd.s32 $0x1900, s8;
	[dreg:$0x6] =	wrdreg s25  }
0xa: {  	s21 =	smul.u32 $0x4E2, s6;
	s29 =	sadd.s32 $0x2580, s8;
	[dreg:$0x7] =	wrdreg s26  }
0xb: {  	s4 =	sadd.s32 $0x2C800, s0;
	s30 =	sadd.s32 $0x3200, s8;
	[dreg:$0x8] =	wrdreg s29  }
0xc: {  	s9 =	sadd.s32 s21, s0;
	s31 =	sadd.s32 $0x3E80, s8;
	[dreg:$0x9] =	wrdreg s30  }
0xd: {  	s0 =	sadd.s32 s7, s0;
	s7 =	sadd.s32 $0x4B00, s8;
	[dreg:$0xa] =	wrdreg s31  }
0xe: {  	s10 =	sadd.s32 $0x6400, s8;
	[dreg:$0xb] =	wrdreg s7  }
0xf: {  	s12 =	sadd.s32 $0x7080, s8;
	[dreg:$0xd] =	wrdreg s10  }
0x10: {  	s13 =	sadd.s32 $0x7D00, s8;
	[dreg:$0xe] =	wrdreg s12  }
0x11: {  	s14 =	sadd.s32 $0x8980, s8;
	[dreg:$0xf] =	wrdreg s13  }
0x12: {  	s3 =	ssub.s32 $0x2, s3;
	s15 =	sadd.s32 $0x9600, s8;
	[dreg:$0x10] =	wrdreg s14  }
0x13: {  	s22 =	sshrl.u32 s3, $0x1;
	s16 =	sadd.s32 $0xA280, s8;
	[dreg:$0x11] =	wrdreg s15  }
0x14: {  	s3 =	ssub.s32 s3, s22;
	s17 =	sadd.s32 s5, s11;
	[dreg:$0x12] =	wrdreg s16  }
0x15: {  	s18 =	smax.u32 s3, $0x1;
	[dreg:$0x13] =	wrdreg s17  }
0x16: {  	s28 =	simm.s32 $0x0;
	s19 =	sadd.s32 $0xAF00, s8;
	[dreg:$0x15] =	wrdreg s18  }
0x17: {  	s6 =	smul.u32 $0x64, s6;
	s20 =	sadd.s32 $0xBB80, s8;
	[dreg:$0x16] =	wrdreg s19  }
0x18: {  	s21 =	sadd.s32 $0xC800, s8;
	s22 =	sadd.s32 $0xD480, s8;
	[dreg:$0x17] =	wrdreg s20  }
0x19: {  	s23 =	sadd.s32 $0xE100, s8;
	s3 =	simm.s32 $0x14500;
	[dreg:$0x18] =	wrdreg s21  }
0x1a: {  	s11 =	simm.s32 $0x3;
	s24 =	sadd.s32 $0x18600, s9;
	[dreg:$0x19] =	wrdreg s22  }
0x1b: {  	s9 =	sadd.s32 $0x5780, s8;
	s0 =	sadd.s32 $0x165000, s0;
	[dreg:$0x1a] =	wrdreg s23  }
0x1c: {  	s25 =	sadd.s32 $0xFA00, s8;
	s26 =	sadd.s32 $0x10680, s8;
	s29 =	sadd.s32 $0x11300, s8  }
0x1d: {  	s30 =	sadd.s32 $0x11F80, s8;
	s31 =	sadd.s32 $0x12C00, s8;
	[dreg:$0x5] =	wrdreg s24  }
0x1e: {  	s12 =	simm.s32 $0x8;
	s13 =	simm.s32 $0x16DA0;
	[dreg:$0xc] =	wrdreg s9  }
0x1f: {  	s14 =	simm.s32 $0x13880;
	s15 =	simm.s32 $0x1;
	[dreg:$0x14] =	wrdreg s0  }
0x20: {  	s16 =	simm.s32 $0x64;
	s17 =	simm.s32 $0x19580;
	[dreg:$0x1c] =	wrdreg s25  }
0x21: {  	s18 =	simm.s32 $0x194B0;
	s19 =	simm.s32 $0x1C780;
	[dreg:$0x1d] =	wrdreg s26  }
0x22: {  	s20 =	simm.s32 $0x19518;
	s21 =	simm.s32 $0x2;
	[dreg:$0x1e] =	wrdreg s29  }
0x23: {  	s22 =	simm.s32 $0x6;
	s23 =	simm.s32 $0x4;
	[dreg:$0x1f] =	wrdreg s30  }
0x24: {  	s24 =	sadd.s32 $0xED80, s8;
	[smem:$0x7FD] =	sst s31;
	s25 =	simm.s32 $0x5  }
0x25: {  	v0 =	vimm.f32 $0.0e+00;
	s26 =	simm.s32 $0x0;
	[dreg:$0x1b] =	wrdreg s24;
	s24 =	simm.s32 $0x7  }
.LBB2_1:
0x26: {  	s0 =	simm.s32 $0x0;
	s1 =	rddreg [dreg:$0x4]  }
0x27: {  	[tilespmem:s3], [sflag:$0x8] =	stream.linear.gather [hbm4b:s1+s0], $0x28A0, $0x38;
	[tilespmem:$0x1F980] =	vst v63  }
0x28: {  	_ =	swait.ge [sflag:s12], $0x28A0  }
0x29: {  	[sflag:s12] =	ssyncset.done $0x0  }
0x2a: {  	s31 =	rddreg [dreg:$0x5];
	[sflag:s12] =	ssyncadd.s32 $0xFFFFD760  }
0x2b: {  	[tilespmem:s13], [sflag:$0x8] =	stream.linear.gather [hbm4b:s31+s0], $0x2710, $0x38;
	[tilespmem:$0x1F980] =	vst v63  }
0x2c: {  	_ =	swait.ge [sflag:s12], $0x2710  }
0x2d: {  	[sflag:s12] =	ssyncset.done $0x0  }
0x2e: {  	s1 =	simm.s32 $0x200;
	s0 =	simm.s32 $0x0;
	[sflag:s12] =	ssyncadd.s32 $0xFFFFD8F0  }
.LBB2_2:
0x2f: {  	p0 =	sne.s32 s1, $0x3000;
	[tilespmem:s0+$0x138F0] =	vst v0  }
0x30: {  	[tilespmem:s0+$0x13880] =	vst v0  }
0x31: {  	[tilespmem:s0+$0x13890] =	vst v0  }
.Ltmp0:
0x32: {  	[tilespmem:s0+$0x138A0] =	vst v0;
	(pc) =	sbr.rel @p0 .LBB2_2-.Ltmp0, $4  }
0x33: {  	[tilespmem:s0+$0x138B0] =	vst v0  }
0x34: {  	[tilespmem:s0+$0x138C0] =	vst v0  }
0x35: {  	[tilespmem:s0+$0x138D0] =	vst v0  }
0x36: {  	[tilespmem:s0+$0x138E0] =	vst v0;
	s0 =	sshra.s32 s1, $0x2;
	s1 =	sadd.s32 $0x200, s1  }
0x37: {  	[tilespmem:s0+$0x138F0] =	vst v0  }
0x38: {  	[tilespmem:s0+$0x13880] =	vst v0  }
0x39: {  	[tilespmem:s0+$0x13890] =	vst v0  }
0x3a: {  	[tilespmem:s0+$0x138A0] =	vst v0  }
0x3b: {  	[tilespmem:s0+$0x138B0] =	vst v0  }
0x3c: {  	[tilespmem:s0+$0x138C0] =	vst v0  }
0x3d: {  	[tilespmem:s0+$0x138D0] =	vst v0  }
0x3e: {  	[tilespmem:s0+$0x138E0] =	vst v0;
	s1 =	rddreg [dreg:$0x6]  }
0x3f: {  	[spmem:s8] =	stream.linear.scatter [tilespmem:s14], [sflag:$0x1], $0xC80, $0x38;
	[tilespmem:$0x1F980] =	vst v63  }
0x40: {  	s7 =	rddreg [dreg:$0x7]  }
0x41: {  	[spmem:s1] =	stream.linear.scatter [tilespmem:s14], [sflag:$0x1], $0xC80, $0x38;
	[tilespmem:$0x1F980] =	vst v63  }
0x42: {  	s9 =	rddreg [dreg:$0x8]  }
0x43: {  	[spmem:s7] =	stream.linear.scatter [tilespmem:s14], [sflag:$0x1], $0xC80, $0x38;
	[tilespmem:$0x1F980] =	vst v63  }
0x44: {  	s10 =	rddreg [dreg:$0x9]  }
0x45: {  	[spmem:s9] =	stream.linear.scatter [tilespmem:s14], [sflag:$0x1], $0xC80, $0x38;
	[tilespmem:$0x1F980] =	vst v63  }
0x46: {  	s31 =	rddreg [dreg:$0xa]  }
0x47: {  	[spmem:s10] =	stream.linear.scatter [tilespmem:s14], [sflag:$0x1], $0xC80, $0x38;
	[tilespmem:$0x1F980] =	vst v63  }
0x48: {  	s1 =	rddreg [dreg:$0xb]  }
0x49: {  	[spmem:s31] =	stream.linear.scatter [tilespmem:s14], [sflag:$0x1], $0xC80, $0x38;
	[tilespmem:$0x1F980] =	vst v63  }
0x4a: {  	s7 =	rddreg [dreg:$0xc]  }
0x4b: {  	[spmem:s1] =	stream.linear.scatter [tilespmem:s14], [sflag:$0x1], $0xC80, $0x38;
	[tilespmem:$0x1F980] =	vst v63  }
0x4c: {  	s9 =	rddreg [dreg:$0xd]  }
0x4d: {  	[spmem:s7] =	stream.linear.scatter [tilespmem:s14], [sflag:$0x1], $0xC80, $0x38;
	[tilespmem:$0x1F980] =	vst v63  }
0x4e: {  	s10 =	rddreg [dreg:$0xe]  }
0x4f: {  	[spmem:s9] =	stream.linear.scatter [tilespmem:s14], [sflag:$0x1], $0xC80, $0x38;
	[tilespmem:$0x1F980] =	vst v63  }
0x50: {  	s31 =	rddreg [dreg:$0xf]  }
0x51: {  	[spmem:s10] =	stream.linear.scatter [tilespmem:s14], [sflag:$0x1], $0xC80, $0x38;
	[tilespmem:$0x1F980] =	vst v63  }
0x52: {  	s1 =	rddreg [dreg:$0x10]  }
0x53: {  	[spmem:s31] =	stream.linear.scatter [tilespmem:s14], [sflag:$0x1], $0xC80, $0x38;
	[tilespmem:$0x1F980] =	vst v63  }
0x54: {  	s7 =	rddreg [dreg:$0x11]  }
0x55: {  	[spmem:s1] =	stream.linear.scatter [tilespmem:s14], [sflag:$0x1], $0xC80, $0x38;
	[tilespmem:$0x1F980] =	vst v63  }
0x56: {  	s9 =	rddreg [dreg:$0x12]  }
0x57: {  	[spmem:s7] =	stream.linear.scatter [tilespmem:s14], [sflag:$0x1], $0xC80, $0x38;
	[tilespmem:$0x1F980] =	vst v63  }
0x58: {  	s10 =	rddreg [dreg:$0x16]  }
0x59: {  	[spmem:s9] =	stream.linear.scatter [tilespmem:s14], [sflag:$0x1], $0xC80, $0x38;
	[tilespmem:$0x1F980] =	vst v63  }
0x5a: {  	s31 =	rddreg [dreg:$0x17]  }
0x5b: {  	[spmem:s10] =	stream.linear.scatter [tilespmem:s14], [sflag:$0x1], $0xC80, $0x38;
	[tilespmem:$0x1F980] =	vst v63  }
0x5c: {  	s1 =	rddreg [dreg:$0x18]  }
0x5d: {  	[spmem:s31] =	stream.linear.scatter [tilespmem:s14], [sflag:$0x1], $0xC80, $0x38;
	[tilespmem:$0x1F980] =	vst v63  }
0x5e: {  	s7 =	rddreg [dreg:$0x19]  }
0x5f: {  	[spmem:s1] =	stream.linear.scatter [tilespmem:s14], [sflag:$0x1], $0xC80, $0x38;
	[tilespmem:$0x1F980] =	vst v63  }
0x60: {  	s9 =	rddreg [dreg:$0x1a]  }
0x61: {  	[spmem:s7] =	stream.linear.scatter [tilespmem:s14], [sflag:$0x1], $0xC80, $0x38;
	[tilespmem:$0x1F980] =	vst v63  }
0x62: {  	s10 =	rddreg [dreg:$0x1b]  }
0x63: {  	[spmem:s9] =	stream.linear.scatter [tilespmem:s14], [sflag:$0x1], $0xC80, $0x38;
	[tilespmem:$0x1F980] =	vst v63  }
0x64: {  	s31 =	rddreg [dreg:$0x1c]  }
0x65: {  	[spmem:s10] =	stream.linear.scatter [tilespmem:s14], [sflag:$0x1], $0xC80, $0x38;
	[tilespmem:$0x1F980] =	vst v63  }
0x66: {  	s1 =	rddreg [dreg:$0x1d]  }
0x67: {  	[spmem:s31] =	stream.linear.scatter [tilespmem:s14], [sflag:$0x1], $0xC80, $0x38;
	[tilespmem:$0x1F980] =	vst v63  }
0x68: {  	s7 =	rddreg [dreg:$0x1e]  }
0x69: {  	[spmem:s1] =	stream.linear.scatter [tilespmem:s14], [sflag:$0x1], $0xC80, $0x38;
	[tilespmem:$0x1F980] =	vst v63  }
0x6a: {  	s9 =	rddreg [dreg:$0x1f]  }
0x6b: {  	[spmem:s7] =	stream.linear.scatter [tilespmem:s14], [sflag:$0x1], $0xC80, $0x38;
	[tilespmem:$0x1F980] =	vst v63  }
0x6c: {  	s10 =	sld [smem:$0x7FD]  }
0x6d: {  	[spmem:s9] =	stream.linear.scatter [tilespmem:s14], [sflag:$0x1], $0xC80, $0x38;
	[tilespmem:$0x1F980] =	vst v63  }
0x6e: {  	_ = 	snop  }
0x6f: {  	[spmem:s10] =	stream.linear.scatter [tilespmem:s14], [sflag:$0x1], $0xC80, $0x38;
	[tilespmem:$0x1F980] =	vst v63  }
0x70: {  	_ =	swait.ge [sflag:s15], $0xC80  }
0x71: {  	[sflag:s15] =	ssyncset.done $0x0  }
0x72: {  	[sflag:s15] =	ssyncadd.s32 $0xFFFFF380  }
0x73: {  	_ =	swait.ge [sflag:s15], $0xC80  }
0x74: {  	[sflag:s15] =	ssyncset.done $0x0  }
0x75: {  	[sflag:s15] =	ssyncadd.s32 $0xFFFFF380  }
0x76: {  	_ =	swait.ge [sflag:s15], $0xC80  }
0x77: {  	[sflag:s15] =	ssyncset.done $0x0  }
0x78: {  	[sflag:s15] =	ssyncadd.s32 $0xFFFFF380  }
0x79: {  	_ =	swait.ge [sflag:s15], $0xC80  }
0x7a: {  	[sflag:s15] =	ssyncset.done $0x0  }
0x7b: {  	[sflag:s15] =	ssyncadd.s32 $0xFFFFF380  }
0x7c: {  	_ =	swait.ge [sflag:s15], $0xC80  }
0x7d: {  	[sflag:s15] =	ssyncset.done $0x0  }
0x7e: {  	[sflag:s15] =	ssyncadd.s32 $0xFFFFF380  }
0x7f: {  	_ =	swait.ge [sflag:s15], $0xC80  }
0x80: {  	[sflag:s15] =	ssyncset.done $0x0  }
0x81: {  	[sflag:s15] =	ssyncadd.s32 $0xFFFFF380  }
0x82: {  	_ =	swait.ge [sflag:s15], $0xC80  }
0x83: {  	[sflag:s15] =	ssyncset.done $0x0  }
0x84: {  	[sflag:s15] =	ssyncadd.s32 $0xFFFFF380  }
0x85: {  	_ =	swait.ge [sflag:s15], $0xC80  }
0x86: {  	[sflag:s15] =	ssyncset.done $0x0  }
0x87: {  	[sflag:s15] =	ssyncadd.s32 $0xFFFFF380  }
0x88: {  	_ =	swait.ge [sflag:s15], $0xC80  }
0x89: {  	[sflag:s15] =	ssyncset.done $0x0  }
0x8a: {  	[sflag:s15] =	ssyncadd.s32 $0xFFFFF380  }
0x8b: {  	_ =	swait.ge [sflag:s15], $0xC80  }
0x8c: {  	[sflag:s15] =	ssyncset.done $0x0  }
0x8d: {  	[sflag:s15] =	ssyncadd.s32 $0xFFFFF380  }
0x8e: {  	_ =	swait.ge [sflag:s15], $0xC80  }
0x8f: {  	[sflag:s15] =	ssyncset.done $0x0  }
0x90: {  	[sflag:s15] =	ssyncadd.s32 $0xFFFFF380  }
0x91: {  	_ =	swait.ge [sflag:s15], $0xC80  }
0x92: {  	[sflag:s15] =	ssyncset.done $0x0  }
0x93: {  	[sflag:s15] =	ssyncadd.s32 $0xFFFFF380  }
0x94: {  	_ =	swait.ge [sflag:s15], $0xC80  }
0x95: {  	[sflag:s15] =	ssyncset.done $0x0  }
0x96: {  	[sflag:s15] =	ssyncadd.s32 $0xFFFFF380  }
0x97: {  	_ =	swait.ge [sflag:s15], $0xC80  }
0x98: {  	[sflag:s15] =	ssyncset.done $0x0  }
0x99: {  	[sflag:s15] =	ssyncadd.s32 $0xFFFFF380  }
0x9a: {  	_ =	swait.ge [sflag:s15], $0xC80  }
0x9b: {  	[sflag:s15] =	ssyncset.done $0x0  }
0x9c: {  	[sflag:s15] =	ssyncadd.s32 $0xFFFFF380  }
0x9d: {  	_ =	swait.ge [sflag:s15], $0xC80  }
0x9e: {  	[sflag:s15] =	ssyncset.done $0x0  }
0x9f: {  	[sflag:s15] =	ssyncadd.s32 $0xFFFFF380  }
0xa0: {  	_ =	swait.ge [sflag:s15], $0xC80  }
0xa1: {  	[sflag:s15] =	ssyncset.done $0x0  }
0xa2: {  	[sflag:s15] =	ssyncadd.s32 $0xFFFFF380  }
0xa3: {  	_ =	swait.ge [sflag:s15], $0xC80  }
0xa4: {  	[sflag:s15] =	ssyncset.done $0x0  }
0xa5: {  	[sflag:s15] =	ssyncadd.s32 $0xFFFFF380  }
0xa6: {  	_ =	swait.ge [sflag:s15], $0xC80  }
0xa7: {  	[sflag:s15] =	ssyncset.done $0x0  }
0xa8: {  	[sflag:s15] =	ssyncadd.s32 $0xFFFFF380  }
0xa9: {  	_ =	swait.ge [sflag:s15], $0xC80  }
0xaa: {  	[sflag:s15] =	ssyncset.done $0x0  }
0xab: {  	[sflag:s15] =	ssyncadd.s32 $0xFFFFF380  }
0xac: {  	_ =	swait.ge [sflag:s15], $0xC80  }
0xad: {  	[sflag:s15] =	ssyncset.done $0x0  }
0xae: {  	[sflag:s15] =	ssyncadd.s32 $0xFFFFF380  }
0xaf: {  	_ =	swait.ge [sflag:s15], $0xC80  }
0xb0: {  	[sflag:s15] =	ssyncset.done $0x0  }
0xb1: {  	[sflag:s15] =	ssyncadd.s32 $0xFFFFF380  }
0xb2: {  	_ =	swait.ge [sflag:s15], $0xC80  }
0xb3: {  	[sflag:s15] =	ssyncset.done $0x0  }
0xb4: {  	[sflag:s15] =	ssyncadd.s32 $0xFFFFF380  }
0xb5: {  	_ =	swait.ge [sflag:s15], $0xC80  }
0xb6: {  	[sflag:s15] =	ssyncset.done $0x0  }
0xb7: {  	[sflag:s15] =	ssyncadd.s32 $0xFFFFF380  }
0xb8: {  	_ =	swait.ge [sflag:s15], $0xC80  }
0xb9: {  	[sflag:s15] =	ssyncset.done $0x0  }
0xba: {  	[sflag:s15] =	ssyncadd.s32 $0xFFFFF380  }
0xbb: {  	[bflag:$0x0] =	sbarrier.arrive $0xFFFF  }
0xbc: {  	[tilespmem:s17], [sflag:$0x2] =	stream.indirect.gather [hbm4b:s4+s16], $0x80, s3, s16, $0xb8;
	[tilespmem:$0x1F980] =	vst v63  }
0xbd: {  	s29 =	simm.s32 $0x0;
	s30 =	simm.s32 $0x0;
	s31 =	rddreg [dreg:$0x13]  }
0xbe: {  	[tilespmem:s18], [sflag:$0x6] =	stream.linear.gather [hbm4b:s31+s28], $0x68, $0x38;
	[tilespmem:$0x1F980] =	vst v63  }
.LBB2_4:
0xbf: {  	s0 =	sshll.u32 s30, $0x1  }
0xc0: {  	s31 =	sor.u32 $0x1, s0  }
0xc1: {  	p0 =	seq.s32 s30, $0x0;
	s0 =	sadd.s32 s6, s0;
	s3 =	smul.u32 $0x1A0, s31  }
0xc2: {  	s1 =	simm.s32 @!p0 $0x5;
	s0 =	smul.u32 $0x68, s0  }
0xc3: {  	_ =	swait.ge @!p0 [sflag:s1], $0x3200  }
0xc4: {  	[sflag:s1] =	ssyncset.done @!p0 $0x0;
	s3 =	sshra.s32 s3, $0x2;
	s0 =	sadd.s32 $0x68, s0  }
0xc5: {  	[sflag:s1] =	ssyncadd.s32 @!p0 $0xFFFFCE00;
	s3 =	sadd.s32 $0x14500, s3;
	s0 =	sshrl.u32 s0, $0x3  }
0xc6: {  	[tilespmem:s19], [sflag:$0x3] =	stream.indirect.gather [hbm4b:s4+s16], $0x80, s3, s16, $0xb8;
	[tilespmem:$0x1F980] =	vst v63  }
0xc7: {  	s7 =	sadd.s32 $0x0, s29;
	s0 =	sadd.s32 s5, s0  }
0xc8: {  	v1 =	vmov s7;
	[tilespmem:s20], [sflag:$0x7] =	stream.linear.gather [hbm4b:s0+s28], $0x68, $0x38;
	[tilespmem:$0x1F980] =	vst v63  }
0xc9: {  	v1 =	vand.u32 $0xFFFFFFFC, v1;
	_ =	swait.ge [sflag:s21], $0x3200  }
0xca: {  	v1 =	vbroadcast v1, $0x0;
	[sflag:s21] =	ssyncset.done $0x0  }
0xcb: {  	[sflag:s21] =	ssyncadd.s32 $0xFFFFCE00  }
0xcc: {  	_ =	swait.ge [sflag:s22], $0x68  }
0xcd: {  	[sflag:s22] =	ssyncset.done $0x0  }
0xce: {  	s1 =	simm.s32 $0x19680;
	[sflag:s22] =	ssyncadd.s32 $0xFFFFFF98  }
0xcf: {  	v2 =	vld [tilespmem:s1+$0xFFFFFF70]  }
0xd0: {  	v1 =	vld.idx.msk [tilespmem:v1+s13+$0x0], $0xffff  }
0xd1: {  	v3 =	vld [tilespmem:s1+$0xFFFFFF00]  }
0xd2: {  	v4 =	vld [tilespmem:s1+$0xFFFFFF20]  }
0xd3: {  	v5 =	vld [tilespmem:s1+$0xFFFFFF50]  }
0xd4: {  	v6 =	vld [tilespmem:s1+$0xFFFFFF40]  }
0xd5: {  	v7 =	vld [tilespmem:s1+$0xFFFFFF60];
	v2 =	vmul.f32 v2, v1  }
0xd6: {  	s9 =	sadd.s32 $0x1, s7;
	v8 =	vld [tilespmem:s1+$0xFFFFFF30];
	v3 =	vmul.f32 v3, v1  }
0xd7: {  	v9 =	vmov s9;
	v10 =	vld [tilespmem:s1+$0xFFFFFF10];
	v4 =	vmul.f32 v4, v1;
	[tilespmem:s1+$0xFFFFFF70] =	vst v2  }
0xd8: {  	v5 =	vmul.f32 v5, v1;
	v2 =	vand.u32 $0xFFFFFFFD, v9;
	[tilespmem:s1+$0xFFFFFF00] =	vst v3  }
0xd9: {  	v3 =	vmul.f32 v6, v1;
	[tilespmem:s1+$0xFFFFFF20] =	vst v4;
	v2 =	vbroadcast v2, $0x0  }
0xda: {  	v4 =	vmul.f32 v7, v1;
	[tilespmem:s1+$0xFFFFFF50] =	vst v5  }
0xdb: {  	v5 =	vmul.f32 v8, v1;
	[tilespmem:s1+$0xFFFFFF40] =	vst v3  }
0xdc: {  	v1 =	vmul.f32 v10, v1;
	[tilespmem:s1+$0xFFFFFF60] =	vst v4  }
0xdd: {  	[tilespmem:s1+$0xFFFFFF30] =	vst v5  }
0xde: {  	[tilespmem:s1+$0xFFFFFF10] =	vst v1;
	v1 =	vld [tilespmem:s1+$0xFFFFFF90]  }
0xdf: {  	v3 =	vld.idx.msk [tilespmem:v2+s13+$0x0], $0xffff  }
0xe0: {  	v2 =	vld [tilespmem:s1+$0xFFFFFFA0]  }
0xe1: {  	v4 =	vld [tilespmem:s1+$0xFFFFFF80]  }
0xe2: {  	v5 =	vld [tilespmem:s1+$0xFFFFFFB0]  }
0xe3: {  	v6 =	vld [tilespmem:s1+$0xFFFFFFC0]  }
0xe4: {  	v7 =	vld [tilespmem:s1+$0xFFFFFFD0];
	v1 =	vmul.f32 v1, v3  }
0xe5: {  	s10 =	sadd.s32 $0x2, s7;
	v8 =	vld [tilespmem:s1+$0xFFFFFFF0];
	v2 =	vmul.f32 v2, v3  }
0xe6: {  	v62 =	vmov s10;
	v63 =	vld [tilespmem:s1+$0xFFFFFFE0];
	v4 =	vmul.f32 v4, v3;
	[tilespmem:s1+$0xFFFFFF90] =	vst v1  }
0xe7: {  	v5 =	vmul.f32 v5, v3;
	v1 =	vand.u32 $0xFFFFFFFE, v62;
	[tilespmem:s1+$0xFFFFFFA0] =	vst v2  }
0xe8: {  	v2 =	vmul.f32 v6, v3;
	[tilespmem:s1+$0xFFFFFF80] =	vst v4;
	v6 =	vld [tilespmem:s1+$0x60];
	v9 =	vbroadcast v1, $0x0  }
0xe9: {  	v4 =	vmul.f32 v7, v3;
	[tilespmem:s1+$0xFFFFFFB0] =	vst v5;
	v7 =	vld [tilespmem:s1+$0x0]  }
0xea: {  	v5 =	vmul.f32 v8, v3;
	v1 =	vld [tilespmem:s1+$0x20];
	[tilespmem:s1+$0xFFFFFFC0] =	vst v2  }
0xeb: {  	v3 =	vmul.f32 v63, v3;
	v2 =	vld [tilespmem:s1+$0x30];
	[tilespmem:s1+$0xFFFFFFD0] =	vst v4  }
0xec: {  	[tilespmem:s1+$0xFFFFFFF0] =	vst v5;
	v4 =	vld [tilespmem:s1+$0x40]  }
0xed: {  	[tilespmem:s1+$0xFFFFFFE0] =	vst v3;
	v5 =	vld [tilespmem:s1+$0x10]  }
0xee: {  	s7 =	sadd.s32 $0x3, s7;
	s3 =	simm.s32 $0x19680;
	s0 =	simm.s32 $0x4;
	v3 =	vld.idx.msk [tilespmem:v9+s13+$0x0], $0xffff  }
.LBB2_5:
0xef: {  	p0 =	sne.s32 s0, $0x60  }
0xf0: {  	v8 =	vld [tilespmem:s1+$0x50];
	s3 =	sadd.s32 $0x200, s3;
	s9 =	smov.u32 s0;
	s0 =	sadd.s32 $0x4, s0  }
0xf1: {  	v9 =	vld [tilespmem:s1+$0x70];
	_ =	sdelay $0x1  }
0xf2: {  	v6 =	vmul.f32 v6, v3;
	v7 =	vmul.f32 v7, v3  }
0xf3: {  	v4 =	vmul.f32 v4, v3;
	v5 =	vmul.f32 v5, v3  }
0xf4: {  	v1 =	vmul.f32 v1, v3;
	v2 =	vmul.f32 v2, v3;
	[tilespmem:s1+$0x60] =	vst v6  }
0xf5: {  	[tilespmem:s1+$0x40] =	vst v4;
	v4 =	vmul.f32 v8, v3;
	v3 =	vmul.f32 v9, v3  }
0xf6: {  	[tilespmem:s1+$0x20] =	vst v1;
	v6 =	vld [tilespmem:s1+$0x80]  }
0xf7: {  	v1 =	vld [tilespmem:s3+$0x20];
	[tilespmem:s1+$0x0] =	vst v7;
	v7 =	vmov s7  }
0xf8: {  	[tilespmem:s1+$0x50] =	vst v4;
	v4 =	vld [tilespmem:s1+$0xE0]  }
0xf9: {  	[tilespmem:s1+$0x30] =	vst v2;
	v8 =	vld [tilespmem:s1+$0xC0]  }
0xfa: {  	v2 =	vld [tilespmem:s3+$0x30];
	[tilespmem:s1+$0x10] =	vst v5  }
0xfb: {  	[tilespmem:s1+$0x70] =	vst v3;
	v3 =	vld [tilespmem:s1+$0xA0]  }
0xfc: {  	v5 =	vld.idx.msk [tilespmem:v7+s13+$0x0], $0xffff  }
0xfd: {  	v7 =	vld [tilespmem:s1+$0x90]  }
0xfe: {  	v9 =	vld [tilespmem:s1+$0xB0]  }
0xff: {  	v10 =	vld [tilespmem:s1+$0xD0]  }
0x100: {  	v11 =	vld [tilespmem:s1+$0xF0];
	_ =	sdelay $0x1  }
0x101: {  	v6 =	vmul.f32 v6, v5;
	v7 =	vmul.f32 v7, v5  }
0x102: {  	s7 =	sadd.s32 s9, s29;
	v3 =	vmul.f32 v3, v5;
	v9 =	vmul.f32 v9, v5  }
0x103: {  	v12 =	vmov s7;
	s9 =	sadd.s32 $0x1, s7;
	s10 =	sadd.s32 $0x2, s7;
	s7 =	sadd.s32 $0x3, s7;
	[tilespmem:s1+$0x80] =	vst v6;
	v6 =	vmul.f32 v8, v5;
	v8 =	vmul.f32 v10, v5  }
0x104: {  	v10 =	vand.u32 $0xFFFFFFFC, v12;
	[tilespmem:s1+$0xA0] =	vst v3;
	v3 =	vmul.f32 v4, v5;
	v4 =	vmul.f32 v11, v5  }
0x105: {  	v5 =	vbroadcast v10, $0x0;
	v10 =	vmov s9;
	v11 =	vmov s10;
	[tilespmem:s1+$0xC0] =	vst v6  }
0x106: {  	v6 =	vand.u32 $0xFFFFFFFD, v10;
	v10 =	vand.u32 $0xFFFFFFFE, v11;
	[tilespmem:s1+$0xF0] =	vst v4  }
0x107: {  	v4 =	vld [tilespmem:s3+$0xFFFFFF40];
	[tilespmem:s1+$0xE0] =	vst v3  }
0x108: {  	v3 =	vld [tilespmem:s3+$0xFFFFFF50];
	[tilespmem:s1+$0x90] =	vst v7  }
0x109: {  	v7 =	vld [tilespmem:s3+$0xFFFFFF60];
	[tilespmem:s1+$0xB0] =	vst v9  }
0x10a: {  	v9 =	vld [tilespmem:s3+$0xFFFFFF70];
	[tilespmem:s1+$0xD0] =	vst v8;
	s1 =	smov.u32 s3  }
0x10b: {  	v5 =	vld.idx.msk [tilespmem:v5+s13+$0x0], $0xffff  }
0x10c: {  	v8 =	vld [tilespmem:s3+$0xFFFFFF00]  }
0x10d: {  	v11 =	vld [tilespmem:s3+$0xFFFFFF20]  }
0x10e: {  	v12 =	vld [tilespmem:s3+$0xFFFFFF10]  }
0x10f: {  	v13 =	vld [tilespmem:s3+$0xFFFFFF30];
	_ =	sdelay $0x1  }
0x110: {  	v9 =	vmul.f32 v9, v5;
	v8 =	vmul.f32 v8, v5  }
0x111: {  	v7 =	vmul.f32 v7, v5;
	v11 =	vmul.f32 v11, v5  }
0x112: {  	v3 =	vmul.f32 v3, v5;
	v12 =	vmul.f32 v12, v5;
	[tilespmem:s3+$0xFFFFFF70] =	vst v9  }
0x113: {  	v4 =	vmul.f32 v4, v5;
	[tilespmem:s3+$0xFFFFFF00] =	vst v8;
	v8 =	vmul.f32 v13, v5  }
0x114: {  	v5 =	vbroadcast v6, $0x0;
	[tilespmem:s3+$0xFFFFFF20] =	vst v11  }
0x115: {  	[tilespmem:s3+$0xFFFFFF50] =	vst v3  }
0x116: {  	[tilespmem:s3+$0xFFFFFF40] =	vst v4;
	v3 =	vld [tilespmem:s3+$0xFFFFFFF0]  }
0x117: {  	[tilespmem:s3+$0xFFFFFF60] =	vst v7;
	v4 =	vld [tilespmem:s3+$0xFFFFFFC0]  }
0x118: {  	[tilespmem:s3+$0xFFFFFF30] =	vst v8;
	v6 =	vld [tilespmem:s3+$0xFFFFFFD0]  }
0x119: {  	[tilespmem:s3+$0xFFFFFF10] =	vst v12;
	v7 =	vld [tilespmem:s3+$0xFFFFFF90]  }
0x11a: {  	v5 =	vld.idx.msk [tilespmem:v5+s13+$0x0], $0xffff  }
0x11b: {  	v8 =	vld [tilespmem:s3+$0xFFFFFF80]  }
0x11c: {  	v9 =	vld [tilespmem:s3+$0xFFFFFFA0]  }
0x11d: {  	v11 =	vld [tilespmem:s3+$0xFFFFFFB0]  }
0x11e: {  	v12 =	vld [tilespmem:s3+$0xFFFFFFE0];
	_ =	sdelay $0x1  }
0x11f: {  	v7 =	vmul.f32 v7, v5;
	v8 =	vmul.f32 v8, v5  }
0x120: {  	v6 =	vmul.f32 v6, v5;
	v9 =	vmul.f32 v9, v5  }
0x121: {  	v4 =	vmul.f32 v4, v5;
	[tilespmem:s3+$0xFFFFFF90] =	vst v7;
	v7 =	vmul.f32 v11, v5  }
0x122: {  	v3 =	vmul.f32 v3, v5;
	[tilespmem:s3+$0xFFFFFFA0] =	vst v9;
	v9 =	vmul.f32 v12, v5  }
0x123: {  	v5 =	vbroadcast v10, $0x0;
	[tilespmem:s3+$0xFFFFFF80] =	vst v8  }
0x124: {  	[tilespmem:s3+$0xFFFFFFB0] =	vst v7  }
0x125: {  	[tilespmem:s3+$0xFFFFFFC0] =	vst v4  }
0x126: {  	[tilespmem:s3+$0xFFFFFFD0] =	vst v6  }
.Ltmp1:
0x127: {  	[tilespmem:s3+$0xFFFFFFF0] =	vst v3;
	v4 =	vld [tilespmem:s3+$0x40];
	(pc) =	sbr.rel @p0 .LBB2_5-.Ltmp1, $4  }
0x128: {  	[tilespmem:s3+$0xFFFFFFE0] =	vst v9;
	v6 =	vld [tilespmem:s3+$0x60]  }
0x129: {  	v3 =	vld.idx.msk [tilespmem:v5+s13+$0x0], $0xffff  }
0x12a: {  	v7 =	vld [tilespmem:s3+$0x0]  }
0x12b: {  	v5 =	vld [tilespmem:s3+$0x10]  }
0x12c: {  	_ =	sdelay $0x1  }
0x12d: {  	v6 =	vmul.f32 v6, v3  }
0x12e: {  	v8 =	vld [tilespmem:s1+$0x50];
	v4 =	vmul.f32 v4, v3  }
0x12f: {  	v9 =	vld [tilespmem:s1+$0x70];
	v1 =	vmul.f32 v1, v3;
	[tilespmem:s1+$0x60] =	vst v6  }
0x130: {  	v6 =	vmul.f32 v7, v3;
	[tilespmem:s1+$0x40] =	vst v4  }
0x131: {  	[tilespmem:s1+$0x20] =	vst v1;
	v1 =	vmul.f32 v2, v3  }
0x132: {  	v5 =	vmul.f32 v5, v3;
	[tilespmem:s1+$0x0] =	vst v6;
	v6 =	vmov s7  }
0x133: {  	v4 =	vmul.f32 v8, v3;
	[tilespmem:s1+$0x30] =	vst v1  }
0x134: {  	v3 =	vmul.f32 v9, v3;
	[tilespmem:s1+$0x10] =	vst v5  }
0x135: {  	[tilespmem:s1+$0x50] =	vst v4  }
0x136: {  	v2 =	vld [tilespmem:s1+$0x80];
	[tilespmem:s1+$0x70] =	vst v3  }
0x137: {  	v1 =	vld.idx.msk [tilespmem:v6+s13+$0x0], $0xffff  }
0x138: {  	v3 =	vld [tilespmem:s1+$0xA0]  }
0x139: {  	v4 =	vld [tilespmem:s1+$0xC0]  }
0x13a: {  	v5 =	vld [tilespmem:s1+$0xF0]  }
0x13b: {  	v6 =	vld [tilespmem:s1+$0xE0]  }
0x13c: {  	v7 =	vld [tilespmem:s1+$0x90];
	v2 =	vmul.f32 v2, v1  }
0x13d: {  	v8 =	vld [tilespmem:s1+$0xB0];
	v3 =	vmul.f32 v3, v1  }
0x13e: {  	v60 =	vld [tilespmem:s1+$0xD0];
	[tilespmem:s1+$0x80] =	vst v2;
	v2 =	vmul.f32 v4, v1  }
0x13f: {  	[tilespmem:s1+$0xA0] =	vst v3;
	v3 =	vmul.f32 v5, v1  }
0x140: {  	v4 =	vmul.f32 v6, v1;
	[tilespmem:s1+$0xC0] =	vst v2  }
0x141: {  	v2 =	vmul.f32 v7, v1;
	[tilespmem:s1+$0xF0] =	vst v3  }
0x142: {  	v3 =	vmul.f32 v8, v1;
	[tilespmem:s1+$0xE0] =	vst v4  }
0x143: {  	v1 =	vmul.f32 v60, v1;
	[tilespmem:s1+$0x90] =	vst v2  }
0x144: {  	p0 =	seq.s32 s30, $0x31;
	[tilespmem:s1+$0xB0] =	vst v3  }
0x145: {  	s0 =	smul.u32 @!p0 $0x340, s30;
	[tilespmem:s1+$0xD0] =	vst v1  }
0x146: {  	[spmem:s2] =	stream.indirect.scatter.add.f32 [tilespmem:s17], [sflag:$0x4], $0x80, s18, s16, $0xb8;
	[tilespmem:$0x1F980] =	vst v63  }
0x147: {  	s3 =	simm.s32 @!p0 $0x64;
	s0 =	sshra.s32 @!p0 s0, $0x2;
	_ =	swait.ge [sflag:s23], $0x3200  }
0x148: {  	s0 =	sadd.s32 @!p0 $0x145D0, s0;
	s1 =	sadd.s32 @!p0 s6, s31;
	[sflag:s23] =	ssyncset.done $0x0  }
0x149: {  	s7 =	simm.s32 @!p0 $0x19580;
	s1 =	smul.u32 @!p0 $0x68, s1;
	[sflag:s23] =	ssyncadd.s32 $0xFFFFCE00  }
0x14a: {  	[tilespmem:s7], [sflag:$0x2] =	stream.indirect.gather @!p0 [hbm4b:s4+s3], $0x80, s0, s3, $0xb8;
	[tilespmem:$0x1F980] =	vst v63  }
0x14b: {  	s0 =	sadd.s32 @!p0 $0x68, s1  }
0x14c: {  	s0 =	sshrl.u32 @!p0 s0, $0x3  }
0x14d: {  	s1 =	sadd.s32 @!p0 s5, s0;
	s0 =	sadd.s32 $0xFFFFFF9C, s29  }
0x14e: {  	s3 =	simm.s32 @!p0 $0x0;
	s7 =	simm.s32 @!p0 $0x194B0;
	s9 =	sadd.s32 $0xC8, s0  }
0x14f: {  	[tilespmem:s7], [sflag:$0x6] =	stream.linear.gather @!p0 [hbm4b:s1+s3], $0x68, $0x38;
	v1 =	vmov s9;
	[tilespmem:$0x1F980] =	vst v63  }
0x150: {  	_ =	swait.ge [sflag:s11], $0x3200;
	v1 =	vand.u32 $0xFFFFFFFC, v1  }
0x151: {  	[sflag:s11] =	ssyncset.done $0x0;
	v1 =	vbroadcast v1, $0x0  }
0x152: {  	[sflag:s11] =	ssyncadd.s32 $0xFFFFCE00  }
0x153: {  	_ =	swait.ge [sflag:s24], $0x68  }
0x154: {  	[sflag:s24] =	ssyncset.done $0x0  }
0x155: {  	s31 =	simm.s32 $0x1C880;
	[sflag:s24] =	ssyncadd.s32 $0xFFFFFF98  }
0x156: {  	v2 =	vld [tilespmem:s31+$0xFFFFFF70]  }
0x157: {  	v1 =	vld.idx.msk [tilespmem:v1+s13+$0x0], $0xffff  }
0x158: {  	v3 =	vld [tilespmem:s31+$0xFFFFFF00]  }
0x159: {  	v4 =	vld [tilespmem:s31+$0xFFFFFF20]  }
0x15a: {  	v5 =	vld [tilespmem:s31+$0xFFFFFF50]  }
0x15b: {  	v6 =	vld [tilespmem:s31+$0xFFFFFF40]  }
0x15c: {  	v7 =	vld [tilespmem:s31+$0xFFFFFF60];
	v2 =	vmul.f32 v2, v1  }
0x15d: {  	s9 =	sadd.s32 $0xC9, s0;
	v8 =	vld [tilespmem:s31+$0xFFFFFF30];
	v3 =	vmul.f32 v3, v1  }
0x15e: {  	v61 =	vmov s9;
	v10 =	vld [tilespmem:s31+$0xFFFFFF10];
	v4 =	vmul.f32 v4, v1;
	[tilespmem:s31+$0xFFFFFF70] =	vst v2  }
0x15f: {  	v5 =	vmul.f32 v5, v1;
	v2 =	vand.u32 $0xFFFFFFFD, v61;
	[tilespmem:s31+$0xFFFFFF00] =	vst v3  }
0x160: {  	v3 =	vmul.f32 v6, v1;
	[tilespmem:s31+$0xFFFFFF20] =	vst v4;
	v2 =	vbroadcast v2, $0x0  }
0x161: {  	v4 =	vmul.f32 v7, v1;
	[tilespmem:s31+$0xFFFFFF50] =	vst v5  }
0x162: {  	v5 =	vmul.f32 v8, v1;
	[tilespmem:s31+$0xFFFFFF40] =	vst v3  }
0x163: {  	v1 =	vmul.f32 v10, v1;
	[tilespmem:s31+$0xFFFFFF60] =	vst v4  }
0x164: {  	[tilespmem:s31+$0xFFFFFF30] =	vst v5  }
0x165: {  	[tilespmem:s31+$0xFFFFFF10] =	vst v1;
	v1 =	vld [tilespmem:s31+$0xFFFFFF90]  }
0x166: {  	v3 =	vld.idx.msk [tilespmem:v2+s13+$0x0], $0xffff  }
0x167: {  	v2 =	vld [tilespmem:s31+$0xFFFFFFA0]  }
0x168: {  	v4 =	vld [tilespmem:s31+$0xFFFFFF80]  }
0x169: {  	v5 =	vld [tilespmem:s31+$0xFFFFFFB0]  }
0x16a: {  	v6 =	vld [tilespmem:s31+$0xFFFFFFC0]  }
0x16b: {  	v7 =	vld [tilespmem:s31+$0xFFFFFFD0];
	v1 =	vmul.f32 v1, v3  }
0x16c: {  	s10 =	sadd.s32 $0xCA, s0;
	v8 =	vld [tilespmem:s31+$0xFFFFFFF0];
	v2 =	vmul.f32 v2, v3  }
0x16d: {  	v62 =	vmov s10;
	v63 =	vld [tilespmem:s31+$0xFFFFFFE0];
	v4 =	vmul.f32 v4, v3;
	[tilespmem:s31+$0xFFFFFF90] =	vst v1  }
0x16e: {  	v5 =	vmul.f32 v5, v3;
	v1 =	vand.u32 $0xFFFFFFFE, v62;
	[tilespmem:s31+$0xFFFFFFA0] =	vst v2  }
0x16f: {  	v2 =	vmul.f32 v6, v3;
	[tilespmem:s31+$0xFFFFFF80] =	vst v4;
	v6 =	vld [tilespmem:s31+$0x60];
	v9 =	vbroadcast v1, $0x0  }
0x170: {  	v4 =	vmul.f32 v7, v3;
	[tilespmem:s31+$0xFFFFFFB0] =	vst v5;
	v7 =	vld [tilespmem:s31+$0x0]  }
0x171: {  	v5 =	vmul.f32 v8, v3;
	v1 =	vld [tilespmem:s31+$0x20];
	[tilespmem:s31+$0xFFFFFFC0] =	vst v2  }
0x172: {  	v3 =	vmul.f32 v63, v3;
	v2 =	vld [tilespmem:s31+$0x30];
	[tilespmem:s31+$0xFFFFFFD0] =	vst v4  }
0x173: {  	[tilespmem:s31+$0xFFFFFFF0] =	vst v5;
	v4 =	vld [tilespmem:s31+$0x40]  }
0x174: {  	[tilespmem:s31+$0xFFFFFFE0] =	vst v3;
	v5 =	vld [tilespmem:s31+$0x10]  }
0x175: {  	s1 =	simm.s32 $0xFFFFFFA0;
	s3 =	sadd.s32 $0xCB, s0;
	s0 =	simm.s32 $0x1C880;
	v3 =	vld.idx.msk [tilespmem:v9+s13+$0x0], $0xffff  }
.LBB2_7:
0x176: {  	p0 =	sne.s32 s1, $0xFFFFFFFC  }
0x177: {  	v8 =	vld [tilespmem:s31+$0x50];
	s0 =	sadd.s32 $0x200, s0;
	s7 =	smov.u32 s1;
	s1 =	sadd.s32 $0x4, s1  }
0x178: {  	v9 =	vld [tilespmem:s31+$0x70];
	_ =	sdelay $0x1  }
0x179: {  	v6 =	vmul.f32 v6, v3;
	v7 =	vmul.f32 v7, v3  }
0x17a: {  	v4 =	vmul.f32 v4, v3;
	v5 =	vmul.f32 v5, v3  }
0x17b: {  	v1 =	vmul.f32 v1, v3;
	v2 =	vmul.f32 v2, v3;
	[tilespmem:s31+$0x60] =	vst v6  }
0x17c: {  	[tilespmem:s31+$0x40] =	vst v4;
	v4 =	vmul.f32 v8, v3;
	v3 =	vmul.f32 v9, v3  }
0x17d: {  	[tilespmem:s31+$0x20] =	vst v1;
	v6 =	vld [tilespmem:s31+$0x80]  }
0x17e: {  	v1 =	vld [tilespmem:s0+$0x20];
	[tilespmem:s31+$0x0] =	vst v7;
	v7 =	vmov s3  }
0x17f: {  	[tilespmem:s31+$0x50] =	vst v4;
	v4 =	vld [tilespmem:s31+$0xE0]  }
0x180: {  	[tilespmem:s31+$0x30] =	vst v2;
	v8 =	vld [tilespmem:s31+$0xC0]  }
0x181: {  	v2 =	vld [tilespmem:s0+$0x30];
	[tilespmem:s31+$0x10] =	vst v5  }
0x182: {  	[tilespmem:s31+$0x70] =	vst v3;
	v3 =	vld [tilespmem:s31+$0xA0]  }
0x183: {  	v5 =	vld.idx.msk [tilespmem:v7+s13+$0x0], $0xffff  }
0x184: {  	v7 =	vld [tilespmem:s31+$0x90]  }
0x185: {  	v9 =	vld [tilespmem:s31+$0xB0]  }
0x186: {  	v10 =	vld [tilespmem:s31+$0xD0]  }
0x187: {  	v11 =	vld [tilespmem:s31+$0xF0];
	_ =	sdelay $0x1  }
0x188: {  	s3 =	sadd.s32 s7, s29;
	v6 =	vmul.f32 v6, v5;
	v7 =	vmul.f32 v7, v5  }
0x189: {  	s7 =	sadd.s32 $0xC8, s3;
	s9 =	sadd.s32 $0xC9, s3;
	s10 =	sadd.s32 $0xCA, s3;
	v3 =	vmul.f32 v3, v5;
	v9 =	vmul.f32 v9, v5  }
0x18a: {  	s3 =	sadd.s32 $0xCB, s3;
	v12 =	vmov s7;
	[tilespmem:s31+$0x80] =	vst v6;
	v6 =	vmul.f32 v8, v5;
	v8 =	vmul.f32 v10, v5  }
0x18b: {  	v10 =	vand.u32 $0xFFFFFFFC, v12;
	[tilespmem:s31+$0xA0] =	vst v3;
	v3 =	vmul.f32 v4, v5;
	v4 =	vmul.f32 v11, v5  }
0x18c: {  	v5 =	vbroadcast v10, $0x0;
	v10 =	vmov s9;
	v11 =	vmov s10;
	[tilespmem:s31+$0xC0] =	vst v6  }
0x18d: {  	v6 =	vand.u32 $0xFFFFFFFD, v10;
	v10 =	vand.u32 $0xFFFFFFFE, v11;
	[tilespmem:s31+$0xF0] =	vst v4  }
0x18e: {  	v4 =	vld [tilespmem:s0+$0xFFFFFF40];
	[tilespmem:s31+$0xE0] =	vst v3  }
0x18f: {  	v3 =	vld [tilespmem:s0+$0xFFFFFF50];
	[tilespmem:s31+$0x90] =	vst v7  }
0x190: {  	v7 =	vld [tilespmem:s0+$0xFFFFFF60];
	[tilespmem:s31+$0xB0] =	vst v9  }
0x191: {  	v9 =	vld [tilespmem:s0+$0xFFFFFF70];
	[tilespmem:s31+$0xD0] =	vst v8;
	s31 =	smov.u32 s0  }
0x192: {  	v5 =	vld.idx.msk [tilespmem:v5+s13+$0x0], $0xffff  }
0x193: {  	v8 =	vld [tilespmem:s0+$0xFFFFFF00]  }
0x194: {  	v11 =	vld [tilespmem:s0+$0xFFFFFF20]  }
0x195: {  	v12 =	vld [tilespmem:s0+$0xFFFFFF10]  }
0x196: {  	v13 =	vld [tilespmem:s0+$0xFFFFFF30];
	_ =	sdelay $0x1  }
0x197: {  	v9 =	vmul.f32 v9, v5;
	v8 =	vmul.f32 v8, v5  }
0x198: {  	v7 =	vmul.f32 v7, v5;
	v11 =	vmul.f32 v11, v5  }
0x199: {  	v3 =	vmul.f32 v3, v5;
	v12 =	vmul.f32 v12, v5;
	[tilespmem:s0+$0xFFFFFF70] =	vst v9  }
0x19a: {  	v4 =	vmul.f32 v4, v5;
	[tilespmem:s0+$0xFFFFFF00] =	vst v8;
	v8 =	vmul.f32 v13, v5  }
0x19b: {  	v5 =	vbroadcast v6, $0x0;
	[tilespmem:s0+$0xFFFFFF20] =	vst v11  }
0x19c: {  	[tilespmem:s0+$0xFFFFFF50] =	vst v3  }
0x19d: {  	[tilespmem:s0+$0xFFFFFF40] =	vst v4;
	v3 =	vld [tilespmem:s0+$0xFFFFFFF0]  }
0x19e: {  	[tilespmem:s0+$0xFFFFFF60] =	vst v7;
	v4 =	vld [tilespmem:s0+$0xFFFFFFC0]  }
0x19f: {  	[tilespmem:s0+$0xFFFFFF30] =	vst v8;
	v6 =	vld [tilespmem:s0+$0xFFFFFFD0]  }
0x1a0: {  	[tilespmem:s0+$0xFFFFFF10] =	vst v12;
	v7 =	vld [tilespmem:s0+$0xFFFFFF90]  }
0x1a1: {  	v5 =	vld.idx.msk [tilespmem:v5+s13+$0x0], $0xffff  }
0x1a2: {  	v8 =	vld [tilespmem:s0+$0xFFFFFF80]  }
0x1a3: {  	v9 =	vld [tilespmem:s0+$0xFFFFFFA0]  }
0x1a4: {  	v11 =	vld [tilespmem:s0+$0xFFFFFFB0]  }
0x1a5: {  	v12 =	vld [tilespmem:s0+$0xFFFFFFE0];
	_ =	sdelay $0x1  }
0x1a6: {  	v7 =	vmul.f32 v7, v5;
	v8 =	vmul.f32 v8, v5  }
0x1a7: {  	v6 =	vmul.f32 v6, v5;
	v9 =	vmul.f32 v9, v5  }
0x1a8: {  	v4 =	vmul.f32 v4, v5;
	[tilespmem:s0+$0xFFFFFF90] =	vst v7;
	v7 =	vmul.f32 v11, v5  }
0x1a9: {  	v3 =	vmul.f32 v3, v5;
	[tilespmem:s0+$0xFFFFFFA0] =	vst v9;
	v9 =	vmul.f32 v12, v5  }
0x1aa: {  	v5 =	vbroadcast v10, $0x0;
	[tilespmem:s0+$0xFFFFFF80] =	vst v8  }
0x1ab: {  	[tilespmem:s0+$0xFFFFFFB0] =	vst v7  }
0x1ac: {  	[tilespmem:s0+$0xFFFFFFC0] =	vst v4  }
0x1ad: {  	[tilespmem:s0+$0xFFFFFFD0] =	vst v6  }
.Ltmp2:
0x1ae: {  	[tilespmem:s0+$0xFFFFFFF0] =	vst v3;
	v4 =	vld [tilespmem:s0+$0x40];
	(pc) =	sbr.rel @p0 .LBB2_7-.Ltmp2, $4  }
0x1af: {  	[tilespmem:s0+$0xFFFFFFE0] =	vst v9;
	v6 =	vld [tilespmem:s0+$0x60]  }
0x1b0: {  	v3 =	vld.idx.msk [tilespmem:v5+s13+$0x0], $0xffff  }
0x1b1: {  	v7 =	vld [tilespmem:s0+$0x0]  }
0x1b2: {  	v5 =	vld [tilespmem:s0+$0x10]  }
0x1b3: {  	_ =	sdelay $0x1  }
0x1b4: {  	v6 =	vmul.f32 v6, v3  }
0x1b5: {  	v8 =	vld [tilespmem:s31+$0x50];
	v4 =	vmul.f32 v4, v3  }
0x1b6: {  	v9 =	vld [tilespmem:s31+$0x70];
	v1 =	vmul.f32 v1, v3;
	[tilespmem:s31+$0x60] =	vst v6  }
0x1b7: {  	v54 =	vmul.f32 v7, v3;
	[tilespmem:s31+$0x40] =	vst v4  }
0x1b8: {  	[tilespmem:s31+$0x20] =	vst v1;
	v1 =	vmul.f32 v2, v3  }
0x1b9: {  	v56 =	vmov s3;
	v5 =	vmul.f32 v5, v3;
	[tilespmem:s31+$0x0] =	vst v54  }
0x1ba: {  	v55 =	vmul.f32 v8, v3;
	[tilespmem:s31+$0x30] =	vst v1  }
0x1bb: {  	v3 =	vmul.f32 v9, v3;
	[tilespmem:s31+$0x10] =	vst v5  }
0x1bc: {  	[tilespmem:s31+$0x50] =	vst v55  }
0x1bd: {  	v2 =	vld [tilespmem:s31+$0x80];
	[tilespmem:s31+$0x70] =	vst v3  }
0x1be: {  	v1 =	vld.idx.msk [tilespmem:v56+s13+$0x0], $0xffff  }
0x1bf: {  	v3 =	vld [tilespmem:s31+$0xA0]  }
0x1c0: {  	v59 =	vld [tilespmem:s31+$0xE0]  }
0x1c1: {  	v57 =	vld [tilespmem:s31+$0xC0]  }
0x1c2: {  	v58 =	vld [tilespmem:s31+$0xF0]  }
0x1c3: {  	v60 =	vld [tilespmem:s31+$0x90];
	v2 =	vmul.f32 v2, v1  }
0x1c4: {  	v61 =	vld [tilespmem:s31+$0xB0];
	v3 =	vmul.f32 v3, v1  }
0x1c5: {  	v62 =	vld [tilespmem:s31+$0xD0];
	v63 =	vmul.f32 v59, v1;
	[tilespmem:s31+$0x80] =	vst v2  }
0x1c6: {  	v2 =	vmul.f32 v57, v1;
	[tilespmem:s31+$0xA0] =	vst v3  }
0x1c7: {  	s30 =	sadd.s32 $0x1, s30;
	v3 =	vmul.f32 v58, v1;
	[tilespmem:s31+$0xE0] =	vst v63  }
0x1c8: {  	p0 =	sne.s32 s30, $0x32;
	[tilespmem:s31+$0xC0] =	vst v2;
	v2 =	vmul.f32 v60, v1  }
.Ltmp3:
0x1c9: {  	[tilespmem:s31+$0xF0] =	vst v3;
	v3 =	vmul.f32 v61, v1;
	(pc) =	sbr.rel @p0 .LBB2_4-.Ltmp3, $4  }
0x1ca: {  	v1 =	vmul.f32 v62, v1;
	[tilespmem:s31+$0x90] =	vst v2  }
0x1cb: {  	[tilespmem:s31+$0xB0] =	vst v3  }
0x1cc: {  	s29 =	sadd.s32 $0xC8, s29;
	[tilespmem:s31+$0xD0] =	vst v1  }
0x1cd: {  	[spmem:s2] =	stream.indirect.scatter.add.f32 [tilespmem:s19], [sflag:$0x5], $0x80, s20, s16, $0xb8;
	[tilespmem:$0x1F980] =	vst v63  }
0x1ce: {  	_ =	swait.ge [sflag:s25], $0x3200  }
0x1cf: {  	[sflag:s25] =	ssyncset.done $0x0  }
0x1d0: {  	s0 =	stileid.u32;
	[sflag:s25] =	ssyncadd.s32 $0xFFFFCE00  }
0x1d1: {  	s0 =	sshll.u32 s0, $0x6;
	[bflag:$0x0] =	sbarrier.arrive $0xFFFF  }
0x1d2: {  	s1 =	sshrl.u32 s8, $0x3;
	s0 =	sor.u32 $0x1C08, s0;
	s3 =	rddreg [dreg:$0x14]  }
0x1d3: {  	[hbm:s3], [sflag:s0] =	dma.local [spmem:s1], $0x2710  }
0x1d4: {  	_ =	swait.ge [sflag:s12], $0x2710  }
0x1d5: {  	s26 =	sadd.s32 $0x1, s26;
	s31 =	rddreg [dreg:$0x15]  }
0x1d6: {  	p0 =	sne.s32 s26, s31  }
.Ltmp4:
0x1d7: {  	_ = 	snop;
	(pc) =	sbr.rel @p0 .LBB2_1-.Ltmp4, $3  }
0x1d8: {  	_ =	sdelay $0x1  }
0x1d9: {  	[sflag:s12] =	ssyncset.done $0x0  }
0x1da: {  	s3 =	simm.s32 $0x14500;
	[sflag:s12] =	ssyncadd.s32 $0xFFFFD8F0  }
0x1db: {  	_ =	sfence.sel $0x180000  }
0x1dc: {  	[bflag:$0x0] =	sbarrier.arrive $0xFFFF  }
0x1dd: {  	_ =	strace $0x9000004D  }
0x1de: {  	s0 =	stileid.u32;
	[bflag:$0x2] =	sbarrier.arrive $0xFFFF  }
0x1df: {  	p0 =	sne.s32 s0, $0x0;
	s0 =	rddreg [dreg:$0x3]  }
0x1e0: {  	s0 =	sadd.s32 @!p0 $0x100000, s0  }
0x1e1: {  	[sflag:s0] =	ssyncadd.tile.s32 @!p0 $0x1;
	_ =	shalt  }
.Lfunc_end2:
_tile_overlayer_lowered:
.L_overlay_start_2:
0x1e2: {  	(tag) =	ssettag $0x2  }
0x1e3: {  	s0 =	rddreg [dreg:$0x0];
	s2 =	stileid.u32  }
0x1e4: {  	s1 =	rddreg [dreg:$0x1];
	p0 =	sne.s32 s2, $0x0  }
0x1e5: {  	s3 =	rddreg [dreg:$0x2];
	[bflag:$0x3] =	sbarrier.arrive $0xFFFF;
	s2 =	simm.s32 @!p0 $0x1C08  }
0x1e6: {  	[timem:s3], [sflag:s2] =	dma.local @!p0 [hbm:s0], s1  }
0x1e7: {  	s0 =	simm.s32 @!p0 $0x8  }
0x1e8: {  	_ =	swait.ge @!p0 [sflag:s0], s1  }
0x1e9: {  	s1 =	ssub.s32 @!p0 $0x0, s1;
	[sflag:s0] =	ssyncset.done @!p0 $0x0  }
0x1ea: {  	[sflag:s0] =	ssyncadd.s32 @!p0 s1  }
0x1eb: {  	[bflag:$0x3] =	sbarrier.arrive $0xFFFF  }
0x1ec: {  	_ =	shalt  }

// kernel: kernel.9.cloned.1.call-start
scs
__scs_entry_jumppad:
0x0: {  	(pc) =	sbr.rel $0x88, $3  }
0x1: {  	(tag) =	ssettag $0x0;
	lr =	simm.s32 $0x1  }
0x2: {  	[smem:$0x3F98] =	sst lr;
	_ =	strace $0xD0000000  }
0x3: {  	_ = 	snop  }
0x4: {  	_ = 	snop  }
0x5: {  	_ = 	snop  }
0x6: {  	_ = 	snop  }
0x7: {  	_ = 	snop  }
__scs_overlays_trampoline_lowered:
0x8: {  	[smem:$0x3FA7] =	sst s0  }
0x9: {  	[smem:$0x3FA8] =	sst s1  }
0xa: {  	[smem:$0x3FA9] =	sst s2  }
0xb: {  	[smem:$0x3FAA] =	sst s3  }
0xc: {  	[smem:$0x3FAB] =	sst s4  }
0xd: {  	[smem:$0x3FAC] =	sst s5  }
0xe: {  	[smem:$0x3FAD] =	sst s6  }
0xf: {  	[smem:$0x3FAE] =	sst s7  }
0x10: {  	[smem:$0x3FAF] =	sst s8  }
0x11: {  	[smem:$0x3FB0] =	sst s9;
	s0 =	simm.s32 @!p0 $0x0  }
0x12: {  	s1 =	sld [smem:$0x3F96];
	s0 =	simm.s32 @p0 $0x1  }
0x13: {  	[smem:$0x3FB1] =	sst s0;
	s0 =	simm.s32 @!p1 $0x0  }
0x14: {  	s2 =	sld [smem:$0x3F95];
	s0 =	simm.s32 @p1 $0x1  }
0x15: {  	[smem:$0x3FB2] =	sst s0;
	s0 =	simm.s32 @!p2 $0x0  }
0x16: {  	s3 =	sld [smem:$0x3FDB];
	s0 =	simm.s32 @p2 $0x1  }
0x17: {  	s4 =	simm.s32 $0x1BF5;
	[smem:$0x3FB4] =	sst s0  }
0x18: {  	s0 =	sld [smem:$0x3F97];
	_ =	swait.ge [sflag:s4], $0x0  }
0x19: {  	s7 =	sld [smem:$0x3F98]  }
0x1a: {  	s8 =	sadd.s32 $0xFFFFE003, lr  }
0x1b: {  	s9 =	sadd.s32 $0xFFFFFEF7, lr;
	s5 =	simm.s32 $0xFFFFFFFF;
	p2 =	slt.u32 s8, $0xFFFFF086  }
0x1c: {  	p1 =	slt.u32 s9, $0xF7A;
	s5 =	simm.s32 @!p2 $0x0  }
0x1d: {  	s5 =	simm.s32 @p1 $0x1;
	p0 =	seq.s32 s7, s2  }
0x1e: {  	s7 =	smul.u32 @!p0 $0xF7A, s2;
	p2 =	seq.s32 @!p0 s5, $0x0  }
0x1f: {  	s9 =	smul.u32 $0xF7A, s1;
	s8 =	simm.s32 @!p0 $0x1BF5;
	p2 =	por !p2, p0  }
0x20: {  	[sflag:s8] =	ssyncset.s32 @!p0 $0xFFFFF086;
	s6 =	sadd.s32 @!p0 s3, s7;
	s7 =	simm.s32 @!p0 $0x108  }
0x21: {  	s3 =	sadd.s32 s3, s9;
	s6 =	sadd.s32 @!p0 $0x88, s6;
	s7 =	simm.s32 @p2 $0x1082  }
0x22: {  	[simem:s7], [sflag:s8] =	dma.local @!p0 [hbm:s6], $0xF7A  }
0x23: {  	s9 =	sor.u32 $0xD0000000, s2;
	s6 =	simm.s32 $0x108;
	_ =	swait.ge @!p0 [sflag:s8], $0x0  }
0x24: {  	s3 =	sadd.s32 $0x88, s3;
	s6 =	simm.s32 @!p1 $0x1082;
	[sflag:s4] =	ssyncset.s32 $0xFFFFF086  }
0x25: {  	[simem:s6], [sflag:s4] =	dma.local [hbm:s3], $0xF7A  }
0x26: {  	[smem:$0x3F98] =	sst s1;
	(tag) =	ssettag s2;
	_ =	strace s9  }
0x27: {  	s1 =	sld [smem:$0x3FA8]  }
0x28: {  	s2 =	sld [smem:$0x3FA9]  }
0x29: {  	s4 =	sld [smem:$0x3FAB]  }
0x2a: {  	p0 =	seq.s32 s5, $0x0;
	s5 =	sld [smem:$0x3FAC]  }
0x2b: {  	s6 =	sld [smem:$0x3FAD]  }
0x2c: {  	s7 =	sld [smem:$0x3FAE]  }
0x2d: {  	s3 =	simm.s32 $0x108;
	s8 =	sld [smem:$0x3FAF]  }
0x2e: {  	s3 =	simm.s32 @!p0 $0x1082;
	s9 =	sld [smem:$0x3FB0]  }
0x2f: {  	lr =	sadd.s32 s0, s3;
	s0 =	sld [smem:$0x3FA7]  }
0x30: {  	s3 =	sld [smem:$0x3FAA]  }
0x31: {  	[smem:$0x3FB3] =	sst s10  }
0x32: {  	s10 =	sld [smem:$0x3FB1];
	_ =	sdelay $0x3  }
0x33: {  	p0 =	seq.s32 s10, $0x1;
	s10 =	sld [smem:$0x3FB3];
	_ =	sdelay $0x3  }
0x34: {  	[smem:$0x3FB3] =	sst s10  }
0x35: {  	s10 =	sld [smem:$0x3FB2];
	_ =	sdelay $0x3  }
0x36: {  	p1 =	seq.s32 s10, $0x1;
	s10 =	sld [smem:$0x3FB3];
	_ =	sdelay $0x3  }
0x37: {  	[smem:$0x3FB3] =	sst s10  }
0x38: {  	s10 =	sld [smem:$0x3FB4]  }
0x39: {  	_ = 	snop;
	(pc) =	sbr.ind lr, $3  }
0x3a: {  	_ = 	snop  }
0x3b: {  	_ = 	snop  }
0x3c: {  	p2 =	seq.s32 s10, $0x1;
	s10 =	sld [smem:$0x3FB3]  }
0x3d: {  	_ =	shalt  }
0x3e: {  	_ =	shalt  }
0x3f: {  	_ =	shalt  }
0x40: {  	_ =	shalt  }
0x41: {  	_ =	shalt  }
0x42: {  	_ =	shalt  }
0x43: {  	_ =	shalt  }
0x44: {  	_ =	shalt  }
0x45: {  	_ =	shalt  }
0x46: {  	_ =	shalt  }
0x47: {  	_ =	shalt  }
0x48: {  	_ =	shalt  }
0x49: {  	_ =	shalt  }
0x4a: {  	_ =	shalt  }
0x4b: {  	_ =	shalt  }
0x4c: {  	_ =	shalt  }
0x4d: {  	_ =	shalt  }
0x4e: {  	_ =	shalt  }
0x4f: {  	_ =	shalt  }
0x50: {  	_ =	shalt  }
0x51: {  	_ =	shalt  }
0x52: {  	_ =	shalt  }
0x53: {  	_ =	shalt  }
0x54: {  	_ =	shalt  }
0x55: {  	_ =	shalt  }
0x56: {  	_ =	shalt  }
0x57: {  	_ =	shalt  }
0x58: {  	_ =	shalt  }
0x59: {  	_ =	shalt  }
0x5a: {  	_ =	shalt  }
0x5b: {  	_ =	shalt  }
0x5c: {  	_ =	shalt  }
0x5d: {  	_ =	shalt  }
0x5e: {  	_ =	shalt  }
0x5f: {  	_ =	shalt  }
0x60: {  	_ =	shalt  }
0x61: {  	_ =	shalt  }
0x62: {  	_ =	shalt  }
0x63: {  	_ =	shalt  }
0x64: {  	_ =	shalt  }
0x65: {  	_ =	shalt  }
0x66: {  	_ =	shalt  }
0x67: {  	_ =	shalt  }
0x68: {  	_ =	shalt  }
0x69: {  	_ =	shalt  }
0x6a: {  	_ =	shalt  }
0x6b: {  	_ =	shalt  }
0x6c: {  	_ =	shalt  }
0x6d: {  	_ =	shalt  }
0x6e: {  	_ =	shalt  }
0x6f: {  	_ =	shalt  }
0x70: {  	_ =	shalt  }
0x71: {  	_ =	shalt  }
0x72: {  	_ =	shalt  }
0x73: {  	_ =	shalt  }
0x74: {  	_ =	shalt  }
0x75: {  	_ =	shalt  }
0x76: {  	_ =	shalt  }
0x77: {  	_ =	shalt  }
0x78: {  	_ =	shalt  }
0x79: {  	_ =	shalt  }
0x7a: {  	_ =	shalt  }
0x7b: {  	_ =	shalt  }
0x7c: {  	_ =	shalt  }
0x7d: {  	_ =	shalt  }
0x7e: {  	_ =	shalt  }
0x7f: {  	_ =	shalt  }
0x80: {  	_ =	shalt  }
0x81: {  	_ =	shalt  }
0x82: {  	_ =	shalt  }
0x83: {  	_ =	shalt  }
0x84: {  	_ =	shalt  }
0x85: {  	_ =	shalt  }
0x86: {  	_ =	shalt  }
0x87: {  	_ =	shalt  }
.Lfunc_end0:
.L_simem_size_0:
called_computation_lowered:
.L_overlay_start_0:
0x88: {  	s2 =	sld [smem:$0x3FD9]  }
0x89: {  	s3 =	sld [smem:$0x3FFE];
	_ =	sdelay $0x1  }
0x8a: {  	s1 =	srdreg.scid  }
0x8b: {  	s0 =	sand.u32 $0x1, s1  }
0x8c: {  	s17 =	sshll.u32 s0, $0xA;
	s2 =	sadd.s32 s3, s2  }
0x8d: {  	s2 =	sadd.s32 s2, s17  }
0x8e: {  	[smem:$0x3FBF] =	sst s2  }
0x8f: {  	_ = 	snop  }
0x90: {  	s2 =	sld [smem:$0x3FC7]  }
0x91: {  	s18 =	sld [smem:$0x3FD0];
	(tm) =	ssettm $0x1  }
0x92: {  	s4 =	sld [smem:$0x3FFB];
	_ =	sdelay $0x3  }
0x93: {  	_ =	strace s4  }
0x94: {  	s4 =	sld [smem:$0x3FFC];
	_ =	sdelay $0x3  }
0x95: {  	_ =	strace s4  }
0x96: {  	s4 =	sld [smem:$0x3FFD];
	_ =	sdelay $0x3  }
0x97: {  	_ =	strace s4  }
0x98: {  	_ =	strace $0x8FFFFFFF  }
0x99: {  	s19 =	sld [smem:$0x3FDB];
	_ =	sdelay $0x1  }
0x9a: {  	s5 =	simm.s32 $_scs_section_size  }
0x9b: {  	s6 =	simm.s32 $_size__tile_overlayer_lowered;
	s7 =	simm.s32 $_tile_overlayer_lowered  }
0x9c: {  	s22 =	simm.s32 $0x1BFF;
	s21 =	sshll.u32 s7, $0x1;
	s4 =	sadd.s32 s5, s19  }
0x9d: {  	s8 =	simm.s32 $0x0;
	s20 =	sshll.u32 s6, $0x1;
	s6 =	sadd.s32 s21, s4  }
0x9e: {  	[timem:s8], [sflag:s22] =	dma.local [hbm:s6], s20  }
0x9f: {  	_ =	swait.ge [sflag:s22], s20  }
0xa0: {  	s5 =	ssub.s32 $0x0, s20;
	[sflag:s22] =	ssyncset.done $0x0  }
0xa1: {  	[sflag:s22] =	ssyncadd.s32 s5;
	_ =	sdelay $0x1  }
0xa2: {  	s23 =	simm.s32 $0x1B8B  }
0xa3: {  	_ =	swait.ge [sflag:s23], $0x1  }
0xa4: {  	[sflag:s23] =	ssyncset.done $0x0  }
0xa5: {  	s25 =	simm.s32 $0x1B8E;
	s24 =	sld [smem:$0x3FFE];
	[sflag:s23] =	ssyncadd.s32 $0xFFFFFFFF  }
0xa6: {  	s26 =	simm.s32 $execute0_lowered;
	[smem:$0x3FD2] =	sst s25  }
0xa7: {  	s6 =	sshll.u32 s26, $0x1;
	_ =	strace $0x80000046;
	[dreg:$0x1] =	wrdreg $0xFFFFFFFF  }
0xa8: {  	s28 =	simm.s32 $_size_execute0_lowered;
	s4 =	sadd.s32 s4, s6;
	[dreg:$0x0] =	wrdreg $0x0  }
0xa9: {  	s6 =	sshll.u32 s28, $0x1;
	[dreg:$0x2] =	wrdreg s4  }
0xaa: {  	[dreg:$0x3] =	wrdreg s6  }
0xab: {  	[dreg:$0x4] =	wrdreg $0xC0  }
0xac: {  	_ =	task [dreg:s8], $0x5FFFF  }
0xad: {  	[dreg:$0x1] =	wrdreg $0xFFFFFFFF  }
0xae: {  	[dreg:$0x0] =	wrdreg $0x60  }
0xaf: {  	[dreg:$0x2] =	wrdreg s2  }
0xb0: {  	[dreg:$0x3] =	wrdreg s24  }
0xb1: {  	[dreg:$0x4] =	wrdreg s18  }
0xb2: {  	[dreg:$0x5] =	wrdreg $0x9  }
0xb3: {  	_ =	task.clear_ibuf [dreg:s8], $0x6FFFF;
	_ =	strace $0x90000046  }
0xb4: {  	s29 =	simm.s32 $0x9;
	_ =	strace $0x80000048  }
0xb5: {  	_ =	swait.ge [sflag:s29], $0x1  }
0xb6: {  	[sflag:s29] =	ssyncadd.s32 $0xFFFFFFFF  }
0xb7: {  	_ =	strace $0x90000048  }
0xb8: {  	_ =	sfence  }
0xb9: {  	s30 =	sld [smem:$0x0];
	_ =	sdelay $0x2  }
0xba: {  	s31 =	sshll.u32 s1, $0xD;
	s1 =	sshrl.u32 s1, $0x2  }
0xbb: {  	s3 =	sand.u32 $0x4000, s31;
	s1 =	sadd.s32 s1, s30  }
0xbc: {  	s0 =	sor.u32 s3, s0;
	s1 =	sshll.u32 s1, $0x11  }
0xbd: {  	s0 =	sor.u32 s1, s0  }
0xbe: {  	s0 =	sadd.s32 $0x8F2B, s0  }
0xbf: {  	[sflag:s0] =	ssyncadd.remote.s32 $0x1  }
0xc0: {  	_ =	sfence.sel $0xFFFF  }
0xc1: {  	[dreg:$0x0] =	wrdreg $0xFFFFFFFF;
	(pc) =	sbr.abs _section_cstart, $3  }
0xc2: {  	[dreg:$0x1] =	wrdreg $0xFFFFFFFF  }
0xc3: {  	_ =	task.clear_ibuf [dreg:s8], $0x2FFFF;
	_ =	strace $0x9FFFFFFF  }
0xc4: {  	(tm) =	ssettm $0x7FFFFFFF  }
0xc5: {  	_ =	shalt  }
tec
execute0_lowered:
.L_overlay_start_1:
0x0: {  	(tag) =	ssettag $0x1  }
0x1: {  	s1 =	rddreg [dreg:$0x0];
	s2 =	srdreg.scid  }
0x2: {  	s0 =	stileid.u32;
	s5 =	rddreg [dreg:$0x1]  }
0x3: {  	s3 =	rddreg [dreg:$0x2];
	s4 =	simm.s32 $0x0;
	s13 =	simm.s32 $0x32D8  }
0x4: {  	s14 =	simm.s32 $0x4;
	s15 =	simm.s32 $0x59E8;
	s16 =	simm.s32 $0x1398  }
0x5: {  	s17 =	simm.s32 $0x2338;
	s19 =	simm.s32 $0x2B08;
	s20 =	simm.s32 $0x1  }
0x6: {  	s21 =	simm.s32 $0x2;
	s22 =	simm.s32 $0x50;
	s23 =	simm.s32 $0x3  }
0x7: {  	s24 =	simm.s32 $0xA808;
	s25 =	simm.s32 $0xCF18;
	s26 =	simm.s32 $0x0  }
0x8: {  	s6 =	sand.u32 $0x1, s2;
	s30 =	sshll.u32 s0, $0x1;
	[smem:$0x7FF] =	sst s4  }
0x9: {  	s18 =	smul.u32 $0x1388, s0;
	s7 =	sor.u32 s6, s30;
	s6 =	ssub.s32 $0x2, s6  }
0xa: {  	_ =	strace $0x80000047;
	s7 =	smul.u32 $0x4E2, s7;
	s8 =	sshrl.u32 s6, $0x1  }
0xb: {  	s31 =	sshrl.u32 s18, $0x3;
	v0 =	vmov s18;
	s18 =	simm.s32 $0x1B68;
	s12 =	ssub.s32 s6, s8  }
0xc: {  	s11 =	sadd.s32 s7, s5;
	s5 =	sadd.s32 $0xC000, s5;
	s6 =	sadd.s32 s1, s7  }
0xd: {  	v0 =	vsub.s32 $0x0, v0;
	s7 =	sadd.s32 s3, s7;
	s12 =	smax.u32 s12, $0x1;
	s8 =	sadd.s32 s5, s31  }
0xe: {  	v1 =	vimm.f32 $0.0e+00;
	v2 =	vimm.f32 $1.000000000e+00;
	v0 =	vbroadcast v0, $0x0;
	s9 =	sadd.s32 $0x2200, s11;
	s10 =	sadd.s32 $0xE800, s11;
	s11 =	sadd.s32 $0x18600, s11  }
.LBB2_1:
0xf: {  	s28 =	simm.s32 $0x40;
	s29 =	simm.s32 $0x0  }
.LBB2_2:
0x10: {  	p0 =	sne.s32 s28, $0x4E00;
	[tilespmem:s29+$0x0] =	vst v1;
	s29 =	smov.u32 s28;
	s28 =	sadd.s32 $0x40, s28  }
.Ltmp0:
0x11: {  	(pc) =	sbr.rel @p0 .LBB2_2-.Ltmp0, $2  }
0x12: {  	_ =	sdelay $0x2  }
0x13: {  	s29 =	sshra.s32 s29, $0x2  }
0x14: {  	[tilespmem:s29+$0x0] =	vst v1;
	s28 =	simm.s32 $0x0  }
0x15: {  	[tilespmem:s13], [sflag:$0x4] =	stream.linear.gather [hbm4b:s6+s28], $0x2710, $0x38;
	[tilespmem:$0xF628] =	vst v63  }
0x16: {  	_ =	swait.ge [sflag:s14], $0x2710  }
0x17: {  	[sflag:s14] =	ssyncset.done $0x0  }
0x18: {  	[sflag:s14] =	ssyncadd.s32 $0xFFFFD8F0  }
0x19: {  	[tilespmem:s15], [sflag:$0x4] =	stream.linear.gather [hbm4b:s7+s28], $0x2710, $0x38;
	[tilespmem:$0xF628] =	vst v63  }
0x1a: {  	_ =	swait.ge [sflag:s14], $0x2710  }
0x1b: {  	[sflag:s14] =	ssyncset.done $0x0  }
0x1c: {  	[sflag:s14] =	ssyncadd.s32 $0xFFFFD8F0  }
0x1d: {  	[tilespmem:s16], [sflag:$0x1] =	stream.linear.gather [hbm4b:s1+s28], $0x7D0, $0x38;
	[tilespmem:$0xF628] =	vst v63  }
0x1e: {  	s29 =	simm.s32 $0x0  }
0x1f: {  	[tilespmem:s17], [sflag:$0x1] =	stream.linear.gather [hbm4b:s3+s28], $0x7D0, $0x38;
	[tilespmem:$0xF628] =	vst v63  }
.LBB2_4:
0x20: {  	s30 =	smul.u32 $0xFA0, s29;
	_ =	sdelay $0x1  }
0x21: {  	s31 =	sshrl.u32 s30, $0x3  }
0x22: {  	s31 =	sadd.s32 $0xFA, s31  }
0x23: {  	s2 =	sadd.s32 s1, s31  }
0x24: {  	[tilespmem:s18], [sflag:$0x2] =	stream.linear.gather [hbm4b:s2+s28], $0x7D0, $0x38;
	[tilespmem:$0xF628] =	vst v63  }
0x25: {  	s0 =	sadd.s32 s3, s31  }
0x26: {  	[tilespmem:s19], [sflag:$0x2] =	stream.linear.gather [hbm4b:s0+s28], $0x7D0, $0x38;
	[tilespmem:$0xF628] =	vst v63  }
0x27: {  	_ =	swait.ge [sflag:s20], $0x7D0  }
0x28: {  	[sflag:s20] =	ssyncset.done $0x0  }
0x29: {  	[sflag:s20] =	ssyncadd.s32 $0xFFFFF830  }
0x2a: {  	_ =	swait.ge [sflag:s20], $0x7D0  }
0x2b: {  	[sflag:s20] =	ssyncset.done $0x0  }
0x2c: {  	s31 =	simm.s32 $0x0;
	[sflag:s20] =	ssyncadd.s32 $0xFFFFF830  }
.LBB2_5:
0x2d: {  	s2 =	sshra.s32 s31, $0x2  }
0x2e: {  	v3 =	vld [tilespmem:s2+$0x1398]  }
0x2f: {  	v4 =	vld [tilespmem:s2+$0x2338];
	_ =	sdelay $0x3  }
0x30: {  	v3 =	vmul.u32 $0x2710, v3  }
0x31: {  	v4 =	vadd.s32 v0, v4  }
0x32: {  	v3 =	vadd.s32 v3, v4  }
0x33: {  	vm0 =	vgt.s32 v3, $0x0  }
0x34: {  	vm1 =	vlt.u32 v3, $0x1388;
	v3 =	vnsel vm0, $0x0, v3  }
0x35: {  	v3 =	vmin.u32 v3, $0x1387;
	_ =	sdelay $0x4  }
0x36: {  	[tilespmem:v3+s4+$0x0] =	vst.idx.add.f32.msk vm1, v2  }
0x37: {  	v3 =	vld [tilespmem:s2+$0x13A8]  }
0x38: {  	v60 =	vld [tilespmem:s2+$0x2348];
	_ =	sdelay $0x3  }
0x39: {  	v3 =	vmul.u32 $0x2710, v3  }
0x3a: {  	v4 =	vadd.s32 v0, v60  }
0x3b: {  	v3 =	vadd.s32 v3, v4  }
0x3c: {  	vm8 =	vgt.s32 v3, $0x0  }
0x3d: {  	vm9 =	vlt.u32 v3, $0x1388;
	v3 =	vnsel vm8, $0x0, v3  }
0x3e: {  	v3 =	vmin.u32 v3, $0x1387;
	_ =	sdelay $0x4  }
0x3f: {  	[tilespmem:v3+s4+$0x0] =	vst.idx.add.f32.msk vm9, v2  }
0x40: {  	v3 =	vld [tilespmem:s2+$0x13B8]  }
0x41: {  	v61 =	vld [tilespmem:s2+$0x2358];
	_ =	sdelay $0x3  }
0x42: {  	v3 =	vmul.u32 $0x2710, v3  }
0x43: {  	v4 =	vadd.s32 v0, v61  }
0x44: {  	v3 =	vadd.s32 v3, v4  }
0x45: {  	vm10 =	vgt.s32 v3, $0x0  }
0x46: {  	vm11 =	vlt.u32 v3, $0x1388;
	v3 =	vnsel vm10, $0x0, v3  }
0x47: {  	v3 =	vmin.u32 v3, $0x1387;
	_ =	sdelay $0x4  }
0x48: {  	[tilespmem:v3+s4+$0x0] =	vst.idx.add.f32.msk vm11, v2  }
0x49: {  	v3 =	vld [tilespmem:s2+$0x13C8]  }
0x4a: {  	v62 =	vld [tilespmem:s2+$0x2368];
	_ =	sdelay $0x3  }
0x4b: {  	v3 =	vmul.u32 $0x2710, v3  }
0x4c: {  	v4 =	vadd.s32 v0, v62  }
0x4d: {  	v3 =	vadd.s32 v3, v4  }
0x4e: {  	vm12 =	vgt.s32 v3, $0x0  }
0x4f: {  	vm13 =	vlt.u32 v3, $0x1388;
	v3 =	vnsel vm12, $0x0, v3  }
0x50: {  	v3 =	vmin.u32 v3, $0x1387;
	_ =	sdelay $0x4  }
0x51: {  	[tilespmem:v3+s4+$0x0] =	vst.idx.add.f32.msk vm13, v2  }
0x52: {  	v3 =	vld [tilespmem:s2+$0x13D8]  }
0x53: {  	v63 =	vld [tilespmem:s2+$0x2378];
	_ =	sdelay $0x3  }
0x54: {  	v3 =	vmul.u32 $0x2710, v3  }
0x55: {  	v4 =	vadd.s32 v0, v63  }
0x56: {  	v3 =	vadd.s32 v3, v4  }
0x57: {  	vm14 =	vgt.s32 v3, $0x0  }
0x58: {  	vm15 =	vlt.u32 v3, $0x1388;
	v3 =	vnsel vm14, $0x0, v3  }
0x59: {  	p0 =	sne.s32 s31, $0x1E00;
	v3 =	vmin.u32 v3, $0x1387  }
.Ltmp1:
0x5a: {  	_ = 	snop;
	(pc) =	sbr.rel @p0 .LBB2_5-.Ltmp1, $2  }
0x5b: {  	_ =	sdelay $0x2  }
0x5c: {  	s31 =	sadd.s32 $0x140, s31;
	[tilespmem:v3+s4+$0x0] =	vst.idx.add.f32.msk vm15, v2  }
0x5d: {  	p0 =	seq.s32 s29, $0x4F  }
0x5e: {  	s2 =	sshrl.u32 @!p0 s30, $0x3  }
0x5f: {  	s2 =	sadd.s32 @!p0 $0x1F4, s2  }
0x60: {  	s31 =	simm.s32 @!p0 $0x0;
	s0 =	simm.s32 @!p0 $0x1398;
	s30 =	sadd.s32 @!p0 s1, s2  }
0x61: {  	[tilespmem:s0], [sflag:$0x1] =	stream.linear.gather @!p0 [hbm4b:s30+s31], $0x7D0, $0x38;
	[tilespmem:$0xF628] =	vst v63  }
0x62: {  	s0 =	sadd.s32 @!p0 s3, s2;
	s2 =	simm.s32 @!p0 $0x2338  }
0x63: {  	[tilespmem:s2], [sflag:$0x1] =	stream.linear.gather @!p0 [hbm4b:s0+s31], $0x7D0, $0x38;
	[tilespmem:$0xF628] =	vst v63  }
0x64: {  	_ =	swait.ge [sflag:s21], $0x7D0  }
0x65: {  	[sflag:s21] =	ssyncset.done $0x0  }
0x66: {  	[sflag:s21] =	ssyncadd.s32 $0xFFFFF830  }
0x67: {  	_ =	swait.ge [sflag:s21], $0x7D0  }
0x68: {  	[sflag:s21] =	ssyncset.done $0x0  }
0x69: {  	s30 =	simm.s32 $0x0;
	[sflag:s21] =	ssyncadd.s32 $0xFFFFF830  }
.LBB2_7:
0x6a: {  	s0 =	sshra.s32 s30, $0x2  }
0x6b: {  	v3 =	vld [tilespmem:s0+$0x1B68]  }
0x6c: {  	v4 =	vld [tilespmem:s0+$0x2B08];
	_ =	sdelay $0x3  }
0x6d: {  	v3 =	vmul.u32 $0x2710, v3  }
0x6e: {  	v4 =	vadd.s32 v0, v4  }
0x6f: {  	v3 =	vadd.s32 v3, v4  }
0x70: {  	vm0 =	vgt.s32 v3, $0x0  }
0x71: {  	vm1 =	vlt.u32 v3, $0x1388;
	v3 =	vnsel vm0, $0x0, v3  }
0x72: {  	v3 =	vmin.u32 v3, $0x1387;
	_ =	sdelay $0x4  }
0x73: {  	[tilespmem:v3+s4+$0x0] =	vst.idx.add.f32.msk vm1, v2  }
0x74: {  	v3 =	vld [tilespmem:s0+$0x1B78]  }
0x75: {  	v60 =	vld [tilespmem:s0+$0x2B18];
	_ =	sdelay $0x3  }
0x76: {  	v3 =	vmul.u32 $0x2710, v3  }
0x77: {  	v4 =	vadd.s32 v0, v60  }
0x78: {  	v3 =	vadd.s32 v3, v4  }
0x79: {  	vm8 =	vgt.s32 v3, $0x0  }
0x7a: {  	vm9 =	vlt.u32 v3, $0x1388;
	v3 =	vnsel vm8, $0x0, v3  }
0x7b: {  	v3 =	vmin.u32 v3, $0x1387;
	_ =	sdelay $0x4  }
0x7c: {  	[tilespmem:v3+s4+$0x0] =	vst.idx.add.f32.msk vm9, v2  }
0x7d: {  	v3 =	vld [tilespmem:s0+$0x1B88]  }
0x7e: {  	v61 =	vld [tilespmem:s0+$0x2B28];
	_ =	sdelay $0x3  }
0x7f: {  	v3 =	vmul.u32 $0x2710, v3  }
0x80: {  	v4 =	vadd.s32 v0, v61  }
0x81: {  	v3 =	vadd.s32 v3, v4  }
0x82: {  	vm10 =	vgt.s32 v3, $0x0  }
0x83: {  	vm11 =	vlt.u32 v3, $0x1388;
	v3 =	vnsel vm10, $0x0, v3  }
0x84: {  	v3 =	vmin.u32 v3, $0x1387;
	_ =	sdelay $0x4  }
0x85: {  	[tilespmem:v3+s4+$0x0] =	vst.idx.add.f32.msk vm11, v2  }
0x86: {  	v3 =	vld [tilespmem:s0+$0x1B98]  }
0x87: {  	v62 =	vld [tilespmem:s0+$0x2B38];
	_ =	sdelay $0x3  }
0x88: {  	v3 =	vmul.u32 $0x2710, v3  }
0x89: {  	v4 =	vadd.s32 v0, v62  }
0x8a: {  	v3 =	vadd.s32 v3, v4  }
0x8b: {  	vm12 =	vgt.s32 v3, $0x0  }
0x8c: {  	vm13 =	vlt.u32 v3, $0x1388;
	v3 =	vnsel vm12, $0x0, v3  }
0x8d: {  	v3 =	vmin.u32 v3, $0x1387;
	_ =	sdelay $0x4  }
0x8e: {  	[tilespmem:v3+s4+$0x0] =	vst.idx.add.f32.msk vm13, v2  }
0x8f: {  	v3 =	vld [tilespmem:s0+$0x1BA8]  }
0x90: {  	v63 =	vld [tilespmem:s0+$0x2B48];
	_ =	sdelay $0x3  }
0x91: {  	v3 =	vmul.u32 $0x2710, v3  }
0x92: {  	v4 =	vadd.s32 v0, v63  }
0x93: {  	v3 =	vadd.s32 v3, v4  }
0x94: {  	vm14 =	vgt.s32 v3, $0x0  }
0x95: {  	vm15 =	vlt.u32 v3, $0x1388;
	v3 =	vnsel vm14, $0x0, v3  }
0x96: {  	p0 =	sne.s32 s30, $0x1E00;
	v3 =	vmin.u32 v3, $0x1387  }
.Ltmp2:
0x97: {  	_ = 	snop;
	(pc) =	sbr.rel @p0 .LBB2_7-.Ltmp2, $2  }
0x98: {  	_ =	sdelay $0x2  }
0x99: {  	s30 =	sadd.s32 $0x140, s30;
	[tilespmem:v3+s4+$0x0] =	vst.idx.add.f32.msk vm15, v2  }
0x9a: {  	s29 =	sadd.s32 $0x1, s29  }
0x9b: {  	p0 =	sne.s32 s29, $0x50  }
.Ltmp3:
0x9c: {  	_ = 	snop;
	(pc) =	sbr.rel @p0 .LBB2_4-.Ltmp3, $1  }
0x9d: {  	_ =	sdelay $0x3  }
0x9e: {  	s28 =	simm.s32 $0x0;
	s29 =	simm.s32 $0x40  }
.LBB2_10:
0x9f: {  	p0 =	sne.s32 s29, $0x4E00;
	v3 =	vld [tilespmem:s28+$0x0];
	_ =	sdelay $0x4  }
0xa0: {  	v3 =	vmax.f32 v3, $1.000000000e+00  }
0xa1: {  	(erf) = vrcp.f32 v3;
	_ =	sdelay $0x5  }
.Ltmp4:
0xa2: {  	(pc) =	sbr.rel @p0 .LBB2_10-.Ltmp4, $3  }
0xa3: {  	_ =	sdelay $0x1  }
0xa4: {  	v3 =	vpop (erf)  }
0xa5: {  	[tilespmem:s28+$0x0] =	vst v3;
	s28 =	sshra.s32 s29, $0x2;
	s29 =	sadd.s32 $0x40, s29  }
0xa6: {  	v3 =	vld [tilespmem:s28+$0x0];
	_ =	sdelay $0x4  }
0xa7: {  	v3 =	vmax.f32 v3, $1.000000000e+00  }
0xa8: {  	(erf) = vrcp.f32 v3;
	_ =	sdelay $0x8  }
0xa9: {  	v3 =	vpop (erf)  }
0xaa: {  	s0 =	simm.s32 $0x0;
	[tilespmem:s28+$0x0] =	vst v3  }
0xab: {  	[hbm4b:s8+s0] =	stream.linear.scatter [tilespmem:s0], [sflag:$0x4], $0x1388, $0x38;
	[tilespmem:$0xF628] =	vst v63  }
0xac: {  	_ =	swait.ge [sflag:s14], $0x1388  }
0xad: {  	[sflag:s14] =	ssyncset.done $0x0  }
0xae: {  	s28 =	simm.s32 $0x0;
	[sflag:s14] =	ssyncadd.s32 $0xFFFFEC78  }
0xaf: {  	v4 =	vld [tilespmem:s28+$0x3318]  }
0xb0: {  	v7 =	vld [tilespmem:s28+$0x32D8]  }
0xb1: {  	v8 =	vld [tilespmem:s28+$0x5A28]  }
0xb2: {  	v9 =	vld [tilespmem:s28+$0x32E8]  }
0xb3: {  	v10 =	vld [tilespmem:s28+$0x32F8]  }
0xb4: {  	v3 =	vld [tilespmem:s28+$0x3308]  }
0xb5: {  	v6 =	vld [tilespmem:s28+$0x59E8];
	v4 =	vmul.u32 $0x2710, v4  }
0xb6: {  	v5 =	vld [tilespmem:s28+$0x59F8]  }
0xb7: {  	v8 =	vadd.s32 v8, v4;
	v4 =	vld [tilespmem:s28+$0x5A08]  }
0xb8: {  	s29 =	simm.s32 $0x50;
	s30 =	simm.s32 $0x280;
	v9 =	vmul.u32 $0x2710, v9;
	v10 =	vmul.u32 $0x2710, v10;
	[tilespmem:s28+$0x8138] =	vst v8;
	v8 =	vmul.u32 $0x2710, v7;
	v7 =	vld [tilespmem:s28+$0x5A18]  }
.LBB2_12:
0xb9: {  	p0 =	sne.s32 s30, $0x9B00;
	v11 =	vld [tilespmem:s29+$0x3318];
	v3 =	vmul.u32 $0x2710, v3  }
0xba: {  	v12 =	vld [tilespmem:s29+$0x32D8];
	v6 =	vadd.s32 v6, v8  }
0xbb: {  	v13 =	vld [tilespmem:s29+$0x5A28];
	[tilespmem:s28+$0x80F8] =	vst v6;
	v5 =	vadd.s32 v5, v9  }
0xbc: {  	v9 =	vld [tilespmem:s29+$0x32E8];
	[tilespmem:s28+$0x8108] =	vst v5;
	v4 =	vadd.s32 v4, v10  }
0xbd: {  	v10 =	vld [tilespmem:s29+$0x32F8];
	[tilespmem:s28+$0x8118] =	vst v4;
	v4 =	vadd.s32 v7, v3  }
.Ltmp5:
0xbe: {  	v3 =	vld [tilespmem:s29+$0x3308];
	v7 =	vmul.u32 $0x2710, v11;
	[tilespmem:s28+$0x8128] =	vst v4;
	s28 =	smov.u32 s29;
	(pc) =	sbr.rel @p0 .LBB2_12-.Ltmp5, $4  }
0xbf: {  	v8 =	vmul.u32 $0x2710, v12;
	v6 =	vld [tilespmem:s28+$0x59E8]  }
0xc0: {  	v5 =	vld [tilespmem:s28+$0x59F8];
	v7 =	vadd.s32 v13, v7  }
0xc1: {  	v9 =	vmul.u32 $0x2710, v9;
	v4 =	vld [tilespmem:s28+$0x5A08];
	[tilespmem:s28+$0x8138] =	vst v7  }
0xc2: {  	s29 =	sshra.s32 s30, $0x2;
	s30 =	sadd.s32 $0x140, s30;
	v10 =	vmul.u32 $0x2710, v10;
	v7 =	vld [tilespmem:s28+$0x5A18]  }
0xc3: {  	v11 =	vld [tilespmem:s29+$0x3318]  }
0xc4: {  	v12 =	vld [tilespmem:s29+$0x32D8];
	v6 =	vadd.s32 v6, v8  }
0xc5: {  	v3 =	vmul.u32 $0x2710, v3;
	v8 =	vld [tilespmem:s29+$0x5A28];
	[tilespmem:s28+$0x80F8] =	vst v6;
	v5 =	vadd.s32 v5, v9  }
0xc6: {  	v6 =	vld [tilespmem:s29+$0x32E8];
	[tilespmem:s28+$0x8108] =	vst v5;
	v4 =	vadd.s32 v4, v10  }
0xc7: {  	v5 =	vld [tilespmem:s29+$0x32F8];
	[tilespmem:s28+$0x8118] =	vst v4;
	v3 =	vadd.s32 v7, v3  }
0xc8: {  	v4 =	vld [tilespmem:s29+$0x3308];
	[tilespmem:s28+$0x8128] =	vst v3  }
0xc9: {  	v3 =	vmul.u32 $0x2710, v11;
	v7 =	vld [tilespmem:s29+$0x59E8]  }
0xca: {  	v9 =	vld [tilespmem:s29+$0x59F8]  }
0xcb: {  	v3 =	vadd.s32 v8, v3;
	v8 =	vld [tilespmem:s29+$0x5A08]  }
0xcc: {  	v10 =	vld [tilespmem:s29+$0x5A18];
	[tilespmem:s29+$0x8138] =	vst v3;
	v3 =	vmul.u32 $0x2710, v12  }
0xcd: {  	v6 =	vmul.u32 $0x2710, v6  }
0xce: {  	v5 =	vmul.u32 $0x2710, v5;
	v3 =	vadd.s32 v7, v3  }
0xcf: {  	v4 =	vmul.u32 $0x2710, v4;
	[tilespmem:s29+$0x80F8] =	vst v3;
	v3 =	vadd.s32 v9, v6  }
0xd0: {  	[tilespmem:s29+$0x8108] =	vst v3;
	v3 =	vadd.s32 v8, v5  }
0xd1: {  	[tilespmem:s29+$0x8118] =	vst v3;
	v3 =	vadd.s32 v10, v4  }
0xd2: {  	s0 =	simm.s32 $0x0;
	[tilespmem:s29+$0x8128] =	vst v3  }
0xd3: {  	[tilespmem:s15], [sflag:$0x4] =	stream.linear.gather [hbm4b:s9+s0], $0x2710, $0x38;
	[tilespmem:$0xF628] =	vst v63  }
0xd4: {  	_ =	swait.ge [sflag:s14], $0x2710  }
0xd5: {  	[sflag:s14] =	ssyncset.done $0x0  }
0xd6: {  	s28 =	simm.s32 $0x0;
	[sflag:s14] =	ssyncadd.s32 $0xFFFFD8F0  }
0xd7: {  	v4 =	vld [tilespmem:s28+$0x3318]  }
0xd8: {  	v7 =	vld [tilespmem:s28+$0x32D8]  }
0xd9: {  	v8 =	vld [tilespmem:s28+$0x5A28]  }
0xda: {  	v9 =	vld [tilespmem:s28+$0x32E8]  }
0xdb: {  	v10 =	vld [tilespmem:s28+$0x32F8]  }
0xdc: {  	v3 =	vld [tilespmem:s28+$0x3308]  }
0xdd: {  	v6 =	vld [tilespmem:s28+$0x59E8];
	v4 =	vmul.u32 $0x2710, v4  }
0xde: {  	v5 =	vld [tilespmem:s28+$0x59F8]  }
0xdf: {  	v8 =	vadd.s32 v8, v4;
	v4 =	vld [tilespmem:s28+$0x5A08]  }
0xe0: {  	s30 =	simm.s32 $0x280;
	s29 =	simm.s32 $0x50;
	v9 =	vmul.u32 $0x2710, v9;
	v10 =	vmul.u32 $0x2710, v10;
	[tilespmem:s28+$0xA848] =	vst v8;
	v8 =	vmul.u32 $0x2710, v7;
	v7 =	vld [tilespmem:s28+$0x5A18]  }
.LBB2_14:
0xe1: {  	p0 =	sne.s32 s30, $0x9B00;
	v11 =	vld [tilespmem:s29+$0x3318];
	v3 =	vmul.u32 $0x2710, v3  }
0xe2: {  	v12 =	vld [tilespmem:s29+$0x32D8];
	v6 =	vadd.s32 v6, v8  }
0xe3: {  	v13 =	vld [tilespmem:s29+$0x5A28];
	[tilespmem:s28+$0xA808] =	vst v6;
	v5 =	vadd.s32 v5, v9  }
0xe4: {  	v9 =	vld [tilespmem:s29+$0x32E8];
	[tilespmem:s28+$0xA818] =	vst v5;
	v4 =	vadd.s32 v4, v10  }
0xe5: {  	v10 =	vld [tilespmem:s29+$0x32F8];
	[tilespmem:s28+$0xA828] =	vst v4;
	v4 =	vadd.s32 v7, v3  }
.Ltmp6:
0xe6: {  	v3 =	vld [tilespmem:s29+$0x3308];
	v7 =	vmul.u32 $0x2710, v11;
	[tilespmem:s28+$0xA838] =	vst v4;
	s28 =	smov.u32 s29;
	(pc) =	sbr.rel @p0 .LBB2_14-.Ltmp6, $4  }
0xe7: {  	v8 =	vmul.u32 $0x2710, v12;
	v6 =	vld [tilespmem:s28+$0x59E8]  }
0xe8: {  	v5 =	vld [tilespmem:s28+$0x59F8];
	v7 =	vadd.s32 v13, v7  }
0xe9: {  	v9 =	vmul.u32 $0x2710, v9;
	v4 =	vld [tilespmem:s28+$0x5A08];
	[tilespmem:s28+$0xA848] =	vst v7  }
0xea: {  	s29 =	sshra.s32 s30, $0x2;
	s30 =	sadd.s32 $0x140, s30;
	v10 =	vmul.u32 $0x2710, v10;
	v7 =	vld [tilespmem:s28+$0x5A18]  }
0xeb: {  	v11 =	vld [tilespmem:s29+$0x3318]  }
0xec: {  	v12 =	vld [tilespmem:s29+$0x32D8];
	v6 =	vadd.s32 v6, v8  }
0xed: {  	v59 =	vld [tilespmem:s29+$0x5A28];
	v3 =	vmul.u32 $0x2710, v3;
	[tilespmem:s28+$0xA808] =	vst v6;
	v5 =	vadd.s32 v5, v9  }
0xee: {  	v6 =	vld [tilespmem:s29+$0x32E8];
	[tilespmem:s28+$0xA818] =	vst v5;
	v4 =	vadd.s32 v4, v10  }
0xef: {  	v5 =	vld [tilespmem:s29+$0x32F8];
	[tilespmem:s28+$0xA828] =	vst v4;
	v3 =	vadd.s32 v7, v3  }
0xf0: {  	v4 =	vld [tilespmem:s29+$0x3308];
	[tilespmem:s28+$0xA838] =	vst v3  }
0xf1: {  	v3 =	vmul.u32 $0x2710, v11;
	v60 =	vld [tilespmem:s29+$0x59E8]  }
0xf2: {  	v61 =	vld [tilespmem:s29+$0x59F8]  }
0xf3: {  	v62 =	vld [tilespmem:s29+$0x5A08];
	v3 =	vadd.s32 v59, v3  }
0xf4: {  	v63 =	vld [tilespmem:s29+$0x5A18];
	[tilespmem:s29+$0xA848] =	vst v3;
	v3 =	vmul.u32 $0x2710, v12  }
0xf5: {  	v6 =	vmul.u32 $0x2710, v6  }
0xf6: {  	v5 =	vmul.u32 $0x2710, v5;
	v3 =	vadd.s32 v60, v3  }
0xf7: {  	v4 =	vmul.u32 $0x2710, v4;
	[tilespmem:s29+$0xA808] =	vst v3;
	v3 =	vadd.s32 v61, v6  }
0xf8: {  	[tilespmem:s29+$0xA818] =	vst v3;
	v3 =	vadd.s32 v62, v5  }
0xf9: {  	[tilespmem:s29+$0xA828] =	vst v3;
	v3 =	vadd.s32 v63, v4  }
0xfa: {  	[tilespmem:s29+$0xA838] =	vst v3  }
0xfb: {  	s28 =	simm.s32 $0x0;
	[bflag:$0x0] =	sbarrier.arrive $0xFFFF  }
.LBB2_16:
0xfc: {  	p0 =	sne.s32 s28, $0x9B00  }
.Ltmp7:
0xfd: {  	_ = 	snop;
	(pc) =	sbr.rel @p0 .LBB2_16-.Ltmp7, $4  }
0xfe: {  	_ = 	snop  }
0xff: {  	s0 =	sshra.s32 s28, $0x2  }
0x100: {  	s28 =	sadd.s32 $0x140, s28;
	s2 =	sadd.s32 $0xCF18, s0;
	s0 =	sadd.s32 $0x80F8, s0  }
0x101: {  	[tilespmem:s2], [sflag:$0x3] =	stream.indirect.gather [hbm4b:s5+s22], $0x1, s0, s22, $0xb8;
	[tilespmem:$0xF628] =	vst v63  }
0x102: {  	_ =	swait.ge [sflag:s23], $0x50  }
0x103: {  	s28 =	simm.s32 $0x7C;
	[sflag:s23] =	ssyncset.done $0x0  }
.LBB2_18:
0x104: {  	p0 =	sne.s32 s28, $0x1;
	s28 =	sadd.s32 $0xFFFFFFFF, s28;
	[sflag:s23] =	ssyncadd.s32 $0xFFFFFFB0  }
.Ltmp8:
0x105: {  	(pc) =	sbr.rel @p0 .LBB2_18-.Ltmp8, $3  }
0x106: {  	_ =	sdelay $0x1  }
0x107: {  	_ =	swait.ge [sflag:s23], $0x50  }
0x108: {  	[sflag:s23] =	ssyncset.done $0x0  }
0x109: {  	[sflag:s23] =	ssyncadd.s32 $0xFFFFFFB0  }
0x10a: {  	[hbm4b:s10+s4] =	stream.linear.scatter [tilespmem:s24], [sflag:$0x4], $0x2710, $0x38;
	[tilespmem:$0xF628] =	vst v63  }
0x10b: {  	s26 =	sadd.s32 $0x1, s26;
	_ =	swait.ge [sflag:s14], $0x2710  }
0x10c: {  	p0 =	sne.s32 s26, s12;
	[sflag:s14] =	ssyncset.done $0x0  }
.Ltmp9:
0x10d: {  	[sflag:s14] =	ssyncadd.s32 $0xFFFFD8F0;
	(pc) =	sbr.rel @p0 .LBB2_1-.Ltmp9, $4  }
0x10e: {  	[hbm4b:s11+s4] =	stream.linear.scatter [tilespmem:s25], [sflag:$0x4], $0x2710, $0x38;
	[tilespmem:$0xF628] =	vst v63  }
0x10f: {  	_ =	swait.ge [sflag:s14], $0x2710  }
0x110: {  	[sflag:s14] =	ssyncset.done $0x0  }
0x111: {  	[sflag:s14] =	ssyncadd.s32 $0xFFFFD8F0  }
0x112: {  	_ =	sfence.sel $0x180000  }
0x113: {  	[bflag:$0x0] =	sbarrier.arrive $0xFFFF  }
0x114: {  	_ =	strace $0x90000047  }
0x115: {  	s0 =	stileid.u32;
	[bflag:$0x2] =	sbarrier.arrive $0xFFFF  }
0x116: {  	p0 =	sne.s32 s0, $0x0;
	s0 =	rddreg [dreg:$0x3]  }
0x117: {  	s0 =	sadd.s32 @!p0 $0x100000, s0  }
0x118: {  	[sflag:s0] =	ssyncadd.tile.s32 @!p0 $0x1;
	_ =	shalt  }
.Lfunc_end2:
_tile_overlayer_lowered:
.L_overlay_start_2:
0x119: {  	(tag) =	ssettag $0x2  }
0x11a: {  	s0 =	rddreg [dreg:$0x0];
	s2 =	stileid.u32  }
0x11b: {  	s1 =	rddreg [dreg:$0x1];
	p0 =	sne.s32 s2, $0x0  }
0x11c: {  	s3 =	rddreg [dreg:$0x2];
	[bflag:$0x3] =	sbarrier.arrive $0xFFFF;
	s2 =	simm.s32 @!p0 $0x1C04  }
0x11d: {  	[timem:s3], [sflag:s2] =	dma.local @!p0 [hbm:s0], s1  }
0x11e: {  	s0 =	simm.s32 @!p0 $0x4  }
0x11f: {  	_ =	swait.ge @!p0 [sflag:s0], s1  }
0x120: {  	s1 =	ssub.s32 @!p0 $0x0, s1;
	[sflag:s0] =	ssyncset.done @!p0 $0x0  }
0x121: {  	[sflag:s0] =	ssyncadd.s32 @!p0 s1  }
0x122: {  	[bflag:$0x3] =	sbarrier.arrive $0xFFFF  }
0x123: {  	_ =	shalt  }

</sc_bundles>
